<compile_context>
chip_gen: v7x
topology: tpu7x:2x2x1
jax: 0.10.2.dev20260603
libtpu: 0.0.44.dev20260713+nightly
codegen_flags: <defaults>
</compile_context>

<pallas_src>
import functools

import jax
import jax.numpy as jnp
from jax import lax
from jax.experimental import pallas as pl
from jax.experimental.pallas import tpu as pltpu
from jax.experimental.pallas import tpu_sc as plsc

N = 10000
E = 160000
HID = 512
HEADS = 4
DH = 128

NBLK = 2000
EBLK = 2000
DBLK = 80
ECHK = 640
SC_CH = 64
NWORK = 32


def _mm_scores_body(h_ref, w_ref, b_ref, a_ref, z_ref, sc_ref, mx_ref):
    z = jnp.dot(h_ref[...], w_ref[...], preferred_element_type=jnp.float32)
    z = z + b_ref[0:1, :]
    z_ref[...] = z
    s = jnp.dot(z, a_ref[...], preferred_element_type=jnp.float32,
                precision=lax.Precision.HIGHEST)
    sc_ref[...] = s[:, :8]
    m = jnp.max(s, axis=0, keepdims=True)

    @pl.when(pl.program_id(0) == 0)
    def _():
        mx_ref[...] = jnp.full_like(mx_ref[...], -jnp.inf)

    mx_ref[0:1, :] = jnp.maximum(mx_ref[0:1, :], m)


def _mm_scores(h, W, bpad, A8):
    din = h.shape[1]
    nb = h.shape[0] // NBLK
    return pl.pallas_call(
        _mm_scores_body,
        grid=(nb,),
        in_specs=[
            pl.BlockSpec((NBLK, din), lambda i: (i, 0)),
            pl.BlockSpec((din, HID), lambda i: (0, 0)),
            pl.BlockSpec((8, HID), lambda i: (0, 0)),
            pl.BlockSpec((HID, 128), lambda i: (0, 0)),
        ],
        out_specs=[
            pl.BlockSpec((NBLK, HID), lambda i: (i, 0)),
            pl.BlockSpec((NBLK, 8), lambda i: (i, 0)),
            pl.BlockSpec((8, 128), lambda i: (0, 0)),
        ],
        out_shape=[
            jax.ShapeDtypeStruct((N, HID), jnp.float32),
            jax.ShapeDtypeStruct((N, 8), jnp.float32),
            jax.ShapeDtypeStruct((8, 128), jnp.float32),
        ],
    )(h, W, bpad, A8)


def _seg_body(rs_ref, dst_ref, g_ref, w_ref, out_ref, st_ref,
              gscr, wscr, dscr, msg, den, sem):
    d = pl.program_id(0)
    rs = rs_ref[d]
    re = rs_ref[d + 1]
    msg[...] = jnp.zeros_like(msg[...])
    den[...] = jnp.zeros_like(den[...])
    c0 = rs // ECHK
    c1 = lax.select(re > rs, (re - 1) // ECHK + 1, c0)

    def copies(c, slot):
        return (
            pltpu.make_async_copy(g_ref.at[pl.ds(c * ECHK, ECHK)],
                                  gscr.at[slot], sem.at[slot * 3]),
            pltpu.make_async_copy(w_ref.at[:, pl.ds(c * ECHK, ECHK)],
                                  wscr.at[slot], sem.at[slot * 3 + 1]),
            pltpu.make_async_copy(dst_ref.at[pl.ds(c, 1)],
                                  dscr.at[slot], sem.at[slot * 3 + 2]),
        )

    @pl.when(c1 > c0)
    def _():
        for cp in copies(c0, 0):
            cp.start()

    def body(c, carry):
        slot = lax.rem(c - c0, 2)

        @pl.when(c + 1 < c1)
        def _():
            for cp in copies(c + 1, 1 - slot):
                cp.start()

        for cp in copies(c, slot):
            cp.wait()
        gch = gscr[slot]
        wch = wscr[slot]
        rel = dscr[slot].reshape(1, ECHK) - d * DBLK
        M = (lax.broadcasted_iota(jnp.int32, (DBLK, ECHK), 0) == rel
             ).astype(jnp.bfloat16)
        sel = (lax.broadcasted_iota(jnp.int32, (HEADS, HID), 1) // DH
               == lax.broadcasted_iota(jnp.int32, (HEADS, HID), 0)
               ).astype(jnp.float32)
        selb = sel.astype(jnp.bfloat16)
        wh = wch.astype(jnp.bfloat16)
        wl = (wch - wh.astype(jnp.float32)).astype(jnp.bfloat16)
        wexp = (lax.dot_general(wh, selb, (((0,), (0,)), ((), ())),
                                preferred_element_type=jnp.float32)
                + lax.dot_general(wl, selb, (((0,), (0,)), ((), ())),
                                  preferred_element_type=jnp.float32))
        gw = gch * wexp
        gwh = gw.astype(jnp.bfloat16)
        gwl = (gw - gwh.astype(jnp.float32)).astype(jnp.bfloat16)
        msg[...] += (jnp.dot(M, gwh, preferred_element_type=jnp.float32)
                     + jnp.dot(M, gwl, preferred_element_type=jnp.float32))
        den[...] += (lax.dot_general(M, wh, (((1,), (1,)), ((), ())),
                                     preferred_element_type=jnp.float32)
                     + lax.dot_general(M, wl, (((1,), (1,)), ((), ())),
                                       preferred_element_type=jnp.float32))
        return carry

    lax.fori_loop(c0, c1, body, 0)

    sel = (lax.broadcasted_iota(jnp.int32, (HEADS, HID), 1) // DH
           == lax.broadcasted_iota(jnp.int32, (HEADS, HID), 0)
           ).astype(jnp.float32)
    denx = jnp.dot(den[...], sel, preferred_element_type=jnp.float32,
                   precision=lax.Precision.HIGHEST)
    out = msg[...] / (denx + 1e-16)
    out_ref[...] = out

    @pl.when(d == 0)
    def _():
        st_ref[...] = jnp.zeros_like(st_ref[...])

    st_ref[0:1, :] += jnp.sum(out, axis=0, keepdims=True)
    st_ref[1:2, :] += jnp.sum(out * out, axis=0, keepdims=True)


def _seg_reduce(row_start, dst2, G, w4):
    grid_spec = pltpu.PrefetchScalarGridSpec(
        num_scalar_prefetch=1,
        grid=(N // DBLK,),
        in_specs=[
            pl.BlockSpec(memory_space=pl.ANY),
            pl.BlockSpec(memory_space=pl.ANY),
            pl.BlockSpec(memory_space=pl.ANY),
        ],
        out_specs=[
            pl.BlockSpec((DBLK, HID), lambda d, rs: (d, 0)),
            pl.BlockSpec((8, HID), lambda d, rs: (0, 0)),
        ],
        scratch_shapes=[
            pltpu.VMEM((2, ECHK, HID), jnp.float32),
            pltpu.VMEM((2, HEADS, ECHK), jnp.float32),
            pltpu.VMEM((2, 1, ECHK), jnp.int32),
            pltpu.VMEM((DBLK, HID), jnp.float32),
            pltpu.VMEM((DBLK, HEADS), jnp.float32),
            pltpu.SemaphoreType.DMA((6,)),
        ],
    )
    return pl.pallas_call(
        _seg_body,
        grid_spec=grid_spec,
        out_shape=[
            jax.ShapeDtypeStruct((N, HID), jnp.float32),
            jax.ShapeDtypeStruct((8, HID), jnp.float32),
        ],
    )(row_start, dst2, G, w4)


def _bn_apply(x, st, gb, nrows):
    mu = st[0:1, :] / nrows
    ex2 = st[1:2, :] / nrows
    var = ex2 - mu * mu
    inv = lax.rsqrt(var + 1e-5)
    return (x - mu) * inv * gb[0:1, :] + gb[1:2, :]


def _bn_relu_body(x_ref, st_ref, gb_ref, o_ref, *, nrows):
    y = _bn_apply(x_ref[...], st_ref[...], gb_ref[...], nrows)
    o_ref[...] = jnp.maximum(y, 0.0)


def _bn_relu(x, st, gb):
    nb = x.shape[0] // NBLK
    dm = x.shape[1]
    return pl.pallas_call(
        functools.partial(_bn_relu_body, nrows=float(x.shape[0])),
        grid=(nb,),
        in_specs=[
            pl.BlockSpec((NBLK, dm), lambda i: (i, 0)),
            pl.BlockSpec((8, dm), lambda i: (0, 0)),
            pl.BlockSpec((8, dm), lambda i: (0, 0)),
        ],
        out_specs=pl.BlockSpec((NBLK, dm), lambda i: (i, 0)),
        out_shape=jax.ShapeDtypeStruct(x.shape, jnp.float32),
    )(x, st, gb)


def _lin_stats_body(x_ref, w_ref, b_ref, o_ref, st_ref):
    y = jnp.dot(x_ref[...], w_ref[...], preferred_element_type=jnp.float32)
    y = y + b_ref[0:1, :]
    o_ref[...] = y.astype(o_ref.dtype)

    @pl.when(pl.program_id(0) == 0)
    def _():
        st_ref[...] = jnp.zeros_like(st_ref[...])

    st_ref[0:1, :] += jnp.sum(y, axis=0, keepdims=True)
    st_ref[1:2, :] += jnp.sum(y * y, axis=0, keepdims=True)


def _lin_stats(x, W, bpad, blk, out_dtype=jnp.float32):
    nb = x.shape[0] // blk
    din, dout = W.shape
    return pl.pallas_call(
        _lin_stats_body,
        grid=(nb,),
        in_specs=[
            pl.BlockSpec((blk, din), lambda i: (i, 0)),
            pl.BlockSpec((din, dout), lambda i: (0, 0)),
            pl.BlockSpec((8, dout), lambda i: (0, 0)),
        ],
        out_specs=[
            pl.BlockSpec((blk, dout), lambda i: (i, 0)),
            pl.BlockSpec((8, dout), lambda i: (0, 0)),
        ],
        out_shape=[
            jax.ShapeDtypeStruct((x.shape[0], dout), out_dtype),
            jax.ShapeDtypeStruct((8, dout), jnp.float32),
        ],
    )(x, W, bpad)


def _bnrelu_lin_body(x_ref, sti_ref, gb_ref, w_ref, b_ref, o_ref, st_ref,
                     *, nrows):
    x = _bn_apply(x_ref[...], sti_ref[...], gb_ref[...], nrows)
    x = jnp.maximum(x, 0.0)
    y = jnp.dot(x, w_ref[...], preferred_element_type=jnp.float32)
    y = y + b_ref[0:1, :]
    o_ref[...] = y

    @pl.when(pl.program_id(0) == 0)
    def _():
        st_ref[...] = jnp.zeros_like(st_ref[...])

    st_ref[0:1, :] += jnp.sum(y, axis=0, keepdims=True)
    st_ref[1:2, :] += jnp.sum(y * y, axis=0, keepdims=True)


def _bnrelu_lin(x, sti, gb, W, bpad, blk):
    nb = x.shape[0] // blk
    din, dout = W.shape
    return pl.pallas_call(
        functools.partial(_bnrelu_lin_body, nrows=float(x.shape[0])),
        grid=(nb,),
        in_specs=[
            pl.BlockSpec((blk, din), lambda i: (i, 0)),
            pl.BlockSpec((8, din), lambda i: (0, 0)),
            pl.BlockSpec((8, din), lambda i: (0, 0)),
            pl.BlockSpec((din, dout), lambda i: (0, 0)),
            pl.BlockSpec((8, dout), lambda i: (0, 0)),
        ],
        out_specs=[
            pl.BlockSpec((blk, dout), lambda i: (i, 0)),
            pl.BlockSpec((8, dout), lambda i: (0, 0)),
        ],
        out_shape=[
            jax.ShapeDtypeStruct((x.shape[0], dout), jnp.float32),
            jax.ShapeDtypeStruct((8, dout), jnp.float32),
        ],
    )(x, sti, gb, W, bpad)


def _unpack2(w):
    lo = lax.bitcast_convert_type(w << 16, jnp.float32)
    hi = lax.bitcast_convert_type(w & jnp.int32(-65536), jnp.float32)
    return jnp.concatenate([lo, hi], axis=1)


def _edge_stats_body(gs_ref, gd_ref, st_ref):
    x = _unpack2(gs_ref[...]) + _unpack2(gd_ref[...])

    @pl.when(pl.program_id(0) == 0)
    def _():
        st_ref[...] = jnp.zeros_like(st_ref[...])

    st_ref[0:1, :] += jnp.sum(x, axis=0, keepdims=True)
    st_ref[1:2, :] += jnp.sum(x * x, axis=0, keepdims=True)


def _edge_stats(Gs, Gd):
    nb = E // EBLK
    return pl.pallas_call(
        _edge_stats_body,
        grid=(nb,),
        in_specs=[
            pl.BlockSpec((EBLK, HID // 2), lambda i: (i, 0)),
            pl.BlockSpec((EBLK, HID // 2), lambda i: (i, 0)),
        ],
        out_specs=pl.BlockSpec((8, HID), lambda i: (0, 0)),
        out_shape=jax.ShapeDtypeStruct((8, HID), jnp.float32),
    )(Gs, Gd)


def _edge_bnrelu_lin_body(gs_ref, gd_ref, sti_ref, gb_ref, w_ref, b_ref,
                          o_ref, st_ref, *, nrows):
    x = _unpack2(gs_ref[...]) + _unpack2(gd_ref[...])
    x = _bn_apply(x, sti_ref[...], gb_ref[...], nrows)
    x = jnp.maximum(x, 0.0)
    y = jnp.dot(x, w_ref[...], preferred_element_type=jnp.float32)
    y = y + b_ref[0:1, :]
    o_ref[...] = y

    @pl.when(pl.program_id(0) == 0)
    def _():
        st_ref[...] = jnp.zeros_like(st_ref[...])

    st_ref[0:1, :] += jnp.sum(y, axis=0, keepdims=True)
    st_ref[1:2, :] += jnp.sum(y * y, axis=0, keepdims=True)


def _edge_bnrelu_lin(Gs, Gd, sti, gb, W, bpad):
    nb = E // EBLK
    din, dout = W.shape
    return pl.pallas_call(
        functools.partial(_edge_bnrelu_lin_body, nrows=float(E)),
        grid=(nb,),
        in_specs=[
            pl.BlockSpec((EBLK, din // 2), lambda i: (i, 0)),
            pl.BlockSpec((EBLK, din // 2), lambda i: (i, 0)),
            pl.BlockSpec((8, din), lambda i: (0, 0)),
            pl.BlockSpec((8, din), lambda i: (0, 0)),
            pl.BlockSpec((din, dout), lambda i: (0, 0)),
            pl.BlockSpec((8, dout), lambda i: (0, 0)),
        ],
        out_specs=[
            pl.BlockSpec((EBLK, dout), lambda i: (i, 0)),
            pl.BlockSpec((8, dout), lambda i: (0, 0)),
        ],
        out_shape=[
            jax.ShapeDtypeStruct((E, dout), jnp.float32),
            jax.ShapeDtypeStruct((8, dout), jnp.float32),
        ],
    )(Gs, Gd, sti, gb, W, bpad)


def _sc_gat_body(z_hbm, sc_hbm, sh_hbm, src_hbm, dst_hbm, g_hbm, w_hbm,
                 tab, shv, sidx, didx, rows, wbuf, sem):
    wid = lax.axis_index("s") * 2 + lax.axis_index("c")
    nchunks = E // SC_CH
    pltpu.sync_copy(sc_hbm, tab)
    pltpu.sync_copy(sh_hbm, shv)

    def chunk(k, carry):
        c = wid + NWORK * k

        @pl.when(c < nchunks)
        def _():
            off = c * SC_CH
            pltpu.sync_copy(src_hbm.at[pl.ds(off, SC_CH)], sidx)
            pltpu.sync_copy(dst_hbm.at[pl.ds(off, SC_CH)], didx)
            pltpu.async_copy(z_hbm.at[sidx], rows, sem).wait()
            pltpu.sync_copy(rows, g_hbm.at[pl.ds(off, SC_CH)])
            for j in range(SC_CH // 16):
                sv = sidx[pl.ds(j * 16, 16)] * 8
                dv = didx[pl.ds(j * 16, 16)] * 8
                for h in range(HEADS):
                    a = plsc.load_gather(tab, [sv + h])
                    b = plsc.load_gather(tab, [dv + (HEADS + h)])
                    e = a + b
                    e = jnp.where(e < 0.0, e * 0.2, e)
                    w = jnp.exp(e - shv[pl.ds(h * 16, 16)])
                    wbuf[pl.ds(h * SC_CH + j * 16, 16)] = w
            for h in range(HEADS):
                pltpu.sync_copy(wbuf.at[pl.ds(h * SC_CH, SC_CH)],
                                w_hbm.at[pl.ds(h * E + off, SC_CH)])

        return carry

    trips = (nchunks + NWORK - 1) // NWORK
    lax.fori_loop(0, trips, chunk, 0)


def _sc_gat_edge(z, scores_flat, shift_flat, src_s, dst_s):
    mesh = plsc.VectorSubcoreMesh(core_axis_name="c", subcore_axis_name="s")
    fn = functools.partial(
        pl.kernel,
        mesh=mesh,
        compiler_params=pltpu.CompilerParams(needs_layout_passes=False),
        out_type=[
            jax.ShapeDtypeStruct((E, HID), jnp.float32),
            jax.ShapeDtypeStruct((HEADS * E,), jnp.float32),
        ],
        scratch_types=[
            pltpu.VMEM((N * 8,), jnp.float32),
            pltpu.VMEM((HEADS * 16,), jnp.float32),
            pltpu.VMEM((SC_CH,), jnp.int32),
            pltpu.VMEM((SC_CH,), jnp.int32),
            pltpu.VMEM((SC_CH, HID), jnp.float32),
            pltpu.VMEM((HEADS * SC_CH,), jnp.float32),
            pltpu.SemaphoreType.DMA,
        ],
    )(_sc_gat_body)
    G, wflat = fn(z, scores_flat, shift_flat, src_s, dst_s)
    return G, wflat.reshape(HEADS, E)


def _sc_gather2_body(hs_hbm, hd_hbm, src_hbm, dst_hbm, gs_hbm, gd_hbm,
                     sidx, didx, rows, sem):
    wid = lax.axis_index("s") * 2 + lax.axis_index("c")
    nchunks = E // SC_CH

    def chunk(k, carry):
        c = wid + NWORK * k

        @pl.when(c < nchunks)
        def _():
            off = c * SC_CH
            pltpu.sync_copy(src_hbm.at[pl.ds(off, SC_CH)], sidx)
            pltpu.sync_copy(dst_hbm.at[pl.ds(off, SC_CH)], didx)
            pltpu.async_copy(hs_hbm.at[sidx], rows, sem).wait()
            pltpu.sync_copy(rows, gs_hbm.at[pl.ds(off, SC_CH)])
            pltpu.async_copy(hd_hbm.at[didx], rows, sem).wait()
            pltpu.sync_copy(rows, gd_hbm.at[pl.ds(off, SC_CH)])

        return carry

    trips = (nchunks + NWORK - 1) // NWORK
    lax.fori_loop(0, trips, chunk, 0)


def _sc_gather2(Hs, Hd, src, dst):
    mesh = plsc.VectorSubcoreMesh(core_axis_name="c", subcore_axis_name="s")
    fn = functools.partial(
        pl.kernel,
        mesh=mesh,
        compiler_params=pltpu.CompilerParams(needs_layout_passes=False),
        out_type=[
            jax.ShapeDtypeStruct((E, HID // 2), jnp.int32),
            jax.ShapeDtypeStruct((E, HID // 2), jnp.int32),
        ],
        scratch_types=[
            pltpu.VMEM((SC_CH,), jnp.int32),
            pltpu.VMEM((SC_CH,), jnp.int32),
            pltpu.VMEM((SC_CH, HID // 2), jnp.int32),
            pltpu.SemaphoreType.DMA,
        ],
    )(_sc_gather2_body)
    return fn(Hs, Hd, src, dst)


def _pad8(v, dout):
    return jnp.concatenate([v.reshape(1, dout),
                            jnp.zeros((7, dout), jnp.float32)], axis=0)


def _gbpack(gamma, beta, dm):
    return jnp.concatenate([gamma.reshape(1, dm), beta.reshape(1, dm),
                            jnp.zeros((6, dm), jnp.float32)], axis=0)


def kernel(x, edge_index, params):
    src = edge_index[0].astype(jnp.int32)
    dst = edge_index[1].astype(jnp.int32)

    key = jnp.sort(dst * 16384 + src)
    dst_s = key >> 14
    src_s = key & 16383
    row_start = jnp.searchsorted(
        dst_s, jnp.arange(N // DBLK + 1, dtype=jnp.int32) * DBLK
    ).astype(jnp.int32)
    dst2 = dst_s.reshape(E // ECHK, ECHK)

    sel45 = (jnp.arange(HID)[None, :] // DH
             == jnp.arange(HEADS)[:, None]).astype(jnp.float32)

    h = x
    for p in params['gnn']:
        a_s = p['a_src'].reshape(HID)
        a_d = p['a_dst'].reshape(HID)
        A8 = jnp.concatenate([
            (sel45 * a_s[None, :]).T,
            (sel45 * a_d[None, :]).T,
            jnp.zeros((HID, 120), jnp.float32),
        ], axis=1)
        z, scpad, mx = _mm_scores(h, p['W'], _pad8(p['b'], HID), A8)
        scores_flat = scpad.reshape(-1)
        shift = mx[0, :HEADS] + mx[0, HEADS:2 * HEADS]
        shift_flat = jnp.broadcast_to(shift[:, None], (HEADS, 16)).reshape(-1)
        G, w4 = _sc_gat_edge(z, scores_flat, shift_flat, src_s, dst_s)
        raw, st = _seg_reduce(row_start, dst2, G, w4)
        h = _bn_relu(raw, st, _gbpack(p['gamma'], p['beta'], HID))

    e1, e2, e3 = params['edge_mlp']
    W1s = e1['W'][:HID]
    W1d = e1['W'][HID:]
    Hs, _ = _lin_stats(h, W1s, jnp.zeros((8, HID), jnp.float32), NBLK,
                       out_dtype=jnp.bfloat16)
    Hd, _ = _lin_stats(h, W1d, _pad8(e1['b'], HID), NBLK,
                       out_dtype=jnp.bfloat16)
    pack2 = lambda t: lax.bitcast_convert_type(
        t.reshape(N, HID // 2, 2), jnp.int32)
    Gs, Gd = _sc_gather2(pack2(Hs), pack2(Hd), src, dst)

    n1, n2, n3 = params['node_mlp']
    a1, st1 = _lin_stats(h, n1['W'], _pad8(n1['b'], HID), NBLK)
    a2, st2 = _bnrelu_lin(a1, st1, _gbpack(n1['gamma'], n1['beta'], HID),
                          n2['W'], _pad8(n2['b'], HID), NBLK)
    node_logits, _ = _bnrelu_lin(a2, st2,
                                 _gbpack(n2['gamma'], n2['beta'], HID),
                                 n3['W'], _pad8(n3['b'], 32), NBLK)

    ste = _edge_stats(Gs, Gd)
    perm = jnp.concatenate([jnp.arange(0, HID, 2), jnp.arange(1, HID, 2)])
    b1g = _gbpack(e1['gamma'][perm], e1['beta'][perm], HID)
    ea2, ste2 = _edge_bnrelu_lin(Gs, Gd, ste, b1g, e2['W'][perm],
                                 _pad8(e2['b'], HID))
    W3p = jnp.concatenate([e3['W'], jnp.zeros((HID, 3), jnp.float32)], axis=1)
    b3p = _pad8(jnp.concatenate([e3['b'], jnp.zeros((3,), jnp.float32)]), 8)
    elog, _ = _bnrelu_lin(ea2, ste2, _gbpack(e2['gamma'], e2['beta'], HID),
                          W3p, b3p, EBLK)
    edge_logits = elog[:, :5]
    return (node_logits, edge_logits)

# --- scband reference (transcript-rebuilt; emitter-appended) ---
"""Pipeline reference for scband-graph-decoder-74079595921622 (READ-ONLY COPY).

The authoritative reference and input builder live on the scoring server;
editing this copy changes nothing except your own understanding.
"""

import jax, jax.numpy as jnp
import numpy as np

N = 10000
E = 160000
DIN = 256
HID = 512
HEADS = 4
DH = HID // HEADS
NUM_NODE_FEAT = 32
NUM_EDGE_FEAT = 4
GNN_LAYERS = 3
MLP_LAYERS = 3


def setup_inputs(seed: int = 0) -> dict:
    key = jax.random.key(seed)
    counter = [0]

    def nxt():
        counter[0] += 1
        return jax.random.fold_in(key, counter[0])

    def nrm(shape, scale):
        return (jax.random.normal(nxt(), shape) * scale).astype(jnp.float32)

    x = jax.random.normal(nxt(), (N, DIN), dtype=jnp.float32)
    edge_index = jax.random.randint(nxt(), (2, E), 0, N, dtype=jnp.int32)

    gnn = []
    din = DIN
    for _ in range(GNN_LAYERS):
        gnn.append({
            'W': nrm((din, HID), (2.0 / din) ** 0.5),
            'b': jnp.zeros((HID,), jnp.float32),
            'a_src': nrm((HEADS, DH), 0.1),
            'a_dst': nrm((HEADS, DH), 0.1),
            'gamma': jnp.ones((HID,), jnp.float32),
            'beta': jnp.zeros((HID,), jnp.float32),
        })
        din = HID

    def make_mlp(d_in, d_hidden, d_out, n_layers):
        dims = [d_in] + [d_hidden] * (n_layers - 1) + [d_out]
        layers = []
        for i in range(n_layers):
            layer = {'W': nrm((dims[i], dims[i + 1]), (2.0 / dims[i]) ** 0.5),
                     'b': jnp.zeros((dims[i + 1],), jnp.float32)}
            if i < n_layers - 1:
                layer['gamma'] = jnp.ones((dims[i + 1],), jnp.float32)
                layer['beta'] = jnp.zeros((dims[i + 1],), jnp.float32)
            layers.append(layer)
        return layers

    params = {
        'gnn': gnn,
        'node_mlp': make_mlp(HID, HID, NUM_NODE_FEAT, MLP_LAYERS),
        'edge_mlp': make_mlp(2 * HID, HID, NUM_EDGE_FEAT + 1, MLP_LAYERS),
    }
    return {'x': x, 'edge_index': edge_index, 'params': params}


def _bn(h, gamma, beta):
    mu = jnp.mean(h, axis=0, keepdims=True)
    var = jnp.var(h, axis=0, keepdims=True)
    return (h - mu) / jnp.sqrt(var + 1e-5) * gamma + beta


def _gat_layer(h, src, dst, p):
    n = h.shape[0]
    z = h @ p['W'] + p['b']
    z = z.reshape(n, HEADS, DH)
    asrc = jnp.sum(z * p['a_src'][None], axis=-1)
    adst = jnp.sum(z * p['a_dst'][None], axis=-1)
    e = jax.nn.leaky_relu(asrc[src] + adst[dst], 0.2)
    emax = jax.ops.segment_max(e, dst, num_segments=n)
    emax = jnp.where(jnp.isfinite(emax), emax, 0.0)
    w = jnp.exp(e - emax[dst])
    denom = jax.ops.segment_sum(w, dst, num_segments=n)
    msg = jax.ops.segment_sum(w[:, :, None] * z[src], dst, num_segments=n)
    out = msg / (denom[:, :, None] + 1e-16)
    out = out.reshape(n, HID)
    return jax.nn.relu(_bn(out, p['gamma'], p['beta']))


def _mlp(h, layers):
    n_layers = len(layers)
    for i, p in enumerate(layers):
        h = h @ p['W'] + p['b']
        if i < n_layers - 1:
            h = jax.nn.relu(_bn(h, p['gamma'], p['beta']))
    return h


def reference(x, edge_index, params):
    src = edge_index[0]
    dst = edge_index[1]
    h = x
    for p in params['gnn']:
        h = _gat_layer(h, src, dst, p)
    node_logits = _mlp(h, params['node_mlp'])
    he = jnp.concatenate([h[src], h[dst]], axis=-1)
    edge_logits = _mlp(he, params['edge_mlp'])
    return (node_logits, edge_logits)

if __name__ == "__main__":
    import jax
    _d = setup_inputs()
    print(jax.jit(kernel)(*tuple(_d.values())))

</pallas_src>

<mosaic_0001>
#map = affine_map<(d0, d1) -> (0, 0)>
#map1 = affine_map<(d0, d1) -> (0)>
module attributes {stable_mosaic.version = 14 : i64} {
  func.func @_sc_gat_body(%arg0: i32, %arg1: i32, %arg2: memref<10000x512xf32, #tpu.memory_space<hbm>>, %arg3: memref<80000xf32, #tpu.memory_space<hbm>>, %arg4: memref<64xf32, #tpu.memory_space<hbm>>, %arg5: memref<160000xi32, #tpu.memory_space<hbm>>, %arg6: memref<160000xi32, #tpu.memory_space<hbm>>, %arg7: memref<160000x512xf32, #tpu.memory_space<hbm>>, %arg8: memref<640000xf32, #tpu.memory_space<hbm>>, %arg9: memref<80000xf32, #tpu.memory_space<vmem>>, %arg10: memref<64xf32, #tpu.memory_space<vmem>>, %arg11: memref<64xi32, #tpu.memory_space<vmem>>, %arg12: memref<64xi32, #tpu.memory_space<vmem>>, %arg13: memref<64x512xf32, #tpu.memory_space<vmem>>, %arg14: memref<256xf32, #tpu.memory_space<vmem>>, %arg15: memref<!tpu.dma_semaphore, #tpu.memory_space<semaphore_mem>>) attributes {dimension_semantics = [#tpu.dimension_semantics<core_parallel>, #tpu.dimension_semantics<subcore_parallel>], iteration_bounds = array<i64: 2, 16>, scalar_prefetch = 0 : i64, scratch_operands = 7 : i64, tpu.core_type = #tpu.core_type<sc_vector_subcore>, window_params = [{transform_indices = #map}, {transform_indices = #map1}, {transform_indices = #map1}, {transform_indices = #map1}, {transform_indices = #map1}, {transform_indices = #map}, {transform_indices = #map1}]} {
    %mul3A = arith.constant 2 : i32
    %mul3A_0 = arith.muli %arg1, %mul3A : i32
    %add3A = arith.addi %mul3A_0, %arg0 : i32
    "tpu.region"() ({
      %run_scoped3A = tpu.sem_alloc : memref<!tpu.dma_semaphore, #tpu.memory_space<semaphore_mem>>
      tpu.enqueue_dma source(%arg3 : memref<80000xf32, #tpu.memory_space<hbm>>) target(%arg9 : memref<80000xf32, #tpu.memory_space<vmem>>) target_semaphore(%run_scoped3A : memref<!tpu.dma_semaphore, #tpu.memory_space<semaphore_mem>>)
      tpu.wait_dma2 semaphore(%run_scoped3A : memref<!tpu.dma_semaphore, #tpu.memory_space<semaphore_mem>>) src(%arg3 : memref<80000xf32, #tpu.memory_space<hbm>>) dst(%arg9 : memref<80000xf32, #tpu.memory_space<vmem>>)
      tpu.yield
    }) : () -> ()
    "tpu.region"() ({
      %run_scoped3A = tpu.sem_alloc : memref<!tpu.dma_semaphore, #tpu.memory_space<semaphore_mem>>
      tpu.enqueue_dma source(%arg4 : memref<64xf32, #tpu.memory_space<hbm>>) target(%arg10 : memref<64xf32, #tpu.memory_space<vmem>>) target_semaphore(%run_scoped3A : memref<!tpu.dma_semaphore, #tpu.memory_space<semaphore_mem>>)
      tpu.wait_dma2 semaphore(%run_scoped3A : memref<!tpu.dma_semaphore, #tpu.memory_space<semaphore_mem>>) src(%arg4 : memref<64xf32, #tpu.memory_space<hbm>>) dst(%arg10 : memref<64xf32, #tpu.memory_space<vmem>>)
      tpu.yield
    }) : () -> ()
    %scan3A = arith.constant 0 : i32
    %scan3A_1 = arith.constant 0 : i32
    %scan3A_2 = arith.constant 79 : i32
    %scan3A_3 = arith.addi %scan3A_1, %scan3A_2 : i32
    %scan3A_4 = arith.constant 1 : i32
    scf.for %scan3A_6 = %scan3A_1 to %scan3A_3 step %scan3A_4  : i32 {
      %mul3A_7 = arith.constant 32 : i32
      %mul3A_8 = arith.muli %mul3A_7, %scan3A_6 : i32
      %add3A_9 = arith.addi %add3A, %mul3A_8 : i32
      %lt3A = arith.constant 2500 : i32
      %lt3A_10 = arith.cmpi slt, %add3A_9, %lt3A : i32
      %convert_element_type3A = arith.extui %lt3A_10 : i1 to i32
      %cond3A = arith.constant 0 : i32
      %cond3A_11 = arith.cmpi ne, %convert_element_type3A, %cond3A : i32
      scf.if %cond3A_11 {
        %mul3A_12 = arith.constant 64 : i32
        %mul3A_13 = arith.muli %add3A_9, %mul3A_12 : i32
        "tpu.region"() ({
          %run_scoped3A = tpu.sem_alloc : memref<!tpu.dma_semaphore, #tpu.memory_space<semaphore_mem>>
          %dma_start3A_412 = tpu.memref_slice %arg5[%mul3A_13] : memref<160000xi32, #tpu.memory_space<hbm>> -> memref<64xi32, #tpu.memory_space<hbm>>
          %dma_start3A_413 = tpu.memref_slice %arg5[%mul3A_13] : memref<160000xi32, #tpu.memory_space<hbm>> -> memref<64xi32, #tpu.memory_space<hbm>>
          tpu.enqueue_dma source(%dma_start3A_413 : memref<64xi32, #tpu.memory_space<hbm>>) target(%arg11 : memref<64xi32, #tpu.memory_space<vmem>>) target_semaphore(%run_scoped3A : memref<!tpu.dma_semaphore, #tpu.memory_space<semaphore_mem>>)
          %dma_wait3A_414 = tpu.memref_slice %arg5[%mul3A_13] : memref<160000xi32, #tpu.memory_space<hbm>> -> memref<64xi32, #tpu.memory_space<hbm>>
          %dma_wait3A_415 = tpu.memref_slice %arg5[%mul3A_13] : memref<160000xi32, #tpu.memory_space<hbm>> -> memref<64xi32, #tpu.memory_space<hbm>>
          tpu.wait_dma2 semaphore(%run_scoped3A : memref<!tpu.dma_semaphore, #tpu.memory_space<semaphore_mem>>) src(%dma_wait3A_415 : memref<64xi32, #tpu.memory_space<hbm>>) dst(%arg11 : memref<64xi32, #tpu.memory_space<vmem>>)
          tpu.yield
        }) : () -> ()
        "tpu.region"() ({
          %run_scoped3A = tpu.sem_alloc : memref<!tpu.dma_semaphore, #tpu.memory_space<semaphore_mem>>
          %dma_start3A_412 = tpu.memref_slice %arg6[%mul3A_13] : memref<160000xi32, #tpu.memory_space<hbm>> -> memref<64xi32, #tpu.memory_space<hbm>>
          %dma_start3A_413 = tpu.memref_slice %arg6[%mul3A_13] : memref<160000xi32, #tpu.memory_space<hbm>> -> memref<64xi32, #tpu.memory_space<hbm>>
          tpu.enqueue_dma source(%dma_start3A_413 : memref<64xi32, #tpu.memory_space<hbm>>) target(%arg12 : memref<64xi32, #tpu.memory_space<vmem>>) target_semaphore(%run_scoped3A : memref<!tpu.dma_semaphore, #tpu.memory_space<semaphore_mem>>)
          %dma_wait3A_414 = tpu.memref_slice %arg6[%mul3A_13] : memref<160000xi32, #tpu.memory_space<hbm>> -> memref<64xi32, #tpu.memory_space<hbm>>
          %dma_wait3A_415 = tpu.memref_slice %arg6[%mul3A_13] : memref<160000xi32, #tpu.memory_space<hbm>> -> memref<64xi32, #tpu.memory_space<hbm>>
          tpu.wait_dma2 semaphore(%run_scoped3A : memref<!tpu.dma_semaphore, #tpu.memory_space<semaphore_mem>>) src(%dma_wait3A_415 : memref<64xi32, #tpu.memory_space<hbm>>) dst(%arg12 : memref<64xi32, #tpu.memory_space<vmem>>)
          tpu.yield
        }) : () -> ()
        %dma_start3A = arith.constant 0 : i32
        %dma_start3A_14 = arith.constant 0 : i32
        %dma_start3A_15 = tpu.memref_slice %arg2[%dma_start3A, %dma_start3A_14] : memref<10000x512xf32, #tpu.memory_space<hbm>> -> memref<10000x512xf32, #tpu.memory_space<hbm>>
        tpu.enqueue_indirect_dma source(%dma_start3A_15 : memref<10000x512xf32, #tpu.memory_space<hbm>>) target(%arg13 : memref<64x512xf32, #tpu.memory_space<vmem>>) offsets(%arg11 : memref<64xi32, #tpu.memory_space<vmem>>) semaphore(%arg15 : memref<!tpu.dma_semaphore, #tpu.memory_space<semaphore_mem>>)
        %dma_wait3A = arith.constant 0 : i32
        %dma_wait3A_16 = arith.constant 0 : i32
        %dma_wait3A_17 = tpu.memref_slice %arg2[%dma_wait3A, %dma_wait3A_16] : memref<10000x512xf32, #tpu.memory_space<hbm>> -> memref<10000x512xf32, #tpu.memory_space<hbm>>
        tpu.wait_indirect_dma semaphore(%arg15 : memref<!tpu.dma_semaphore, #tpu.memory_space<semaphore_mem>>) src(%dma_wait3A_17 : memref<10000x512xf32, #tpu.memory_space<hbm>>) dst(%arg13 : memref<64x512xf32, #tpu.memory_space<vmem>>)
        "tpu.region"() ({
          %run_scoped3A = tpu.sem_alloc : memref<!tpu.dma_semaphore, #tpu.memory_space<semaphore_mem>>
          %dma_start3A_412 = arith.constant 0 : i32
          %dma_start3A_413 = tpu.memref_slice %arg7[%mul3A_13, %dma_start3A_412] : memref<160000x512xf32, #tpu.memory_space<hbm>> -> memref<64x512xf32, #tpu.memory_space<hbm>>
          %dma_start3A_414 = arith.constant 0 : i32
          %dma_start3A_415 = tpu.memref_slice %arg7[%mul3A_13, %dma_start3A_414] : memref<160000x512xf32, #tpu.memory_space<hbm>> -> memref<64x512xf32, #tpu.memory_space<hbm>>
          tpu.enqueue_dma source(%arg13 : memref<64x512xf32, #tpu.memory_space<vmem>>) target(%dma_start3A_415 : memref<64x512xf32, #tpu.memory_space<hbm>>) target_semaphore(%run_scoped3A : memref<!tpu.dma_semaphore, #tpu.memory_space<semaphore_mem>>)
          %dma_wait3A_416 = arith.constant 0 : i32
          %dma_wait3A_417 = tpu.memref_slice %arg7[%mul3A_13, %dma_wait3A_416] : memref<160000x512xf32, #tpu.memory_space<hbm>> -> memref<64x512xf32, #tpu.memory_space<hbm>>
          %dma_wait3A_418 = arith.constant 0 : i32
          %dma_wait3A_419 = tpu.memref_slice %arg7[%mul3A_13, %dma_wait3A_418] : memref<160000x512xf32, #tpu.memory_space<hbm>> -> memref<64x512xf32, #tpu.memory_space<hbm>>
          tpu.wait_dma2 semaphore(%run_scoped3A : memref<!tpu.dma_semaphore, #tpu.memory_space<semaphore_mem>>) src(%arg13 : memref<64x512xf32, #tpu.memory_space<vmem>>) dst(%dma_wait3A_419 : memref<64x512xf32, #tpu.memory_space<hbm>>)
          tpu.yield
        }) : () -> ()
        %get3A = arith.constant 0 : index
        %get3A_18 = tpu.vector_load %arg11[%get3A] {strides = array<i32>} : memref<64xi32, #tpu.memory_space<vmem>>, vector<16xi32>,
        %mul3A_19 = arith.constant 8 : i32
        %mul3A_20 = vector.broadcast %mul3A_19 : i32 to vector<16xi32>
        %mul3A_21 = arith.muli %get3A_18, %mul3A_20 : vector<16xi32>
        %get3A_22 = arith.constant 0 : index
        %get3A_23 = tpu.vector_load %arg12[%get3A_22] {strides = array<i32>} : memref<64xi32, #tpu.memory_space<vmem>>, vector<16xi32>,
        %mul3A_24 = arith.constant 8 : i32
        %mul3A_25 = vector.broadcast %mul3A_24 : i32 to vector<16xi32>
        %mul3A_26 = arith.muli %get3A_23, %mul3A_25 : vector<16xi32>
        %add3A_27 = arith.constant 0 : i32
        %add3A_28 = vector.broadcast %add3A_27 : i32 to vector<16xi32>
        %add3A_29 = arith.addi %mul3A_21, %add3A_28 : vector<16xi32>
        %gather3A = tpu.vector_load_idx %arg9[%add3A_29] : memref<80000xf32, #tpu.memory_space<vmem>>[vector<16xi32>], vector<16xf32>,
        %add3A_30 = arith.constant 4 : i32
        %add3A_31 = vector.broadcast %add3A_30 : i32 to vector<16xi32>
        %add3A_32 = arith.addi %mul3A_26, %add3A_31 : vector<16xi32>
        %gather3A_33 = tpu.vector_load_idx %arg9[%add3A_32] : memref<80000xf32, #tpu.memory_space<vmem>>[vector<16xi32>], vector<16xf32>,
        %add3A_34 = arith.addf %gather3A, %gather3A_33 : vector<16xf32>
        %lt3A_35 = arith.constant 0.000000e+00 : f32
        %lt3A_36 = vector.broadcast %lt3A_35 : f32 to vector<16xf32>
        %lt3A_37 = arith.cmpf olt, %add3A_34, %lt3A_36 : vector<16xf32>
        %mul3A_38 = arith.constant 2.000000e-01 : f32
        %mul3A_39 = vector.broadcast %mul3A_38 : f32 to vector<16xf32>
        %mul3A_40 = arith.mulf %add3A_34, %mul3A_39 : vector<16xf32>
        %select_n3A = arith.select %lt3A_37, %mul3A_40, %add3A_34 : vector<16xi1>, vector<16xf32>
        %get3A_41 = arith.constant 0 : index
        %get3A_42 = tpu.vector_load %arg10[%get3A_41] {strides = array<i32>} : memref<64xf32, #tpu.memory_space<vmem>>, vector<16xf32>,
        %sub3A = arith.subf %select_n3A, %get3A_42 : vector<16xf32>
        %exp3A = math.exp %sub3A : vector<16xf32>
        %swap3A = arith.constant 0 : index
        %swap3A_43 = tpu.vector_load %arg14[%swap3A] {strides = array<i32>} : memref<256xf32, #tpu.memory_space<vmem>>, vector<16xf32>,
        tpu.vector_store %arg14[%swap3A], %exp3A {strides = array<i32>} : memref<256xf32, #tpu.memory_space<vmem>>, vector<16xf32>,
        %add3A_44 = arith.constant 1 : i32
        %add3A_45 = vector.broadcast %add3A_44 : i32 to vector<16xi32>
        %add3A_46 = arith.addi %mul3A_21, %add3A_45 : vector<16xi32>
        %gather3A_47 = tpu.vector_load_idx %arg9[%add3A_46] : memref<80000xf32, #tpu.memory_space<vmem>>[vector<16xi32>], vector<16xf32>,
        %add3A_48 = arith.constant 5 : i32
        %add3A_49 = vector.broadcast %add3A_48 : i32 to vector<16xi32>
        %add3A_50 = arith.addi %mul3A_26, %add3A_49 : vector<16xi32>
        %gather3A_51 = tpu.vector_load_idx %arg9[%add3A_50] : memref<80000xf32, #tpu.memory_space<vmem>>[vector<16xi32>], vector<16xf32>,
        %add3A_52 = arith.addf %gather3A_47, %gather3A_51 : vector<16xf32>
        %lt3A_53 = arith.constant 0.000000e+00 : f32
        %lt3A_54 = vector.broadcast %lt3A_53 : f32 to vector<16xf32>
        %lt3A_55 = arith.cmpf olt, %add3A_52, %lt3A_54 : vector<16xf32>
        %mul3A_56 = arith.constant 2.000000e-01 : f32
        %mul3A_57 = vector.broadcast %mul3A_56 : f32 to vector<16xf32>
        %mul3A_58 = arith.mulf %add3A_52, %mul3A_57 : vector<16xf32>
        %select_n3A_59 = arith.select %lt3A_55, %mul3A_58, %add3A_52 : vector<16xi1>, vector<16xf32>
        %get3A_60 = arith.constant 16 : index
        %get3A_61 = tpu.vector_load %arg10[%get3A_60] {strides = array<i32>} : memref<64xf32, #tpu.memory_space<vmem>>, vector<16xf32>,
        %sub3A_62 = arith.subf %select_n3A_59, %get3A_61 : vector<16xf32>
        %exp3A_63 = math.exp %sub3A_62 : vector<16xf32>
        %swap3A_64 = arith.constant 64 : index
        %swap3A_65 = tpu.vector_load %arg14[%swap3A_64] {strides = array<i32>} : memref<256xf32, #tpu.memory_space<vmem>>, vector<16xf32>,
        tpu.vector_store %arg14[%swap3A_64], %exp3A_63 {strides = array<i32>} : memref<256xf32, #tpu.memory_space<vmem>>, vector<16xf32>,
        %add3A_66 = arith.constant 2 : i32
        %add3A_67 = vector.broadcast %add3A_66 : i32 to vector<16xi32>
        %add3A_68 = arith.addi %mul3A_21, %add3A_67 : vector<16xi32>
        %gather3A_69 = tpu.vector_load_idx %arg9[%add3A_68] : memref<80000xf32, #tpu.memory_space<vmem>>[vector<16xi32>], vector<16xf32>,
        %add3A_70 = arith.constant 6 : i32
        %add3A_71 = vector.broadcast %add3A_70 : i32 to vector<16xi32>
        %add3A_72 = arith.addi %mul3A_26, %add3A_71 : vector<16xi32>
        %gather3A_73 = tpu.vector_load_idx %arg9[%add3A_72] : memref<80000xf32, #tpu.memory_space<vmem>>[vector<16xi32>], vector<16xf32>,
        %add3A_74 = arith.addf %gather3A_69, %gather3A_73 : vector<16xf32>
        %lt3A_75 = arith.constant 0.000000e+00 : f32
        %lt3A_76 = vector.broadcast %lt3A_75 : f32 to vector<16xf32>
        %lt3A_77 = arith.cmpf olt, %add3A_74, %lt3A_76 : vector<16xf32>
        %mul3A_78 = arith.constant 2.000000e-01 : f32
        %mul3A_79 = vector.broadcast %mul3A_78 : f32 to vector<16xf32>
        %mul3A_80 = arith.mulf %add3A_74, %mul3A_79 : vector<16xf32>
        %select_n3A_81 = arith.select %lt3A_77, %mul3A_80, %add3A_74 : vector<16xi1>, vector<16xf32>
        %get3A_82 = arith.constant 32 : index
        %get3A_83 = tpu.vector_load %arg10[%get3A_82] {strides = array<i32>} : memref<64xf32, #tpu.memory_space<vmem>>, vector<16xf32>,
        %sub3A_84 = arith.subf %select_n3A_81, %get3A_83 : vector<16xf32>
        %exp3A_85 = math.exp %sub3A_84 : vector<16xf32>
        %swap3A_86 = arith.constant 128 : index
        %swap3A_87 = tpu.vector_load %arg14[%swap3A_86] {strides = array<i32>} : memref<256xf32, #tpu.memory_space<vmem>>, vector<16xf32>,
        tpu.vector_store %arg14[%swap3A_86], %exp3A_85 {strides = array<i32>} : memref<256xf32, #tpu.memory_space<vmem>>, vector<16xf32>,
        %add3A_88 = arith.constant 3 : i32
        %add3A_89 = vector.broadcast %add3A_88 : i32 to vector<16xi32>
        %add3A_90 = arith.addi %mul3A_21, %add3A_89 : vector<16xi32>
        %gather3A_91 = tpu.vector_load_idx %arg9[%add3A_90] : memref<80000xf32, #tpu.memory_space<vmem>>[vector<16xi32>], vector<16xf32>,
        %add3A_92 = arith.constant 7 : i32
        %add3A_93 = vector.broadcast %add3A_92 : i32 to vector<16xi32>
        %add3A_94 = arith.addi %mul3A_26, %add3A_93 : vector<16xi32>
        %gather3A_95 = tpu.vector_load_idx %arg9[%add3A_94] : memref<80000xf32, #tpu.memory_space<vmem>>[vector<16xi32>], vector<16xf32>,
        %add3A_96 = arith.addf %gather3A_91, %gather3A_95 : vector<16xf32>
        %lt3A_97 = arith.constant 0.000000e+00 : f32
        %lt3A_98 = vector.broadcast %lt3A_97 : f32 to vector<16xf32>
        %lt3A_99 = arith.cmpf olt, %add3A_96, %lt3A_98 : vector<16xf32>
        %mul3A_100 = arith.constant 2.000000e-01 : f32
        %mul3A_101 = vector.broadcast %mul3A_100 : f32 to vector<16xf32>
        %mul3A_102 = arith.mulf %add3A_96, %mul3A_101 : vector<16xf32>
        %select_n3A_103 = arith.select %lt3A_99, %mul3A_102, %add3A_96 : vector<16xi1>, vector<16xf32>
        %get3A_104 = arith.constant 48 : index
        %get3A_105 = tpu.vector_load %arg10[%get3A_104] {strides = array<i32>} : memref<64xf32, #tpu.memory_space<vmem>>, vector<16xf32>,
        %sub3A_106 = arith.subf %select_n3A_103, %get3A_105 : vector<16xf32>
        %exp3A_107 = math.exp %sub3A_106 : vector<16xf32>
        %swap3A_108 = arith.constant 192 : index
        %swap3A_109 = tpu.vector_load %arg14[%swap3A_108] {strides = array<i32>} : memref<256xf32, #tpu.memory_space<vmem>>, vector<16xf32>,
        tpu.vector_store %arg14[%swap3A_108], %exp3A_107 {strides = array<i32>} : memref<256xf32, #tpu.memory_space<vmem>>, vector<16xf32>,
        %get3A_110 = arith.constant 16 : index
        %get3A_111 = tpu.vector_load %arg11[%get3A_110] {strides = array<i32>} : memref<64xi32, #tpu.memory_space<vmem>>, vector<16xi32>,
        %mul3A_112 = arith.constant 8 : i32
        %mul3A_113 = vector.broadcast %mul3A_112 : i32 to vector<16xi32>
        %mul3A_114 = arith.muli %get3A_111, %mul3A_113 : vector<16xi32>
        %get3A_115 = arith.constant 16 : index
        %get3A_116 = tpu.vector_load %arg12[%get3A_115] {strides = array<i32>} : memref<64xi32, #tpu.memory_space<vmem>>, vector<16xi32>,
        %mul3A_117 = arith.constant 8 : i32
        %mul3A_118 = vector.broadcast %mul3A_117 : i32 to vector<16xi32>
        %mul3A_119 = arith.muli %get3A_116, %mul3A_118 : vector<16xi32>
        %add3A_120 = arith.constant 0 : i32
        %add3A_121 = vector.broadcast %add3A_120 : i32 to vector<16xi32>
        %add3A_122 = arith.addi %mul3A_114, %add3A_121 : vector<16xi32>
        %gather3A_123 = tpu.vector_load_idx %arg9[%add3A_122] : memref<80000xf32, #tpu.memory_space<vmem>>[vector<16xi32>], vector<16xf32>,
        %add3A_124 = arith.constant 4 : i32
        %add3A_125 = vector.broadcast %add3A_124 : i32 to vector<16xi32>
        %add3A_126 = arith.addi %mul3A_119, %add3A_125 : vector<16xi32>
        %gather3A_127 = tpu.vector_load_idx %arg9[%add3A_126] : memref<80000xf32, #tpu.memory_space<vmem>>[vector<16xi32>], vector<16xf32>,
        %add3A_128 = arith.addf %gather3A_123, %gather3A_127 : vector<16xf32>
        %lt3A_129 = arith.constant 0.000000e+00 : f32
        %lt3A_130 = vector.broadcast %lt3A_129 : f32 to vector<16xf32>
        %lt3A_131 = arith.cmpf olt, %add3A_128, %lt3A_130 : vector<16xf32>
        %mul3A_132 = arith.constant 2.000000e-01 : f32
        %mul3A_133 = vector.broadcast %mul3A_132 : f32 to vector<16xf32>
        %mul3A_134 = arith.mulf %add3A_128, %mul3A_133 : vector<16xf32>
        %select_n3A_135 = arith.select %lt3A_131, %mul3A_134, %add3A_128 : vector<16xi1>, vector<16xf32>
        %get3A_136 = arith.constant 0 : index
        %get3A_137 = tpu.vector_load %arg10[%get3A_136] {strides = array<i32>} : memref<64xf32, #tpu.memory_space<vmem>>, vector<16xf32>,
        %sub3A_138 = arith.subf %select_n3A_135, %get3A_137 : vector<16xf32>
        %exp3A_139 = math.exp %sub3A_138 : vector<16xf32>
        %swap3A_140 = arith.constant 16 : index
        %swap3A_141 = tpu.vector_load %arg14[%swap3A_140] {strides = array<i32>} : memref<256xf32, #tpu.memory_space<vmem>>, vector<16xf32>,
        tpu.vector_store %arg14[%swap3A_140], %exp3A_139 {strides = array<i32>} : memref<256xf32, #tpu.memory_space<vmem>>, vector<16xf32>,
        %add3A_142 = arith.constant 1 : i32
        %add3A_143 = vector.broadcast %add3A_142 : i32 to vector<16xi32>
        %add3A_144 = arith.addi %mul3A_114, %add3A_143 : vector<16xi32>
        %gather3A_145 = tpu.vector_load_idx %arg9[%add3A_144] : memref<80000xf32, #tpu.memory_space<vmem>>[vector<16xi32>], vector<16xf32>,
        %add3A_146 = arith.constant 5 : i32
        %add3A_147 = vector.broadcast %add3A_146 : i32 to vector<16xi32>
        %add3A_148 = arith.addi %mul3A_119, %add3A_147 : vector<16xi32>
        %gather3A_149 = tpu.vector_load_idx %arg9[%add3A_148] : memref<80000xf32, #tpu.memory_space<vmem>>[vector<16xi32>], vector<16xf32>,
        %add3A_150 = arith.addf %gather3A_145, %gather3A_149 : vector<16xf32>
        %lt3A_151 = arith.constant 0.000000e+00 : f32
        %lt3A_152 = vector.broadcast %lt3A_151 : f32 to vector<16xf32>
        %lt3A_153 = arith.cmpf olt, %add3A_150, %lt3A_152 : vector<16xf32>
        %mul3A_154 = arith.constant 2.000000e-01 : f32
        %mul3A_155 = vector.broadcast %mul3A_154 : f32 to vector<16xf32>
        %mul3A_156 = arith.mulf %add3A_150, %mul3A_155 : vector<16xf32>
        %select_n3A_157 = arith.select %lt3A_153, %mul3A_156, %add3A_150 : vector<16xi1>, vector<16xf32>
        %get3A_158 = arith.constant 16 : index
        %get3A_159 = tpu.vector_load %arg10[%get3A_158] {strides = array<i32>} : memref<64xf32, #tpu.memory_space<vmem>>, vector<16xf32>,
        %sub3A_160 = arith.subf %select_n3A_157, %get3A_159 : vector<16xf32>
        %exp3A_161 = math.exp %sub3A_160 : vector<16xf32>
        %swap3A_162 = arith.constant 80 : index
        %swap3A_163 = tpu.vector_load %arg14[%swap3A_162] {strides = array<i32>} : memref<256xf32, #tpu.memory_space<vmem>>, vector<16xf32>,
        tpu.vector_store %arg14[%swap3A_162], %exp3A_161 {strides = array<i32>} : memref<256xf32, #tpu.memory_space<vmem>>, vector<16xf32>,
        %add3A_164 = arith.constant 2 : i32
        %add3A_165 = vector.broadcast %add3A_164 : i32 to vector<16xi32>
        %add3A_166 = arith.addi %mul3A_114, %add3A_165 : vector<16xi32>
        %gather3A_167 = tpu.vector_load_idx %arg9[%add3A_166] : memref<80000xf32, #tpu.memory_space<vmem>>[vector<16xi32>], vector<16xf32>,
        %add3A_168 = arith.constant 6 : i32
        %add3A_169 = vector.broadcast %add3A_168 : i32 to vector<16xi32>
        %add3A_170 = arith.addi %mul3A_119, %add3A_169 : vector<16xi32>
        %gather3A_171 = tpu.vector_load_idx %arg9[%add3A_170] : memref<80000xf32, #tpu.memory_space<vmem>>[vector<16xi32>], vector<16xf32>,
        %add3A_172 = arith.addf %gather3A_167, %gather3A_171 : vector<16xf32>
        %lt3A_173 = arith.constant 0.000000e+00 : f32
        %lt3A_174 = vector.broadcast %lt3A_173 : f32 to vector<16xf32>
        %lt3A_175 = arith.cmpf olt, %add3A_172, %lt3A_174 : vector<16xf32>
        %mul3A_176 = arith.constant 2.000000e-01 : f32
        %mul3A_177 = vector.broadcast %mul3A_176 : f32 to vector<16xf32>
        %mul3A_178 = arith.mulf %add3A_172, %mul3A_177 : vector<16xf32>
        %select_n3A_179 = arith.select %lt3A_175, %mul3A_178, %add3A_172 : vector<16xi1>, vector<16xf32>
        %get3A_180 = arith.constant 32 : index
        %get3A_181 = tpu.vector_load %arg10[%get3A_180] {strides = array<i32>} : memref<64xf32, #tpu.memory_space<vmem>>, vector<16xf32>,
        %sub3A_182 = arith.subf %select_n3A_179, %get3A_181 : vector<16xf32>
        %exp3A_183 = math.exp %sub3A_182 : vector<16xf32>
        %swap3A_184 = arith.constant 144 : index
        %swap3A_185 = tpu.vector_load %arg14[%swap3A_184] {strides = array<i32>} : memref<256xf32, #tpu.memory_space<vmem>>, vector<16xf32>,
        tpu.vector_store %arg14[%swap3A_184], %exp3A_183 {strides = array<i32>} : memref<256xf32, #tpu.memory_space<vmem>>, vector<16xf32>,
        %add3A_186 = arith.constant 3 : i32
        %add3A_187 = vector.broadcast %add3A_186 : i32 to vector<16xi32>
        %add3A_188 = arith.addi %mul3A_114, %add3A_187 : vector<16xi32>
        %gather3A_189 = tpu.vector_load_idx %arg9[%add3A_188] : memref<80000xf32, #tpu.memory_space<vmem>>[vector<16xi32>], vector<16xf32>,
        %add3A_190 = arith.constant 7 : i32
        %add3A_191 = vector.broadcast %add3A_190 : i32 to vector<16xi32>
        %add3A_192 = arith.addi %mul3A_119, %add3A_191 : vector<16xi32>
        %gather3A_193 = tpu.vector_load_idx %arg9[%add3A_192] : memref<80000xf32, #tpu.memory_space<vmem>>[vector<16xi32>], vector<16xf32>,
        %add3A_194 = arith.addf %gather3A_189, %gather3A_193 : vector<16xf32>
        %lt3A_195 = arith.constant 0.000000e+00 : f32
        %lt3A_196 = vector.broadcast %lt3A_195 : f32 to vector<16xf32>
        %lt3A_197 = arith.cmpf olt, %add3A_194, %lt3A_196 : vector<16xf32>
        %mul3A_198 = arith.constant 2.000000e-01 : f32
        %mul3A_199 = vector.broadcast %mul3A_198 : f32 to vector<16xf32>
        %mul3A_200 = arith.mulf %add3A_194, %mul3A_199 : vector<16xf32>
        %select_n3A_201 = arith.select %lt3A_197, %mul3A_200, %add3A_194 : vector<16xi1>, vector<16xf32>
        %get3A_202 = arith.constant 48 : index
        %get3A_203 = tpu.vector_load %arg10[%get3A_202] {strides = array<i32>} : memref<64xf32, #tpu.memory_space<vmem>>, vector<16xf32>,
        %sub3A_204 = arith.subf %select_n3A_201, %get3A_203 : vector<16xf32>
        %exp3A_205 = math.exp %sub3A_204 : vector<16xf32>
        %swap3A_206 = arith.constant 208 : index
        %swap3A_207 = tpu.vector_load %arg14[%swap3A_206] {strides = array<i32>} : memref<256xf32, #tpu.memory_space<vmem>>, vector<16xf32>,
        tpu.vector_store %arg14[%swap3A_206], %exp3A_205 {strides = array<i32>} : memref<256xf32, #tpu.memory_space<vmem>>, vector<16xf32>,
        %get3A_208 = arith.constant 32 : index
        %get3A_209 = tpu.vector_load %arg11[%get3A_208] {strides = array<i32>} : memref<64xi32, #tpu.memory_space<vmem>>, vector<16xi32>,
        %mul3A_210 = arith.constant 8 : i32
        %mul3A_211 = vector.broadcast %mul3A_210 : i32 to vector<16xi32>
        %mul3A_212 = arith.muli %get3A_209, %mul3A_211 : vector<16xi32>
        %get3A_213 = arith.constant 32 : index
        %get3A_214 = tpu.vector_load %arg12[%get3A_213] {strides = array<i32>} : memref<64xi32, #tpu.memory_space<vmem>>, vector<16xi32>,
        %mul3A_215 = arith.constant 8 : i32
        %mul3A_216 = vector.broadcast %mul3A_215 : i32 to vector<16xi32>
        %mul3A_217 = arith.muli %get3A_214, %mul3A_216 : vector<16xi32>
        %add3A_218 = arith.constant 0 : i32
        %add3A_219 = vector.broadcast %add3A_218 : i32 to vector<16xi32>
        %add3A_220 = arith.addi %mul3A_212, %add3A_219 : vector<16xi32>
        %gather3A_221 = tpu.vector_load_idx %arg9[%add3A_220] : memref<80000xf32, #tpu.memory_space<vmem>>[vector<16xi32>], vector<16xf32>,
        %add3A_222 = arith.constant 4 : i32
        %add3A_223 = vector.broadcast %add3A_222 : i32 to vector<16xi32>
        %add3A_224 = arith.addi %mul3A_217, %add3A_223 : vector<16xi32>
        %gather3A_225 = tpu.vector_load_idx %arg9[%add3A_224] : memref<80000xf32, #tpu.memory_space<vmem>>[vector<16xi32>], vector<16xf32>,
        %add3A_226 = arith.addf %gather3A_221, %gather3A_225 : vector<16xf32>
        %lt3A_227 = arith.constant 0.000000e+00 : f32
        %lt3A_228 = vector.broadcast %lt3A_227 : f32 to vector<16xf32>
        %lt3A_229 = arith.cmpf olt, %add3A_226, %lt3A_228 : vector<16xf32>
        %mul3A_230 = arith.constant 2.000000e-01 : f32
        %mul3A_231 = vector.broadcast %mul3A_230 : f32 to vector<16xf32>
        %mul3A_232 = arith.mulf %add3A_226, %mul3A_231 : vector<16xf32>
        %select_n3A_233 = arith.select %lt3A_229, %mul3A_232, %add3A_226 : vector<16xi1>, vector<16xf32>
        %get3A_234 = arith.constant 0 : index
        %get3A_235 = tpu.vector_load %arg10[%get3A_234] {strides = array<i32>} : memref<64xf32, #tpu.memory_space<vmem>>, vector<16xf32>,
        %sub3A_236 = arith.subf %select_n3A_233, %get3A_235 : vector<16xf32>
        %exp3A_237 = math.exp %sub3A_236 : vector<16xf32>
        %swap3A_238 = arith.constant 32 : index
        %swap3A_239 = tpu.vector_load %arg14[%swap3A_238] {strides = array<i32>} : memref<256xf32, #tpu.memory_space<vmem>>, vector<16xf32>,
        tpu.vector_store %arg14[%swap3A_238], %exp3A_237 {strides = array<i32>} : memref<256xf32, #tpu.memory_space<vmem>>, vector<16xf32>,
        %add3A_240 = arith.constant 1 : i32
        %add3A_241 = vector.broadcast %add3A_240 : i32 to vector<16xi32>
        %add3A_242 = arith.addi %mul3A_212, %add3A_241 : vector<16xi32>
        %gather3A_243 = tpu.vector_load_idx %arg9[%add3A_242] : memref<80000xf32, #tpu.memory_space<vmem>>[vector<16xi32>], vector<16xf32>,
        %add3A_244 = arith.constant 5 : i32
        %add3A_245 = vector.broadcast %add3A_244 : i32 to vector<16xi32>
        %add3A_246 = arith.addi %mul3A_217, %add3A_245 : vector<16xi32>
        %gather3A_247 = tpu.vector_load_idx %arg9[%add3A_246] : memref<80000xf32, #tpu.memory_space<vmem>>[vector<16xi32>], vector<16xf32>,
        %add3A_248 = arith.addf %gather3A_243, %gather3A_247 : vector<16xf32>
        %lt3A_249 = arith.constant 0.000000e+00 : f32
        %lt3A_250 = vector.broadcast %lt3A_249 : f32 to vector<16xf32>
        %lt3A_251 = arith.cmpf olt, %add3A_248, %lt3A_250 : vector<16xf32>
        %mul3A_252 = arith.constant 2.000000e-01 : f32
        %mul3A_253 = vector.broadcast %mul3A_252 : f32 to vector<16xf32>
        %mul3A_254 = arith.mulf %add3A_248, %mul3A_253 : vector<16xf32>
        %select_n3A_255 = arith.select %lt3A_251, %mul3A_254, %add3A_248 : vector<16xi1>, vector<16xf32>
        %get3A_256 = arith.constant 16 : index
        %get3A_257 = tpu.vector_load %arg10[%get3A_256] {strides = array<i32>} : memref<64xf32, #tpu.memory_space<vmem>>, vector<16xf32>,
        %sub3A_258 = arith.subf %select_n3A_255, %get3A_257 : vector<16xf32>
        %exp3A_259 = math.exp %sub3A_258 : vector<16xf32>
        %swap3A_260 = arith.constant 96 : index
        %swap3A_261 = tpu.vector_load %arg14[%swap3A_260] {strides = array<i32>} : memref<256xf32, #tpu.memory_space<vmem>>, vector<16xf32>,
        tpu.vector_store %arg14[%swap3A_260], %exp3A_259 {strides = array<i32>} : memref<256xf32, #tpu.memory_space<vmem>>, vector<16xf32>,
        %add3A_262 = arith.constant 2 : i32
        %add3A_263 = vector.broadcast %add3A_262 : i32 to vector<16xi32>
        %add3A_264 = arith.addi %mul3A_212, %add3A_263 : vector<16xi32>
        %gather3A_265 = tpu.vector_load_idx %arg9[%add3A_264] : memref<80000xf32, #tpu.memory_space<vmem>>[vector<16xi32>], vector<16xf32>,
        %add3A_266 = arith.constant 6 : i32
        %add3A_267 = vector.broadcast %add3A_266 : i32 to vector<16xi32>
        %add3A_268 = arith.addi %mul3A_217, %add3A_267 : vector<16xi32>
        %gather3A_269 = tpu.vector_load_idx %arg9[%add3A_268] : memref<80000xf32, #tpu.memory_space<vmem>>[vector<16xi32>], vector<16xf32>,
        %add3A_270 = arith.addf %gather3A_265, %gather3A_269 : vector<16xf32>
        %lt3A_271 = arith.constant 0.000000e+00 : f32
        %lt3A_272 = vector.broadcast %lt3A_271 : f32 to vector<16xf32>
        %lt3A_273 = arith.cmpf olt, %add3A_270, %lt3A_272 : vector<16xf32>
        %mul3A_274 = arith.constant 2.000000e-01 : f32
        %mul3A_275 = vector.broadcast %mul3A_274 : f32 to vector<16xf32>
        %mul3A_276 = arith.mulf %add3A_270, %mul3A_275 : vector<16xf32>
        %select_n3A_277 = arith.select %lt3A_273, %mul3A_276, %add3A_270 : vector<16xi1>, vector<16xf32>
        %get3A_278 = arith.constant 32 : index
        %get3A_279 = tpu.vector_load %arg10[%get3A_278] {strides = array<i32>} : memref<64xf32, #tpu.memory_space<vmem>>, vector<16xf32>,
        %sub3A_280 = arith.subf %select_n3A_277, %get3A_279 : vector<16xf32>
        %exp3A_281 = math.exp %sub3A_280 : vector<16xf32>
        %swap3A_282 = arith.constant 160 : index
        %swap3A_283 = tpu.vector_load %arg14[%swap3A_282] {strides = array<i32>} : memref<256xf32, #tpu.memory_space<vmem>>, vector<16xf32>,
        tpu.vector_store %arg14[%swap3A_282], %exp3A_281 {strides = array<i32>} : memref<256xf32, #tpu.memory_space<vmem>>, vector<16xf32>,
        %add3A_284 = arith.constant 3 : i32
        %add3A_285 = vector.broadcast %add3A_284 : i32 to vector<16xi32>
        %add3A_286 = arith.addi %mul3A_212, %add3A_285 : vector<16xi32>
        %gather3A_287 = tpu.vector_load_idx %arg9[%add3A_286] : memref<80000xf32, #tpu.memory_space<vmem>>[vector<16xi32>], vector<16xf32>,
        %add3A_288 = arith.constant 7 : i32
        %add3A_289 = vector.broadcast %add3A_288 : i32 to vector<16xi32>
        %add3A_290 = arith.addi %mul3A_217, %add3A_289 : vector<16xi32>
        %gather3A_291 = tpu.vector_load_idx %arg9[%add3A_290] : memref<80000xf32, #tpu.memory_space<vmem>>[vector<16xi32>], vector<16xf32>,
        %add3A_292 = arith.addf %gather3A_287, %gather3A_291 : vector<16xf32>
        %lt3A_293 = arith.constant 0.000000e+00 : f32
        %lt3A_294 = vector.broadcast %lt3A_293 : f32 to vector<16xf32>
        %lt3A_295 = arith.cmpf olt, %add3A_292, %lt3A_294 : vector<16xf32>
        %mul3A_296 = arith.constant 2.000000e-01 : f32
        %mul3A_297 = vector.broadcast %mul3A_296 : f32 to vector<16xf32>
        %mul3A_298 = arith.mulf %add3A_292, %mul3A_297 : vector<16xf32>
        %select_n3A_299 = arith.select %lt3A_295, %mul3A_298, %add3A_292 : vector<16xi1>, vector<16xf32>
        %get3A_300 = arith.constant 48 : index
        %get3A_301 = tpu.vector_load %arg10[%get3A_300] {strides = array<i32>} : memref<64xf32, #tpu.memory_space<vmem>>, vector<16xf32>,
        %sub3A_302 = arith.subf %select_n3A_299, %get3A_301 : vector<16xf32>
        %exp3A_303 = math.exp %sub3A_302 : vector<16xf32>
        %swap3A_304 = arith.constant 224 : index
        %swap3A_305 = tpu.vector_load %arg14[%swap3A_304] {strides = array<i32>} : memref<256xf32, #tpu.memory_space<vmem>>, vector<16xf32>,
        tpu.vector_store %arg14[%swap3A_304], %exp3A_303 {strides = array<i32>} : memref<256xf32, #tpu.memory_space<vmem>>, vector<16xf32>,
        %get3A_306 = arith.constant 48 : index
        %get3A_307 = tpu.vector_load %arg11[%get3A_306] {strides = array<i32>} : memref<64xi32, #tpu.memory_space<vmem>>, vector<16xi32>,
        %mul3A_308 = arith.constant 8 : i32
        %mul3A_309 = vector.broadcast %mul3A_308 : i32 to vector<16xi32>
        %mul3A_310 = arith.muli %get3A_307, %mul3A_309 : vector<16xi32>
        %get3A_311 = arith.constant 48 : index
        %get3A_312 = tpu.vector_load %arg12[%get3A_311] {strides = array<i32>} : memref<64xi32, #tpu.memory_space<vmem>>, vector<16xi32>,
        %mul3A_313 = arith.constant 8 : i32
        %mul3A_314 = vector.broadcast %mul3A_313 : i32 to vector<16xi32>
        %mul3A_315 = arith.muli %get3A_312, %mul3A_314 : vector<16xi32>
        %add3A_316 = arith.constant 0 : i32
        %add3A_317 = vector.broadcast %add3A_316 : i32 to vector<16xi32>
        %add3A_318 = arith.addi %mul3A_310, %add3A_317 : vector<16xi32>
        %gather3A_319 = tpu.vector_load_idx %arg9[%add3A_318] : memref<80000xf32, #tpu.memory_space<vmem>>[vector<16xi32>], vector<16xf32>,
        %add3A_320 = arith.constant 4 : i32
        %add3A_321 = vector.broadcast %add3A_320 : i32 to vector<16xi32>
        %add3A_322 = arith.addi %mul3A_315, %add3A_321 : vector<16xi32>
        %gather3A_323 = tpu.vector_load_idx %arg9[%add3A_322] : memref<80000xf32, #tpu.memory_space<vmem>>[vector<16xi32>], vector<16xf32>,
        %add3A_324 = arith.addf %gather3A_319, %gather3A_323 : vector<16xf32>
        %lt3A_325 = arith.constant 0.000000e+00 : f32
        %lt3A_326 = vector.broadcast %lt3A_325 : f32 to vector<16xf32>
        %lt3A_327 = arith.cmpf olt, %add3A_324, %lt3A_326 : vector<16xf32>
        %mul3A_328 = arith.constant 2.000000e-01 : f32
        %mul3A_329 = vector.broadcast %mul3A_328 : f32 to vector<16xf32>
        %mul3A_330 = arith.mulf %add3A_324, %mul3A_329 : vector<16xf32>
        %select_n3A_331 = arith.select %lt3A_327, %mul3A_330, %add3A_324 : vector<16xi1>, vector<16xf32>
        %get3A_332 = arith.constant 0 : index
        %get3A_333 = tpu.vector_load %arg10[%get3A_332] {strides = array<i32>} : memref<64xf32, #tpu.memory_space<vmem>>, vector<16xf32>,
        %sub3A_334 = arith.subf %select_n3A_331, %get3A_333 : vector<16xf32>
        %exp3A_335 = math.exp %sub3A_334 : vector<16xf32>
        %swap3A_336 = arith.constant 48 : index
        %swap3A_337 = tpu.vector_load %arg14[%swap3A_336] {strides = array<i32>} : memref<256xf32, #tpu.memory_space<vmem>>, vector<16xf32>,
        tpu.vector_store %arg14[%swap3A_336], %exp3A_335 {strides = array<i32>} : memref<256xf32, #tpu.memory_space<vmem>>, vector<16xf32>,
        %add3A_338 = arith.constant 1 : i32
        %add3A_339 = vector.broadcast %add3A_338 : i32 to vector<16xi32>
        %add3A_340 = arith.addi %mul3A_310, %add3A_339 : vector<16xi32>
        %gather3A_341 = tpu.vector_load_idx %arg9[%add3A_340] : memref<80000xf32, #tpu.memory_space<vmem>>[vector<16xi32>], vector<16xf32>,
        %add3A_342 = arith.constant 5 : i32
        %add3A_343 = vector.broadcast %add3A_342 : i32 to vector<16xi32>
        %add3A_344 = arith.addi %mul3A_315, %add3A_343 : vector<16xi32>
        %gather3A_345 = tpu.vector_load_idx %arg9[%add3A_344] : memref<80000xf32, #tpu.memory_space<vmem>>[vector<16xi32>], vector<16xf32>,
        %add3A_346 = arith.addf %gather3A_341, %gather3A_345 : vector<16xf32>
        %lt3A_347 = arith.constant 0.000000e+00 : f32
        %lt3A_348 = vector.broadcast %lt3A_347 : f32 to vector<16xf32>
        %lt3A_349 = arith.cmpf olt, %add3A_346, %lt3A_348 : vector<16xf32>
        %mul3A_350 = arith.constant 2.000000e-01 : f32
        %mul3A_351 = vector.broadcast %mul3A_350 : f32 to vector<16xf32>
        %mul3A_352 = arith.mulf %add3A_346, %mul3A_351 : vector<16xf32>
        %select_n3A_353 = arith.select %lt3A_349, %mul3A_352, %add3A_346 : vector<16xi1>, vector<16xf32>
        %get3A_354 = arith.constant 16 : index
        %get3A_355 = tpu.vector_load %arg10[%get3A_354] {strides = array<i32>} : memref<64xf32, #tpu.memory_space<vmem>>, vector<16xf32>,
        %sub3A_356 = arith.subf %select_n3A_353, %get3A_355 : vector<16xf32>
        %exp3A_357 = math.exp %sub3A_356 : vector<16xf32>
        %swap3A_358 = arith.constant 112 : index
        %swap3A_359 = tpu.vector_load %arg14[%swap3A_358] {strides = array<i32>} : memref<256xf32, #tpu.memory_space<vmem>>, vector<16xf32>,
        tpu.vector_store %arg14[%swap3A_358], %exp3A_357 {strides = array<i32>} : memref<256xf32, #tpu.memory_space<vmem>>, vector<16xf32>,
        %add3A_360 = arith.constant 2 : i32
        %add3A_361 = vector.broadcast %add3A_360 : i32 to vector<16xi32>
        %add3A_362 = arith.addi %mul3A_310, %add3A_361 : vector<16xi32>
        %gather3A_363 = tpu.vector_load_idx %arg9[%add3A_362] : memref<80000xf32, #tpu.memory_space<vmem>>[vector<16xi32>], vector<16xf32>,
        %add3A_364 = arith.constant 6 : i32
        %add3A_365 = vector.broadcast %add3A_364 : i32 to vector<16xi32>
        %add3A_366 = arith.addi %mul3A_315, %add3A_365 : vector<16xi32>
        %gather3A_367 = tpu.vector_load_idx %arg9[%add3A_366] : memref<80000xf32, #tpu.memory_space<vmem>>[vector<16xi32>], vector<16xf32>,
        %add3A_368 = arith.addf %gather3A_363, %gather3A_367 : vector<16xf32>
        %lt3A_369 = arith.constant 0.000000e+00 : f32
        %lt3A_370 = vector.broadcast %lt3A_369 : f32 to vector<16xf32>
        %lt3A_371 = arith.cmpf olt, %add3A_368, %lt3A_370 : vector<16xf32>
        %mul3A_372 = arith.constant 2.000000e-01 : f32
        %mul3A_373 = vector.broadcast %mul3A_372 : f32 to vector<16xf32>
        %mul3A_374 = arith.mulf %add3A_368, %mul3A_373 : vector<16xf32>
        %select_n3A_375 = arith.select %lt3A_371, %mul3A_374, %add3A_368 : vector<16xi1>, vector<16xf32>
        %get3A_376 = arith.constant 32 : index
        %get3A_377 = tpu.vector_load %arg10[%get3A_376] {strides = array<i32>} : memref<64xf32, #tpu.memory_space<vmem>>, vector<16xf32>,
        %sub3A_378 = arith.subf %select_n3A_375, %get3A_377 : vector<16xf32>
        %exp3A_379 = math.exp %sub3A_378 : vector<16xf32>
        %swap3A_380 = arith.constant 176 : index
        %swap3A_381 = tpu.vector_load %arg14[%swap3A_380] {strides = array<i32>} : memref<256xf32, #tpu.memory_space<vmem>>, vector<16xf32>,
        tpu.vector_store %arg14[%swap3A_380], %exp3A_379 {strides = array<i32>} : memref<256xf32, #tpu.memory_space<vmem>>, vector<16xf32>,
        %add3A_382 = arith.constant 3 : i32
        %add3A_383 = vector.broadcast %add3A_382 : i32 to vector<16xi32>
        %add3A_384 = arith.addi %mul3A_310, %add3A_383 : vector<16xi32>
        %gather3A_385 = tpu.vector_load_idx %arg9[%add3A_384] : memref<80000xf32, #tpu.memory_space<vmem>>[vector<16xi32>], vector<16xf32>,
        %add3A_386 = arith.constant 7 : i32
        %add3A_387 = vector.broadcast %add3A_386 : i32 to vector<16xi32>
        %add3A_388 = arith.addi %mul3A_315, %add3A_387 : vector<16xi32>
        %gather3A_389 = tpu.vector_load_idx %arg9[%add3A_388] : memref<80000xf32, #tpu.memory_space<vmem>>[vector<16xi32>], vector<16xf32>,
        %add3A_390 = arith.addf %gather3A_385, %gather3A_389 : vector<16xf32>
        %lt3A_391 = arith.constant 0.000000e+00 : f32
        %lt3A_392 = vector.broadcast %lt3A_391 : f32 to vector<16xf32>
        %lt3A_393 = arith.cmpf olt, %add3A_390, %lt3A_392 : vector<16xf32>
        %mul3A_394 = arith.constant 2.000000e-01 : f32
        %mul3A_395 = vector.broadcast %mul3A_394 : f32 to vector<16xf32>
        %mul3A_396 = arith.mulf %add3A_390, %mul3A_395 : vector<16xf32>
        %select_n3A_397 = arith.select %lt3A_393, %mul3A_396, %add3A_390 : vector<16xi1>, vector<16xf32>
        %get3A_398 = arith.constant 48 : index
        %get3A_399 = tpu.vector_load %arg10[%get3A_398] {strides = array<i32>} : memref<64xf32, #tpu.memory_space<vmem>>, vector<16xf32>,
        %sub3A_400 = arith.subf %select_n3A_397, %get3A_399 : vector<16xf32>
        %exp3A_401 = math.exp %sub3A_400 : vector<16xf32>
        %swap3A_402 = arith.constant 240 : index
        %swap3A_403 = tpu.vector_load %arg14[%swap3A_402] {strides = array<i32>} : memref<256xf32, #tpu.memory_space<vmem>>, vector<16xf32>,
        tpu.vector_store %arg14[%swap3A_402], %exp3A_401 {strides = array<i32>} : memref<256xf32, #tpu.memory_space<vmem>>, vector<16xf32>,
        %add3A_404 = arith.constant 0 : i32
        %add3A_405 = arith.addi %add3A_404, %mul3A_13 : i32
        "tpu.region"() ({
          %run_scoped3A = tpu.sem_alloc : memref<!tpu.dma_semaphore, #tpu.memory_space<semaphore_mem>>
          %dma_start3A_412 = arith.constant 0 : i32
          %dma_start3A_413 = tpu.memref_slice %arg14[%dma_start3A_412] : memref<256xf32, #tpu.memory_space<vmem>> -> memref<64xf32, #tpu.memory_space<vmem>>
          %dma_start3A_414 = tpu.memref_slice %arg8[%add3A_405] : memref<640000xf32, #tpu.memory_space<hbm>> -> memref<64xf32, #tpu.memory_space<hbm>>
          %dma_start3A_415 = tpu.memref_slice %arg8[%add3A_405] : memref<640000xf32, #tpu.memory_space<hbm>> -> memref<64xf32, #tpu.memory_space<hbm>>
          %dma_start3A_416 = arith.constant 0 : i32
          %dma_start3A_417 = tpu.memref_slice %arg14[%dma_start3A_416] : memref<256xf32, #tpu.memory_space<vmem>> -> memref<64xf32, #tpu.memory_space<vmem>>
          tpu.enqueue_dma source(%dma_start3A_417 : memref<64xf32, #tpu.memory_space<vmem>>) target(%dma_start3A_415 : memref<64xf32, #tpu.memory_space<hbm>>) target_semaphore(%run_scoped3A : memref<!tpu.dma_semaphore, #tpu.memory_space<semaphore_mem>>)
          %dma_wait3A_418 = arith.constant 0 : i32
          %dma_wait3A_419 = tpu.memref_slice %arg14[%dma_wait3A_418] : memref<256xf32, #tpu.memory_space<vmem>> -> memref<64xf32, #tpu.memory_space<vmem>>
          %dma_wait3A_420 = tpu.memref_slice %arg8[%add3A_405] : memref<640000xf32, #tpu.memory_space<hbm>> -> memref<64xf32, #tpu.memory_space<hbm>>
          %dma_wait3A_421 = tpu.memref_slice %arg8[%add3A_405] : memref<640000xf32, #tpu.memory_space<hbm>> -> memref<64xf32, #tpu.memory_space<hbm>>
          %dma_wait3A_422 = arith.constant 0 : i32
          %dma_wait3A_423 = tpu.memref_slice %arg14[%dma_wait3A_422] : memref<256xf32, #tpu.memory_space<vmem>> -> memref<64xf32, #tpu.memory_space<vmem>>
          tpu.wait_dma2 semaphore(%run_scoped3A : memref<!tpu.dma_semaphore, #tpu.memory_space<semaphore_mem>>) src(%dma_wait3A_423 : memref<64xf32, #tpu.memory_space<vmem>>) dst(%dma_wait3A_421 : memref<64xf32, #tpu.memory_space<hbm>>)
          tpu.yield
        }) : () -> ()
        %add3A_406 = arith.constant 160000 : i32
        %add3A_407 = arith.addi %add3A_406, %mul3A_13 : i32
        "tpu.region"() ({
          %run_scoped3A = tpu.sem_alloc : memref<!tpu.dma_semaphore, #tpu.memory_space<semaphore_mem>>
          %dma_start3A_412 = arith.constant 64 : i32
          %dma_start3A_413 = tpu.memref_slice %arg14[%dma_start3A_412] : memref<256xf32, #tpu.memory_space<vmem>> -> memref<64xf32, #tpu.memory_space<vmem>>
          %dma_start3A_414 = tpu.memref_slice %arg8[%add3A_407] : memref<640000xf32, #tpu.memory_space<hbm>> -> memref<64xf32, #tpu.memory_space<hbm>>
          %dma_start3A_415 = tpu.memref_slice %arg8[%add3A_407] : memref<640000xf32, #tpu.memory_space<hbm>> -> memref<64xf32, #tpu.memory_space<hbm>>
          %dma_start3A_416 = arith.constant 64 : i32
          %dma_start3A_417 = tpu.memref_slice %arg14[%dma_start3A_416] : memref<256xf32, #tpu.memory_space<vmem>> -> memref<64xf32, #tpu.memory_space<vmem>>
          tpu.enqueue_dma source(%dma_start3A_417 : memref<64xf32, #tpu.memory_space<vmem>>) target(%dma_start3A_415 : memref<64xf32, #tpu.memory_space<hbm>>) target_semaphore(%run_scoped3A : memref<!tpu.dma_semaphore, #tpu.memory_space<semaphore_mem>>)
          %dma_wait3A_418 = arith.constant 64 : i32
          %dma_wait3A_419 = tpu.memref_slice %arg14[%dma_wait3A_418] : memref<256xf32, #tpu.memory_space<vmem>> -> memref<64xf32, #tpu.memory_space<vmem>>
          %dma_wait3A_420 = tpu.memref_slice %arg8[%add3A_407] : memref<640000xf32, #tpu.memory_space<hbm>> -> memref<64xf32, #tpu.memory_space<hbm>>
          %dma_wait3A_421 = tpu.memref_slice %arg8[%add3A_407] : memref<640000xf32, #tpu.memory_space<hbm>> -> memref<64xf32, #tpu.memory_space<hbm>>
          %dma_wait3A_422 = arith.constant 64 : i32
          %dma_wait3A_423 = tpu.memref_slice %arg14[%dma_wait3A_422] : memref<256xf32, #tpu.memory_space<vmem>> -> memref<64xf32, #tpu.memory_space<vmem>>
          tpu.wait_dma2 semaphore(%run_scoped3A : memref<!tpu.dma_semaphore, #tpu.memory_space<semaphore_mem>>) src(%dma_wait3A_423 : memref<64xf32, #tpu.memory_space<vmem>>) dst(%dma_wait3A_421 : memref<64xf32, #tpu.memory_space<hbm>>)
          tpu.yield
        }) : () -> ()
        %add3A_408 = arith.constant 320000 : i32
        %add3A_409 = arith.addi %add3A_408, %mul3A_13 : i32
        "tpu.region"() ({
          %run_scoped3A = tpu.sem_alloc : memref<!tpu.dma_semaphore, #tpu.memory_space<semaphore_mem>>
          %dma_start3A_412 = arith.constant 128 : i32
          %dma_start3A_413 = tpu.memref_slice %arg14[%dma_start3A_412] : memref<256xf32, #tpu.memory_space<vmem>> -> memref<64xf32, #tpu.memory_space<vmem>>
          %dma_start3A_414 = tpu.memref_slice %arg8[%add3A_409] : memref<640000xf32, #tpu.memory_space<hbm>> -> memref<64xf32, #tpu.memory_space<hbm>>
          %dma_start3A_415 = tpu.memref_slice %arg8[%add3A_409] : memref<640000xf32, #tpu.memory_space<hbm>> -> memref<64xf32, #tpu.memory_space<hbm>>
          %dma_start3A_416 = arith.constant 128 : i32
          %dma_start3A_417 = tpu.memref_slice %arg14[%dma_start3A_416] : memref<256xf32, #tpu.memory_space<vmem>> -> memref<64xf32, #tpu.memory_space<vmem>>
          tpu.enqueue_dma source(%dma_start3A_417 : memref<64xf32, #tpu.memory_space<vmem>>) target(%dma_start3A_415 : memref<64xf32, #tpu.memory_space<hbm>>) target_semaphore(%run_scoped3A : memref<!tpu.dma_semaphore, #tpu.memory_space<semaphore_mem>>)
          %dma_wait3A_418 = arith.constant 128 : i32
          %dma_wait3A_419 = tpu.memref_slice %arg14[%dma_wait3A_418] : memref<256xf32, #tpu.memory_space<vmem>> -> memref<64xf32, #tpu.memory_space<vmem>>
          %dma_wait3A_420 = tpu.memref_slice %arg8[%add3A_409] : memref<640000xf32, #tpu.memory_space<hbm>> -> memref<64xf32, #tpu.memory_space<hbm>>
          %dma_wait3A_421 = tpu.memref_slice %arg8[%add3A_409] : memref<640000xf32, #tpu.memory_space<hbm>> -> memref<64xf32, #tpu.memory_space<hbm>>
          %dma_wait3A_422 = arith.constant 128 : i32
          %dma_wait3A_423 = tpu.memref_slice %arg14[%dma_wait3A_422] : memref<256xf32, #tpu.memory_space<vmem>> -> memref<64xf32, #tpu.memory_space<vmem>>
          tpu.wait_dma2 semaphore(%run_scoped3A : memref<!tpu.dma_semaphore, #tpu.memory_space<semaphore_mem>>) src(%dma_wait3A_423 : memref<64xf32, #tpu.memory_space<vmem>>) dst(%dma_wait3A_421 : memref<64xf32, #tpu.memory_space<hbm>>)
          tpu.yield
        }) : () -> ()
        %add3A_410 = arith.constant 480000 : i32
        %add3A_411 = arith.addi %add3A_410, %mul3A_13 : i32
        "tpu.region"() ({
          %run_scoped3A = tpu.sem_alloc : memref<!tpu.dma_semaphore, #tpu.memory_space<semaphore_mem>>
          %dma_start3A_412 = arith.constant 192 : i32
          %dma_start3A_413 = tpu.memref_slice %arg14[%dma_start3A_412] : memref<256xf32, #tpu.memory_space<vmem>> -> memref<64xf32, #tpu.memory_space<vmem>>
          %dma_start3A_414 = tpu.memref_slice %arg8[%add3A_411] : memref<640000xf32, #tpu.memory_space<hbm>> -> memref<64xf32, #tpu.memory_space<hbm>>
          %dma_start3A_415 = tpu.memref_slice %arg8[%add3A_411] : memref<640000xf32, #tpu.memory_space<hbm>> -> memref<64xf32, #tpu.memory_space<hbm>>
          %dma_start3A_416 = arith.constant 192 : i32
          %dma_start3A_417 = tpu.memref_slice %arg14[%dma_start3A_416] : memref<256xf32, #tpu.memory_space<vmem>> -> memref<64xf32, #tpu.memory_space<vmem>>
          tpu.enqueue_dma source(%dma_start3A_417 : memref<64xf32, #tpu.memory_space<vmem>>) target(%dma_start3A_415 : memref<64xf32, #tpu.memory_space<hbm>>) target_semaphore(%run_scoped3A : memref<!tpu.dma_semaphore, #tpu.memory_space<semaphore_mem>>)
          %dma_wait3A_418 = arith.constant 192 : i32
          %dma_wait3A_419 = tpu.memref_slice %arg14[%dma_wait3A_418] : memref<256xf32, #tpu.memory_space<vmem>> -> memref<64xf32, #tpu.memory_space<vmem>>
          %dma_wait3A_420 = tpu.memref_slice %arg8[%add3A_411] : memref<640000xf32, #tpu.memory_space<hbm>> -> memref<64xf32, #tpu.memory_space<hbm>>
          %dma_wait3A_421 = tpu.memref_slice %arg8[%add3A_411] : memref<640000xf32, #tpu.memory_space<hbm>> -> memref<64xf32, #tpu.memory_space<hbm>>
          %dma_wait3A_422 = arith.constant 192 : i32
          %dma_wait3A_423 = tpu.memref_slice %arg14[%dma_wait3A_422] : memref<256xf32, #tpu.memory_space<vmem>> -> memref<64xf32, #tpu.memory_space<vmem>>
          tpu.wait_dma2 semaphore(%run_scoped3A : memref<!tpu.dma_semaphore, #tpu.memory_space<semaphore_mem>>) src(%dma_wait3A_423 : memref<64xf32, #tpu.memory_space<vmem>>) dst(%dma_wait3A_421 : memref<64xf32, #tpu.memory_space<hbm>>)
          tpu.yield
        }) : () -> ()
      } else {
      }
    }
    %scan3A_5 = arith.constant 79 : i32
    return
  }
}

#map = affine_map<(d0, d1) -> (0, 0)>
#map1 = affine_map<(d0, d1) -> (0)>
module attributes {stable_mosaic.version = 14 : i64} {
  func.func @_sc_gat_body(%arg0: i32, %arg1: i32, %arg2: memref<10000x512xf32, #tpu.memory_space<hbm>>, %arg3: memref<80000xf32, #tpu.memory_space<hbm>>, %arg4: memref<64xf32, #tpu.memory_space<hbm>>, %arg5: memref<160000xi32, #tpu.memory_space<hbm>>, %arg6: memref<160000xi32, #tpu.memory_space<hbm>>, %arg7: memref<160000x512xf32, #tpu.memory_space<hbm>>, %arg8: memref<640000xf32, #tpu.memory_space<hbm>>, %arg9: memref<80000xf32, #tpu.memory_space<vmem>>, %arg10: memref<64xf32, #tpu.memory_space<vmem>>, %arg11: memref<64xi32, #tpu.memory_space<vmem>>, %arg12: memref<64xi32, #tpu.memory_space<vmem>>, %arg13: memref<64x512xf32, #tpu.memory_space<vmem>>, %arg14: memref<256xf32, #tpu.memory_space<vmem>>, %arg15: memref<!tpu.dma_semaphore, #tpu.memory_space<semaphore_mem>>) attributes {dimension_semantics = [#tpu.dimension_semantics<core_parallel>, #tpu.dimension_semantics<subcore_parallel>], iteration_bounds = array<i64: 2, 16>, scalar_prefetch = 0 : i64, scratch_operands = 7 : i64, tpu.core_type = #tpu.core_type<sc_vector_subcore>, window_params = [{transform_indices = #map}, {transform_indices = #map1}, {transform_indices = #map1}, {transform_indices = #map1}, {transform_indices = #map1}, {transform_indices = #map}, {transform_indices = #map1}]} {
    %mul3A = arith.constant 2 : i32
    %mul3A_0 = arith.muli %arg1, %mul3A : i32
    %add3A = arith.addi %mul3A_0, %arg0 : i32
    "tpu.region"() ({
      %run_scoped3A = tpu.sem_alloc : memref<!tpu.dma_semaphore, #tpu.memory_space<semaphore_mem>>
      tpu.enqueue_dma source(%arg3 : memref<80000xf32, #tpu.memory_space<hbm>>) target(%arg9 : memref<80000xf32, #tpu.memory_space<vmem>>) target_semaphore(%run_scoped3A : memref<!tpu.dma_semaphore, #tpu.memory_space<semaphore_mem>>)
      tpu.wait_dma2 semaphore(%run_scoped3A : memref<!tpu.dma_semaphore, #tpu.memory_space<semaphore_mem>>) src(%arg3 : memref<80000xf32, #tpu.memory_space<hbm>>) dst(%arg9 : memref<80000xf32, #tpu.memory_space<vmem>>)
      tpu.yield
    }) : () -> ()
    "tpu.region"() ({
      %run_scoped3A = tpu.sem_alloc : memref<!tpu.dma_semaphore, #tpu.memory_space<semaphore_mem>>
      tpu.enqueue_dma source(%arg4 : memref<64xf32, #tpu.memory_space<hbm>>) target(%arg10 : memref<64xf32, #tpu.memory_space<vmem>>) target_semaphore(%run_scoped3A : memref<!tpu.dma_semaphore, #tpu.memory_space<semaphore_mem>>)
      tpu.wait_dma2 semaphore(%run_scoped3A : memref<!tpu.dma_semaphore, #tpu.memory_space<semaphore_mem>>) src(%arg4 : memref<64xf32, #tpu.memory_space<hbm>>) dst(%arg10 : memref<64xf32, #tpu.memory_space<vmem>>)
      tpu.yield
    }) : () -> ()
    %scan3A = arith.constant 0 : i32
    %scan3A_1 = arith.constant 0 : i32
    %scan3A_2 = arith.constant 79 : i32
    %scan3A_3 = arith.addi %scan3A_1, %scan3A_2 : i32
    %scan3A_4 = arith.constant 1 : i32
    scf.for %scan3A_6 = %scan3A_1 to %scan3A_3 step %scan3A_4  : i32 {
      %mul3A_7 = arith.constant 32 : i32
      %mul3A_8 = arith.muli %mul3A_7, %scan3A_6 : i32
      %add3A_9 = arith.addi %add3A, %mul3A_8 : i32
      %lt3A = arith.constant 2500 : i32
      %lt3A_10 = arith.cmpi slt, %add3A_9, %lt3A : i32
      %convert_element_type3A = arith.extui %lt3A_10 : i1 to i32
      %cond3A = arith.constant 0 : i32
      %cond3A_11 = arith.cmpi ne, %convert_element_type3A, %cond3A : i32
      scf.if %cond3A_11 {
        %mul3A_12 = arith.constant 64 : i32
        %mul3A_13 = arith.muli %add3A_9, %mul3A_12 : i32
        "tpu.region"() ({
          %run_scoped3A = tpu.sem_alloc : memref<!tpu.dma_semaphore, #tpu.memory_space<semaphore_mem>>
          %dma_start3A_412 = tpu.memref_slice %arg5[%mul3A_13] : memref<160000xi32, #tpu.memory_space<hbm>> -> memref<64xi32, #tpu.memory_space<hbm>>
          %dma_start3A_413 = tpu.memref_slice %arg5[%mul3A_13] : memref<160000xi32, #tpu.memory_space<hbm>> -> memref<64xi32, #tpu.memory_space<hbm>>
          tpu.enqueue_dma source(%dma_start3A_413 : memref<64xi32, #tpu.memory_space<hbm>>) target(%arg11 : memref<64xi32, #tpu.memory_space<vmem>>) target_semaphore(%run_scoped3A : memref<!tpu.dma_semaphore, #tpu.memory_space<semaphore_mem>>)
          %dma_wait3A_414 = tpu.memref_slice %arg5[%mul3A_13] : memref<160000xi32, #tpu.memory_space<hbm>> -> memref<64xi32, #tpu.memory_space<hbm>>
          %dma_wait3A_415 = tpu.memref_slice %arg5[%mul3A_13] : memref<160000xi32, #tpu.memory_space<hbm>> -> memref<64xi32, #tpu.memory_space<hbm>>
          tpu.wait_dma2 semaphore(%run_scoped3A : memref<!tpu.dma_semaphore, #tpu.memory_space<semaphore_mem>>) src(%dma_wait3A_415 : memref<64xi32, #tpu.memory_space<hbm>>) dst(%arg11 : memref<64xi32, #tpu.memory_space<vmem>>)
          tpu.yield
        }) : () -> ()
        "tpu.region"() ({
          %run_scoped3A = tpu.sem_alloc : memref<!tpu.dma_semaphore, #tpu.memory_space<semaphore_mem>>
          %dma_start3A_412 = tpu.memref_slice %arg6[%mul3A_13] : memref<160000xi32, #tpu.memory_space<hbm>> -> memref<64xi32, #tpu.memory_space<hbm>>
          %dma_start3A_413 = tpu.memref_slice %arg6[%mul3A_13] : memref<160000xi32, #tpu.memory_space<hbm>> -> memref<64xi32, #tpu.memory_space<hbm>>
          tpu.enqueue_dma source(%dma_start3A_413 : memref<64xi32, #tpu.memory_space<hbm>>) target(%arg12 : memref<64xi32, #tpu.memory_space<vmem>>) target_semaphore(%run_scoped3A : memref<!tpu.dma_semaphore, #tpu.memory_space<semaphore_mem>>)
          %dma_wait3A_414 = tpu.memref_slice %arg6[%mul3A_13] : memref<160000xi32, #tpu.memory_space<hbm>> -> memref<64xi32, #tpu.memory_space<hbm>>
          %dma_wait3A_415 = tpu.memref_slice %arg6[%mul3A_13] : memref<160000xi32, #tpu.memory_space<hbm>> -> memref<64xi32, #tpu.memory_space<hbm>>
          tpu.wait_dma2 semaphore(%run_scoped3A : memref<!tpu.dma_semaphore, #tpu.memory_space<semaphore_mem>>) src(%dma_wait3A_415 : memref<64xi32, #tpu.memory_space<hbm>>) dst(%arg12 : memref<64xi32, #tpu.memory_space<vmem>>)
          tpu.yield
        }) : () -> ()
        %dma_start3A = arith.constant 0 : i32
        %dma_start3A_14 = arith.constant 0 : i32
        %dma_start3A_15 = tpu.memref_slice %arg2[%dma_start3A, %dma_start3A_14] : memref<10000x512xf32, #tpu.memory_space<hbm>> -> memref<10000x512xf32, #tpu.memory_space<hbm>>
        tpu.enqueue_indirect_dma source(%dma_start3A_15 : memref<10000x512xf32, #tpu.memory_space<hbm>>) target(%arg13 : memref<64x512xf32, #tpu.memory_space<vmem>>) offsets(%arg11 : memref<64xi32, #tpu.memory_space<vmem>>) semaphore(%arg15 : memref<!tpu.dma_semaphore, #tpu.memory_space<semaphore_mem>>)
        %dma_wait3A = arith.constant 0 : i32
        %dma_wait3A_16 = arith.constant 0 : i32
        %dma_wait3A_17 = tpu.memref_slice %arg2[%dma_wait3A, %dma_wait3A_16] : memref<10000x512xf32, #tpu.memory_space<hbm>> -> memref<10000x512xf32, #tpu.memory_space<hbm>>
        tpu.wait_indirect_dma semaphore(%arg15 : memref<!tpu.dma_semaphore, #tpu.memory_space<semaphore_mem>>) src(%dma_wait3A_17 : memref<10000x512xf32, #tpu.memory_space<hbm>>) dst(%arg13 : memref<64x512xf32, #tpu.memory_space<vmem>>)
        "tpu.region"() ({
          %run_scoped3A = tpu.sem_alloc : memref<!tpu.dma_semaphore, #tpu.memory_space<semaphore_mem>>
          %dma_start3A_412 = arith.constant 0 : i32
          %dma_start3A_413 = tpu.memref_slice %arg7[%mul3A_13, %dma_start3A_412] : memref<160000x512xf32, #tpu.memory_space<hbm>> -> memref<64x512xf32, #tpu.memory_space<hbm>>
          %dma_start3A_414 = arith.constant 0 : i32
          %dma_start3A_415 = tpu.memref_slice %arg7[%mul3A_13, %dma_start3A_414] : memref<160000x512xf32, #tpu.memory_space<hbm>> -> memref<64x512xf32, #tpu.memory_space<hbm>>
          tpu.enqueue_dma source(%arg13 : memref<64x512xf32, #tpu.memory_space<vmem>>) target(%dma_start3A_415 : memref<64x512xf32, #tpu.memory_space<hbm>>) target_semaphore(%run_scoped3A : memref<!tpu.dma_semaphore, #tpu.memory_space<semaphore_mem>>)
          %dma_wait3A_416 = arith.constant 0 : i32
          %dma_wait3A_417 = tpu.memref_slice %arg7[%mul3A_13, %dma_wait3A_416] : memref<160000x512xf32, #tpu.memory_space<hbm>> -> memref<64x512xf32, #tpu.memory_space<hbm>>
          %dma_wait3A_418 = arith.constant 0 : i32
          %dma_wait3A_419 = tpu.memref_slice %arg7[%mul3A_13, %dma_wait3A_418] : memref<160000x512xf32, #tpu.memory_space<hbm>> -> memref<64x512xf32, #tpu.memory_space<hbm>>
          tpu.wait_dma2 semaphore(%run_scoped3A : memref<!tpu.dma_semaphore, #tpu.memory_space<semaphore_mem>>) src(%arg13 : memref<64x512xf32, #tpu.memory_space<vmem>>) dst(%dma_wait3A_419 : memref<64x512xf32, #tpu.memory_space<hbm>>)
          tpu.yield
        }) : () -> ()
        %get3A = arith.constant 0 : index
        %get3A_18 = tpu.vector_load %arg11[%get3A] {strides = array<i32>} : memref<64xi32, #tpu.memory_space<vmem>>, vector<16xi32>,
        %mul3A_19 = arith.constant 8 : i32
        %mul3A_20 = vector.broadcast %mul3A_19 : i32 to vector<16xi32>
        %mul3A_21 = arith.muli %get3A_18, %mul3A_20 : vector<16xi32>
        %get3A_22 = arith.constant 0 : index
        %get3A_23 = tpu.vector_load %arg12[%get3A_22] {strides = array<i32>} : memref<64xi32, #tpu.memory_space<vmem>>, vector<16xi32>,
        %mul3A_24 = arith.constant 8 : i32
        %mul3A_25 = vector.broadcast %mul3A_24 : i32 to vector<16xi32>
        %mul3A_26 = arith.muli %get3A_23, %mul3A_25 : vector<16xi32>
        %add3A_27 = arith.constant 0 : i32
        %add3A_28 = vector.broadcast %add3A_27 : i32 to vector<16xi32>
        %add3A_29 = arith.addi %mul3A_21, %add3A_28 : vector<16xi32>
        %gather3A = tpu.vector_load_idx %arg9[%add3A_29] : memref<80000xf32, #tpu.memory_space<vmem>>[vector<16xi32>], vector<16xf32>,
        %add3A_30 = arith.constant 4 : i32
        %add3A_31 = vector.broadcast %add3A_30 : i32 to vector<16xi32>
        %add3A_32 = arith.addi %mul3A_26, %add3A_31 : vector<16xi32>
        %gather3A_33 = tpu.vector_load_idx %arg9[%add3A_32] : memref<80000xf32, #tpu.memory_space<vmem>>[vector<16xi32>], vector<16xf32>,
        %add3A_34 = arith.addf %gather3A, %gather3A_33 : vector<16xf32>
        %lt3A_35 = arith.constant 0.000000e+00 : f32
        %lt3A_36 = vector.broadcast %lt3A_35 : f32 to vector<16xf32>
        %lt3A_37 = arith.cmpf olt, %add3A_34, %lt3A_36 : vector<16xf32>
        %mul3A_38 = arith.constant 2.000000e-01 : f32
        %mul3A_39 = vector.broadcast %mul3A_38 : f32 to vector<16xf32>
        %mul3A_40 = arith.mulf %add3A_34, %mul3A_39 : vector<16xf32>
        %select_n3A = arith.select %lt3A_37, %mul3A_40, %add3A_34 : vector<16xi1>, vector<16xf32>
        %get3A_41 = arith.constant 0 : index
        %get3A_42 = tpu.vector_load %arg10[%get3A_41] {strides = array<i32>} : memref<64xf32, #tpu.memory_space<vmem>>, vector<16xf32>,
        %sub3A = arith.subf %select_n3A, %get3A_42 : vector<16xf32>
        %exp3A = math.exp %sub3A : vector<16xf32>
        %swap3A = arith.constant 0 : index
        %swap3A_43 = tpu.vector_load %arg14[%swap3A] {strides = array<i32>} : memref<256xf32, #tpu.memory_space<vmem>>, vector<16xf32>,
        tpu.vector_store %arg14[%swap3A], %exp3A {strides = array<i32>} : memref<256xf32, #tpu.memory_space<vmem>>, vector<16xf32>,
        %add3A_44 = arith.constant 1 : i32
        %add3A_45 = vector.broadcast %add3A_44 : i32 to vector<16xi32>
        %add3A_46 = arith.addi %mul3A_21, %add3A_45 : vector<16xi32>
        %gather3A_47 = tpu.vector_load_idx %arg9[%add3A_46] : memref<80000xf32, #tpu.memory_space<vmem>>[vector<16xi32>], vector<16xf32>,
        %add3A_48 = arith.constant 5 : i32
        %add3A_49 = vector.broadcast %add3A_48 : i32 to vector<16xi32>
        %add3A_50 = arith.addi %mul3A_26, %add3A_49 : vector<16xi32>
        %gather3A_51 = tpu.vector_load_idx %arg9[%add3A_50] : memref<80000xf32, #tpu.memory_space<vmem>>[vector<16xi32>], vector<16xf32>,
        %add3A_52 = arith.addf %gather3A_47, %gather3A_51 : vector<16xf32>
        %lt3A_53 = arith.constant 0.000000e+00 : f32
        %lt3A_54 = vector.broadcast %lt3A_53 : f32 to vector<16xf32>
        %lt3A_55 = arith.cmpf olt, %add3A_52, %lt3A_54 : vector<16xf32>
        %mul3A_56 = arith.constant 2.000000e-01 : f32
        %mul3A_57 = vector.broadcast %mul3A_56 : f32 to vector<16xf32>
        %mul3A_58 = arith.mulf %add3A_52, %mul3A_57 : vector<16xf32>
        %select_n3A_59 = arith.select %lt3A_55, %mul3A_58, %add3A_52 : vector<16xi1>, vector<16xf32>
        %get3A_60 = arith.constant 16 : index
        %get3A_61 = tpu.vector_load %arg10[%get3A_60] {strides = array<i32>} : memref<64xf32, #tpu.memory_space<vmem>>, vector<16xf32>,
        %sub3A_62 = arith.subf %select_n3A_59, %get3A_61 : vector<16xf32>
        %exp3A_63 = math.exp %sub3A_62 : vector<16xf32>
        %swap3A_64 = arith.constant 64 : index
        %swap3A_65 = tpu.vector_load %arg14[%swap3A_64] {strides = array<i32>} : memref<256xf32, #tpu.memory_space<vmem>>, vector<16xf32>,
        tpu.vector_store %arg14[%swap3A_64], %exp3A_63 {strides = array<i32>} : memref<256xf32, #tpu.memory_space<vmem>>, vector<16xf32>,
        %add3A_66 = arith.constant 2 : i32
        %add3A_67 = vector.broadcast %add3A_66 : i32 to vector<16xi32>
        %add3A_68 = arith.addi %mul3A_21, %add3A_67 : vector<16xi32>
        %gather3A_69 = tpu.vector_load_idx %arg9[%add3A_68] : memref<80000xf32, #tpu.memory_space<vmem>>[vector<16xi32>], vector<16xf32>,
        %add3A_70 = arith.constant 6 : i32
        %add3A_71 = vector.broadcast %add3A_70 : i32 to vector<16xi32>
        %add3A_72 = arith.addi %mul3A_26, %add3A_71 : vector<16xi32>
        %gather3A_73 = tpu.vector_load_idx %arg9[%add3A_72] : memref<80000xf32, #tpu.memory_space<vmem>>[vector<16xi32>], vector<16xf32>,
        %add3A_74 = arith.addf %gather3A_69, %gather3A_73 : vector<16xf32>
        %lt3A_75 = arith.constant 0.000000e+00 : f32
        %lt3A_76 = vector.broadcast %lt3A_75 : f32 to vector<16xf32>
        %lt3A_77 = arith.cmpf olt, %add3A_74, %lt3A_76 : vector<16xf32>
        %mul3A_78 = arith.constant 2.000000e-01 : f32
        %mul3A_79 = vector.broadcast %mul3A_78 : f32 to vector<16xf32>
        %mul3A_80 = arith.mulf %add3A_74, %mul3A_79 : vector<16xf32>
        %select_n3A_81 = arith.select %lt3A_77, %mul3A_80, %add3A_74 : vector<16xi1>, vector<16xf32>
        %get3A_82 = arith.constant 32 : index
        %get3A_83 = tpu.vector_load %arg10[%get3A_82] {strides = array<i32>} : memref<64xf32, #tpu.memory_space<vmem>>, vector<16xf32>,
        %sub3A_84 = arith.subf %select_n3A_81, %get3A_83 : vector<16xf32>
        %exp3A_85 = math.exp %sub3A_84 : vector<16xf32>
        %swap3A_86 = arith.constant 128 : index
        %swap3A_87 = tpu.vector_load %arg14[%swap3A_86] {strides = array<i32>} : memref<256xf32, #tpu.memory_space<vmem>>, vector<16xf32>,
        tpu.vector_store %arg14[%swap3A_86], %exp3A_85 {strides = array<i32>} : memref<256xf32, #tpu.memory_space<vmem>>, vector<16xf32>,
        %add3A_88 = arith.constant 3 : i32
        %add3A_89 = vector.broadcast %add3A_88 : i32 to vector<16xi32>
        %add3A_90 = arith.addi %mul3A_21, %add3A_89 : vector<16xi32>
        %gather3A_91 = tpu.vector_load_idx %arg9[%add3A_90] : memref<80000xf32, #tpu.memory_space<vmem>>[vector<16xi32>], vector<16xf32>,
        %add3A_92 = arith.constant 7 : i32
        %add3A_93 = vector.broadcast %add3A_92 : i32 to vector<16xi32>
        %add3A_94 = arith.addi %mul3A_26, %add3A_93 : vector<16xi32>
        %gather3A_95 = tpu.vector_load_idx %arg9[%add3A_94] : memref<80000xf32, #tpu.memory_space<vmem>>[vector<16xi32>], vector<16xf32>,
        %add3A_96 = arith.addf %gather3A_91, %gather3A_95 : vector<16xf32>
        %lt3A_97 = arith.constant 0.000000e+00 : f32
        %lt3A_98 = vector.broadcast %lt3A_97 : f32 to vector<16xf32>
        %lt3A_99 = arith.cmpf olt, %add3A_96, %lt3A_98 : vector<16xf32>
        %mul3A_100 = arith.constant 2.000000e-01 : f32
        %mul3A_101 = vector.broadcast %mul3A_100 : f32 to vector<16xf32>
        %mul3A_102 = arith.mulf %add3A_96, %mul3A_101 : vector<16xf32>
        %select_n3A_103 = arith.select %lt3A_99, %mul3A_102, %add3A_96 : vector<16xi1>, vector<16xf32>
        %get3A_104 = arith.constant 48 : index
        %get3A_105 = tpu.vector_load %arg10[%get3A_104] {strides = array<i32>} : memref<64xf32, #tpu.memory_space<vmem>>, vector<16xf32>,
        %sub3A_106 = arith.subf %select_n3A_103, %get3A_105 : vector<16xf32>
        %exp3A_107 = math.exp %sub3A_106 : vector<16xf32>
        %swap3A_108 = arith.constant 192 : index
        %swap3A_109 = tpu.vector_load %arg14[%swap3A_108] {strides = array<i32>} : memref<256xf32, #tpu.memory_space<vmem>>, vector<16xf32>,
        tpu.vector_store %arg14[%swap3A_108], %exp3A_107 {strides = array<i32>} : memref<256xf32, #tpu.memory_space<vmem>>, vector<16xf32>,
        %get3A_110 = arith.constant 16 : index
        %get3A_111 = tpu.vector_load %arg11[%get3A_110] {strides = array<i32>} : memref<64xi32, #tpu.memory_space<vmem>>, vector<16xi32>,
        %mul3A_112 = arith.constant 8 : i32
        %mul3A_113 = vector.broadcast %mul3A_112 : i32 to vector<16xi32>
        %mul3A_114 = arith.muli %get3A_111, %mul3A_113 : vector<16xi32>
        %get3A_115 = arith.constant 16 : index
        %get3A_116 = tpu.vector_load %arg12[%get3A_115] {strides = array<i32>} : memref<64xi32, #tpu.memory_space<vmem>>, vector<16xi32>,
        %mul3A_117 = arith.constant 8 : i32
        %mul3A_118 = vector.broadcast %mul3A_117 : i32 to vector<16xi32>
        %mul3A_119 = arith.muli %get3A_116, %mul3A_118 : vector<16xi32>
        %add3A_120 = arith.constant 0 : i32
        %add3A_121 = vector.broadcast %add3A_120 : i32 to vector<16xi32>
        %add3A_122 = arith.addi %mul3A_114, %add3A_121 : vector<16xi32>
        %gather3A_123 = tpu.vector_load_idx %arg9[%add3A_122] : memref<80000xf32, #tpu.memory_space<vmem>>[vector<16xi32>], vector<16xf32>,
        %add3A_124 = arith.constant 4 : i32
        %add3A_125 = vector.broadcast %add3A_124 : i32 to vector<16xi32>
        %add3A_126 = arith.addi %mul3A_119, %add3A_125 : vector<16xi32>
        %gather3A_127 = tpu.vector_load_idx %arg9[%add3A_126] : memref<80000xf32, #tpu.memory_space<vmem>>[vector<16xi32>], vector<16xf32>,
        %add3A_128 = arith.addf %gather3A_123, %gather3A_127 : vector<16xf32>
        %lt3A_129 = arith.constant 0.000000e+00 : f32
        %lt3A_130 = vector.broadcast %lt3A_129 : f32 to vector<16xf32>
        %lt3A_131 = arith.cmpf olt, %add3A_128, %lt3A_130 : vector<16xf32>
        %mul3A_132 = arith.constant 2.000000e-01 : f32
        %mul3A_133 = vector.broadcast %mul3A_132 : f32 to vector<16xf32>
        %mul3A_134 = arith.mulf %add3A_128, %mul3A_133 : vector<16xf32>
        %select_n3A_135 = arith.select %lt3A_131, %mul3A_134, %add3A_128 : vector<16xi1>, vector<16xf32>
        %get3A_136 = arith.constant 0 : index
        %get3A_137 = tpu.vector_load %arg10[%get3A_136] {strides = array<i32>} : memref<64xf32, #tpu.memory_space<vmem>>, vector<16xf32>,
        %sub3A_138 = arith.subf %select_n3A_135, %get3A_137 : vector<16xf32>
        %exp3A_139 = math.exp %sub3A_138 : vector<16xf32>
        %swap3A_140 = arith.constant 16 : index
        %swap3A_141 = tpu.vector_load %arg14[%swap3A_140] {strides = array<i32>} : memref<256xf32, #tpu.memory_space<vmem>>, vector<16xf32>,
        tpu.vector_store %arg14[%swap3A_140], %exp3A_139 {strides = array<i32>} : memref<256xf32, #tpu.memory_space<vmem>>, vector<16xf32>,
        %add3A_142 = arith.constant 1 : i32
        %add3A_143 = vector.broadcast %add3A_142 : i32 to vector<16xi32>
        %add3A_144 = arith.addi %mul3A_114, %add3A_143 : vector<16xi32>
        %gather3A_145 = tpu.vector_load_idx %arg9[%add3A_144] : memref<80000xf32, #tpu.memory_space<vmem>>[vector<16xi32>], vector<16xf32>,
        %add3A_146 = arith.constant 5 : i32
        %add3A_147 = vector.broadcast %add3A_146 : i32 to vector<16xi32>
        %add3A_148 = arith.addi %mul3A_119, %add3A_147 : vector<16xi32>
        %gather3A_149 = tpu.vector_load_idx %arg9[%add3A_148] : memref<80000xf32, #tpu.memory_space<vmem>>[vector<16xi32>], vector<16xf32>,
        %add3A_150 = arith.addf %gather3A_145, %gather3A_149 : vector<16xf32>
        %lt3A_151 = arith.constant 0.000000e+00 : f32
        %lt3A_152 = vector.broadcast %lt3A_151 : f32 to vector<16xf32>
        %lt3A_153 = arith.cmpf olt, %add3A_150, %lt3A_152 : vector<16xf32>
        %mul3A_154 = arith.constant 2.000000e-01 : f32
        %mul3A_155 = vector.broadcast %mul3A_154 : f32 to vector<16xf32>
        %mul3A_156 = arith.mulf %add3A_150, %mul3A_155 : vector<16xf32>
        %select_n3A_157 = arith.select %lt3A_153, %mul3A_156, %add3A_150 : vector<16xi1>, vector<16xf32>
        %get3A_158 = arith.constant 16 : index
        %get3A_159 = tpu.vector_load %arg10[%get3A_158] {strides = array<i32>} : memref<64xf32, #tpu.memory_space<vmem>>, vector<16xf32>,
        %sub3A_160 = arith.subf %select_n3A_157, %get3A_159 : vector<16xf32>
        %exp3A_161 = math.exp %sub3A_160 : vector<16xf32>
        %swap3A_162 = arith.constant 80 : index
        %swap3A_163 = tpu.vector_load %arg14[%swap3A_162] {strides = array<i32>} : memref<256xf32, #tpu.memory_space<vmem>>, vector<16xf32>,
        tpu.vector_store %arg14[%swap3A_162], %exp3A_161 {strides = array<i32>} : memref<256xf32, #tpu.memory_space<vmem>>, vector<16xf32>,
        %add3A_164 = arith.constant 2 : i32
        %add3A_165 = vector.broadcast %add3A_164 : i32 to vector<16xi32>
        %add3A_166 = arith.addi %mul3A_114, %add3A_165 : vector<16xi32>
        %gather3A_167 = tpu.vector_load_idx %arg9[%add3A_166] : memref<80000xf32, #tpu.memory_space<vmem>>[vector<16xi32>], vector<16xf32>,
        %add3A_168 = arith.constant 6 : i32
        %add3A_169 = vector.broadcast %add3A_168 : i32 to vector<16xi32>
        %add3A_170 = arith.addi %mul3A_119, %add3A_169 : vector<16xi32>
        %gather3A_171 = tpu.vector_load_idx %arg9[%add3A_170] : memref<80000xf32, #tpu.memory_space<vmem>>[vector<16xi32>], vector<16xf32>,
        %add3A_172 = arith.addf %gather3A_167, %gather3A_171 : vector<16xf32>
        %lt3A_173 = arith.constant 0.000000e+00 : f32
        %lt3A_174 = vector.broadcast %lt3A_173 : f32 to vector<16xf32>
        %lt3A_175 = arith.cmpf olt, %add3A_172, %lt3A_174 : vector<16xf32>
        %mul3A_176 = arith.constant 2.000000e-01 : f32
        %mul3A_177 = vector.broadcast %mul3A_176 : f32 to vector<16xf32>
        %mul3A_178 = arith.mulf %add3A_172, %mul3A_177 : vector<16xf32>
        %select_n3A_179 = arith.select %lt3A_175, %mul3A_178, %add3A_172 : vector<16xi1>, vector<16xf32>
        %get3A_180 = arith.constant 32 : index
        %get3A_181 = tpu.vector_load %arg10[%get3A_180] {strides = array<i32>} : memref<64xf32, #tpu.memory_space<vmem>>, vector<16xf32>,
        %sub3A_182 = arith.subf %select_n3A_179, %get3A_181 : vector<16xf32>
        %exp3A_183 = math.exp %sub3A_182 : vector<16xf32>
        %swap3A_184 = arith.constant 144 : index
        %swap3A_185 = tpu.vector_load %arg14[%swap3A_184] {strides = array<i32>} : memref<256xf32, #tpu.memory_space<vmem>>, vector<16xf32>,
        tpu.vector_store %arg14[%swap3A_184], %exp3A_183 {strides = array<i32>} : memref<256xf32, #tpu.memory_space<vmem>>, vector<16xf32>,
        %add3A_186 = arith.constant 3 : i32
        %add3A_187 = vector.broadcast %add3A_186 : i32 to vector<16xi32>
        %add3A_188 = arith.addi %mul3A_114, %add3A_187 : vector<16xi32>
        %gather3A_189 = tpu.vector_load_idx %arg9[%add3A_188] : memref<80000xf32, #tpu.memory_space<vmem>>[vector<16xi32>], vector<16xf32>,
        %add3A_190 = arith.constant 7 : i32
        %add3A_191 = vector.broadcast %add3A_190 : i32 to vector<16xi32>
        %add3A_192 = arith.addi %mul3A_119, %add3A_191 : vector<16xi32>
        %gather3A_193 = tpu.vector_load_idx %arg9[%add3A_192] : memref<80000xf32, #tpu.memory_space<vmem>>[vector<16xi32>], vector<16xf32>,
        %add3A_194 = arith.addf %gather3A_189, %gather3A_193 : vector<16xf32>
        %lt3A_195 = arith.constant 0.000000e+00 : f32
        %lt3A_196 = vector.broadcast %lt3A_195 : f32 to vector<16xf32>
        %lt3A_197 = arith.cmpf olt, %add3A_194, %lt3A_196 : vector<16xf32>
        %mul3A_198 = arith.constant 2.000000e-01 : f32
        %mul3A_199 = vector.broadcast %mul3A_198 : f32 to vector<16xf32>
        %mul3A_200 = arith.mulf %add3A_194, %mul3A_199 : vector<16xf32>
        %select_n3A_201 = arith.select %lt3A_197, %mul3A_200, %add3A_194 : vector<16xi1>, vector<16xf32>
        %get3A_202 = arith.constant 48 : index
        %get3A_203 = tpu.vector_load %arg10[%get3A_202] {strides = array<i32>} : memref<64xf32, #tpu.memory_space<vmem>>, vector<16xf32>,
        %sub3A_204 = arith.subf %select_n3A_201, %get3A_203 : vector<16xf32>
        %exp3A_205 = math.exp %sub3A_204 : vector<16xf32>
        %swap3A_206 = arith.constant 208 : index
        %swap3A_207 = tpu.vector_load %arg14[%swap3A_206] {strides = array<i32>} : memref<256xf32, #tpu.memory_space<vmem>>, vector<16xf32>,
        tpu.vector_store %arg14[%swap3A_206], %exp3A_205 {strides = array<i32>} : memref<256xf32, #tpu.memory_space<vmem>>, vector<16xf32>,
        %get3A_208 = arith.constant 32 : index
        %get3A_209 = tpu.vector_load %arg11[%get3A_208] {strides = array<i32>} : memref<64xi32, #tpu.memory_space<vmem>>, vector<16xi32>,
        %mul3A_210 = arith.constant 8 : i32
        %mul3A_211 = vector.broadcast %mul3A_210 : i32 to vector<16xi32>
        %mul3A_212 = arith.muli %get3A_209, %mul3A_211 : vector<16xi32>
        %get3A_213 = arith.constant 32 : index
        %get3A_214 = tpu.vector_load %arg12[%get3A_213] {strides = array<i32>} : memref<64xi32, #tpu.memory_space<vmem>>, vector<16xi32>,
        %mul3A_215 = arith.constant 8 : i32
        %mul3A_216 = vector.broadcast %mul3A_215 : i32 to vector<16xi32>
        %mul3A_217 = arith.muli %get3A_214, %mul3A_216 : vector<16xi32>
        %add3A_218 = arith.constant 0 : i32
        %add3A_219 = vector.broadcast %add3A_218 : i32 to vector<16xi32>
        %add3A_220 = arith.addi %mul3A_212, %add3A_219 : vector<16xi32>
        %gather3A_221 = tpu.vector_load_idx %arg9[%add3A_220] : memref<80000xf32, #tpu.memory_space<vmem>>[vector<16xi32>], vector<16xf32>,
        %add3A_222 = arith.constant 4 : i32
        %add3A_223 = vector.broadcast %add3A_222 : i32 to vector<16xi32>
        %add3A_224 = arith.addi %mul3A_217, %add3A_223 : vector<16xi32>
        %gather3A_225 = tpu.vector_load_idx %arg9[%add3A_224] : memref<80000xf32, #tpu.memory_space<vmem>>[vector<16xi32>], vector<16xf32>,
        %add3A_226 = arith.addf %gather3A_221, %gather3A_225 : vector<16xf32>
        %lt3A_227 = arith.constant 0.000000e+00 : f32
        %lt3A_228 = vector.broadcast %lt3A_227 : f32 to vector<16xf32>
        %lt3A_229 = arith.cmpf olt, %add3A_226, %lt3A_228 : vector<16xf32>
        %mul3A_230 = arith.constant 2.000000e-01 : f32
        %mul3A_231 = vector.broadcast %mul3A_230 : f32 to vector<16xf32>
        %mul3A_232 = arith.mulf %add3A_226, %mul3A_231 : vector<16xf32>
        %select_n3A_233 = arith.select %lt3A_229, %mul3A_232, %add3A_226 : vector<16xi1>, vector<16xf32>
        %get3A_234 = arith.constant 0 : index
        %get3A_235 = tpu.vector_load %arg10[%get3A_234] {strides = array<i32>} : memref<64xf32, #tpu.memory_space<vmem>>, vector<16xf32>,
        %sub3A_236 = arith.subf %select_n3A_233, %get3A_235 : vector<16xf32>
        %exp3A_237 = math.exp %sub3A_236 : vector<16xf32>
        %swap3A_238 = arith.constant 32 : index
        %swap3A_239 = tpu.vector_load %arg14[%swap3A_238] {strides = array<i32>} : memref<256xf32, #tpu.memory_space<vmem>>, vector<16xf32>,
        tpu.vector_store %arg14[%swap3A_238], %exp3A_237 {strides = array<i32>} : memref<256xf32, #tpu.memory_space<vmem>>, vector<16xf32>,
        %add3A_240 = arith.constant 1 : i32
        %add3A_241 = vector.broadcast %add3A_240 : i32 to vector<16xi32>
        %add3A_242 = arith.addi %mul3A_212, %add3A_241 : vector<16xi32>
        %gather3A_243 = tpu.vector_load_idx %arg9[%add3A_242] : memref<80000xf32, #tpu.memory_space<vmem>>[vector<16xi32>], vector<16xf32>,
        %add3A_244 = arith.constant 5 : i32
        %add3A_245 = vector.broadcast %add3A_244 : i32 to vector<16xi32>
        %add3A_246 = arith.addi %mul3A_217, %add3A_245 : vector<16xi32>
        %gather3A_247 = tpu.vector_load_idx %arg9[%add3A_246] : memref<80000xf32, #tpu.memory_space<vmem>>[vector<16xi32>], vector<16xf32>,
        %add3A_248 = arith.addf %gather3A_243, %gather3A_247 : vector<16xf32>
        %lt3A_249 = arith.constant 0.000000e+00 : f32
        %lt3A_250 = vector.broadcast %lt3A_249 : f32 to vector<16xf32>
        %lt3A_251 = arith.cmpf olt, %add3A_248, %lt3A_250 : vector<16xf32>
        %mul3A_252 = arith.constant 2.000000e-01 : f32
        %mul3A_253 = vector.broadcast %mul3A_252 : f32 to vector<16xf32>
        %mul3A_254 = arith.mulf %add3A_248, %mul3A_253 : vector<16xf32>
        %select_n3A_255 = arith.select %lt3A_251, %mul3A_254, %add3A_248 : vector<16xi1>, vector<16xf32>
        %get3A_256 = arith.constant 16 : index
        %get3A_257 = tpu.vector_load %arg10[%get3A_256] {strides = array<i32>} : memref<64xf32, #tpu.memory_space<vmem>>, vector<16xf32>,
        %sub3A_258 = arith.subf %select_n3A_255, %get3A_257 : vector<16xf32>
        %exp3A_259 = math.exp %sub3A_258 : vector<16xf32>
        %swap3A_260 = arith.constant 96 : index
        %swap3A_261 = tpu.vector_load %arg14[%swap3A_260] {strides = array<i32>} : memref<256xf32, #tpu.memory_space<vmem>>, vector<16xf32>,
        tpu.vector_store %arg14[%swap3A_260], %exp3A_259 {strides = array<i32>} : memref<256xf32, #tpu.memory_space<vmem>>, vector<16xf32>,
        %add3A_262 = arith.constant 2 : i32
        %add3A_263 = vector.broadcast %add3A_262 : i32 to vector<16xi32>
        %add3A_264 = arith.addi %mul3A_212, %add3A_263 : vector<16xi32>
        %gather3A_265 = tpu.vector_load_idx %arg9[%add3A_264] : memref<80000xf32, #tpu.memory_space<vmem>>[vector<16xi32>], vector<16xf32>,
        %add3A_266 = arith.constant 6 : i32
        %add3A_267 = vector.broadcast %add3A_266 : i32 to vector<16xi32>
        %add3A_268 = arith.addi %mul3A_217, %add3A_267 : vector<16xi32>
        %gather3A_269 = tpu.vector_load_idx %arg9[%add3A_268] : memref<80000xf32, #tpu.memory_space<vmem>>[vector<16xi32>], vector<16xf32>,
        %add3A_270 = arith.addf %gather3A_265, %gather3A_269 : vector<16xf32>
        %lt3A_271 = arith.constant 0.000000e+00 : f32
        %lt3A_272 = vector.broadcast %lt3A_271 : f32 to vector<16xf32>
        %lt3A_273 = arith.cmpf olt, %add3A_270, %lt3A_272 : vector<16xf32>
        %mul3A_274 = arith.constant 2.000000e-01 : f32
        %mul3A_275 = vector.broadcast %mul3A_274 : f32 to vector<16xf32>
        %mul3A_276 = arith.mulf %add3A_270, %mul3A_275 : vector<16xf32>
        %select_n3A_277 = arith.select %lt3A_273, %mul3A_276, %add3A_270 : vector<16xi1>, vector<16xf32>
        %get3A_278 = arith.constant 32 : index
        %get3A_279 = tpu.vector_load %arg10[%get3A_278] {strides = array<i32>} : memref<64xf32, #tpu.memory_space<vmem>>, vector<16xf32>,
        %sub3A_280 = arith.subf %select_n3A_277, %get3A_279 : vector<16xf32>
        %exp3A_281 = math.exp %sub3A_280 : vector<16xf32>
        %swap3A_282 = arith.constant 160 : index
        %swap3A_283 = tpu.vector_load %arg14[%swap3A_282] {strides = array<i32>} : memref<256xf32, #tpu.memory_space<vmem>>, vector<16xf32>,
        tpu.vector_store %arg14[%swap3A_282], %exp3A_281 {strides = array<i32>} : memref<256xf32, #tpu.memory_space<vmem>>, vector<16xf32>,
        %add3A_284 = arith.constant 3 : i32
        %add3A_285 = vector.broadcast %add3A_284 : i32 to vector<16xi32>
        %add3A_286 = arith.addi %mul3A_212, %add3A_285 : vector<16xi32>
        %gather3A_287 = tpu.vector_load_idx %arg9[%add3A_286] : memref<80000xf32, #tpu.memory_space<vmem>>[vector<16xi32>], vector<16xf32>,
        %add3A_288 = arith.constant 7 : i32
        %add3A_289 = vector.broadcast %add3A_288 : i32 to vector<16xi32>
        %add3A_290 = arith.addi %mul3A_217, %add3A_289 : vector<16xi32>
        %gather3A_291 = tpu.vector_load_idx %arg9[%add3A_290] : memref<80000xf32, #tpu.memory_space<vmem>>[vector<16xi32>], vector<16xf32>,
        %add3A_292 = arith.addf %gather3A_287, %gather3A_291 : vector<16xf32>
        %lt3A_293 = arith.constant 0.000000e+00 : f32
        %lt3A_294 = vector.broadcast %lt3A_293 : f32 to vector<16xf32>
        %lt3A_295 = arith.cmpf olt, %add3A_292, %lt3A_294 : vector<16xf32>
        %mul3A_296 = arith.constant 2.000000e-01 : f32
        %mul3A_297 = vector.broadcast %mul3A_296 : f32 to vector<16xf32>
        %mul3A_298 = arith.mulf %add3A_292, %mul3A_297 : vector<16xf32>
        %select_n3A_299 = arith.select %lt3A_295, %mul3A_298, %add3A_292 : vector<16xi1>, vector<16xf32>
        %get3A_300 = arith.constant 48 : index
        %get3A_301 = tpu.vector_load %arg10[%get3A_300] {strides = array<i32>} : memref<64xf32, #tpu.memory_space<vmem>>, vector<16xf32>,
        %sub3A_302 = arith.subf %select_n3A_299, %get3A_301 : vector<16xf32>
        %exp3A_303 = math.exp %sub3A_302 : vector<16xf32>
        %swap3A_304 = arith.constant 224 : index
        %swap3A_305 = tpu.vector_load %arg14[%swap3A_304] {strides = array<i32>} : memref<256xf32, #tpu.memory_space<vmem>>, vector<16xf32>,
        tpu.vector_store %arg14[%swap3A_304], %exp3A_303 {strides = array<i32>} : memref<256xf32, #tpu.memory_space<vmem>>, vector<16xf32>,
        %get3A_306 = arith.constant 48 : index
        %get3A_307 = tpu.vector_load %arg11[%get3A_306] {strides = array<i32>} : memref<64xi32, #tpu.memory_space<vmem>>, vector<16xi32>,
        %mul3A_308 = arith.constant 8 : i32
        %mul3A_309 = vector.broadcast %mul3A_308 : i32 to vector<16xi32>
        %mul3A_310 = arith.muli %get3A_307, %mul3A_309 : vector<16xi32>
        %get3A_311 = arith.constant 48 : index
        %get3A_312 = tpu.vector_load %arg12[%get3A_311] {strides = array<i32>} : memref<64xi32, #tpu.memory_space<vmem>>, vector<16xi32>,
        %mul3A_313 = arith.constant 8 : i32
        %mul3A_314 = vector.broadcast %mul3A_313 : i32 to vector<16xi32>
        %mul3A_315 = arith.muli %get3A_312, %mul3A_314 : vector<16xi32>
        %add3A_316 = arith.constant 0 : i32
        %add3A_317 = vector.broadcast %add3A_316 : i32 to vector<16xi32>
        %add3A_318 = arith.addi %mul3A_310, %add3A_317 : vector<16xi32>
        %gather3A_319 = tpu.vector_load_idx %arg9[%add3A_318] : memref<80000xf32, #tpu.memory_space<vmem>>[vector<16xi32>], vector<16xf32>,
        %add3A_320 = arith.constant 4 : i32
        %add3A_321 = vector.broadcast %add3A_320 : i32 to vector<16xi32>
        %add3A_322 = arith.addi %mul3A_315, %add3A_321 : vector<16xi32>
        %gather3A_323 = tpu.vector_load_idx %arg9[%add3A_322] : memref<80000xf32, #tpu.memory_space<vmem>>[vector<16xi32>], vector<16xf32>,
        %add3A_324 = arith.addf %gather3A_319, %gather3A_323 : vector<16xf32>
        %lt3A_325 = arith.constant 0.000000e+00 : f32
        %lt3A_326 = vector.broadcast %lt3A_325 : f32 to vector<16xf32>
        %lt3A_327 = arith.cmpf olt, %add3A_324, %lt3A_326 : vector<16xf32>
        %mul3A_328 = arith.constant 2.000000e-01 : f32
        %mul3A_329 = vector.broadcast %mul3A_328 : f32 to vector<16xf32>
        %mul3A_330 = arith.mulf %add3A_324, %mul3A_329 : vector<16xf32>
        %select_n3A_331 = arith.select %lt3A_327, %mul3A_330, %add3A_324 : vector<16xi1>, vector<16xf32>
        %get3A_332 = arith.constant 0 : index
        %get3A_333 = tpu.vector_load %arg10[%get3A_332] {strides = array<i32>} : memref<64xf32, #tpu.memory_space<vmem>>, vector<16xf32>,
        %sub3A_334 = arith.subf %select_n3A_331, %get3A_333 : vector<16xf32>
        %exp3A_335 = math.exp %sub3A_334 : vector<16xf32>
        %swap3A_336 = arith.constant 48 : index
        %swap3A_337 = tpu.vector_load %arg14[%swap3A_336] {strides = array<i32>} : memref<256xf32, #tpu.memory_space<vmem>>, vector<16xf32>,
        tpu.vector_store %arg14[%swap3A_336], %exp3A_335 {strides = array<i32>} : memref<256xf32, #tpu.memory_space<vmem>>, vector<16xf32>,
        %add3A_338 = arith.constant 1 : i32
        %add3A_339 = vector.broadcast %add3A_338 : i32 to vector<16xi32>
        %add3A_340 = arith.addi %mul3A_310, %add3A_339 : vector<16xi32>
        %gather3A_341 = tpu.vector_load_idx %arg9[%add3A_340] : memref<80000xf32, #tpu.memory_space<vmem>>[vector<16xi32>], vector<16xf32>,
        %add3A_342 = arith.constant 5 : i32
        %add3A_343 = vector.broadcast %add3A_342 : i32 to vector<16xi32>
        %add3A_344 = arith.addi %mul3A_315, %add3A_343 : vector<16xi32>
        %gather3A_345 = tpu.vector_load_idx %arg9[%add3A_344] : memref<80000xf32, #tpu.memory_space<vmem>>[vector<16xi32>], vector<16xf32>,
        %add3A_346 = arith.addf %gather3A_341, %gather3A_345 : vector<16xf32>
        %lt3A_347 = arith.constant 0.000000e+00 : f32
        %lt3A_348 = vector.broadcast %lt3A_347 : f32 to vector<16xf32>
        %lt3A_349 = arith.cmpf olt, %add3A_346, %lt3A_348 : vector<16xf32>
        %mul3A_350 = arith.constant 2.000000e-01 : f32
        %mul3A_351 = vector.broadcast %mul3A_350 : f32 to vector<16xf32>
        %mul3A_352 = arith.mulf %add3A_346, %mul3A_351 : vector<16xf32>
        %select_n3A_353 = arith.select %lt3A_349, %mul3A_352, %add3A_346 : vector<16xi1>, vector<16xf32>
        %get3A_354 = arith.constant 16 : index
        %get3A_355 = tpu.vector_load %arg10[%get3A_354] {strides = array<i32>} : memref<64xf32, #tpu.memory_space<vmem>>, vector<16xf32>,
        %sub3A_356 = arith.subf %select_n3A_353, %get3A_355 : vector<16xf32>
        %exp3A_357 = math.exp %sub3A_356 : vector<16xf32>
        %swap3A_358 = arith.constant 112 : index
        %swap3A_359 = tpu.vector_load %arg14[%swap3A_358] {strides = array<i32>} : memref<256xf32, #tpu.memory_space<vmem>>, vector<16xf32>,
        tpu.vector_store %arg14[%swap3A_358], %exp3A_357 {strides = array<i32>} : memref<256xf32, #tpu.memory_space<vmem>>, vector<16xf32>,
        %add3A_360 = arith.constant 2 : i32
        %add3A_361 = vector.broadcast %add3A_360 : i32 to vector<16xi32>
        %add3A_362 = arith.addi %mul3A_310, %add3A_361 : vector<16xi32>
        %gather3A_363 = tpu.vector_load_idx %arg9[%add3A_362] : memref<80000xf32, #tpu.memory_space<vmem>>[vector<16xi32>], vector<16xf32>,
        %add3A_364 = arith.constant 6 : i32
        %add3A_365 = vector.broadcast %add3A_364 : i32 to vector<16xi32>
        %add3A_366 = arith.addi %mul3A_315, %add3A_365 : vector<16xi32>
        %gather3A_367 = tpu.vector_load_idx %arg9[%add3A_366] : memref<80000xf32, #tpu.memory_space<vmem>>[vector<16xi32>], vector<16xf32>,
        %add3A_368 = arith.addf %gather3A_363, %gather3A_367 : vector<16xf32>
        %lt3A_369 = arith.constant 0.000000e+00 : f32
        %lt3A_370 = vector.broadcast %lt3A_369 : f32 to vector<16xf32>
        %lt3A_371 = arith.cmpf olt, %add3A_368, %lt3A_370 : vector<16xf32>
        %mul3A_372 = arith.constant 2.000000e-01 : f32
        %mul3A_373 = vector.broadcast %mul3A_372 : f32 to vector<16xf32>
        %mul3A_374 = arith.mulf %add3A_368, %mul3A_373 : vector<16xf32>
        %select_n3A_375 = arith.select %lt3A_371, %mul3A_374, %add3A_368 : vector<16xi1>, vector<16xf32>
        %get3A_376 = arith.constant 32 : index
        %get3A_377 = tpu.vector_load %arg10[%get3A_376] {strides = array<i32>} : memref<64xf32, #tpu.memory_space<vmem>>, vector<16xf32>,
        %sub3A_378 = arith.subf %select_n3A_375, %get3A_377 : vector<16xf32>
        %exp3A_379 = math.exp %sub3A_378 : vector<16xf32>
        %swap3A_380 = arith.constant 176 : index
        %swap3A_381 = tpu.vector_load %arg14[%swap3A_380] {strides = array<i32>} : memref<256xf32, #tpu.memory_space<vmem>>, vector<16xf32>,
        tpu.vector_store %arg14[%swap3A_380], %exp3A_379 {strides = array<i32>} : memref<256xf32, #tpu.memory_space<vmem>>, vector<16xf32>,
        %add3A_382 = arith.constant 3 : i32
        %add3A_383 = vector.broadcast %add3A_382 : i32 to vector<16xi32>
        %add3A_384 = arith.addi %mul3A_310, %add3A_383 : vector<16xi32>
        %gather3A_385 = tpu.vector_load_idx %arg9[%add3A_384] : memref<80000xf32, #tpu.memory_space<vmem>>[vector<16xi32>], vector<16xf32>,
        %add3A_386 = arith.constant 7 : i32
        %add3A_387 = vector.broadcast %add3A_386 : i32 to vector<16xi32>
        %add3A_388 = arith.addi %mul3A_315, %add3A_387 : vector<16xi32>
        %gather3A_389 = tpu.vector_load_idx %arg9[%add3A_388] : memref<80000xf32, #tpu.memory_space<vmem>>[vector<16xi32>], vector<16xf32>,
        %add3A_390 = arith.addf %gather3A_385, %gather3A_389 : vector<16xf32>
        %lt3A_391 = arith.constant 0.000000e+00 : f32
        %lt3A_392 = vector.broadcast %lt3A_391 : f32 to vector<16xf32>
        %lt3A_393 = arith.cmpf olt, %add3A_390, %lt3A_392 : vector<16xf32>
        %mul3A_394 = arith.constant 2.000000e-01 : f32
        %mul3A_395 = vector.broadcast %mul3A_394 : f32 to vector<16xf32>
        %mul3A_396 = arith.mulf %add3A_390, %mul3A_395 : vector<16xf32>
        %select_n3A_397 = arith.select %lt3A_393, %mul3A_396, %add3A_390 : vector<16xi1>, vector<16xf32>
        %get3A_398 = arith.constant 48 : index
        %get3A_399 = tpu.vector_load %arg10[%get3A_398] {strides = array<i32>} : memref<64xf32, #tpu.memory_space<vmem>>, vector<16xf32>,
        %sub3A_400 = arith.subf %select_n3A_397, %get3A_399 : vector<16xf32>
        %exp3A_401 = math.exp %sub3A_400 : vector<16xf32>
        %swap3A_402 = arith.constant 240 : index
        %swap3A_403 = tpu.vector_load %arg14[%swap3A_402] {strides = array<i32>} : memref<256xf32, #tpu.memory_space<vmem>>, vector<16xf32>,
        tpu.vector_store %arg14[%swap3A_402], %exp3A_401 {strides = array<i32>} : memref<256xf32, #tpu.memory_space<vmem>>, vector<16xf32>,
        %add3A_404 = arith.constant 0 : i32
        %add3A_405 = arith.addi %add3A_404, %mul3A_13 : i32
        "tpu.region"() ({
          %run_scoped3A = tpu.sem_alloc : memref<!tpu.dma_semaphore, #tpu.memory_space<semaphore_mem>>
          %dma_start3A_412 = arith.constant 0 : i32
          %dma_start3A_413 = tpu.memref_slice %arg14[%dma_start3A_412] : memref<256xf32, #tpu.memory_space<vmem>> -> memref<64xf32, #tpu.memory_space<vmem>>
          %dma_start3A_414 = tpu.memref_slice %arg8[%add3A_405] : memref<640000xf32, #tpu.memory_space<hbm>> -> memref<64xf32, #tpu.memory_space<hbm>>
          %dma_start3A_415 = tpu.memref_slice %arg8[%add3A_405] : memref<640000xf32, #tpu.memory_space<hbm>> -> memref<64xf32, #tpu.memory_space<hbm>>
          %dma_start3A_416 = arith.constant 0 : i32
          %dma_start3A_417 = tpu.memref_slice %arg14[%dma_start3A_416] : memref<256xf32, #tpu.memory_space<vmem>> -> memref<64xf32, #tpu.memory_space<vmem>>
          tpu.enqueue_dma source(%dma_start3A_417 : memref<64xf32, #tpu.memory_space<vmem>>) target(%dma_start3A_415 : memref<64xf32, #tpu.memory_space<hbm>>) target_semaphore(%run_scoped3A : memref<!tpu.dma_semaphore, #tpu.memory_space<semaphore_mem>>)
          %dma_wait3A_418 = arith.constant 0 : i32
          %dma_wait3A_419 = tpu.memref_slice %arg14[%dma_wait3A_418] : memref<256xf32, #tpu.memory_space<vmem>> -> memref<64xf32, #tpu.memory_space<vmem>>
          %dma_wait3A_420 = tpu.memref_slice %arg8[%add3A_405] : memref<640000xf32, #tpu.memory_space<hbm>> -> memref<64xf32, #tpu.memory_space<hbm>>
          %dma_wait3A_421 = tpu.memref_slice %arg8[%add3A_405] : memref<640000xf32, #tpu.memory_space<hbm>> -> memref<64xf32, #tpu.memory_space<hbm>>
          %dma_wait3A_422 = arith.constant 0 : i32
          %dma_wait3A_423 = tpu.memref_slice %arg14[%dma_wait3A_422] : memref<256xf32, #tpu.memory_space<vmem>> -> memref<64xf32, #tpu.memory_space<vmem>>
          tpu.wait_dma2 semaphore(%run_scoped3A : memref<!tpu.dma_semaphore, #tpu.memory_space<semaphore_mem>>) src(%dma_wait3A_423 : memref<64xf32, #tpu.memory_space<vmem>>) dst(%dma_wait3A_421 : memref<64xf32, #tpu.memory_space<hbm>>)
          tpu.yield
        }) : () -> ()
        %add3A_406 = arith.constant 160000 : i32
        %add3A_407 = arith.addi %add3A_406, %mul3A_13 : i32
        "tpu.region"() ({
          %run_scoped3A = tpu.sem_alloc : memref<!tpu.dma_semaphore, #tpu.memory_space<semaphore_mem>>
          %dma_start3A_412 = arith.constant 64 : i32
          %dma_start3A_413 = tpu.memref_slice %arg14[%dma_start3A_412] : memref<256xf32, #tpu.memory_space<vmem>> -> memref<64xf32, #tpu.memory_space<vmem>>
          %dma_start3A_414 = tpu.memref_slice %arg8[%add3A_407] : memref<640000xf32, #tpu.memory_space<hbm>> -> memref<64xf32, #tpu.memory_space<hbm>>
          %dma_start3A_415 = tpu.memref_slice %arg8[%add3A_407] : memref<640000xf32, #tpu.memory_space<hbm>> -> memref<64xf32, #tpu.memory_space<hbm>>
          %dma_start3A_416 = arith.constant 64 : i32
          %dma_start3A_417 = tpu.memref_slice %arg14[%dma_start3A_416] : memref<256xf32, #tpu.memory_space<vmem>> -> memref<64xf32, #tpu.memory_space<vmem>>
          tpu.enqueue_dma source(%dma_start3A_417 : memref<64xf32, #tpu.memory_space<vmem>>) target(%dma_start3A_415 : memref<64xf32, #tpu.memory_space<hbm>>) target_semaphore(%run_scoped3A : memref<!tpu.dma_semaphore, #tpu.memory_space<semaphore_mem>>)
          %dma_wait3A_418 = arith.constant 64 : i32
          %dma_wait3A_419 = tpu.memref_slice %arg14[%dma_wait3A_418] : memref<256xf32, #tpu.memory_space<vmem>> -> memref<64xf32, #tpu.memory_space<vmem>>
          %dma_wait3A_420 = tpu.memref_slice %arg8[%add3A_407] : memref<640000xf32, #tpu.memory_space<hbm>> -> memref<64xf32, #tpu.memory_space<hbm>>
          %dma_wait3A_421 = tpu.memref_slice %arg8[%add3A_407] : memref<640000xf32, #tpu.memory_space<hbm>> -> memref<64xf32, #tpu.memory_space<hbm>>
          %dma_wait3A_422 = arith.constant 64 : i32
          %dma_wait3A_423 = tpu.memref_slice %arg14[%dma_wait3A_422] : memref<256xf32, #tpu.memory_space<vmem>> -> memref<64xf32, #tpu.memory_space<vmem>>
          tpu.wait_dma2 semaphore(%run_scoped3A : memref<!tpu.dma_semaphore, #tpu.memory_space<semaphore_mem>>) src(%dma_wait3A_423 : memref<64xf32, #tpu.memory_space<vmem>>) dst(%dma_wait3A_421 : memref<64xf32, #tpu.memory_space<hbm>>)
          tpu.yield
        }) : () -> ()
        %add3A_408 = arith.constant 320000 : i32
        %add3A_409 = arith.addi %add3A_408, %mul3A_13 : i32
        "tpu.region"() ({
          %run_scoped3A = tpu.sem_alloc : memref<!tpu.dma_semaphore, #tpu.memory_space<semaphore_mem>>
          %dma_start3A_412 = arith.constant 128 : i32
          %dma_start3A_413 = tpu.memref_slice %arg14[%dma_start3A_412] : memref<256xf32, #tpu.memory_space<vmem>> -> memref<64xf32, #tpu.memory_space<vmem>>
          %dma_start3A_414 = tpu.memref_slice %arg8[%add3A_409] : memref<640000xf32, #tpu.memory_space<hbm>> -> memref<64xf32, #tpu.memory_space<hbm>>
          %dma_start3A_415 = tpu.memref_slice %arg8[%add3A_409] : memref<640000xf32, #tpu.memory_space<hbm>> -> memref<64xf32, #tpu.memory_space<hbm>>
          %dma_start3A_416 = arith.constant 128 : i32
          %dma_start3A_417 = tpu.memref_slice %arg14[%dma_start3A_416] : memref<256xf32, #tpu.memory_space<vmem>> -> memref<64xf32, #tpu.memory_space<vmem>>
          tpu.enqueue_dma source(%dma_start3A_417 : memref<64xf32, #tpu.memory_space<vmem>>) target(%dma_start3A_415 : memref<64xf32, #tpu.memory_space<hbm>>) target_semaphore(%run_scoped3A : memref<!tpu.dma_semaphore, #tpu.memory_space<semaphore_mem>>)
          %dma_wait3A_418 = arith.constant 128 : i32
          %dma_wait3A_419 = tpu.memref_slice %arg14[%dma_wait3A_418] : memref<256xf32, #tpu.memory_space<vmem>> -> memref<64xf32, #tpu.memory_space<vmem>>
          %dma_wait3A_420 = tpu.memref_slice %arg8[%add3A_409] : memref<640000xf32, #tpu.memory_space<hbm>> -> memref<64xf32, #tpu.memory_space<hbm>>
          %dma_wait3A_421 = tpu.memref_slice %arg8[%add3A_409] : memref<640000xf32, #tpu.memory_space<hbm>> -> memref<64xf32, #tpu.memory_space<hbm>>
          %dma_wait3A_422 = arith.constant 128 : i32
          %dma_wait3A_423 = tpu.memref_slice %arg14[%dma_wait3A_422] : memref<256xf32, #tpu.memory_space<vmem>> -> memref<64xf32, #tpu.memory_space<vmem>>
          tpu.wait_dma2 semaphore(%run_scoped3A : memref<!tpu.dma_semaphore, #tpu.memory_space<semaphore_mem>>) src(%dma_wait3A_423 : memref<64xf32, #tpu.memory_space<vmem>>) dst(%dma_wait3A_421 : memref<64xf32, #tpu.memory_space<hbm>>)
          tpu.yield
        }) : () -> ()
        %add3A_410 = arith.constant 480000 : i32
        %add3A_411 = arith.addi %add3A_410, %mul3A_13 : i32
        "tpu.region"() ({
          %run_scoped3A = tpu.sem_alloc : memref<!tpu.dma_semaphore, #tpu.memory_space<semaphore_mem>>
          %dma_start3A_412 = arith.constant 192 : i32
          %dma_start3A_413 = tpu.memref_slice %arg14[%dma_start3A_412] : memref<256xf32, #tpu.memory_space<vmem>> -> memref<64xf32, #tpu.memory_space<vmem>>
          %dma_start3A_414 = tpu.memref_slice %arg8[%add3A_411] : memref<640000xf32, #tpu.memory_space<hbm>> -> memref<64xf32, #tpu.memory_space<hbm>>
          %dma_start3A_415 = tpu.memref_slice %arg8[%add3A_411] : memref<640000xf32, #tpu.memory_space<hbm>> -> memref<64xf32, #tpu.memory_space<hbm>>
          %dma_start3A_416 = arith.constant 192 : i32
          %dma_start3A_417 = tpu.memref_slice %arg14[%dma_start3A_416] : memref<256xf32, #tpu.memory_space<vmem>> -> memref<64xf32, #tpu.memory_space<vmem>>
          tpu.enqueue_dma source(%dma_start3A_417 : memref<64xf32, #tpu.memory_space<vmem>>) target(%dma_start3A_415 : memref<64xf32, #tpu.memory_space<hbm>>) target_semaphore(%run_scoped3A : memref<!tpu.dma_semaphore, #tpu.memory_space<semaphore_mem>>)
          %dma_wait3A_418 = arith.constant 192 : i32
          %dma_wait3A_419 = tpu.memref_slice %arg14[%dma_wait3A_418] : memref<256xf32, #tpu.memory_space<vmem>> -> memref<64xf32, #tpu.memory_space<vmem>>
          %dma_wait3A_420 = tpu.memref_slice %arg8[%add3A_411] : memref<640000xf32, #tpu.memory_space<hbm>> -> memref<64xf32, #tpu.memory_space<hbm>>
          %dma_wait3A_421 = tpu.memref_slice %arg8[%add3A_411] : memref<640000xf32, #tpu.memory_space<hbm>> -> memref<64xf32, #tpu.memory_space<hbm>>
          %dma_wait3A_422 = arith.constant 192 : i32
          %dma_wait3A_423 = tpu.memref_slice %arg14[%dma_wait3A_422] : memref<256xf32, #tpu.memory_space<vmem>> -> memref<64xf32, #tpu.memory_space<vmem>>
          tpu.wait_dma2 semaphore(%run_scoped3A : memref<!tpu.dma_semaphore, #tpu.memory_space<semaphore_mem>>) src(%dma_wait3A_423 : memref<64xf32, #tpu.memory_space<vmem>>) dst(%dma_wait3A_421 : memref<64xf32, #tpu.memory_space<hbm>>)
          tpu.yield
        }) : () -> ()
      } else {
      }
    }
    %scan3A_5 = arith.constant 79 : i32
    return
  }
}

#map = affine_map<(d0, d1) -> (0, 0)>
#map1 = affine_map<(d0, d1) -> (0)>
module attributes {stable_mosaic.version = 14 : i64} {
  func.func @_sc_gat_body(%arg0: i32, %arg1: i32, %arg2: memref<10000x512xf32, #tpu.memory_space<hbm>>, %arg3: memref<80000xf32, #tpu.memory_space<hbm>>, %arg4: memref<64xf32, #tpu.memory_space<hbm>>, %arg5: memref<160000xi32, #tpu.memory_space<hbm>>, %arg6: memref<160000xi32, #tpu.memory_space<hbm>>, %arg7: memref<160000x512xf32, #tpu.memory_space<hbm>>, %arg8: memref<640000xf32, #tpu.memory_space<hbm>>, %arg9: memref<80000xf32, #tpu.memory_space<vmem>>, %arg10: memref<64xf32, #tpu.memory_space<vmem>>, %arg11: memref<64xi32, #tpu.memory_space<vmem>>, %arg12: memref<64xi32, #tpu.memory_space<vmem>>, %arg13: memref<64x512xf32, #tpu.memory_space<vmem>>, %arg14: memref<256xf32, #tpu.memory_space<vmem>>, %arg15: memref<!tpu.dma_semaphore, #tpu.memory_space<semaphore_mem>>) attributes {dimension_semantics = [#tpu.dimension_semantics<core_parallel>, #tpu.dimension_semantics<subcore_parallel>], iteration_bounds = array<i64: 2, 16>, scalar_prefetch = 0 : i64, scratch_operands = 7 : i64, tpu.core_type = #tpu.core_type<sc_vector_subcore>, window_params = [{transform_indices = #map}, {transform_indices = #map1}, {transform_indices = #map1}, {transform_indices = #map1}, {transform_indices = #map1}, {transform_indices = #map}, {transform_indices = #map1}]} {
    %mul3A = arith.constant 2 : i32
    %mul3A_0 = arith.muli %arg1, %mul3A : i32
    %add3A = arith.addi %mul3A_0, %arg0 : i32
    "tpu.region"() ({
      %run_scoped3A = tpu.sem_alloc : memref<!tpu.dma_semaphore, #tpu.memory_space<semaphore_mem>>
      tpu.enqueue_dma source(%arg3 : memref<80000xf32, #tpu.memory_space<hbm>>) target(%arg9 : memref<80000xf32, #tpu.memory_space<vmem>>) target_semaphore(%run_scoped3A : memref<!tpu.dma_semaphore, #tpu.memory_space<semaphore_mem>>)
      tpu.wait_dma2 semaphore(%run_scoped3A : memref<!tpu.dma_semaphore, #tpu.memory_space<semaphore_mem>>) src(%arg3 : memref<80000xf32, #tpu.memory_space<hbm>>) dst(%arg9 : memref<80000xf32, #tpu.memory_space<vmem>>)
      tpu.yield
    }) : () -> ()
    "tpu.region"() ({
      %run_scoped3A = tpu.sem_alloc : memref<!tpu.dma_semaphore, #tpu.memory_space<semaphore_mem>>
      tpu.enqueue_dma source(%arg4 : memref<64xf32, #tpu.memory_space<hbm>>) target(%arg10 : memref<64xf32, #tpu.memory_space<vmem>>) target_semaphore(%run_scoped3A : memref<!tpu.dma_semaphore, #tpu.memory_space<semaphore_mem>>)
      tpu.wait_dma2 semaphore(%run_scoped3A : memref<!tpu.dma_semaphore, #tpu.memory_space<semaphore_mem>>) src(%arg4 : memref<64xf32, #tpu.memory_space<hbm>>) dst(%arg10 : memref<64xf32, #tpu.memory_space<vmem>>)
      tpu.yield
    }) : () -> ()
    %scan3A = arith.constant 0 : i32
    %scan3A_1 = arith.constant 0 : i32
    %scan3A_2 = arith.constant 79 : i32
    %scan3A_3 = arith.addi %scan3A_1, %scan3A_2 : i32
    %scan3A_4 = arith.constant 1 : i32
    scf.for %scan3A_6 = %scan3A_1 to %scan3A_3 step %scan3A_4  : i32 {
      %mul3A_7 = arith.constant 32 : i32
      %mul3A_8 = arith.muli %mul3A_7, %scan3A_6 : i32
      %add3A_9 = arith.addi %add3A, %mul3A_8 : i32
      %lt3A = arith.constant 2500 : i32
      %lt3A_10 = arith.cmpi slt, %add3A_9, %lt3A : i32
      %convert_element_type3A = arith.extui %lt3A_10 : i1 to i32
      %cond3A = arith.constant 0 : i32
      %cond3A_11 = arith.cmpi ne, %convert_element_type3A, %cond3A : i32
      scf.if %cond3A_11 {
        %mul3A_12 = arith.constant 64 : i32
        %mul3A_13 = arith.muli %add3A_9, %mul3A_12 : i32
        "tpu.region"() ({
          %run_scoped3A = tpu.sem_alloc : memref<!tpu.dma_semaphore, #tpu.memory_space<semaphore_mem>>
          %dma_start3A_412 = tpu.memref_slice %arg5[%mul3A_13] : memref<160000xi32, #tpu.memory_space<hbm>> -> memref<64xi32, #tpu.memory_space<hbm>>
          %dma_start3A_413 = tpu.memref_slice %arg5[%mul3A_13] : memref<160000xi32, #tpu.memory_space<hbm>> -> memref<64xi32, #tpu.memory_space<hbm>>
          tpu.enqueue_dma source(%dma_start3A_413 : memref<64xi32, #tpu.memory_space<hbm>>) target(%arg11 : memref<64xi32, #tpu.memory_space<vmem>>) target_semaphore(%run_scoped3A : memref<!tpu.dma_semaphore, #tpu.memory_space<semaphore_mem>>)
          %dma_wait3A_414 = tpu.memref_slice %arg5[%mul3A_13] : memref<160000xi32, #tpu.memory_space<hbm>> -> memref<64xi32, #tpu.memory_space<hbm>>
          %dma_wait3A_415 = tpu.memref_slice %arg5[%mul3A_13] : memref<160000xi32, #tpu.memory_space<hbm>> -> memref<64xi32, #tpu.memory_space<hbm>>
          tpu.wait_dma2 semaphore(%run_scoped3A : memref<!tpu.dma_semaphore, #tpu.memory_space<semaphore_mem>>) src(%dma_wait3A_415 : memref<64xi32, #tpu.memory_space<hbm>>) dst(%arg11 : memref<64xi32, #tpu.memory_space<vmem>>)
          tpu.yield
        }) : () -> ()
        "tpu.region"() ({
          %run_scoped3A = tpu.sem_alloc : memref<!tpu.dma_semaphore, #tpu.memory_space<semaphore_mem>>
          %dma_start3A_412 = tpu.memref_slice %arg6[%mul3A_13] : memref<160000xi32, #tpu.memory_space<hbm>> -> memref<64xi32, #tpu.memory_space<hbm>>
          %dma_start3A_413 = tpu.memref_slice %arg6[%mul3A_13] : memref<160000xi32, #tpu.memory_space<hbm>> -> memref<64xi32, #tpu.memory_space<hbm>>
          tpu.enqueue_dma source(%dma_start3A_413 : memref<64xi32, #tpu.memory_space<hbm>>) target(%arg12 : memref<64xi32, #tpu.memory_space<vmem>>) target_semaphore(%run_scoped3A : memref<!tpu.dma_semaphore, #tpu.memory_space<semaphore_mem>>)
          %dma_wait3A_414 = tpu.memref_slice %arg6[%mul3A_13] : memref<160000xi32, #tpu.memory_space<hbm>> -> memref<64xi32, #tpu.memory_space<hbm>>
          %dma_wait3A_415 = tpu.memref_slice %arg6[%mul3A_13] : memref<160000xi32, #tpu.memory_space<hbm>> -> memref<64xi32, #tpu.memory_space<hbm>>
          tpu.wait_dma2 semaphore(%run_scoped3A : memref<!tpu.dma_semaphore, #tpu.memory_space<semaphore_mem>>) src(%dma_wait3A_415 : memref<64xi32, #tpu.memory_space<hbm>>) dst(%arg12 : memref<64xi32, #tpu.memory_space<vmem>>)
          tpu.yield
        }) : () -> ()
        %dma_start3A = arith.constant 0 : i32
        %dma_start3A_14 = arith.constant 0 : i32
        %dma_start3A_15 = tpu.memref_slice %arg2[%dma_start3A, %dma_start3A_14] : memref<10000x512xf32, #tpu.memory_space<hbm>> -> memref<10000x512xf32, #tpu.memory_space<hbm>>
        tpu.enqueue_indirect_dma source(%dma_start3A_15 : memref<10000x512xf32, #tpu.memory_space<hbm>>) target(%arg13 : memref<64x512xf32, #tpu.memory_space<vmem>>) offsets(%arg11 : memref<64xi32, #tpu.memory_space<vmem>>) semaphore(%arg15 : memref<!tpu.dma_semaphore, #tpu.memory_space<semaphore_mem>>)
        %dma_wait3A = arith.constant 0 : i32
        %dma_wait3A_16 = arith.constant 0 : i32
        %dma_wait3A_17 = tpu.memref_slice %arg2[%dma_wait3A, %dma_wait3A_16] : memref<10000x512xf32, #tpu.memory_space<hbm>> -> memref<10000x512xf32, #tpu.memory_space<hbm>>
        tpu.wait_indirect_dma semaphore(%arg15 : memref<!tpu.dma_semaphore, #tpu.memory_space<semaphore_mem>>) src(%dma_wait3A_17 : memref<10000x512xf32, #tpu.memory_space<hbm>>) dst(%arg13 : memref<64x512xf32, #tpu.memory_space<vmem>>)
        "tpu.region"() ({
          %run_scoped3A = tpu.sem_alloc : memref<!tpu.dma_semaphore, #tpu.memory_space<semaphore_mem>>
          %dma_start3A_412 = arith.constant 0 : i32
          %dma_start3A_413 = tpu.memref_slice %arg7[%mul3A_13, %dma_start3A_412] : memref<160000x512xf32, #tpu.memory_space<hbm>> -> memref<64x512xf32, #tpu.memory_space<hbm>>
          %dma_start3A_414 = arith.constant 0 : i32
          %dma_start3A_415 = tpu.memref_slice %arg7[%mul3A_13, %dma_start3A_414] : memref<160000x512xf32, #tpu.memory_space<hbm>> -> memref<64x512xf32, #tpu.memory_space<hbm>>
          tpu.enqueue_dma source(%arg13 : memref<64x512xf32, #tpu.memory_space<vmem>>) target(%dma_start3A_415 : memref<64x512xf32, #tpu.memory_space<hbm>>) target_semaphore(%run_scoped3A : memref<!tpu.dma_semaphore, #tpu.memory_space<semaphore_mem>>)
          %dma_wait3A_416 = arith.constant 0 : i32
          %dma_wait3A_417 = tpu.memref_slice %arg7[%mul3A_13, %dma_wait3A_416] : memref<160000x512xf32, #tpu.memory_space<hbm>> -> memref<64x512xf32, #tpu.memory_space<hbm>>
          %dma_wait3A_418 = arith.constant 0 : i32
          %dma_wait3A_419 = tpu.memref_slice %arg7[%mul3A_13, %dma_wait3A_418] : memref<160000x512xf32, #tpu.memory_space<hbm>> -> memref<64x512xf32, #tpu.memory_space<hbm>>
          tpu.wait_dma2 semaphore(%run_scoped3A : memref<!tpu.dma_semaphore, #tpu.memory_space<semaphore_mem>>) src(%arg13 : memref<64x512xf32, #tpu.memory_space<vmem>>) dst(%dma_wait3A_419 : memref<64x512xf32, #tpu.memory_space<hbm>>)
          tpu.yield
        }) : () -> ()
        %get3A = arith.constant 0 : index
        %get3A_18 = tpu.vector_load %arg11[%get3A] {strides = array<i32>} : memref<64xi32, #tpu.memory_space<vmem>>, vector<16xi32>,
        %mul3A_19 = arith.constant 8 : i32
        %mul3A_20 = vector.broadcast %mul3A_19 : i32 to vector<16xi32>
        %mul3A_21 = arith.muli %get3A_18, %mul3A_20 : vector<16xi32>
        %get3A_22 = arith.constant 0 : index
        %get3A_23 = tpu.vector_load %arg12[%get3A_22] {strides = array<i32>} : memref<64xi32, #tpu.memory_space<vmem>>, vector<16xi32>,
        %mul3A_24 = arith.constant 8 : i32
        %mul3A_25 = vector.broadcast %mul3A_24 : i32 to vector<16xi32>
        %mul3A_26 = arith.muli %get3A_23, %mul3A_25 : vector<16xi32>
        %add3A_27 = arith.constant 0 : i32
        %add3A_28 = vector.broadcast %add3A_27 : i32 to vector<16xi32>
        %add3A_29 = arith.addi %mul3A_21, %add3A_28 : vector<16xi32>
        %gather3A = tpu.vector_load_idx %arg9[%add3A_29] : memref<80000xf32, #tpu.memory_space<vmem>>[vector<16xi32>], vector<16xf32>,
        %add3A_30 = arith.constant 4 : i32
        %add3A_31 = vector.broadcast %add3A_30 : i32 to vector<16xi32>
        %add3A_32 = arith.addi %mul3A_26, %add3A_31 : vector<16xi32>
        %gather3A_33 = tpu.vector_load_idx %arg9[%add3A_32] : memref<80000xf32, #tpu.memory_space<vmem>>[vector<16xi32>], vector<16xf32>,
        %add3A_34 = arith.addf %gather3A, %gather3A_33 : vector<16xf32>
        %lt3A_35 = arith.constant 0.000000e+00 : f32
        %lt3A_36 = vector.broadcast %lt3A_35 : f32 to vector<16xf32>
        %lt3A_37 = arith.cmpf olt, %add3A_34, %lt3A_36 : vector<16xf32>
        %mul3A_38 = arith.constant 2.000000e-01 : f32
        %mul3A_39 = vector.broadcast %mul3A_38 : f32 to vector<16xf32>
        %mul3A_40 = arith.mulf %add3A_34, %mul3A_39 : vector<16xf32>
        %select_n3A = arith.select %lt3A_37, %mul3A_40, %add3A_34 : vector<16xi1>, vector<16xf32>
        %get3A_41 = arith.constant 0 : index
        %get3A_42 = tpu.vector_load %arg10[%get3A_41] {strides = array<i32>} : memref<64xf32, #tpu.memory_space<vmem>>, vector<16xf32>,
        %sub3A = arith.subf %select_n3A, %get3A_42 : vector<16xf32>
        %exp3A = math.exp %sub3A : vector<16xf32>
        %swap3A = arith.constant 0 : index
        %swap3A_43 = tpu.vector_load %arg14[%swap3A] {strides = array<i32>} : memref<256xf32, #tpu.memory_space<vmem>>, vector<16xf32>,
        tpu.vector_store %arg14[%swap3A], %exp3A {strides = array<i32>} : memref<256xf32, #tpu.memory_space<vmem>>, vector<16xf32>,
        %add3A_44 = arith.constant 1 : i32
        %add3A_45 = vector.broadcast %add3A_44 : i32 to vector<16xi32>
        %add3A_46 = arith.addi %mul3A_21, %add3A_45 : vector<16xi32>
        %gather3A_47 = tpu.vector_load_idx %arg9[%add3A_46] : memref<80000xf32, #tpu.memory_space<vmem>>[vector<16xi32>], vector<16xf32>,
        %add3A_48 = arith.constant 5 : i32
        %add3A_49 = vector.broadcast %add3A_48 : i32 to vector<16xi32>
        %add3A_50 = arith.addi %mul3A_26, %add3A_49 : vector<16xi32>
        %gather3A_51 = tpu.vector_load_idx %arg9[%add3A_50] : memref<80000xf32, #tpu.memory_space<vmem>>[vector<16xi32>], vector<16xf32>,
        %add3A_52 = arith.addf %gather3A_47, %gather3A_51 : vector<16xf32>
        %lt3A_53 = arith.constant 0.000000e+00 : f32
        %lt3A_54 = vector.broadcast %lt3A_53 : f32 to vector<16xf32>
        %lt3A_55 = arith.cmpf olt, %add3A_52, %lt3A_54 : vector<16xf32>
        %mul3A_56 = arith.constant 2.000000e-01 : f32
        %mul3A_57 = vector.broadcast %mul3A_56 : f32 to vector<16xf32>
        %mul3A_58 = arith.mulf %add3A_52, %mul3A_57 : vector<16xf32>
        %select_n3A_59 = arith.select %lt3A_55, %mul3A_58, %add3A_52 : vector<16xi1>, vector<16xf32>
        %get3A_60 = arith.constant 16 : index
        %get3A_61 = tpu.vector_load %arg10[%get3A_60] {strides = array<i32>} : memref<64xf32, #tpu.memory_space<vmem>>, vector<16xf32>,
        %sub3A_62 = arith.subf %select_n3A_59, %get3A_61 : vector<16xf32>
        %exp3A_63 = math.exp %sub3A_62 : vector<16xf32>
        %swap3A_64 = arith.constant 64 : index
        %swap3A_65 = tpu.vector_load %arg14[%swap3A_64] {strides = array<i32>} : memref<256xf32, #tpu.memory_space<vmem>>, vector<16xf32>,
        tpu.vector_store %arg14[%swap3A_64], %exp3A_63 {strides = array<i32>} : memref<256xf32, #tpu.memory_space<vmem>>, vector<16xf32>,
        %add3A_66 = arith.constant 2 : i32
        %add3A_67 = vector.broadcast %add3A_66 : i32 to vector<16xi32>
        %add3A_68 = arith.addi %mul3A_21, %add3A_67 : vector<16xi32>
        %gather3A_69 = tpu.vector_load_idx %arg9[%add3A_68] : memref<80000xf32, #tpu.memory_space<vmem>>[vector<16xi32>], vector<16xf32>,
        %add3A_70 = arith.constant 6 : i32
        %add3A_71 = vector.broadcast %add3A_70 : i32 to vector<16xi32>
        %add3A_72 = arith.addi %mul3A_26, %add3A_71 : vector<16xi32>
        %gather3A_73 = tpu.vector_load_idx %arg9[%add3A_72] : memref<80000xf32, #tpu.memory_space<vmem>>[vector<16xi32>], vector<16xf32>,
        %add3A_74 = arith.addf %gather3A_69, %gather3A_73 : vector<16xf32>
        %lt3A_75 = arith.constant 0.000000e+00 : f32
        %lt3A_76 = vector.broadcast %lt3A_75 : f32 to vector<16xf32>
        %lt3A_77 = arith.cmpf olt, %add3A_74, %lt3A_76 : vector<16xf32>
        %mul3A_78 = arith.constant 2.000000e-01 : f32
        %mul3A_79 = vector.broadcast %mul3A_78 : f32 to vector<16xf32>
        %mul3A_80 = arith.mulf %add3A_74, %mul3A_79 : vector<16xf32>
        %select_n3A_81 = arith.select %lt3A_77, %mul3A_80, %add3A_74 : vector<16xi1>, vector<16xf32>
        %get3A_82 = arith.constant 32 : index
        %get3A_83 = tpu.vector_load %arg10[%get3A_82] {strides = array<i32>} : memref<64xf32, #tpu.memory_space<vmem>>, vector<16xf32>,
        %sub3A_84 = arith.subf %select_n3A_81, %get3A_83 : vector<16xf32>
        %exp3A_85 = math.exp %sub3A_84 : vector<16xf32>
        %swap3A_86 = arith.constant 128 : index
        %swap3A_87 = tpu.vector_load %arg14[%swap3A_86] {strides = array<i32>} : memref<256xf32, #tpu.memory_space<vmem>>, vector<16xf32>,
        tpu.vector_store %arg14[%swap3A_86], %exp3A_85 {strides = array<i32>} : memref<256xf32, #tpu.memory_space<vmem>>, vector<16xf32>,
        %add3A_88 = arith.constant 3 : i32
        %add3A_89 = vector.broadcast %add3A_88 : i32 to vector<16xi32>
        %add3A_90 = arith.addi %mul3A_21, %add3A_89 : vector<16xi32>
        %gather3A_91 = tpu.vector_load_idx %arg9[%add3A_90] : memref<80000xf32, #tpu.memory_space<vmem>>[vector<16xi32>], vector<16xf32>,
        %add3A_92 = arith.constant 7 : i32
        %add3A_93 = vector.broadcast %add3A_92 : i32 to vector<16xi32>
        %add3A_94 = arith.addi %mul3A_26, %add3A_93 : vector<16xi32>
        %gather3A_95 = tpu.vector_load_idx %arg9[%add3A_94] : memref<80000xf32, #tpu.memory_space<vmem>>[vector<16xi32>], vector<16xf32>,
        %add3A_96 = arith.addf %gather3A_91, %gather3A_95 : vector<16xf32>
        %lt3A_97 = arith.constant 0.000000e+00 : f32
        %lt3A_98 = vector.broadcast %lt3A_97 : f32 to vector<16xf32>
        %lt3A_99 = arith.cmpf olt, %add3A_96, %lt3A_98 : vector<16xf32>
        %mul3A_100 = arith.constant 2.000000e-01 : f32
        %mul3A_101 = vector.broadcast %mul3A_100 : f32 to vector<16xf32>
        %mul3A_102 = arith.mulf %add3A_96, %mul3A_101 : vector<16xf32>
        %select_n3A_103 = arith.select %lt3A_99, %mul3A_102, %add3A_96 : vector<16xi1>, vector<16xf32>
        %get3A_104 = arith.constant 48 : index
        %get3A_105 = tpu.vector_load %arg10[%get3A_104] {strides = array<i32>} : memref<64xf32, #tpu.memory_space<vmem>>, vector<16xf32>,
        %sub3A_106 = arith.subf %select_n3A_103, %get3A_105 : vector<16xf32>
        %exp3A_107 = math.exp %sub3A_106 : vector<16xf32>
        %swap3A_108 = arith.constant 192 : index
        %swap3A_109 = tpu.vector_load %arg14[%swap3A_108] {strides = array<i32>} : memref<256xf32, #tpu.memory_space<vmem>>, vector<16xf32>,
        tpu.vector_store %arg14[%swap3A_108], %exp3A_107 {strides = array<i32>} : memref<256xf32, #tpu.memory_space<vmem>>, vector<16xf32>,
        %get3A_110 = arith.constant 16 : index
        %get3A_111 = tpu.vector_load %arg11[%get3A_110] {strides = array<i32>} : memref<64xi32, #tpu.memory_space<vmem>>, vector<16xi32>,
        %mul3A_112 = arith.constant 8 : i32
        %mul3A_113 = vector.broadcast %mul3A_112 : i32 to vector<16xi32>
        %mul3A_114 = arith.muli %get3A_111, %mul3A_113 : vector<16xi32>
        %get3A_115 = arith.constant 16 : index
        %get3A_116 = tpu.vector_load %arg12[%get3A_115] {strides = array<i32>} : memref<64xi32, #tpu.memory_space<vmem>>, vector<16xi32>,
        %mul3A_117 = arith.constant 8 : i32
        %mul3A_118 = vector.broadcast %mul3A_117 : i32 to vector<16xi32>
        %mul3A_119 = arith.muli %get3A_116, %mul3A_118 : vector<16xi32>
        %add3A_120 = arith.constant 0 : i32
        %add3A_121 = vector.broadcast %add3A_120 : i32 to vector<16xi32>
        %add3A_122 = arith.addi %mul3A_114, %add3A_121 : vector<16xi32>
        %gather3A_123 = tpu.vector_load_idx %arg9[%add3A_122] : memref<80000xf32, #tpu.memory_space<vmem>>[vector<16xi32>], vector<16xf32>,
        %add3A_124 = arith.constant 4 : i32
        %add3A_125 = vector.broadcast %add3A_124 : i32 to vector<16xi32>
        %add3A_126 = arith.addi %mul3A_119, %add3A_125 : vector<16xi32>
        %gather3A_127 = tpu.vector_load_idx %arg9[%add3A_126] : memref<80000xf32, #tpu.memory_space<vmem>>[vector<16xi32>], vector<16xf32>,
        %add3A_128 = arith.addf %gather3A_123, %gather3A_127 : vector<16xf32>
        %lt3A_129 = arith.constant 0.000000e+00 : f32
        %lt3A_130 = vector.broadcast %lt3A_129 : f32 to vector<16xf32>
        %lt3A_131 = arith.cmpf olt, %add3A_128, %lt3A_130 : vector<16xf32>
        %mul3A_132 = arith.constant 2.000000e-01 : f32
        %mul3A_133 = vector.broadcast %mul3A_132 : f32 to vector<16xf32>
        %mul3A_134 = arith.mulf %add3A_128, %mul3A_133 : vector<16xf32>
        %select_n3A_135 = arith.select %lt3A_131, %mul3A_134, %add3A_128 : vector<16xi1>, vector<16xf32>
        %get3A_136 = arith.constant 0 : index
        %get3A_137 = tpu.vector_load %arg10[%get3A_136] {strides = array<i32>} : memref<64xf32, #tpu.memory_space<vmem>>, vector<16xf32>,
        %sub3A_138 = arith.subf %select_n3A_135, %get3A_137 : vector<16xf32>
        %exp3A_139 = math.exp %sub3A_138 : vector<16xf32>
        %swap3A_140 = arith.constant 16 : index
        %swap3A_141 = tpu.vector_load %arg14[%swap3A_140] {strides = array<i32>} : memref<256xf32, #tpu.memory_space<vmem>>, vector<16xf32>,
        tpu.vector_store %arg14[%swap3A_140], %exp3A_139 {strides = array<i32>} : memref<256xf32, #tpu.memory_space<vmem>>, vector<16xf32>,
        %add3A_142 = arith.constant 1 : i32
        %add3A_143 = vector.broadcast %add3A_142 : i32 to vector<16xi32>
        %add3A_144 = arith.addi %mul3A_114, %add3A_143 : vector<16xi32>
        %gather3A_145 = tpu.vector_load_idx %arg9[%add3A_144] : memref<80000xf32, #tpu.memory_space<vmem>>[vector<16xi32>], vector<16xf32>,
        %add3A_146 = arith.constant 5 : i32
        %add3A_147 = vector.broadcast %add3A_146 : i32 to vector<16xi32>
        %add3A_148 = arith.addi %mul3A_119, %add3A_147 : vector<16xi32>
        %gather3A_149 = tpu.vector_load_idx %arg9[%add3A_148] : memref<80000xf32, #tpu.memory_space<vmem>>[vector<16xi32>], vector<16xf32>,
        %add3A_150 = arith.addf %gather3A_145, %gather3A_149 : vector<16xf32>
        %lt3A_151 = arith.constant 0.000000e+00 : f32
        %lt3A_152 = vector.broadcast %lt3A_151 : f32 to vector<16xf32>
        %lt3A_153 = arith.cmpf olt, %add3A_150, %lt3A_152 : vector<16xf32>
        %mul3A_154 = arith.constant 2.000000e-01 : f32
        %mul3A_155 = vector.broadcast %mul3A_154 : f32 to vector<16xf32>
        %mul3A_156 = arith.mulf %add3A_150, %mul3A_155 : vector<16xf32>
        %select_n3A_157 = arith.select %lt3A_153, %mul3A_156, %add3A_150 : vector<16xi1>, vector<16xf32>
        %get3A_158 = arith.constant 16 : index
        %get3A_159 = tpu.vector_load %arg10[%get3A_158] {strides = array<i32>} : memref<64xf32, #tpu.memory_space<vmem>>, vector<16xf32>,
        %sub3A_160 = arith.subf %select_n3A_157, %get3A_159 : vector<16xf32>
        %exp3A_161 = math.exp %sub3A_160 : vector<16xf32>
        %swap3A_162 = arith.constant 80 : index
        %swap3A_163 = tpu.vector_load %arg14[%swap3A_162] {strides = array<i32>} : memref<256xf32, #tpu.memory_space<vmem>>, vector<16xf32>,
        tpu.vector_store %arg14[%swap3A_162], %exp3A_161 {strides = array<i32>} : memref<256xf32, #tpu.memory_space<vmem>>, vector<16xf32>,
        %add3A_164 = arith.constant 2 : i32
        %add3A_165 = vector.broadcast %add3A_164 : i32 to vector<16xi32>
        %add3A_166 = arith.addi %mul3A_114, %add3A_165 : vector<16xi32>
        %gather3A_167 = tpu.vector_load_idx %arg9[%add3A_166] : memref<80000xf32, #tpu.memory_space<vmem>>[vector<16xi32>], vector<16xf32>,
        %add3A_168 = arith.constant 6 : i32
        %add3A_169 = vector.broadcast %add3A_168 : i32 to vector<16xi32>
        %add3A_170 = arith.addi %mul3A_119, %add3A_169 : vector<16xi32>
        %gather3A_171 = tpu.vector_load_idx %arg9[%add3A_170] : memref<80000xf32, #tpu.memory_space<vmem>>[vector<16xi32>], vector<16xf32>,
        %add3A_172 = arith.addf %gather3A_167, %gather3A_171 : vector<16xf32>
        %lt3A_173 = arith.constant 0.000000e+00 : f32
        %lt3A_174 = vector.broadcast %lt3A_173 : f32 to vector<16xf32>
        %lt3A_175 = arith.cmpf olt, %add3A_172, %lt3A_174 : vector<16xf32>
        %mul3A_176 = arith.constant 2.000000e-01 : f32
        %mul3A_177 = vector.broadcast %mul3A_176 : f32 to vector<16xf32>
        %mul3A_178 = arith.mulf %add3A_172, %mul3A_177 : vector<16xf32>
        %select_n3A_179 = arith.select %lt3A_175, %mul3A_178, %add3A_172 : vector<16xi1>, vector<16xf32>
        %get3A_180 = arith.constant 32 : index
        %get3A_181 = tpu.vector_load %arg10[%get3A_180] {strides = array<i32>} : memref<64xf32, #tpu.memory_space<vmem>>, vector<16xf32>,
        %sub3A_182 = arith.subf %select_n3A_179, %get3A_181 : vector<16xf32>
        %exp3A_183 = math.exp %sub3A_182 : vector<16xf32>
        %swap3A_184 = arith.constant 144 : index
        %swap3A_185 = tpu.vector_load %arg14[%swap3A_184] {strides = array<i32>} : memref<256xf32, #tpu.memory_space<vmem>>, vector<16xf32>,
        tpu.vector_store %arg14[%swap3A_184], %exp3A_183 {strides = array<i32>} : memref<256xf32, #tpu.memory_space<vmem>>, vector<16xf32>,
        %add3A_186 = arith.constant 3 : i32
        %add3A_187 = vector.broadcast %add3A_186 : i32 to vector<16xi32>
        %add3A_188 = arith.addi %mul3A_114, %add3A_187 : vector<16xi32>
        %gather3A_189 = tpu.vector_load_idx %arg9[%add3A_188] : memref<80000xf32, #tpu.memory_space<vmem>>[vector<16xi32>], vector<16xf32>,
        %add3A_190 = arith.constant 7 : i32
        %add3A_191 = vector.broadcast %add3A_190 : i32 to vector<16xi32>
        %add3A_192 = arith.addi %mul3A_119, %add3A_191 : vector<16xi32>
        %gather3A_193 = tpu.vector_load_idx %arg9[%add3A_192] : memref<80000xf32, #tpu.memory_space<vmem>>[vector<16xi32>], vector<16xf32>,
        %add3A_194 = arith.addf %gather3A_189, %gather3A_193 : vector<16xf32>
        %lt3A_195 = arith.constant 0.000000e+00 : f32
        %lt3A_196 = vector.broadcast %lt3A_195 : f32 to vector<16xf32>
        %lt3A_197 = arith.cmpf olt, %add3A_194, %lt3A_196 : vector<16xf32>
        %mul3A_198 = arith.constant 2.000000e-01 : f32
        %mul3A_199 = vector.broadcast %mul3A_198 : f32 to vector<16xf32>
        %mul3A_200 = arith.mulf %add3A_194, %mul3A_199 : vector<16xf32>
        %select_n3A_201 = arith.select %lt3A_197, %mul3A_200, %add3A_194 : vector<16xi1>, vector<16xf32>
        %get3A_202 = arith.constant 48 : index
        %get3A_203 = tpu.vector_load %arg10[%get3A_202] {strides = array<i32>} : memref<64xf32, #tpu.memory_space<vmem>>, vector<16xf32>,
        %sub3A_204 = arith.subf %select_n3A_201, %get3A_203 : vector<16xf32>
        %exp3A_205 = math.exp %sub3A_204 : vector<16xf32>
        %swap3A_206 = arith.constant 208 : index
        %swap3A_207 = tpu.vector_load %arg14[%swap3A_206] {strides = array<i32>} : memref<256xf32, #tpu.memory_space<vmem>>, vector<16xf32>,
        tpu.vector_store %arg14[%swap3A_206], %exp3A_205 {strides = array<i32>} : memref<256xf32, #tpu.memory_space<vmem>>, vector<16xf32>,
        %get3A_208 = arith.constant 32 : index
        %get3A_209 = tpu.vector_load %arg11[%get3A_208] {strides = array<i32>} : memref<64xi32, #tpu.memory_space<vmem>>, vector<16xi32>,
        %mul3A_210 = arith.constant 8 : i32
        %mul3A_211 = vector.broadcast %mul3A_210 : i32 to vector<16xi32>
        %mul3A_212 = arith.muli %get3A_209, %mul3A_211 : vector<16xi32>
        %get3A_213 = arith.constant 32 : index
        %get3A_214 = tpu.vector_load %arg12[%get3A_213] {strides = array<i32>} : memref<64xi32, #tpu.memory_space<vmem>>, vector<16xi32>,
        %mul3A_215 = arith.constant 8 : i32
        %mul3A_216 = vector.broadcast %mul3A_215 : i32 to vector<16xi32>
        %mul3A_217 = arith.muli %get3A_214, %mul3A_216 : vector<16xi32>
        %add3A_218 = arith.constant 0 : i32
        %add3A_219 = vector.broadcast %add3A_218 : i32 to vector<16xi32>
        %add3A_220 = arith.addi %mul3A_212, %add3A_219 : vector<16xi32>
        %gather3A_221 = tpu.vector_load_idx %arg9[%add3A_220] : memref<80000xf32, #tpu.memory_space<vmem>>[vector<16xi32>], vector<16xf32>,
        %add3A_222 = arith.constant 4 : i32
        %add3A_223 = vector.broadcast %add3A_222 : i32 to vector<16xi32>
        %add3A_224 = arith.addi %mul3A_217, %add3A_223 : vector<16xi32>
        %gather3A_225 = tpu.vector_load_idx %arg9[%add3A_224] : memref<80000xf32, #tpu.memory_space<vmem>>[vector<16xi32>], vector<16xf32>,
        %add3A_226 = arith.addf %gather3A_221, %gather3A_225 : vector<16xf32>
        %lt3A_227 = arith.constant 0.000000e+00 : f32
        %lt3A_228 = vector.broadcast %lt3A_227 : f32 to vector<16xf32>
        %lt3A_229 = arith.cmpf olt, %add3A_226, %lt3A_228 : vector<16xf32>
        %mul3A_230 = arith.constant 2.000000e-01 : f32
        %mul3A_231 = vector.broadcast %mul3A_230 : f32 to vector<16xf32>
        %mul3A_232 = arith.mulf %add3A_226, %mul3A_231 : vector<16xf32>
        %select_n3A_233 = arith.select %lt3A_229, %mul3A_232, %add3A_226 : vector<16xi1>, vector<16xf32>
        %get3A_234 = arith.constant 0 : index
        %get3A_235 = tpu.vector_load %arg10[%get3A_234] {strides = array<i32>} : memref<64xf32, #tpu.memory_space<vmem>>, vector<16xf32>,
        %sub3A_236 = arith.subf %select_n3A_233, %get3A_235 : vector<16xf32>
        %exp3A_237 = math.exp %sub3A_236 : vector<16xf32>
        %swap3A_238 = arith.constant 32 : index
        %swap3A_239 = tpu.vector_load %arg14[%swap3A_238] {strides = array<i32>} : memref<256xf32, #tpu.memory_space<vmem>>, vector<16xf32>,
        tpu.vector_store %arg14[%swap3A_238], %exp3A_237 {strides = array<i32>} : memref<256xf32, #tpu.memory_space<vmem>>, vector<16xf32>,
        %add3A_240 = arith.constant 1 : i32
        %add3A_241 = vector.broadcast %add3A_240 : i32 to vector<16xi32>
        %add3A_242 = arith.addi %mul3A_212, %add3A_241 : vector<16xi32>
        %gather3A_243 = tpu.vector_load_idx %arg9[%add3A_242] : memref<80000xf32, #tpu.memory_space<vmem>>[vector<16xi32>], vector<16xf32>,
        %add3A_244 = arith.constant 5 : i32
        %add3A_245 = vector.broadcast %add3A_244 : i32 to vector<16xi32>
        %add3A_246 = arith.addi %mul3A_217, %add3A_245 : vector<16xi32>
        %gather3A_247 = tpu.vector_load_idx %arg9[%add3A_246] : memref<80000xf32, #tpu.memory_space<vmem>>[vector<16xi32>], vector<16xf32>,
        %add3A_248 = arith.addf %gather3A_243, %gather3A_247 : vector<16xf32>
        %lt3A_249 = arith.constant 0.000000e+00 : f32
        %lt3A_250 = vector.broadcast %lt3A_249 : f32 to vector<16xf32>
        %lt3A_251 = arith.cmpf olt, %add3A_248, %lt3A_250 : vector<16xf32>
        %mul3A_252 = arith.constant 2.000000e-01 : f32
        %mul3A_253 = vector.broadcast %mul3A_252 : f32 to vector<16xf32>
        %mul3A_254 = arith.mulf %add3A_248, %mul3A_253 : vector<16xf32>
        %select_n3A_255 = arith.select %lt3A_251, %mul3A_254, %add3A_248 : vector<16xi1>, vector<16xf32>
        %get3A_256 = arith.constant 16 : index
        %get3A_257 = tpu.vector_load %arg10[%get3A_256] {strides = array<i32>} : memref<64xf32, #tpu.memory_space<vmem>>, vector<16xf32>,
        %sub3A_258 = arith.subf %select_n3A_255, %get3A_257 : vector<16xf32>
        %exp3A_259 = math.exp %sub3A_258 : vector<16xf32>
        %swap3A_260 = arith.constant 96 : index
        %swap3A_261 = tpu.vector_load %arg14[%swap3A_260] {strides = array<i32>} : memref<256xf32, #tpu.memory_space<vmem>>, vector<16xf32>,
        tpu.vector_store %arg14[%swap3A_260], %exp3A_259 {strides = array<i32>} : memref<256xf32, #tpu.memory_space<vmem>>, vector<16xf32>,
        %add3A_262 = arith.constant 2 : i32
        %add3A_263 = vector.broadcast %add3A_262 : i32 to vector<16xi32>
        %add3A_264 = arith.addi %mul3A_212, %add3A_263 : vector<16xi32>
        %gather3A_265 = tpu.vector_load_idx %arg9[%add3A_264] : memref<80000xf32, #tpu.memory_space<vmem>>[vector<16xi32>], vector<16xf32>,
        %add3A_266 = arith.constant 6 : i32
        %add3A_267 = vector.broadcast %add3A_266 : i32 to vector<16xi32>
        %add3A_268 = arith.addi %mul3A_217, %add3A_267 : vector<16xi32>
        %gather3A_269 = tpu.vector_load_idx %arg9[%add3A_268] : memref<80000xf32, #tpu.memory_space<vmem>>[vector<16xi32>], vector<16xf32>,
        %add3A_270 = arith.addf %gather3A_265, %gather3A_269 : vector<16xf32>
        %lt3A_271 = arith.constant 0.000000e+00 : f32
        %lt3A_272 = vector.broadcast %lt3A_271 : f32 to vector<16xf32>
        %lt3A_273 = arith.cmpf olt, %add3A_270, %lt3A_272 : vector<16xf32>
        %mul3A_274 = arith.constant 2.000000e-01 : f32
        %mul3A_275 = vector.broadcast %mul3A_274 : f32 to vector<16xf32>
        %mul3A_276 = arith.mulf %add3A_270, %mul3A_275 : vector<16xf32>
        %select_n3A_277 = arith.select %lt3A_273, %mul3A_276, %add3A_270 : vector<16xi1>, vector<16xf32>
        %get3A_278 = arith.constant 32 : index
        %get3A_279 = tpu.vector_load %arg10[%get3A_278] {strides = array<i32>} : memref<64xf32, #tpu.memory_space<vmem>>, vector<16xf32>,
        %sub3A_280 = arith.subf %select_n3A_277, %get3A_279 : vector<16xf32>
        %exp3A_281 = math.exp %sub3A_280 : vector<16xf32>
        %swap3A_282 = arith.constant 160 : index
        %swap3A_283 = tpu.vector_load %arg14[%swap3A_282] {strides = array<i32>} : memref<256xf32, #tpu.memory_space<vmem>>, vector<16xf32>,
        tpu.vector_store %arg14[%swap3A_282], %exp3A_281 {strides = array<i32>} : memref<256xf32, #tpu.memory_space<vmem>>, vector<16xf32>,
        %add3A_284 = arith.constant 3 : i32
        %add3A_285 = vector.broadcast %add3A_284 : i32 to vector<16xi32>
        %add3A_286 = arith.addi %mul3A_212, %add3A_285 : vector<16xi32>
        %gather3A_287 = tpu.vector_load_idx %arg9[%add3A_286] : memref<80000xf32, #tpu.memory_space<vmem>>[vector<16xi32>], vector<16xf32>,
        %add3A_288 = arith.constant 7 : i32
        %add3A_289 = vector.broadcast %add3A_288 : i32 to vector<16xi32>
        %add3A_290 = arith.addi %mul3A_217, %add3A_289 : vector<16xi32>
        %gather3A_291 = tpu.vector_load_idx %arg9[%add3A_290] : memref<80000xf32, #tpu.memory_space<vmem>>[vector<16xi32>], vector<16xf32>,
        %add3A_292 = arith.addf %gather3A_287, %gather3A_291 : vector<16xf32>
        %lt3A_293 = arith.constant 0.000000e+00 : f32
        %lt3A_294 = vector.broadcast %lt3A_293 : f32 to vector<16xf32>
        %lt3A_295 = arith.cmpf olt, %add3A_292, %lt3A_294 : vector<16xf32>
        %mul3A_296 = arith.constant 2.000000e-01 : f32
        %mul3A_297 = vector.broadcast %mul3A_296 : f32 to vector<16xf32>
        %mul3A_298 = arith.mulf %add3A_292, %mul3A_297 : vector<16xf32>
        %select_n3A_299 = arith.select %lt3A_295, %mul3A_298, %add3A_292 : vector<16xi1>, vector<16xf32>
        %get3A_300 = arith.constant 48 : index
        %get3A_301 = tpu.vector_load %arg10[%get3A_300] {strides = array<i32>} : memref<64xf32, #tpu.memory_space<vmem>>, vector<16xf32>,
        %sub3A_302 = arith.subf %select_n3A_299, %get3A_301 : vector<16xf32>
        %exp3A_303 = math.exp %sub3A_302 : vector<16xf32>
        %swap3A_304 = arith.constant 224 : index
        %swap3A_305 = tpu.vector_load %arg14[%swap3A_304] {strides = array<i32>} : memref<256xf32, #tpu.memory_space<vmem>>, vector<16xf32>,
        tpu.vector_store %arg14[%swap3A_304], %exp3A_303 {strides = array<i32>} : memref<256xf32, #tpu.memory_space<vmem>>, vector<16xf32>,
        %get3A_306 = arith.constant 48 : index
        %get3A_307 = tpu.vector_load %arg11[%get3A_306] {strides = array<i32>} : memref<64xi32, #tpu.memory_space<vmem>>, vector<16xi32>,
        %mul3A_308 = arith.constant 8 : i32
        %mul3A_309 = vector.broadcast %mul3A_308 : i32 to vector<16xi32>
        %mul3A_310 = arith.muli %get3A_307, %mul3A_309 : vector<16xi32>
        %get3A_311 = arith.constant 48 : index
        %get3A_312 = tpu.vector_load %arg12[%get3A_311] {strides = array<i32>} : memref<64xi32, #tpu.memory_space<vmem>>, vector<16xi32>,
        %mul3A_313 = arith.constant 8 : i32
        %mul3A_314 = vector.broadcast %mul3A_313 : i32 to vector<16xi32>
        %mul3A_315 = arith.muli %get3A_312, %mul3A_314 : vector<16xi32>
        %add3A_316 = arith.constant 0 : i32
        %add3A_317 = vector.broadcast %add3A_316 : i32 to vector<16xi32>
        %add3A_318 = arith.addi %mul3A_310, %add3A_317 : vector<16xi32>
        %gather3A_319 = tpu.vector_load_idx %arg9[%add3A_318] : memref<80000xf32, #tpu.memory_space<vmem>>[vector<16xi32>], vector<16xf32>,
        %add3A_320 = arith.constant 4 : i32
        %add3A_321 = vector.broadcast %add3A_320 : i32 to vector<16xi32>
        %add3A_322 = arith.addi %mul3A_315, %add3A_321 : vector<16xi32>
        %gather3A_323 = tpu.vector_load_idx %arg9[%add3A_322] : memref<80000xf32, #tpu.memory_space<vmem>>[vector<16xi32>], vector<16xf32>,
        %add3A_324 = arith.addf %gather3A_319, %gather3A_323 : vector<16xf32>
        %lt3A_325 = arith.constant 0.000000e+00 : f32
        %lt3A_326 = vector.broadcast %lt3A_325 : f32 to vector<16xf32>
        %lt3A_327 = arith.cmpf olt, %add3A_324, %lt3A_326 : vector<16xf32>
        %mul3A_328 = arith.constant 2.000000e-01 : f32
        %mul3A_329 = vector.broadcast %mul3A_328 : f32 to vector<16xf32>
        %mul3A_330 = arith.mulf %add3A_324, %mul3A_329 : vector<16xf32>
        %select_n3A_331 = arith.select %lt3A_327, %mul3A_330, %add3A_324 : vector<16xi1>, vector<16xf32>
        %get3A_332 = arith.constant 0 : index
        %get3A_333 = tpu.vector_load %arg10[%get3A_332] {strides = array<i32>} : memref<64xf32, #tpu.memory_space<vmem>>, vector<16xf32>,
        %sub3A_334 = arith.subf %select_n3A_331, %get3A_333 : vector<16xf32>
        %exp3A_335 = math.exp %sub3A_334 : vector<16xf32>
        %swap3A_336 = arith.constant 48 : index
        %swap3A_337 = tpu.vector_load %arg14[%swap3A_336] {strides = array<i32>} : memref<256xf32, #tpu.memory_space<vmem>>, vector<16xf32>,
        tpu.vector_store %arg14[%swap3A_336], %exp3A_335 {strides = array<i32>} : memref<256xf32, #tpu.memory_space<vmem>>, vector<16xf32>,
        %add3A_338 = arith.constant 1 : i32
        %add3A_339 = vector.broadcast %add3A_338 : i32 to vector<16xi32>
        %add3A_340 = arith.addi %mul3A_310, %add3A_339 : vector<16xi32>
        %gather3A_341 = tpu.vector_load_idx %arg9[%add3A_340] : memref<80000xf32, #tpu.memory_space<vmem>>[vector<16xi32>], vector<16xf32>,
        %add3A_342 = arith.constant 5 : i32
        %add3A_343 = vector.broadcast %add3A_342 : i32 to vector<16xi32>
        %add3A_344 = arith.addi %mul3A_315, %add3A_343 : vector<16xi32>
        %gather3A_345 = tpu.vector_load_idx %arg9[%add3A_344] : memref<80000xf32, #tpu.memory_space<vmem>>[vector<16xi32>], vector<16xf32>,
        %add3A_346 = arith.addf %gather3A_341, %gather3A_345 : vector<16xf32>
        %lt3A_347 = arith.constant 0.000000e+00 : f32
        %lt3A_348 = vector.broadcast %lt3A_347 : f32 to vector<16xf32>
        %lt3A_349 = arith.cmpf olt, %add3A_346, %lt3A_348 : vector<16xf32>
        %mul3A_350 = arith.constant 2.000000e-01 : f32
        %mul3A_351 = vector.broadcast %mul3A_350 : f32 to vector<16xf32>
        %mul3A_352 = arith.mulf %add3A_346, %mul3A_351 : vector<16xf32>
        %select_n3A_353 = arith.select %lt3A_349, %mul3A_352, %add3A_346 : vector<16xi1>, vector<16xf32>
        %get3A_354 = arith.constant 16 : index
        %get3A_355 = tpu.vector_load %arg10[%get3A_354] {strides = array<i32>} : memref<64xf32, #tpu.memory_space<vmem>>, vector<16xf32>,
        %sub3A_356 = arith.subf %select_n3A_353, %get3A_355 : vector<16xf32>
        %exp3A_357 = math.exp %sub3A_356 : vector<16xf32>
        %swap3A_358 = arith.constant 112 : index
        %swap3A_359 = tpu.vector_load %arg14[%swap3A_358] {strides = array<i32>} : memref<256xf32, #tpu.memory_space<vmem>>, vector<16xf32>,
        tpu.vector_store %arg14[%swap3A_358], %exp3A_357 {strides = array<i32>} : memref<256xf32, #tpu.memory_space<vmem>>, vector<16xf32>,
        %add3A_360 = arith.constant 2 : i32
        %add3A_361 = vector.broadcast %add3A_360 : i32 to vector<16xi32>
        %add3A_362 = arith.addi %mul3A_310, %add3A_361 : vector<16xi32>
        %gather3A_363 = tpu.vector_load_idx %arg9[%add3A_362] : memref<80000xf32, #tpu.memory_space<vmem>>[vector<16xi32>], vector<16xf32>,
        %add3A_364 = arith.constant 6 : i32
        %add3A_365 = vector.broadcast %add3A_364 : i32 to vector<16xi32>
        %add3A_366 = arith.addi %mul3A_315, %add3A_365 : vector<16xi32>
        %gather3A_367 = tpu.vector_load_idx %arg9[%add3A_366] : memref<80000xf32, #tpu.memory_space<vmem>>[vector<16xi32>], vector<16xf32>,
        %add3A_368 = arith.addf %gather3A_363, %gather3A_367 : vector<16xf32>
        %lt3A_369 = arith.constant 0.000000e+00 : f32
        %lt3A_370 = vector.broadcast %lt3A_369 : f32 to vector<16xf32>
        %lt3A_371 = arith.cmpf olt, %add3A_368, %lt3A_370 : vector<16xf32>
        %mul3A_372 = arith.constant 2.000000e-01 : f32
        %mul3A_373 = vector.broadcast %mul3A_372 : f32 to vector<16xf32>
        %mul3A_374 = arith.mulf %add3A_368, %mul3A_373 : vector<16xf32>
        %select_n3A_375 = arith.select %lt3A_371, %mul3A_374, %add3A_368 : vector<16xi1>, vector<16xf32>
        %get3A_376 = arith.constant 32 : index
        %get3A_377 = tpu.vector_load %arg10[%get3A_376] {strides = array<i32>} : memref<64xf32, #tpu.memory_space<vmem>>, vector<16xf32>,
        %sub3A_378 = arith.subf %select_n3A_375, %get3A_377 : vector<16xf32>
        %exp3A_379 = math.exp %sub3A_378 : vector<16xf32>
        %swap3A_380 = arith.constant 176 : index
        %swap3A_381 = tpu.vector_load %arg14[%swap3A_380] {strides = array<i32>} : memref<256xf32, #tpu.memory_space<vmem>>, vector<16xf32>,
        tpu.vector_store %arg14[%swap3A_380], %exp3A_379 {strides = array<i32>} : memref<256xf32, #tpu.memory_space<vmem>>, vector<16xf32>,
        %add3A_382 = arith.constant 3 : i32
        %add3A_383 = vector.broadcast %add3A_382 : i32 to vector<16xi32>
        %add3A_384 = arith.addi %mul3A_310, %add3A_383 : vector<16xi32>
        %gather3A_385 = tpu.vector_load_idx %arg9[%add3A_384] : memref<80000xf32, #tpu.memory_space<vmem>>[vector<16xi32>], vector<16xf32>,
        %add3A_386 = arith.constant 7 : i32
        %add3A_387 = vector.broadcast %add3A_386 : i32 to vector<16xi32>
        %add3A_388 = arith.addi %mul3A_315, %add3A_387 : vector<16xi32>
        %gather3A_389 = tpu.vector_load_idx %arg9[%add3A_388] : memref<80000xf32, #tpu.memory_space<vmem>>[vector<16xi32>], vector<16xf32>,
        %add3A_390 = arith.addf %gather3A_385, %gather3A_389 : vector<16xf32>
        %lt3A_391 = arith.constant 0.000000e+00 : f32
        %lt3A_392 = vector.broadcast %lt3A_391 : f32 to vector<16xf32>
        %lt3A_393 = arith.cmpf olt, %add3A_390, %lt3A_392 : vector<16xf32>
        %mul3A_394 = arith.constant 2.000000e-01 : f32
        %mul3A_395 = vector.broadcast %mul3A_394 : f32 to vector<16xf32>
        %mul3A_396 = arith.mulf %add3A_390, %mul3A_395 : vector<16xf32>
        %select_n3A_397 = arith.select %lt3A_393, %mul3A_396, %add3A_390 : vector<16xi1>, vector<16xf32>
        %get3A_398 = arith.constant 48 : index
        %get3A_399 = tpu.vector_load %arg10[%get3A_398] {strides = array<i32>} : memref<64xf32, #tpu.memory_space<vmem>>, vector<16xf32>,
        %sub3A_400 = arith.subf %select_n3A_397, %get3A_399 : vector<16xf32>
        %exp3A_401 = math.exp %sub3A_400 : vector<16xf32>
        %swap3A_402 = arith.constant 240 : index
        %swap3A_403 = tpu.vector_load %arg14[%swap3A_402] {strides = array<i32>} : memref<256xf32, #tpu.memory_space<vmem>>, vector<16xf32>,
        tpu.vector_store %arg14[%swap3A_402], %exp3A_401 {strides = array<i32>} : memref<256xf32, #tpu.memory_space<vmem>>, vector<16xf32>,
        %add3A_404 = arith.constant 0 : i32
        %add3A_405 = arith.addi %add3A_404, %mul3A_13 : i32
        "tpu.region"() ({
          %run_scoped3A = tpu.sem_alloc : memref<!tpu.dma_semaphore, #tpu.memory_space<semaphore_mem>>
          %dma_start3A_412 = arith.constant 0 : i32
          %dma_start3A_413 = tpu.memref_slice %arg14[%dma_start3A_412] : memref<256xf32, #tpu.memory_space<vmem>> -> memref<64xf32, #tpu.memory_space<vmem>>
          %dma_start3A_414 = tpu.memref_slice %arg8[%add3A_405] : memref<640000xf32, #tpu.memory_space<hbm>> -> memref<64xf32, #tpu.memory_space<hbm>>
          %dma_start3A_415 = tpu.memref_slice %arg8[%add3A_405] : memref<640000xf32, #tpu.memory_space<hbm>> -> memref<64xf32, #tpu.memory_space<hbm>>
          %dma_start3A_416 = arith.constant 0 : i32
          %dma_start3A_417 = tpu.memref_slice %arg14[%dma_start3A_416] : memref<256xf32, #tpu.memory_space<vmem>> -> memref<64xf32, #tpu.memory_space<vmem>>
          tpu.enqueue_dma source(%dma_start3A_417 : memref<64xf32, #tpu.memory_space<vmem>>) target(%dma_start3A_415 : memref<64xf32, #tpu.memory_space<hbm>>) target_semaphore(%run_scoped3A : memref<!tpu.dma_semaphore, #tpu.memory_space<semaphore_mem>>)
          %dma_wait3A_418 = arith.constant 0 : i32
          %dma_wait3A_419 = tpu.memref_slice %arg14[%dma_wait3A_418] : memref<256xf32, #tpu.memory_space<vmem>> -> memref<64xf32, #tpu.memory_space<vmem>>
          %dma_wait3A_420 = tpu.memref_slice %arg8[%add3A_405] : memref<640000xf32, #tpu.memory_space<hbm>> -> memref<64xf32, #tpu.memory_space<hbm>>
          %dma_wait3A_421 = tpu.memref_slice %arg8[%add3A_405] : memref<640000xf32, #tpu.memory_space<hbm>> -> memref<64xf32, #tpu.memory_space<hbm>>
          %dma_wait3A_422 = arith.constant 0 : i32
          %dma_wait3A_423 = tpu.memref_slice %arg14[%dma_wait3A_422] : memref<256xf32, #tpu.memory_space<vmem>> -> memref<64xf32, #tpu.memory_space<vmem>>
          tpu.wait_dma2 semaphore(%run_scoped3A : memref<!tpu.dma_semaphore, #tpu.memory_space<semaphore_mem>>) src(%dma_wait3A_423 : memref<64xf32, #tpu.memory_space<vmem>>) dst(%dma_wait3A_421 : memref<64xf32, #tpu.memory_space<hbm>>)
          tpu.yield
        }) : () -> ()
        %add3A_406 = arith.constant 160000 : i32
        %add3A_407 = arith.addi %add3A_406, %mul3A_13 : i32
        "tpu.region"() ({
          %run_scoped3A = tpu.sem_alloc : memref<!tpu.dma_semaphore, #tpu.memory_space<semaphore_mem>>
          %dma_start3A_412 = arith.constant 64 : i32
          %dma_start3A_413 = tpu.memref_slice %arg14[%dma_start3A_412] : memref<256xf32, #tpu.memory_space<vmem>> -> memref<64xf32, #tpu.memory_space<vmem>>
          %dma_start3A_414 = tpu.memref_slice %arg8[%add3A_407] : memref<640000xf32, #tpu.memory_space<hbm>> -> memref<64xf32, #tpu.memory_space<hbm>>
          %dma_start3A_415 = tpu.memref_slice %arg8[%add3A_407] : memref<640000xf32, #tpu.memory_space<hbm>> -> memref<64xf32, #tpu.memory_space<hbm>>
          %dma_start3A_416 = arith.constant 64 : i32
          %dma_start3A_417 = tpu.memref_slice %arg14[%dma_start3A_416] : memref<256xf32, #tpu.memory_space<vmem>> -> memref<64xf32, #tpu.memory_space<vmem>>
          tpu.enqueue_dma source(%dma_start3A_417 : memref<64xf32, #tpu.memory_space<vmem>>) target(%dma_start3A_415 : memref<64xf32, #tpu.memory_space<hbm>>) target_semaphore(%run_scoped3A : memref<!tpu.dma_semaphore, #tpu.memory_space<semaphore_mem>>)
          %dma_wait3A_418 = arith.constant 64 : i32
          %dma_wait3A_419 = tpu.memref_slice %arg14[%dma_wait3A_418] : memref<256xf32, #tpu.memory_space<vmem>> -> memref<64xf32, #tpu.memory_space<vmem>>
          %dma_wait3A_420 = tpu.memref_slice %arg8[%add3A_407] : memref<640000xf32, #tpu.memory_space<hbm>> -> memref<64xf32, #tpu.memory_space<hbm>>
          %dma_wait3A_421 = tpu.memref_slice %arg8[%add3A_407] : memref<640000xf32, #tpu.memory_space<hbm>> -> memref<64xf32, #tpu.memory_space<hbm>>
          %dma_wait3A_422 = arith.constant 64 : i32
          %dma_wait3A_423 = tpu.memref_slice %arg14[%dma_wait3A_422] : memref<256xf32, #tpu.memory_space<vmem>> -> memref<64xf32, #tpu.memory_space<vmem>>
          tpu.wait_dma2 semaphore(%run_scoped3A : memref<!tpu.dma_semaphore, #tpu.memory_space<semaphore_mem>>) src(%dma_wait3A_423 : memref<64xf32, #tpu.memory_space<vmem>>) dst(%dma_wait3A_421 : memref<64xf32, #tpu.memory_space<hbm>>)
          tpu.yield
        }) : () -> ()
        %add3A_408 = arith.constant 320000 : i32
        %add3A_409 = arith.addi %add3A_408, %mul3A_13 : i32
        "tpu.region"() ({
          %run_scoped3A = tpu.sem_alloc : memref<!tpu.dma_semaphore, #tpu.memory_space<semaphore_mem>>
          %dma_start3A_412 = arith.constant 128 : i32
          %dma_start3A_413 = tpu.memref_slice %arg14[%dma_start3A_412] : memref<256xf32, #tpu.memory_space<vmem>> -> memref<64xf32, #tpu.memory_space<vmem>>
          %dma_start3A_414 = tpu.memref_slice %arg8[%add3A_409] : memref<640000xf32, #tpu.memory_space<hbm>> -> memref<64xf32, #tpu.memory_space<hbm>>
          %dma_start3A_415 = tpu.memref_slice %arg8[%add3A_409] : memref<640000xf32, #tpu.memory_space<hbm>> -> memref<64xf32, #tpu.memory_space<hbm>>
          %dma_start3A_416 = arith.constant 128 : i32
          %dma_start3A_417 = tpu.memref_slice %arg14[%dma_start3A_416] : memref<256xf32, #tpu.memory_space<vmem>> -> memref<64xf32, #tpu.memory_space<vmem>>
          tpu.enqueue_dma source(%dma_start3A_417 : memref<64xf32, #tpu.memory_space<vmem>>) target(%dma_start3A_415 : memref<64xf32, #tpu.memory_space<hbm>>) target_semaphore(%run_scoped3A : memref<!tpu.dma_semaphore, #tpu.memory_space<semaphore_mem>>)
          %dma_wait3A_418 = arith.constant 128 : i32
          %dma_wait3A_419 = tpu.memref_slice %arg14[%dma_wait3A_418] : memref<256xf32, #tpu.memory_space<vmem>> -> memref<64xf32, #tpu.memory_space<vmem>>
          %dma_wait3A_420 = tpu.memref_slice %arg8[%add3A_409] : memref<640000xf32, #tpu.memory_space<hbm>> -> memref<64xf32, #tpu.memory_space<hbm>>
          %dma_wait3A_421 = tpu.memref_slice %arg8[%add3A_409] : memref<640000xf32, #tpu.memory_space<hbm>> -> memref<64xf32, #tpu.memory_space<hbm>>
          %dma_wait3A_422 = arith.constant 128 : i32
          %dma_wait3A_423 = tpu.memref_slice %arg14[%dma_wait3A_422] : memref<256xf32, #tpu.memory_space<vmem>> -> memref<64xf32, #tpu.memory_space<vmem>>
          tpu.wait_dma2 semaphore(%run_scoped3A : memref<!tpu.dma_semaphore, #tpu.memory_space<semaphore_mem>>) src(%dma_wait3A_423 : memref<64xf32, #tpu.memory_space<vmem>>) dst(%dma_wait3A_421 : memref<64xf32, #tpu.memory_space<hbm>>)
          tpu.yield
        }) : () -> ()
        %add3A_410 = arith.constant 480000 : i32
        %add3A_411 = arith.addi %add3A_410, %mul3A_13 : i32
        "tpu.region"() ({
          %run_scoped3A = tpu.sem_alloc : memref<!tpu.dma_semaphore, #tpu.memory_space<semaphore_mem>>
          %dma_start3A_412 = arith.constant 192 : i32
          %dma_start3A_413 = tpu.memref_slice %arg14[%dma_start3A_412] : memref<256xf32, #tpu.memory_space<vmem>> -> memref<64xf32, #tpu.memory_space<vmem>>
          %dma_start3A_414 = tpu.memref_slice %arg8[%add3A_411] : memref<640000xf32, #tpu.memory_space<hbm>> -> memref<64xf32, #tpu.memory_space<hbm>>
          %dma_start3A_415 = tpu.memref_slice %arg8[%add3A_411] : memref<640000xf32, #tpu.memory_space<hbm>> -> memref<64xf32, #tpu.memory_space<hbm>>
          %dma_start3A_416 = arith.constant 192 : i32
          %dma_start3A_417 = tpu.memref_slice %arg14[%dma_start3A_416] : memref<256xf32, #tpu.memory_space<vmem>> -> memref<64xf32, #tpu.memory_space<vmem>>
          tpu.enqueue_dma source(%dma_start3A_417 : memref<64xf32, #tpu.memory_space<vmem>>) target(%dma_start3A_415 : memref<64xf32, #tpu.memory_space<hbm>>) target_semaphore(%run_scoped3A : memref<!tpu.dma_semaphore, #tpu.memory_space<semaphore_mem>>)
          %dma_wait3A_418 = arith.constant 192 : i32
          %dma_wait3A_419 = tpu.memref_slice %arg14[%dma_wait3A_418] : memref<256xf32, #tpu.memory_space<vmem>> -> memref<64xf32, #tpu.memory_space<vmem>>
          %dma_wait3A_420 = tpu.memref_slice %arg8[%add3A_411] : memref<640000xf32, #tpu.memory_space<hbm>> -> memref<64xf32, #tpu.memory_space<hbm>>
          %dma_wait3A_421 = tpu.memref_slice %arg8[%add3A_411] : memref<640000xf32, #tpu.memory_space<hbm>> -> memref<64xf32, #tpu.memory_space<hbm>>
          %dma_wait3A_422 = arith.constant 192 : i32
          %dma_wait3A_423 = tpu.memref_slice %arg14[%dma_wait3A_422] : memref<256xf32, #tpu.memory_space<vmem>> -> memref<64xf32, #tpu.memory_space<vmem>>
          tpu.wait_dma2 semaphore(%run_scoped3A : memref<!tpu.dma_semaphore, #tpu.memory_space<semaphore_mem>>) src(%dma_wait3A_423 : memref<64xf32, #tpu.memory_space<vmem>>) dst(%dma_wait3A_421 : memref<64xf32, #tpu.memory_space<hbm>>)
          tpu.yield
        }) : () -> ()
      } else {
      }
    }
    %scan3A_5 = arith.constant 79 : i32
    return
  }
}

#map = affine_map<(d0, d1) -> (0, 0)>
#map1 = affine_map<(d0, d1) -> (0)>
module attributes {stable_mosaic.version = 14 : i64} {
  func.func @_sc_gather2_body(%arg0: i32, %arg1: i32, %arg2: memref<10000x256xi32, #tpu.memory_space<hbm>>, %arg3: memref<10000x256xi32, #tpu.memory_space<hbm>>, %arg4: memref<160000xi32, #tpu.memory_space<hbm>>, %arg5: memref<160000xi32, #tpu.memory_space<hbm>>, %arg6: memref<160000x256xi32, #tpu.memory_space<hbm>>, %arg7: memref<160000x256xi32, #tpu.memory_space<hbm>>, %arg8: memref<64xi32, #tpu.memory_space<vmem>>, %arg9: memref<64xi32, #tpu.memory_space<vmem>>, %arg10: memref<64x256xi32, #tpu.memory_space<vmem>>, %arg11: memref<!tpu.dma_semaphore, #tpu.memory_space<semaphore_mem>>) attributes {dimension_semantics = [#tpu.dimension_semantics<core_parallel>, #tpu.dimension_semantics<subcore_parallel>], iteration_bounds = array<i64: 2, 16>, scalar_prefetch = 0 : i64, scratch_operands = 4 : i64, tpu.core_type = #tpu.core_type<sc_vector_subcore>, window_params = [{transform_indices = #map}, {transform_indices = #map}, {transform_indices = #map1}, {transform_indices = #map1}, {transform_indices = #map}, {transform_indices = #map}]} {
    %mul3A = arith.constant 2 : i32
    %mul3A_0 = arith.muli %arg1, %mul3A : i32
    %add3A = arith.addi %mul3A_0, %arg0 : i32
    %scan3A = arith.constant 0 : i32
    %scan3A_1 = arith.constant 0 : i32
    %scan3A_2 = arith.constant 79 : i32
    %scan3A_3 = arith.addi %scan3A_1, %scan3A_2 : i32
    %scan3A_4 = arith.constant 1 : i32
    scf.for %scan3A_6 = %scan3A_1 to %scan3A_3 step %scan3A_4  : i32 {
      %mul3A_7 = arith.constant 32 : i32
      %mul3A_8 = arith.muli %mul3A_7, %scan3A_6 : i32
      %add3A_9 = arith.addi %add3A, %mul3A_8 : i32
      %lt3A = arith.constant 2500 : i32
      %lt3A_10 = arith.cmpi slt, %add3A_9, %lt3A : i32
      %convert_element_type3A = arith.extui %lt3A_10 : i1 to i32
      %cond3A = arith.constant 0 : i32
      %cond3A_11 = arith.cmpi ne, %convert_element_type3A, %cond3A : i32
      scf.if %cond3A_11 {
        %mul3A_12 = arith.constant 64 : i32
        %mul3A_13 = arith.muli %add3A_9, %mul3A_12 : i32
        "tpu.region"() ({
          %run_scoped3A = tpu.sem_alloc : memref<!tpu.dma_semaphore, #tpu.memory_space<semaphore_mem>>
          %dma_start3A_24 = tpu.memref_slice %arg4[%mul3A_13] : memref<160000xi32, #tpu.memory_space<hbm>> -> memref<64xi32, #tpu.memory_space<hbm>>
          %dma_start3A_25 = tpu.memref_slice %arg4[%mul3A_13] : memref<160000xi32, #tpu.memory_space<hbm>> -> memref<64xi32, #tpu.memory_space<hbm>>
          tpu.enqueue_dma source(%dma_start3A_25 : memref<64xi32, #tpu.memory_space<hbm>>) target(%arg8 : memref<64xi32, #tpu.memory_space<vmem>>) target_semaphore(%run_scoped3A : memref<!tpu.dma_semaphore, #tpu.memory_space<semaphore_mem>>)
          %dma_wait3A_26 = tpu.memref_slice %arg4[%mul3A_13] : memref<160000xi32, #tpu.memory_space<hbm>> -> memref<64xi32, #tpu.memory_space<hbm>>
          %dma_wait3A_27 = tpu.memref_slice %arg4[%mul3A_13] : memref<160000xi32, #tpu.memory_space<hbm>> -> memref<64xi32, #tpu.memory_space<hbm>>
          tpu.wait_dma2 semaphore(%run_scoped3A : memref<!tpu.dma_semaphore, #tpu.memory_space<semaphore_mem>>) src(%dma_wait3A_27 : memref<64xi32, #tpu.memory_space<hbm>>) dst(%arg8 : memref<64xi32, #tpu.memory_space<vmem>>)
          tpu.yield
        }) : () -> ()
        "tpu.region"() ({
          %run_scoped3A = tpu.sem_alloc : memref<!tpu.dma_semaphore, #tpu.memory_space<semaphore_mem>>
          %dma_start3A_24 = tpu.memref_slice %arg5[%mul3A_13] : memref<160000xi32, #tpu.memory_space<hbm>> -> memref<64xi32, #tpu.memory_space<hbm>>
          %dma_start3A_25 = tpu.memref_slice %arg5[%mul3A_13] : memref<160000xi32, #tpu.memory_space<hbm>> -> memref<64xi32, #tpu.memory_space<hbm>>
          tpu.enqueue_dma source(%dma_start3A_25 : memref<64xi32, #tpu.memory_space<hbm>>) target(%arg9 : memref<64xi32, #tpu.memory_space<vmem>>) target_semaphore(%run_scoped3A : memref<!tpu.dma_semaphore, #tpu.memory_space<semaphore_mem>>)
          %dma_wait3A_26 = tpu.memref_slice %arg5[%mul3A_13] : memref<160000xi32, #tpu.memory_space<hbm>> -> memref<64xi32, #tpu.memory_space<hbm>>
          %dma_wait3A_27 = tpu.memref_slice %arg5[%mul3A_13] : memref<160000xi32, #tpu.memory_space<hbm>> -> memref<64xi32, #tpu.memory_space<hbm>>
          tpu.wait_dma2 semaphore(%run_scoped3A : memref<!tpu.dma_semaphore, #tpu.memory_space<semaphore_mem>>) src(%dma_wait3A_27 : memref<64xi32, #tpu.memory_space<hbm>>) dst(%arg9 : memref<64xi32, #tpu.memory_space<vmem>>)
          tpu.yield
        }) : () -> ()
        %dma_start3A = arith.constant 0 : i32
        %dma_start3A_14 = arith.constant 0 : i32
        %dma_start3A_15 = tpu.memref_slice %arg2[%dma_start3A, %dma_start3A_14] : memref<10000x256xi32, #tpu.memory_space<hbm>> -> memref<10000x256xi32, #tpu.memory_space<hbm>>
        tpu.enqueue_indirect_dma source(%dma_start3A_15 : memref<10000x256xi32, #tpu.memory_space<hbm>>) target(%arg10 : memref<64x256xi32, #tpu.memory_space<vmem>>) offsets(%arg8 : memref<64xi32, #tpu.memory_space<vmem>>) semaphore(%arg11 : memref<!tpu.dma_semaphore, #tpu.memory_space<semaphore_mem>>)
        %dma_wait3A = arith.constant 0 : i32
        %dma_wait3A_16 = arith.constant 0 : i32
        %dma_wait3A_17 = tpu.memref_slice %arg2[%dma_wait3A, %dma_wait3A_16] : memref<10000x256xi32, #tpu.memory_space<hbm>> -> memref<10000x256xi32, #tpu.memory_space<hbm>>
        tpu.wait_indirect_dma semaphore(%arg11 : memref<!tpu.dma_semaphore, #tpu.memory_space<semaphore_mem>>) src(%dma_wait3A_17 : memref<10000x256xi32, #tpu.memory_space<hbm>>) dst(%arg10 : memref<64x256xi32, #tpu.memory_space<vmem>>)
        "tpu.region"() ({
          %run_scoped3A = tpu.sem_alloc : memref<!tpu.dma_semaphore, #tpu.memory_space<semaphore_mem>>
          %dma_start3A_24 = arith.constant 0 : i32
          %dma_start3A_25 = tpu.memref_slice %arg6[%mul3A_13, %dma_start3A_24] : memref<160000x256xi32, #tpu.memory_space<hbm>> -> memref<64x256xi32, #tpu.memory_space<hbm>>
          %dma_start3A_26 = arith.constant 0 : i32
          %dma_start3A_27 = tpu.memref_slice %arg6[%mul3A_13, %dma_start3A_26] : memref<160000x256xi32, #tpu.memory_space<hbm>> -> memref<64x256xi32, #tpu.memory_space<hbm>>
          tpu.enqueue_dma source(%arg10 : memref<64x256xi32, #tpu.memory_space<vmem>>) target(%dma_start3A_27 : memref<64x256xi32, #tpu.memory_space<hbm>>) target_semaphore(%run_scoped3A : memref<!tpu.dma_semaphore, #tpu.memory_space<semaphore_mem>>)
          %dma_wait3A_28 = arith.constant 0 : i32
          %dma_wait3A_29 = tpu.memref_slice %arg6[%mul3A_13, %dma_wait3A_28] : memref<160000x256xi32, #tpu.memory_space<hbm>> -> memref<64x256xi32, #tpu.memory_space<hbm>>
          %dma_wait3A_30 = arith.constant 0 : i32
          %dma_wait3A_31 = tpu.memref_slice %arg6[%mul3A_13, %dma_wait3A_30] : memref<160000x256xi32, #tpu.memory_space<hbm>> -> memref<64x256xi32, #tpu.memory_space<hbm>>
          tpu.wait_dma2 semaphore(%run_scoped3A : memref<!tpu.dma_semaphore, #tpu.memory_space<semaphore_mem>>) src(%arg10 : memref<64x256xi32, #tpu.memory_space<vmem>>) dst(%dma_wait3A_31 : memref<64x256xi32, #tpu.memory_space<hbm>>)
          tpu.yield
        }) : () -> ()
        %dma_start3A_18 = arith.constant 0 : i32
        %dma_start3A_19 = arith.constant 0 : i32
        %dma_start3A_20 = tpu.memref_slice %arg3[%dma_start3A_18, %dma_start3A_19] : memref<10000x256xi32, #tpu.memory_space<hbm>> -> memref<10000x256xi32, #tpu.memory_space<hbm>>
        tpu.enqueue_indirect_dma source(%dma_start3A_20 : memref<10000x256xi32, #tpu.memory_space<hbm>>) target(%arg10 : memref<64x256xi32, #tpu.memory_space<vmem>>) offsets(%arg9 : memref<64xi32, #tpu.memory_space<vmem>>) semaphore(%arg11 : memref<!tpu.dma_semaphore, #tpu.memory_space<semaphore_mem>>)
        %dma_wait3A_21 = arith.constant 0 : i32
        %dma_wait3A_22 = arith.constant 0 : i32
        %dma_wait3A_23 = tpu.memref_slice %arg3[%dma_wait3A_21, %dma_wait3A_22] : memref<10000x256xi32, #tpu.memory_space<hbm>> -> memref<10000x256xi32, #tpu.memory_space<hbm>>
        tpu.wait_indirect_dma semaphore(%arg11 : memref<!tpu.dma_semaphore, #tpu.memory_space<semaphore_mem>>) src(%dma_wait3A_23 : memref<10000x256xi32, #tpu.memory_space<hbm>>) dst(%arg10 : memref<64x256xi32, #tpu.memory_space<vmem>>)
        "tpu.region"() ({
          %run_scoped3A = tpu.sem_alloc : memref<!tpu.dma_semaphore, #tpu.memory_space<semaphore_mem>>
          %dma_start3A_24 = arith.constant 0 : i32
          %dma_start3A_25 = tpu.memref_slice %arg7[%mul3A_13, %dma_start3A_24] : memref<160000x256xi32, #tpu.memory_space<hbm>> -> memref<64x256xi32, #tpu.memory_space<hbm>>
          %dma_start3A_26 = arith.constant 0 : i32
          %dma_start3A_27 = tpu.memref_slice %arg7[%mul3A_13, %dma_start3A_26] : memref<160000x256xi32, #tpu.memory_space<hbm>> -> memref<64x256xi32, #tpu.memory_space<hbm>>
          tpu.enqueue_dma source(%arg10 : memref<64x256xi32, #tpu.memory_space<vmem>>) target(%dma_start3A_27 : memref<64x256xi32, #tpu.memory_space<hbm>>) target_semaphore(%run_scoped3A : memref<!tpu.dma_semaphore, #tpu.memory_space<semaphore_mem>>)
          %dma_wait3A_28 = arith.constant 0 : i32
          %dma_wait3A_29 = tpu.memref_slice %arg7[%mul3A_13, %dma_wait3A_28] : memref<160000x256xi32, #tpu.memory_space<hbm>> -> memref<64x256xi32, #tpu.memory_space<hbm>>
          %dma_wait3A_30 = arith.constant 0 : i32
          %dma_wait3A_31 = tpu.memref_slice %arg7[%mul3A_13, %dma_wait3A_30] : memref<160000x256xi32, #tpu.memory_space<hbm>> -> memref<64x256xi32, #tpu.memory_space<hbm>>
          tpu.wait_dma2 semaphore(%run_scoped3A : memref<!tpu.dma_semaphore, #tpu.memory_space<semaphore_mem>>) src(%arg10 : memref<64x256xi32, #tpu.memory_space<vmem>>) dst(%dma_wait3A_31 : memref<64x256xi32, #tpu.memory_space<hbm>>)
          tpu.yield
        }) : () -> ()
      } else {
      }
    }
    %scan3A_5 = arith.constant 79 : i32
    return
  }
}

module attributes {stable_mosaic.version = 14 : i64} {
  func.func @_mm_scores_body(%arg0: i32, %arg1: memref<2000x256xf32, #tpu.memory_space<vmem>>, %arg2: memref<256x512xf32, #tpu.memory_space<vmem>>, %arg3: memref<8x512xf32, #tpu.memory_space<vmem>>, %arg4: memref<512x128xf32, #tpu.memory_space<vmem>>, %arg5: memref<2000x512xf32, #tpu.memory_space<vmem>>, %arg6: memref<2000x8xf32, #tpu.memory_space<vmem>>, %arg7: memref<8x128xf32, #tpu.memory_space<vmem>>) attributes {dimension_semantics = [#tpu.dimension_semantics<arbitrary>], iteration_bounds = array<i64: 5>, scalar_prefetch = 0 : i64, scratch_operands = 0 : i64, tpu.core_type = #tpu.core_type<tc>, window_params = [{transform_indices = @transform_0, window_bounds = array<i64: 2000, 256>}, {pipeline_mode = #tpu.pipeline_mode<synchronous>, transform_indices = @transform_1, window_bounds = array<i64: 256, 512>}, {pipeline_mode = #tpu.pipeline_mode<synchronous>, transform_indices = @transform_2, window_bounds = array<i64: 8, 512>}, {pipeline_mode = #tpu.pipeline_mode<synchronous>, transform_indices = @transform_3, window_bounds = array<i64: 512, 128>}, {transform_indices = @transform_4, window_bounds = array<i64: 2000, 512>}, {transform_indices = @transform_5, window_bounds = array<i64: 2000, 8>}, {pipeline_mode = #tpu.pipeline_mode<synchronous>, transform_indices = @transform_6, window_bounds = array<i64: 8, 128>}]} {
    %get3A = arith.constant 0 : index
    %get3A_0 = arith.constant 0 : index
    %get3A_1 = vector.load %arg1[%get3A, %get3A_0] : memref<2000x256xf32, #tpu.memory_space<vmem>>, vector<2000x256xf32>
    %get3A_2 = arith.constant 0 : index
    %get3A_3 = arith.constant 0 : index
    %get3A_4 = vector.load %arg2[%get3A_2, %get3A_3] : memref<256x512xf32, #tpu.memory_space<vmem>>, vector<256x512xf32>
    %dot_general3A = arith.constant dense<0.000000e+00> : vector<2000x512xf32>
    %dot_general3A_5 = tpu.matmul %get3A_1, %get3A_4, %dot_general3A {dimension_numbers = #tpu.dot_dimension_numbers<[1], [0], [0], [1], [0, 0, 1, 1], [], []>, transpose_lhs_hint = false} : vector<2000x256xf32>, vector<256x512xf32>, vector<2000x512xf32> -> vector<2000x512xf32>
    %get3A_6 = arith.constant 0 : index
    %get3A_7 = arith.constant 0 : index
    %get3A_8 = vector.load %arg3[%get3A_6, %get3A_7] : memref<8x512xf32, #tpu.memory_space<vmem>>, vector<1x512xf32>
    %add3A = vector.broadcast %get3A_8 : vector<1x512xf32> to vector<2000x512xf32>
    %add3A_9 = arith.addf %dot_general3A_5, %add3A : vector<2000x512xf32>
    %swap3A = arith.constant 0 : index
    %swap3A_10 = arith.constant 0 : index
    %swap3A_11 = vector.load %arg5[%swap3A, %swap3A_10] : memref<2000x512xf32, #tpu.memory_space<vmem>>, vector<2000x512xf32>
    tpu.vector_store %arg5[%swap3A, %swap3A_10], %add3A_9 {strides = array<i32>} : memref<2000x512xf32, #tpu.memory_space<vmem>>, vector<2000x512xf32>,
    %get3A_12 = arith.constant 0 : index
    %get3A_13 = arith.constant 0 : index
    %get3A_14 = vector.load %arg4[%get3A_12, %get3A_13] : memref<512x128xf32, #tpu.memory_space<vmem>>, vector<512x128xf32>
    %dot_general3A_15 = arith.constant dense<0.000000e+00> : vector<2000x128xf32>
    %dot_general3A_16 = tpu.matmul %add3A_9, %get3A_14, %dot_general3A_15 {dimension_numbers = #tpu.dot_dimension_numbers<[1], [0], [0], [1], [0, 0, 1, 1], [], []>, precision = #tpu.contract_precision<fp32>, transpose_lhs_hint = false} : vector<2000x512xf32>, vector<512x128xf32>, vector<2000x128xf32> -> vector<2000x128xf32>
    %slice3A = vector.extract_strided_slice %dot_general3A_16 {offsets = [0, 0], sizes = [2000, 8], strides = [1, 1]} : vector<2000x128xf32> to vector<2000x8xf32>
    %swap3A_17 = arith.constant 0 : index
    %swap3A_18 = arith.constant 0 : index
    %swap3A_19 = vector.load %arg6[%swap3A_17, %swap3A_18] : memref<2000x8xf32, #tpu.memory_space<vmem>>, vector<2000x8xf32>
    tpu.vector_store %arg6[%swap3A_17, %swap3A_18], %slice3A {strides = array<i32>} : memref<2000x8xf32, #tpu.memory_space<vmem>>, vector<2000x8xf32>,
    %reduce_max3A = arith.constant dense<0xFF800000> : vector<128xf32>
    %reduce_max3A_20 = vector.multi_reduction <maximumf>, %dot_general3A_16, %reduce_max3A [0] : vector<2000x128xf32> to vector<128xf32>
    %broadcast_in_dim3A = vector.shape_cast %reduce_max3A_20 : vector<128xf32> to vector<1x128xf32>
    %eq3A = arith.constant 0 : i32
    %eq3A_21 = arith.cmpi eq, %arg0, %eq3A : i32
    %convert_element_type3A = arith.extui %eq3A_21 : i1 to i32
    %cond3A = arith.constant 0 : i32
    %cond3A_22 = arith.cmpi ne, %convert_element_type3A, %cond3A : i32
    scf.if %cond3A_22 {
      %broadcast_in_dim3A_29 = arith.constant 0xFF800000 : f32
      %broadcast_in_dim3A_30 = vector.broadcast %broadcast_in_dim3A_29 : f32 to vector<8x128xf32>
      %swap3A_31 = arith.constant 0 : index
      %swap3A_32 = arith.constant 0 : index
      %swap3A_33 = vector.load %arg7[%swap3A_31, %swap3A_32] : memref<8x128xf32, #tpu.memory_space<vmem>>, vector<8x128xf32>
      tpu.vector_store %arg7[%swap3A_31, %swap3A_32], %broadcast_in_dim3A_30 {strides = array<i32>} : memref<8x128xf32, #tpu.memory_space<vmem>>, vector<8x128xf32>,
    } else {
    }
    %get3A_23 = arith.constant 0 : index
    %get3A_24 = arith.constant 0 : index
    %get3A_25 = vector.load %arg7[%get3A_23, %get3A_24] : memref<8x128xf32, #tpu.memory_space<vmem>>, vector<1x128xf32>
    %max3A = arith.maximumf %get3A_25, %broadcast_in_dim3A : vector<1x128xf32>
    %swap3A_26 = arith.constant 0 : index
    %swap3A_27 = arith.constant 0 : index
    %swap3A_28 = vector.load %arg7[%swap3A_26, %swap3A_27] : memref<8x128xf32, #tpu.memory_space<vmem>>, vector<1x128xf32>
    tpu.vector_store %arg7[%swap3A_26, %swap3A_27], %max3A {strides = array<i32>} : memref<8x128xf32, #tpu.memory_space<vmem>>, vector<1x128xf32>,
    return
  }
  func.func @transform_0(%arg0: i32) -> (i32, i32) {
    %c0_i32 = arith.constant 0 : i32
    %c0_i32_0 = arith.constant 0 : i32
    return %arg0, %c0_i32 : i32, i32
  }
  func.func @transform_1(%arg0: i32) -> (i32, i32) {
    %c0_i32 = arith.constant 0 : i32
    %c0_i32_0 = arith.constant 0 : i32
    %c0_i32_1 = arith.constant 0 : i32
    return %c0_i32, %c0_i32_0 : i32, i32
  }
  func.func @transform_2(%arg0: i32) -> (i32, i32) {
    %c0_i32 = arith.constant 0 : i32
    %c0_i32_0 = arith.constant 0 : i32
    %c0_i32_1 = arith.constant 0 : i32
    return %c0_i32, %c0_i32_0 : i32, i32
  }
  func.func @transform_3(%arg0: i32) -> (i32, i32) {
    %c0_i32 = arith.constant 0 : i32
    %c0_i32_0 = arith.constant 0 : i32
    %c0_i32_1 = arith.constant 0 : i32
    return %c0_i32, %c0_i32_0 : i32, i32
  }
  func.func @transform_4(%arg0: i32) -> (i32, i32) {
    %c0_i32 = arith.constant 0 : i32
    %c0_i32_0 = arith.constant 0 : i32
    return %arg0, %c0_i32 : i32, i32
  }
  func.func @transform_5(%arg0: i32) -> (i32, i32) {
    %c0_i32 = arith.constant 0 : i32
    %c0_i32_0 = arith.constant 0 : i32
    return %arg0, %c0_i32 : i32, i32
  }
  func.func @transform_6(%arg0: i32) -> (i32, i32) {
    %c0_i32 = arith.constant 0 : i32
    %c0_i32_0 = arith.constant 0 : i32
    %c0_i32_1 = arith.constant 0 : i32
    return %c0_i32, %c0_i32_0 : i32, i32
  }
}

module attributes {stable_mosaic.version = 14 : i64} {
  func.func @_seg_body(%arg0: i32, %arg1: memref<126xi32, #tpu.memory_space<smem>>, %arg2: memref<250x640xi32, #tpu.memory_space<any>>, %arg3: memref<160000x512xf32, #tpu.memory_space<any>>, %arg4: memref<4x160000xf32, #tpu.memory_space<any>>, %arg5: memref<80x512xf32, #tpu.memory_space<vmem>>, %arg6: memref<8x512xf32, #tpu.memory_space<vmem>>, %arg7: memref<2x640x512xf32, #tpu.memory_space<vmem>>, %arg8: memref<2x4x640xf32, #tpu.memory_space<vmem>>, %arg9: memref<2x1x640xi32, #tpu.memory_space<vmem>>, %arg10: memref<80x512xf32, #tpu.memory_space<vmem>>, %arg11: memref<80x4xf32, #tpu.memory_space<vmem>>, %arg12: memref<6x!tpu.dma_semaphore, #tpu.memory_space<semaphore_mem>>) attributes {dimension_semantics = [#tpu.dimension_semantics<arbitrary>], iteration_bounds = array<i64: 125>, scalar_prefetch = 1 : i64, scratch_operands = 6 : i64, tpu.core_type = #tpu.core_type<tc>, window_params = [{}, {}, {}, {transform_indices = @transform_3, window_bounds = array<i64: 80, 512>}, {pipeline_mode = #tpu.pipeline_mode<synchronous>, transform_indices = @transform_4, window_bounds = array<i64: 8, 512>}]} {
    %get3A = arith.index_cast %arg0 : i32 to index
    %get3A_0 = memref.load %arg1[%get3A] : memref<126xi32, #tpu.memory_space<smem>>
    %add3A = arith.constant 1 : i32
    %add3A_1 = arith.addi %arg0, %add3A : i32
    %get3A_2 = arith.index_cast %add3A_1 : i32 to index
    %get3A_3 = memref.load %arg1[%get3A_2] : memref<126xi32, #tpu.memory_space<smem>>
    %broadcast_in_dim3A = arith.constant 0.000000e+00 : f32
    %broadcast_in_dim3A_4 = vector.broadcast %broadcast_in_dim3A : f32 to vector<80x512xf32>
    %swap3A = arith.constant 0 : index
    %swap3A_5 = arith.constant 0 : index
    %swap3A_6 = vector.load %arg10[%swap3A, %swap3A_5] : memref<80x512xf32, #tpu.memory_space<vmem>>, vector<80x512xf32>
    tpu.vector_store %arg10[%swap3A, %swap3A_5], %broadcast_in_dim3A_4 {strides = array<i32>} : memref<80x512xf32, #tpu.memory_space<vmem>>, vector<80x512xf32>,
    %broadcast_in_dim3A_7 = arith.constant 0.000000e+00 : f32
    %broadcast_in_dim3A_8 = vector.broadcast %broadcast_in_dim3A_7 : f32 to vector<80x4xf32>
    %swap3A_9 = arith.constant 0 : index
    %swap3A_10 = arith.constant 0 : index
    %swap3A_11 = vector.load %arg11[%swap3A_9, %swap3A_10] : memref<80x4xf32, #tpu.memory_space<vmem>>, vector<80x4xf32>
    tpu.vector_store %arg11[%swap3A_9, %swap3A_10], %broadcast_in_dim3A_8 {strides = array<i32>} : memref<80x4xf32, #tpu.memory_space<vmem>>, vector<80x4xf32>,
    %jit3A = arith.constant 640 : i32
    %div3A = arith.divsi %get3A_0, %jit3A : i32
    %sign3A = arith.constant 0 : i32
    %sign3A_12 = arith.cmpi sgt, %get3A_0, %sign3A : i32
    %sign3A_13 = arith.extui %sign3A_12 : i1 to i32
    %sign3A_14 = arith.constant 0 : i32
    %sign3A_15 = arith.cmpi slt, %get3A_0, %sign3A_14 : i32
    %sign3A_16 = arith.extui %sign3A_15 : i1 to i32
    %sign3A_17 = arith.subi %sign3A_13, %sign3A_16 : i32
    %sign3A_18 = arith.constant 0 : i32
    %sign3A_19 = arith.cmpi sgt, %jit3A, %sign3A_18 : i32
    %sign3A_20 = arith.extui %sign3A_19 : i1 to i32
    %sign3A_21 = arith.constant 0 : i32
    %sign3A_22 = arith.cmpi slt, %jit3A, %sign3A_21 : i32
    %sign3A_23 = arith.extui %sign3A_22 : i1 to i32
    %sign3A_24 = arith.subi %sign3A_20, %sign3A_23 : i32
    %ne3A = arith.cmpi ne, %sign3A_17, %sign3A_24 : i32
    %rem3A = arith.remsi %get3A_0, %jit3A : i32
    %ne3A_25 = arith.constant 0 : i32
    %ne3A_26 = arith.cmpi ne, %rem3A, %ne3A_25 : i32
    %and3A = arith.andi %ne3A, %ne3A_26 : i1
    %sub3A = arith.constant 1 : i32
    %sub3A_27 = arith.subi %div3A, %sub3A : i32
    %select_n3A = arith.select %and3A, %sub3A_27, %div3A : i32
    %gt3A = arith.cmpi sgt, %get3A_3, %get3A_0 : i32
    %sub3A_28 = arith.constant 1 : i32
    %sub3A_29 = arith.subi %get3A_3, %sub3A_28 : i32
    %jit3A_30 = arith.constant 640 : i32
    %div3A_31 = arith.divsi %sub3A_29, %jit3A_30 : i32
    %sign3A_32 = arith.constant 0 : i32
    %sign3A_33 = arith.cmpi sgt, %sub3A_29, %sign3A_32 : i32
    %sign3A_34 = arith.extui %sign3A_33 : i1 to i32
    %sign3A_35 = arith.constant 0 : i32
    %sign3A_36 = arith.cmpi slt, %sub3A_29, %sign3A_35 : i32
    %sign3A_37 = arith.extui %sign3A_36 : i1 to i32
    %sign3A_38 = arith.subi %sign3A_34, %sign3A_37 : i32
    %sign3A_39 = arith.constant 0 : i32
    %sign3A_40 = arith.cmpi sgt, %jit3A_30, %sign3A_39 : i32
    %sign3A_41 = arith.extui %sign3A_40 : i1 to i32
    %sign3A_42 = arith.constant 0 : i32
    %sign3A_43 = arith.cmpi slt, %jit3A_30, %sign3A_42 : i32
    %sign3A_44 = arith.extui %sign3A_43 : i1 to i32
    %sign3A_45 = arith.subi %sign3A_41, %sign3A_44 : i32
    %ne3A_46 = arith.cmpi ne, %sign3A_38, %sign3A_45 : i32
    %rem3A_47 = arith.remsi %sub3A_29, %jit3A_30 : i32
    %ne3A_48 = arith.constant 0 : i32
    %ne3A_49 = arith.cmpi ne, %rem3A_47, %ne3A_48 : i32
    %and3A_50 = arith.andi %ne3A_46, %ne3A_49 : i1
    %sub3A_51 = arith.constant 1 : i32
    %sub3A_52 = arith.subi %div3A_31, %sub3A_51 : i32
    %select_n3A_53 = arith.select %and3A_50, %sub3A_52, %div3A_31 : i32
    %add3A_54 = arith.constant 1 : i32
    %add3A_55 = arith.addi %select_n3A_53, %add3A_54 : i32
    %select_n3A_56 = arith.select %gt3A, %add3A_55, %select_n3A : i32
    %gt3A_57 = arith.cmpi sgt, %select_n3A_56, %select_n3A : i32
    %convert_element_type3A = arith.extui %gt3A_57 : i1 to i32
    %cond3A = arith.constant 0 : i32
    %cond3A_58 = arith.cmpi ne, %convert_element_type3A, %cond3A : i32
    scf.if %cond3A_58 {
      %mul3A_139 = arith.constant 640 : i32
      %mul3A_140 = arith.muli %select_n3A, %mul3A_139 : i32
      %mul3A_141 = arith.constant 640 : i32
      %mul3A_142 = arith.muli %select_n3A, %mul3A_141 : i32
      %dma_start3A = arith.constant 0 : i32
      %dma_start3A_143 = arith.constant 0 : i32
      %dma_start3A_144 = tpu.memref_slice %arg12[%dma_start3A_143] : memref<6x!tpu.dma_semaphore, #tpu.memory_space<semaphore_mem>> -> memref<1x!tpu.dma_semaphore, #tpu.memory_space<semaphore_mem>>
      %dma_start3A_145 = tpu.memref_squeeze %dma_start3A_144 : memref<1x!tpu.dma_semaphore, #tpu.memory_space<semaphore_mem>> -> memref<!tpu.dma_semaphore, #tpu.memory_space<semaphore_mem>>
      %dma_start3A_146 = arith.constant 0 : i32
      %dma_start3A_147 = arith.constant 0 : i32
      %dma_start3A_148 = tpu.memref_slice %arg7[%dma_start3A, %dma_start3A_146, %dma_start3A_147] : memref<2x640x512xf32, #tpu.memory_space<vmem>> -> memref<1x640x512xf32, #tpu.memory_space<vmem>>
      %dma_start3A_149 = tpu.memref_squeeze %dma_start3A_148 : memref<1x640x512xf32, #tpu.memory_space<vmem>> -> memref<640x512xf32, #tpu.memory_space<vmem>>
      %dma_start3A_150 = arith.constant 0 : i32
      %dma_start3A_151 = tpu.memref_slice %arg3[%mul3A_140, %dma_start3A_150] : memref<160000x512xf32, #tpu.memory_space<any>> -> memref<640x512xf32, #tpu.memory_space<any>>
      tpu.enqueue_dma source(%dma_start3A_151 : memref<640x512xf32, #tpu.memory_space<any>>) target(%dma_start3A_149 : memref<640x512xf32, #tpu.memory_space<vmem>>) target_semaphore(%dma_start3A_145 : memref<!tpu.dma_semaphore, #tpu.memory_space<semaphore_mem>>)
      %dma_start3A_152 = arith.constant 0 : i32
      %dma_start3A_153 = arith.constant 1 : i32
      %dma_start3A_154 = tpu.memref_slice %arg12[%dma_start3A_153] : memref<6x!tpu.dma_semaphore, #tpu.memory_space<semaphore_mem>> -> memref<1x!tpu.dma_semaphore, #tpu.memory_space<semaphore_mem>>
      %dma_start3A_155 = tpu.memref_squeeze %dma_start3A_154 : memref<1x!tpu.dma_semaphore, #tpu.memory_space<semaphore_mem>> -> memref<!tpu.dma_semaphore, #tpu.memory_space<semaphore_mem>>
      %dma_start3A_156 = arith.constant 0 : i32
      %dma_start3A_157 = arith.constant 0 : i32
      %dma_start3A_158 = tpu.memref_slice %arg8[%dma_start3A_152, %dma_start3A_156, %dma_start3A_157] : memref<2x4x640xf32, #tpu.memory_space<vmem>> -> memref<1x4x640xf32, #tpu.memory_space<vmem>>
      %dma_start3A_159 = tpu.memref_squeeze %dma_start3A_158 : memref<1x4x640xf32, #tpu.memory_space<vmem>> -> memref<4x640xf32, #tpu.memory_space<vmem>>
      %dma_start3A_160 = arith.constant 0 : i32
      %dma_start3A_161 = tpu.memref_slice %arg4[%dma_start3A_160, %mul3A_142] : memref<4x160000xf32, #tpu.memory_space<any>> -> memref<4x640xf32, #tpu.memory_space<any>>
      tpu.enqueue_dma source(%dma_start3A_161 : memref<4x640xf32, #tpu.memory_space<any>>) target(%dma_start3A_159 : memref<4x640xf32, #tpu.memory_space<vmem>>) target_semaphore(%dma_start3A_155 : memref<!tpu.dma_semaphore, #tpu.memory_space<semaphore_mem>>)
      %dma_start3A_162 = arith.constant 0 : i32
      %dma_start3A_163 = arith.constant 2 : i32
      %dma_start3A_164 = tpu.memref_slice %arg12[%dma_start3A_163] : memref<6x!tpu.dma_semaphore, #tpu.memory_space<semaphore_mem>> -> memref<1x!tpu.dma_semaphore, #tpu.memory_space<semaphore_mem>>
      %dma_start3A_165 = tpu.memref_squeeze %dma_start3A_164 : memref<1x!tpu.dma_semaphore, #tpu.memory_space<semaphore_mem>> -> memref<!tpu.dma_semaphore, #tpu.memory_space<semaphore_mem>>
      %dma_start3A_166 = arith.constant 0 : i32
      %dma_start3A_167 = arith.constant 0 : i32
      %dma_start3A_168 = tpu.memref_slice %arg9[%dma_start3A_162, %dma_start3A_166, %dma_start3A_167] : memref<2x1x640xi32, #tpu.memory_space<vmem>> -> memref<1x1x640xi32, #tpu.memory_space<vmem>>
      %dma_start3A_169 = tpu.memref_squeeze %dma_start3A_168 : memref<1x1x640xi32, #tpu.memory_space<vmem>> -> memref<1x640xi32, #tpu.memory_space<vmem>>
      %dma_start3A_170 = arith.constant 0 : i32
      %dma_start3A_171 = tpu.memref_slice %arg2[%select_n3A, %dma_start3A_170] : memref<250x640xi32, #tpu.memory_space<any>> -> memref<1x640xi32, #tpu.memory_space<any>>
      tpu.enqueue_dma source(%dma_start3A_171 : memref<1x640xi32, #tpu.memory_space<any>>) target(%dma_start3A_169 : memref<1x640xi32, #tpu.memory_space<vmem>>) target_semaphore(%dma_start3A_165 : memref<!tpu.dma_semaphore, #tpu.memory_space<semaphore_mem>>)
    } else {
    }
    %while3A = arith.constant 0 : i32
    %while3A_59 = arith.subi %select_n3A_56, %select_n3A : i32
    %while3A_60 = arith.addi %select_n3A, %while3A_59 : i32
    %while3A_61 = arith.constant 1 : i32
    %while3A_62 = arith.divsi %while3A_59, %while3A_61 : i32
    %while3A_63 = arith.muli %while3A_62, %while3A_61 : i32
    %while3A_64 = arith.addi %select_n3A, %while3A_63 : i32
    %while3A_65 = arith.constant 1 : i32
    scf.for %while3A_139 = %select_n3A to %while3A_64 step %while3A_65  : i32 {
      %sub3A_140 = arith.subi %while3A_139, %select_n3A : i32
      %rem3A_141 = arith.constant 2 : i32
      %rem3A_142 = arith.remsi %sub3A_140, %rem3A_141 : i32
      %add3A_143 = arith.constant 1 : i32
      %add3A_144 = arith.addi %while3A_139, %add3A_143 : i32
      %lt3A = arith.cmpi slt, %add3A_144, %select_n3A_56 : i32
      %convert_element_type3A_145 = arith.extui %lt3A : i1 to i32
      %cond3A_146 = arith.constant 0 : i32
      %cond3A_147 = arith.cmpi ne, %convert_element_type3A_145, %cond3A_146 : i32
      scf.if %cond3A_147 {
        %add3A_285 = arith.constant 1 : i32
        %add3A_286 = arith.addi %while3A_139, %add3A_285 : i32
        %sub3A_287 = arith.constant 1 : i32
        %sub3A_288 = arith.subi %sub3A_287, %rem3A_142 : i32
        %mul3A_289 = arith.constant 640 : i32
        %mul3A_290 = arith.muli %add3A_286, %mul3A_289 : i32
        %mul3A_291 = arith.constant 3 : i32
        %mul3A_292 = arith.muli %sub3A_288, %mul3A_291 : i32
        %mul3A_293 = arith.constant 640 : i32
        %mul3A_294 = arith.muli %add3A_286, %mul3A_293 : i32
        %mul3A_295 = arith.constant 3 : i32
        %mul3A_296 = arith.muli %sub3A_288, %mul3A_295 : i32
        %add3A_297 = arith.constant 1 : i32
        %add3A_298 = arith.addi %mul3A_296, %add3A_297 : i32
        %mul3A_299 = arith.constant 3 : i32
        %mul3A_300 = arith.muli %sub3A_288, %mul3A_299 : i32
        %add3A_301 = arith.constant 2 : i32
        %add3A_302 = arith.addi %mul3A_300, %add3A_301 : i32
        %dma_start3A = tpu.memref_slice %arg12[%mul3A_292] : memref<6x!tpu.dma_semaphore, #tpu.memory_space<semaphore_mem>> -> memref<1x!tpu.dma_semaphore, #tpu.memory_space<semaphore_mem>>
        %dma_start3A_303 = tpu.memref_squeeze %dma_start3A : memref<1x!tpu.dma_semaphore, #tpu.memory_space<semaphore_mem>> -> memref<!tpu.dma_semaphore, #tpu.memory_space<semaphore_mem>>
        %dma_start3A_304 = arith.constant 0 : i32
        %dma_start3A_305 = arith.constant 0 : i32
        %dma_start3A_306 = tpu.memref_slice %arg7[%sub3A_288, %dma_start3A_304, %dma_start3A_305] : memref<2x640x512xf32, #tpu.memory_space<vmem>> -> memref<1x640x512xf32, #tpu.memory_space<vmem>>
        %dma_start3A_307 = tpu.memref_squeeze %dma_start3A_306 : memref<1x640x512xf32, #tpu.memory_space<vmem>> -> memref<640x512xf32, #tpu.memory_space<vmem>>
        %dma_start3A_308 = arith.constant 0 : i32
        %dma_start3A_309 = tpu.memref_slice %arg3[%mul3A_290, %dma_start3A_308] : memref<160000x512xf32, #tpu.memory_space<any>> -> memref<640x512xf32, #tpu.memory_space<any>>
        tpu.enqueue_dma source(%dma_start3A_309 : memref<640x512xf32, #tpu.memory_space<any>>) target(%dma_start3A_307 : memref<640x512xf32, #tpu.memory_space<vmem>>) target_semaphore(%dma_start3A_303 : memref<!tpu.dma_semaphore, #tpu.memory_space<semaphore_mem>>)
        %dma_start3A_310 = tpu.memref_slice %arg12[%add3A_298] : memref<6x!tpu.dma_semaphore, #tpu.memory_space<semaphore_mem>> -> memref<1x!tpu.dma_semaphore, #tpu.memory_space<semaphore_mem>>
        %dma_start3A_311 = tpu.memref_squeeze %dma_start3A_310 : memref<1x!tpu.dma_semaphore, #tpu.memory_space<semaphore_mem>> -> memref<!tpu.dma_semaphore, #tpu.memory_space<semaphore_mem>>
        %dma_start3A_312 = arith.constant 0 : i32
        %dma_start3A_313 = arith.constant 0 : i32
        %dma_start3A_314 = tpu.memref_slice %arg8[%sub3A_288, %dma_start3A_312, %dma_start3A_313] : memref<2x4x640xf32, #tpu.memory_space<vmem>> -> memref<1x4x640xf32, #tpu.memory_space<vmem>>
        %dma_start3A_315 = tpu.memref_squeeze %dma_start3A_314 : memref<1x4x640xf32, #tpu.memory_space<vmem>> -> memref<4x640xf32, #tpu.memory_space<vmem>>
        %dma_start3A_316 = arith.constant 0 : i32
        %dma_start3A_317 = tpu.memref_slice %arg4[%dma_start3A_316, %mul3A_294] : memref<4x160000xf32, #tpu.memory_space<any>> -> memref<4x640xf32, #tpu.memory_space<any>>
        tpu.enqueue_dma source(%dma_start3A_317 : memref<4x640xf32, #tpu.memory_space<any>>) target(%dma_start3A_315 : memref<4x640xf32, #tpu.memory_space<vmem>>) target_semaphore(%dma_start3A_311 : memref<!tpu.dma_semaphore, #tpu.memory_space<semaphore_mem>>)
        %dma_start3A_318 = tpu.memref_slice %arg12[%add3A_302] : memref<6x!tpu.dma_semaphore, #tpu.memory_space<semaphore_mem>> -> memref<1x!tpu.dma_semaphore, #tpu.memory_space<semaphore_mem>>
        %dma_start3A_319 = tpu.memref_squeeze %dma_start3A_318 : memref<1x!tpu.dma_semaphore, #tpu.memory_space<semaphore_mem>> -> memref<!tpu.dma_semaphore, #tpu.memory_space<semaphore_mem>>
        %dma_start3A_320 = arith.constant 0 : i32
        %dma_start3A_321 = arith.constant 0 : i32
        %dma_start3A_322 = tpu.memref_slice %arg9[%sub3A_288, %dma_start3A_320, %dma_start3A_321] : memref<2x1x640xi32, #tpu.memory_space<vmem>> -> memref<1x1x640xi32, #tpu.memory_space<vmem>>
        %dma_start3A_323 = tpu.memref_squeeze %dma_start3A_322 : memref<1x1x640xi32, #tpu.memory_space<vmem>> -> memref<1x640xi32, #tpu.memory_space<vmem>>
        %dma_start3A_324 = arith.constant 0 : i32
        %dma_start3A_325 = tpu.memref_slice %arg2[%add3A_286, %dma_start3A_324] : memref<250x640xi32, #tpu.memory_space<any>> -> memref<1x640xi32, #tpu.memory_space<any>>
        tpu.enqueue_dma source(%dma_start3A_325 : memref<1x640xi32, #tpu.memory_space<any>>) target(%dma_start3A_323 : memref<1x640xi32, #tpu.memory_space<vmem>>) target_semaphore(%dma_start3A_319 : memref<!tpu.dma_semaphore, #tpu.memory_space<semaphore_mem>>)
      } else {
      }
      %mul3A_148 = arith.constant 640 : i32
      %mul3A_149 = arith.muli %while3A_139, %mul3A_148 : i32
      %mul3A_150 = arith.constant 3 : i32
      %mul3A_151 = arith.muli %rem3A_142, %mul3A_150 : i32
      %mul3A_152 = arith.constant 640 : i32
      %mul3A_153 = arith.muli %while3A_139, %mul3A_152 : i32
      %mul3A_154 = arith.constant 3 : i32
      %mul3A_155 = arith.muli %rem3A_142, %mul3A_154 : i32
      %add3A_156 = arith.constant 1 : i32
      %add3A_157 = arith.addi %mul3A_155, %add3A_156 : i32
      %mul3A_158 = arith.constant 3 : i32
      %mul3A_159 = arith.muli %rem3A_142, %mul3A_158 : i32
      %add3A_160 = arith.constant 2 : i32
      %add3A_161 = arith.addi %mul3A_159, %add3A_160 : i32
      %dma_wait3A = tpu.memref_slice %arg12[%mul3A_151] : memref<6x!tpu.dma_semaphore, #tpu.memory_space<semaphore_mem>> -> memref<1x!tpu.dma_semaphore, #tpu.memory_space<semaphore_mem>>
      %dma_wait3A_162 = tpu.memref_squeeze %dma_wait3A : memref<1x!tpu.dma_semaphore, #tpu.memory_space<semaphore_mem>> -> memref<!tpu.dma_semaphore, #tpu.memory_space<semaphore_mem>>
      %dma_wait3A_163 = arith.constant 0 : i32
      %dma_wait3A_164 = arith.constant 0 : i32
      %dma_wait3A_165 = tpu.memref_slice %arg7[%rem3A_142, %dma_wait3A_163, %dma_wait3A_164] : memref<2x640x512xf32, #tpu.memory_space<vmem>> -> memref<1x640x512xf32, #tpu.memory_space<vmem>>
      %dma_wait3A_166 = tpu.memref_squeeze %dma_wait3A_165 : memref<1x640x512xf32, #tpu.memory_space<vmem>> -> memref<640x512xf32, #tpu.memory_space<vmem>>
      %dma_wait3A_167 = arith.constant 0 : i32
      %dma_wait3A_168 = tpu.memref_slice %arg3[%mul3A_149, %dma_wait3A_167] : memref<160000x512xf32, #tpu.memory_space<any>> -> memref<640x512xf32, #tpu.memory_space<any>>
      tpu.wait_dma2 semaphore(%dma_wait3A_162 : memref<!tpu.dma_semaphore, #tpu.memory_space<semaphore_mem>>) src(%dma_wait3A_168 : memref<640x512xf32, #tpu.memory_space<any>>) dst(%dma_wait3A_166 : memref<640x512xf32, #tpu.memory_space<vmem>>)
      %dma_wait3A_169 = tpu.memref_slice %arg12[%add3A_157] : memref<6x!tpu.dma_semaphore, #tpu.memory_space<semaphore_mem>> -> memref<1x!tpu.dma_semaphore, #tpu.memory_space<semaphore_mem>>
      %dma_wait3A_170 = tpu.memref_squeeze %dma_wait3A_169 : memref<1x!tpu.dma_semaphore, #tpu.memory_space<semaphore_mem>> -> memref<!tpu.dma_semaphore, #tpu.memory_space<semaphore_mem>>
      %dma_wait3A_171 = arith.constant 0 : i32
      %dma_wait3A_172 = arith.constant 0 : i32
      %dma_wait3A_173 = tpu.memref_slice %arg8[%rem3A_142, %dma_wait3A_171, %dma_wait3A_172] : memref<2x4x640xf32, #tpu.memory_space<vmem>> -> memref<1x4x640xf32, #tpu.memory_space<vmem>>
      %dma_wait3A_174 = tpu.memref_squeeze %dma_wait3A_173 : memref<1x4x640xf32, #tpu.memory_space<vmem>> -> memref<4x640xf32, #tpu.memory_space<vmem>>
      %dma_wait3A_175 = arith.constant 0 : i32
      %dma_wait3A_176 = tpu.memref_slice %arg4[%dma_wait3A_175, %mul3A_153] : memref<4x160000xf32, #tpu.memory_space<any>> -> memref<4x640xf32, #tpu.memory_space<any>>
      tpu.wait_dma2 semaphore(%dma_wait3A_170 : memref<!tpu.dma_semaphore, #tpu.memory_space<semaphore_mem>>) src(%dma_wait3A_176 : memref<4x640xf32, #tpu.memory_space<any>>) dst(%dma_wait3A_174 : memref<4x640xf32, #tpu.memory_space<vmem>>)
      %dma_wait3A_177 = tpu.memref_slice %arg12[%add3A_161] : memref<6x!tpu.dma_semaphore, #tpu.memory_space<semaphore_mem>> -> memref<1x!tpu.dma_semaphore, #tpu.memory_space<semaphore_mem>>
      %dma_wait3A_178 = tpu.memref_squeeze %dma_wait3A_177 : memref<1x!tpu.dma_semaphore, #tpu.memory_space<semaphore_mem>> -> memref<!tpu.dma_semaphore, #tpu.memory_space<semaphore_mem>>
      %dma_wait3A_179 = arith.constant 0 : i32
      %dma_wait3A_180 = arith.constant 0 : i32
      %dma_wait3A_181 = tpu.memref_slice %arg9[%rem3A_142, %dma_wait3A_179, %dma_wait3A_180] : memref<2x1x640xi32, #tpu.memory_space<vmem>> -> memref<1x1x640xi32, #tpu.memory_space<vmem>>
      %dma_wait3A_182 = tpu.memref_squeeze %dma_wait3A_181 : memref<1x1x640xi32, #tpu.memory_space<vmem>> -> memref<1x640xi32, #tpu.memory_space<vmem>>
      %dma_wait3A_183 = arith.constant 0 : i32
      %dma_wait3A_184 = tpu.memref_slice %arg2[%while3A_139, %dma_wait3A_183] : memref<250x640xi32, #tpu.memory_space<any>> -> memref<1x640xi32, #tpu.memory_space<any>>
      tpu.wait_dma2 semaphore(%dma_wait3A_178 : memref<!tpu.dma_semaphore, #tpu.memory_space<semaphore_mem>>) src(%dma_wait3A_184 : memref<1x640xi32, #tpu.memory_space<any>>) dst(%dma_wait3A_182 : memref<1x640xi32, #tpu.memory_space<vmem>>)
      %get3A_185 = arith.index_cast %rem3A_142 : i32 to index
      %get3A_186 = arith.constant 0 : index
      %get3A_187 = arith.constant 0 : index
      %get3A_188 = vector.load %arg7[%get3A_185, %get3A_186, %get3A_187] : memref<2x640x512xf32, #tpu.memory_space<vmem>>, vector<1x640x512xf32>
      %get3A_189 = vector.shape_cast %get3A_188 : vector<1x640x512xf32> to vector<640x512xf32>
      %get3A_190 = arith.index_cast %rem3A_142 : i32 to index
      %get3A_191 = arith.constant 0 : index
      %get3A_192 = arith.constant 0 : index
      %get3A_193 = vector.load %arg8[%get3A_190, %get3A_191, %get3A_192] : memref<2x4x640xf32, #tpu.memory_space<vmem>>, vector<1x4x640xf32>
      %get3A_194 = vector.shape_cast %get3A_193 : vector<1x4x640xf32> to vector<4x640xf32>
      %get3A_195 = arith.index_cast %rem3A_142 : i32 to index
      %get3A_196 = arith.constant 0 : index
      %get3A_197 = arith.constant 0 : index
      %get3A_198 = vector.load %arg9[%get3A_195, %get3A_196, %get3A_197] : memref<2x1x640xi32, #tpu.memory_space<vmem>>, vector<1x1x640xi32>
      %get3A_199 = vector.shape_cast %get3A_198 : vector<1x1x640xi32> to vector<1x640xi32>
      %mul3A_200 = arith.constant 80 : i32
      %mul3A_201 = arith.muli %arg0, %mul3A_200 : i32
      %sub3A_202 = vector.broadcast %mul3A_201 : i32 to vector<1x640xi32>
      %sub3A_203 = arith.subi %get3A_199, %sub3A_202 : vector<1x640xi32>
      %iota3A_204 = tpu.iota {dimensions = array<i32: 0>} : vector<80x640xi32>
      %eq3A_205 = vector.broadcast %sub3A_203 : vector<1x640xi32> to vector<80x640xi32>
      %eq3A_206 = arith.cmpi eq, %iota3A_204, %eq3A_205 : vector<80x640xi32>
      %convert_element_type3A_207 = arith.extui %eq3A_206 : vector<80x640xi1> to vector<80x640xi32>
      %convert_element_type3A_208 = arith.sitofp %convert_element_type3A_207 : vector<80x640xi32> to vector<80x640xf32>
      %convert_element_type3A_209 = arith.truncf %convert_element_type3A_208 : vector<80x640xf32> to vector<80x640xbf16>
      %iota3A_210 = tpu.iota {dimensions = array<i32: 1>} : vector<4x512xi32>
      %jit3A_211 = arith.constant 128 : i32
      %div3A_212 = vector.broadcast %jit3A_211 : i32 to vector<4x512xi32>
      %div3A_213 = arith.divsi %iota3A_210, %div3A_212 : vector<4x512xi32>
      %sign3A_214 = arith.constant 0 : i32
      %sign3A_215 = vector.broadcast %sign3A_214 : i32 to vector<4x512xi32>
      %sign3A_216 = arith.cmpi sgt, %iota3A_210, %sign3A_215 : vector<4x512xi32>
      %sign3A_217 = arith.extui %sign3A_216 : vector<4x512xi1> to vector<4x512xi32>
      %sign3A_218 = arith.constant 0 : i32
      %sign3A_219 = vector.broadcast %sign3A_218 : i32 to vector<4x512xi32>
      %sign3A_220 = arith.cmpi slt, %iota3A_210, %sign3A_219 : vector<4x512xi32>
      %sign3A_221 = arith.extui %sign3A_220 : vector<4x512xi1> to vector<4x512xi32>
      %sign3A_222 = arith.subi %sign3A_217, %sign3A_221 : vector<4x512xi32>
      %sign3A_223 = arith.constant 0 : i32
      %sign3A_224 = arith.cmpi sgt, %jit3A_211, %sign3A_223 : i32
      %sign3A_225 = arith.extui %sign3A_224 : i1 to i32
      %sign3A_226 = arith.constant 0 : i32
      %sign3A_227 = arith.cmpi slt, %jit3A_211, %sign3A_226 : i32
      %sign3A_228 = arith.extui %sign3A_227 : i1 to i32
      %sign3A_229 = arith.subi %sign3A_225, %sign3A_228 : i32
      %ne3A_230 = vector.broadcast %sign3A_229 : i32 to vector<4x512xi32>
      %ne3A_231 = arith.cmpi ne, %sign3A_222, %ne3A_230 : vector<4x512xi32>
      %rem3A_232 = vector.broadcast %jit3A_211 : i32 to vector<4x512xi32>
      %rem3A_233 = arith.remsi %iota3A_210, %rem3A_232 : vector<4x512xi32>
      %ne3A_234 = arith.constant 0 : i32
      %ne3A_235 = vector.broadcast %ne3A_234 : i32 to vector<4x512xi32>
      %ne3A_236 = arith.cmpi ne, %rem3A_233, %ne3A_235 : vector<4x512xi32>
      %and3A_237 = arith.andi %ne3A_231, %ne3A_236 : vector<4x512xi1>
      %sub3A_238 = arith.constant 1 : i32
      %sub3A_239 = vector.broadcast %sub3A_238 : i32 to vector<4x512xi32>
      %sub3A_240 = arith.subi %div3A_213, %sub3A_239 : vector<4x512xi32>
      %select_n3A_241 = arith.select %and3A_237, %sub3A_240, %div3A_213 : vector<4x512xi1>, vector<4x512xi32>
      %iota3A_242 = tpu.iota {dimensions = array<i32: 0>} : vector<4x512xi32>
      %eq3A_243 = arith.cmpi eq, %select_n3A_241, %iota3A_242 : vector<4x512xi32>
      %convert_element_type3A_244 = arith.extui %eq3A_243 : vector<4x512xi1> to vector<4x512xi32>
      %convert_element_type3A_245 = arith.sitofp %convert_element_type3A_244 : vector<4x512xi32> to vector<4x512xf32>
      %convert_element_type3A_246 = arith.truncf %convert_element_type3A_245 : vector<4x512xf32> to vector<4x512xbf16>
      %convert_element_type3A_247 = arith.truncf %get3A_194 : vector<4x640xf32> to vector<4x640xbf16>
      %convert_element_type3A_248 = arith.extf %convert_element_type3A_247 : vector<4x640xbf16> to vector<4x640xf32>
      %sub3A_249 = arith.subf %get3A_194, %convert_element_type3A_248 : vector<4x640xf32>
      %convert_element_type3A_250 = arith.truncf %sub3A_249 : vector<4x640xf32> to vector<4x640xbf16>
      %dot_general3A_251 = arith.constant dense<0.000000e+00> : vector<640x512xf32>
      %dot_general3A_252 = tpu.matmul %convert_element_type3A_247, %convert_element_type3A_246, %dot_general3A_251 {dimension_numbers = #tpu.dot_dimension_numbers<[0], [0], [1], [1], [0, 1, 1, 1], [], []>, transpose_lhs_hint = false} : vector<4x640xbf16>, vector<4x512xbf16>, vector<640x512xf32> -> vector<640x512xf32>
      %dot_general3A_253 = arith.constant dense<0.000000e+00> : vector<640x512xf32>
      %dot_general3A_254 = tpu.matmul %convert_element_type3A_250, %convert_element_type3A_246, %dot_general3A_253 {dimension_numbers = #tpu.dot_dimension_numbers<[0], [0], [1], [1], [0, 1, 1, 1], [], []>, transpose_lhs_hint = false} : vector<4x640xbf16>, vector<4x512xbf16>, vector<640x512xf32> -> vector<640x512xf32>
      %add3A_255 = arith.addf %dot_general3A_252, %dot_general3A_254 : vector<640x512xf32>
      %mul3A_256 = arith.mulf %get3A_189, %add3A_255 : vector<640x512xf32>
      %convert_element_type3A_257 = arith.truncf %mul3A_256 : vector<640x512xf32> to vector<640x512xbf16>
      %convert_element_type3A_258 = arith.extf %convert_element_type3A_257 : vector<640x512xbf16> to vector<640x512xf32>
      %sub3A_259 = arith.subf %mul3A_256, %convert_element_type3A_258 : vector<640x512xf32>
      %convert_element_type3A_260 = arith.truncf %sub3A_259 : vector<640x512xf32> to vector<640x512xbf16>
      %get3A_261 = arith.constant 0 : index
      %get3A_262 = arith.constant 0 : index
      %get3A_263 = vector.load %arg10[%get3A_261, %get3A_262] : memref<80x512xf32, #tpu.memory_space<vmem>>, vector<80x512xf32>
      %dot_general3A_264 = arith.constant dense<0.000000e+00> : vector<80x512xf32>
      %dot_general3A_265 = tpu.matmul %convert_element_type3A_209, %convert_element_type3A_257, %dot_general3A_264 {dimension_numbers = #tpu.dot_dimension_numbers<[1], [0], [0], [1], [0, 0, 1, 1], [], []>, transpose_lhs_hint = false} : vector<80x640xbf16>, vector<640x512xbf16>, vector<80x512xf32> -> vector<80x512xf32>
      %dot_general3A_266 = arith.constant dense<0.000000e+00> : vector<80x512xf32>
      %dot_general3A_267 = tpu.matmul %convert_element_type3A_209, %convert_element_type3A_260, %dot_general3A_266 {dimension_numbers = #tpu.dot_dimension_numbers<[1], [0], [0], [1], [0, 0, 1, 1], [], []>, transpose_lhs_hint = false} : vector<80x640xbf16>, vector<640x512xbf16>, vector<80x512xf32> -> vector<80x512xf32>
      %add3A_268 = arith.addf %dot_general3A_265, %dot_general3A_267 : vector<80x512xf32>
      %add3A_269 = arith.addf %get3A_263, %add3A_268 : vector<80x512xf32>
      %swap3A_270 = arith.constant 0 : index
      %swap3A_271 = arith.constant 0 : index
      %swap3A_272 = vector.load %arg10[%swap3A_270, %swap3A_271] : memref<80x512xf32, #tpu.memory_space<vmem>>, vector<80x512xf32>
      tpu.vector_store %arg10[%swap3A_270, %swap3A_271], %add3A_269 {strides = array<i32>} : memref<80x512xf32, #tpu.memory_space<vmem>>, vector<80x512xf32>,
      %get3A_273 = arith.constant 0 : index
      %get3A_274 = arith.constant 0 : index
      %get3A_275 = vector.load %arg11[%get3A_273, %get3A_274] : memref<80x4xf32, #tpu.memory_space<vmem>>, vector<80x4xf32>
      %dot_general3A_276 = arith.constant dense<0.000000e+00> : vector<80x4xf32>
      %dot_general3A_277 = tpu.matmul %convert_element_type3A_209, %convert_element_type3A_247, %dot_general3A_276 {dimension_numbers = #tpu.dot_dimension_numbers<[1], [1], [0], [0], [0, 0, 1, 0], [], []>, transpose_lhs_hint = false} : vector<80x640xbf16>, vector<4x640xbf16>, vector<80x4xf32> -> vector<80x4xf32>
      %dot_general3A_278 = arith.constant dense<0.000000e+00> : vector<80x4xf32>
      %dot_general3A_279 = tpu.matmul %convert_element_type3A_209, %convert_element_type3A_250, %dot_general3A_278 {dimension_numbers = #tpu.dot_dimension_numbers<[1], [1], [0], [0], [0, 0, 1, 0], [], []>, transpose_lhs_hint = false} : vector<80x640xbf16>, vector<4x640xbf16>, vector<80x4xf32> -> vector<80x4xf32>
      %add3A_280 = arith.addf %dot_general3A_277, %dot_general3A_279 : vector<80x4xf32>
      %add3A_281 = arith.addf %get3A_275, %add3A_280 : vector<80x4xf32>
      %swap3A_282 = arith.constant 0 : index
      %swap3A_283 = arith.constant 0 : index
      %swap3A_284 = vector.load %arg11[%swap3A_282, %swap3A_283] : memref<80x4xf32, #tpu.memory_space<vmem>>, vector<80x4xf32>
      tpu.vector_store %arg11[%swap3A_282, %swap3A_283], %add3A_281 {strides = array<i32>} : memref<80x4xf32, #tpu.memory_space<vmem>>, vector<80x4xf32>,
    }
    %while3A_66 = arith.constant 1 : i32
    scf.for %while3A_139 = %while3A_64 to %while3A_60 step %while3A_66  : i32 {
      %sub3A_140 = arith.subi %while3A_139, %select_n3A : i32
      %rem3A_141 = arith.constant 2 : i32
      %rem3A_142 = arith.remsi %sub3A_140, %rem3A_141 : i32
      %add3A_143 = arith.constant 1 : i32
      %add3A_144 = arith.addi %while3A_139, %add3A_143 : i32
      %lt3A = arith.cmpi slt, %add3A_144, %select_n3A_56 : i32
      %convert_element_type3A_145 = arith.extui %lt3A : i1 to i32
      %cond3A_146 = arith.constant 0 : i32
      %cond3A_147 = arith.cmpi ne, %convert_element_type3A_145, %cond3A_146 : i32
      scf.if %cond3A_147 {
        %add3A_285 = arith.constant 1 : i32
        %add3A_286 = arith.addi %while3A_139, %add3A_285 : i32
        %sub3A_287 = arith.constant 1 : i32
        %sub3A_288 = arith.subi %sub3A_287, %rem3A_142 : i32
        %mul3A_289 = arith.constant 640 : i32
        %mul3A_290 = arith.muli %add3A_286, %mul3A_289 : i32
        %mul3A_291 = arith.constant 3 : i32
        %mul3A_292 = arith.muli %sub3A_288, %mul3A_291 : i32
        %mul3A_293 = arith.constant 640 : i32
        %mul3A_294 = arith.muli %add3A_286, %mul3A_293 : i32
        %mul3A_295 = arith.constant 3 : i32
        %mul3A_296 = arith.muli %sub3A_288, %mul3A_295 : i32
        %add3A_297 = arith.constant 1 : i32
        %add3A_298 = arith.addi %mul3A_296, %add3A_297 : i32
        %mul3A_299 = arith.constant 3 : i32
        %mul3A_300 = arith.muli %sub3A_288, %mul3A_299 : i32
        %add3A_301 = arith.constant 2 : i32
        %add3A_302 = arith.addi %mul3A_300, %add3A_301 : i32
        %dma_start3A = tpu.memref_slice %arg12[%mul3A_292] : memref<6x!tpu.dma_semaphore, #tpu.memory_space<semaphore_mem>> -> memref<1x!tpu.dma_semaphore, #tpu.memory_space<semaphore_mem>>
        %dma_start3A_303 = tpu.memref_squeeze %dma_start3A : memref<1x!tpu.dma_semaphore, #tpu.memory_space<semaphore_mem>> -> memref<!tpu.dma_semaphore, #tpu.memory_space<semaphore_mem>>
        %dma_start3A_304 = arith.constant 0 : i32
        %dma_start3A_305 = arith.constant 0 : i32
        %dma_start3A_306 = tpu.memref_slice %arg7[%sub3A_288, %dma_start3A_304, %dma_start3A_305] : memref<2x640x512xf32, #tpu.memory_space<vmem>> -> memref<1x640x512xf32, #tpu.memory_space<vmem>>
        %dma_start3A_307 = tpu.memref_squeeze %dma_start3A_306 : memref<1x640x512xf32, #tpu.memory_space<vmem>> -> memref<640x512xf32, #tpu.memory_space<vmem>>
        %dma_start3A_308 = arith.constant 0 : i32
        %dma_start3A_309 = tpu.memref_slice %arg3[%mul3A_290, %dma_start3A_308] : memref<160000x512xf32, #tpu.memory_space<any>> -> memref<640x512xf32, #tpu.memory_space<any>>
        tpu.enqueue_dma source(%dma_start3A_309 : memref<640x512xf32, #tpu.memory_space<any>>) target(%dma_start3A_307 : memref<640x512xf32, #tpu.memory_space<vmem>>) target_semaphore(%dma_start3A_303 : memref<!tpu.dma_semaphore, #tpu.memory_space<semaphore_mem>>)
        %dma_start3A_310 = tpu.memref_slice %arg12[%add3A_298] : memref<6x!tpu.dma_semaphore, #tpu.memory_space<semaphore_mem>> -> memref<1x!tpu.dma_semaphore, #tpu.memory_space<semaphore_mem>>
        %dma_start3A_311 = tpu.memref_squeeze %dma_start3A_310 : memref<1x!tpu.dma_semaphore, #tpu.memory_space<semaphore_mem>> -> memref<!tpu.dma_semaphore, #tpu.memory_space<semaphore_mem>>
        %dma_start3A_312 = arith.constant 0 : i32
        %dma_start3A_313 = arith.constant 0 : i32
        %dma_start3A_314 = tpu.memref_slice %arg8[%sub3A_288, %dma_start3A_312, %dma_start3A_313] : memref<2x4x640xf32, #tpu.memory_space<vmem>> -> memref<1x4x640xf32, #tpu.memory_space<vmem>>
        %dma_start3A_315 = tpu.memref_squeeze %dma_start3A_314 : memref<1x4x640xf32, #tpu.memory_space<vmem>> -> memref<4x640xf32, #tpu.memory_space<vmem>>
        %dma_start3A_316 = arith.constant 0 : i32
        %dma_start3A_317 = tpu.memref_slice %arg4[%dma_start3A_316, %mul3A_294] : memref<4x160000xf32, #tpu.memory_space<any>> -> memref<4x640xf32, #tpu.memory_space<any>>
        tpu.enqueue_dma source(%dma_start3A_317 : memref<4x640xf32, #tpu.memory_space<any>>) target(%dma_start3A_315 : memref<4x640xf32, #tpu.memory_space<vmem>>) target_semaphore(%dma_start3A_311 : memref<!tpu.dma_semaphore, #tpu.memory_space<semaphore_mem>>)
        %dma_start3A_318 = tpu.memref_slice %arg12[%add3A_302] : memref<6x!tpu.dma_semaphore, #tpu.memory_space<semaphore_mem>> -> memref<1x!tpu.dma_semaphore, #tpu.memory_space<semaphore_mem>>
        %dma_start3A_319 = tpu.memref_squeeze %dma_start3A_318 : memref<1x!tpu.dma_semaphore, #tpu.memory_space<semaphore_mem>> -> memref<!tpu.dma_semaphore, #tpu.memory_space<semaphore_mem>>
        %dma_start3A_320 = arith.constant 0 : i32
        %dma_start3A_321 = arith.constant 0 : i32
        %dma_start3A_322 = tpu.memref_slice %arg9[%sub3A_288, %dma_start3A_320, %dma_start3A_321] : memref<2x1x640xi32, #tpu.memory_space<vmem>> -> memref<1x1x640xi32, #tpu.memory_space<vmem>>
        %dma_start3A_323 = tpu.memref_squeeze %dma_start3A_322 : memref<1x1x640xi32, #tpu.memory_space<vmem>> -> memref<1x640xi32, #tpu.memory_space<vmem>>
        %dma_start3A_324 = arith.constant 0 : i32
        %dma_start3A_325 = tpu.memref_slice %arg2[%add3A_286, %dma_start3A_324] : memref<250x640xi32, #tpu.memory_space<any>> -> memref<1x640xi32, #tpu.memory_space<any>>
        tpu.enqueue_dma source(%dma_start3A_325 : memref<1x640xi32, #tpu.memory_space<any>>) target(%dma_start3A_323 : memref<1x640xi32, #tpu.memory_space<vmem>>) target_semaphore(%dma_start3A_319 : memref<!tpu.dma_semaphore, #tpu.memory_space<semaphore_mem>>)
      } else {
      }
      %mul3A_148 = arith.constant 640 : i32
      %mul3A_149 = arith.muli %while3A_139, %mul3A_148 : i32
      %mul3A_150 = arith.constant 3 : i32
      %mul3A_151 = arith.muli %rem3A_142, %mul3A_150 : i32
      %mul3A_152 = arith.constant 640 : i32
      %mul3A_153 = arith.muli %while3A_139, %mul3A_152 : i32
      %mul3A_154 = arith.constant 3 : i32
      %mul3A_155 = arith.muli %rem3A_142, %mul3A_154 : i32
      %add3A_156 = arith.constant 1 : i32
      %add3A_157 = arith.addi %mul3A_155, %add3A_156 : i32
      %mul3A_158 = arith.constant 3 : i32
      %mul3A_159 = arith.muli %rem3A_142, %mul3A_158 : i32
      %add3A_160 = arith.constant 2 : i32
      %add3A_161 = arith.addi %mul3A_159, %add3A_160 : i32
      %dma_wait3A = tpu.memref_slice %arg12[%mul3A_151] : memref<6x!tpu.dma_semaphore, #tpu.memory_space<semaphore_mem>> -> memref<1x!tpu.dma_semaphore, #tpu.memory_space<semaphore_mem>>
      %dma_wait3A_162 = tpu.memref_squeeze %dma_wait3A : memref<1x!tpu.dma_semaphore, #tpu.memory_space<semaphore_mem>> -> memref<!tpu.dma_semaphore, #tpu.memory_space<semaphore_mem>>
      %dma_wait3A_163 = arith.constant 0 : i32
      %dma_wait3A_164 = arith.constant 0 : i32
      %dma_wait3A_165 = tpu.memref_slice %arg7[%rem3A_142, %dma_wait3A_163, %dma_wait3A_164] : memref<2x640x512xf32, #tpu.memory_space<vmem>> -> memref<1x640x512xf32, #tpu.memory_space<vmem>>
      %dma_wait3A_166 = tpu.memref_squeeze %dma_wait3A_165 : memref<1x640x512xf32, #tpu.memory_space<vmem>> -> memref<640x512xf32, #tpu.memory_space<vmem>>
      %dma_wait3A_167 = arith.constant 0 : i32
      %dma_wait3A_168 = tpu.memref_slice %arg3[%mul3A_149, %dma_wait3A_167] : memref<160000x512xf32, #tpu.memory_space<any>> -> memref<640x512xf32, #tpu.memory_space<any>>
      tpu.wait_dma2 semaphore(%dma_wait3A_162 : memref<!tpu.dma_semaphore, #tpu.memory_space<semaphore_mem>>) src(%dma_wait3A_168 : memref<640x512xf32, #tpu.memory_space<any>>) dst(%dma_wait3A_166 : memref<640x512xf32, #tpu.memory_space<vmem>>)
      %dma_wait3A_169 = tpu.memref_slice %arg12[%add3A_157] : memref<6x!tpu.dma_semaphore, #tpu.memory_space<semaphore_mem>> -> memref<1x!tpu.dma_semaphore, #tpu.memory_space<semaphore_mem>>
      %dma_wait3A_170 = tpu.memref_squeeze %dma_wait3A_169 : memref<1x!tpu.dma_semaphore, #tpu.memory_space<semaphore_mem>> -> memref<!tpu.dma_semaphore, #tpu.memory_space<semaphore_mem>>
      %dma_wait3A_171 = arith.constant 0 : i32
      %dma_wait3A_172 = arith.constant 0 : i32
      %dma_wait3A_173 = tpu.memref_slice %arg8[%rem3A_142, %dma_wait3A_171, %dma_wait3A_172] : memref<2x4x640xf32, #tpu.memory_space<vmem>> -> memref<1x4x640xf32, #tpu.memory_space<vmem>>
      %dma_wait3A_174 = tpu.memref_squeeze %dma_wait3A_173 : memref<1x4x640xf32, #tpu.memory_space<vmem>> -> memref<4x640xf32, #tpu.memory_space<vmem>>
      %dma_wait3A_175 = arith.constant 0 : i32
      %dma_wait3A_176 = tpu.memref_slice %arg4[%dma_wait3A_175, %mul3A_153] : memref<4x160000xf32, #tpu.memory_space<any>> -> memref<4x640xf32, #tpu.memory_space<any>>
      tpu.wait_dma2 semaphore(%dma_wait3A_170 : memref<!tpu.dma_semaphore, #tpu.memory_space<semaphore_mem>>) src(%dma_wait3A_176 : memref<4x640xf32, #tpu.memory_space<any>>) dst(%dma_wait3A_174 : memref<4x640xf32, #tpu.memory_space<vmem>>)
      %dma_wait3A_177 = tpu.memref_slice %arg12[%add3A_161] : memref<6x!tpu.dma_semaphore, #tpu.memory_space<semaphore_mem>> -> memref<1x!tpu.dma_semaphore, #tpu.memory_space<semaphore_mem>>
      %dma_wait3A_178 = tpu.memref_squeeze %dma_wait3A_177 : memref<1x!tpu.dma_semaphore, #tpu.memory_space<semaphore_mem>> -> memref<!tpu.dma_semaphore, #tpu.memory_space<semaphore_mem>>
      %dma_wait3A_179 = arith.constant 0 : i32
      %dma_wait3A_180 = arith.constant 0 : i32
      %dma_wait3A_181 = tpu.memref_slice %arg9[%rem3A_142, %dma_wait3A_179, %dma_wait3A_180] : memref<2x1x640xi32, #tpu.memory_space<vmem>> -> memref<1x1x640xi32, #tpu.memory_space<vmem>>
      %dma_wait3A_182 = tpu.memref_squeeze %dma_wait3A_181 : memref<1x1x640xi32, #tpu.memory_space<vmem>> -> memref<1x640xi32, #tpu.memory_space<vmem>>
      %dma_wait3A_183 = arith.constant 0 : i32
      %dma_wait3A_184 = tpu.memref_slice %arg2[%while3A_139, %dma_wait3A_183] : memref<250x640xi32, #tpu.memory_space<any>> -> memref<1x640xi32, #tpu.memory_space<any>>
      tpu.wait_dma2 semaphore(%dma_wait3A_178 : memref<!tpu.dma_semaphore, #tpu.memory_space<semaphore_mem>>) src(%dma_wait3A_184 : memref<1x640xi32, #tpu.memory_space<any>>) dst(%dma_wait3A_182 : memref<1x640xi32, #tpu.memory_space<vmem>>)
      %get3A_185 = arith.index_cast %rem3A_142 : i32 to index
      %get3A_186 = arith.constant 0 : index
      %get3A_187 = arith.constant 0 : index
      %get3A_188 = vector.load %arg7[%get3A_185, %get3A_186, %get3A_187] : memref<2x640x512xf32, #tpu.memory_space<vmem>>, vector<1x640x512xf32>
      %get3A_189 = vector.shape_cast %get3A_188 : vector<1x640x512xf32> to vector<640x512xf32>
      %get3A_190 = arith.index_cast %rem3A_142 : i32 to index
      %get3A_191 = arith.constant 0 : index
      %get3A_192 = arith.constant 0 : index
      %get3A_193 = vector.load %arg8[%get3A_190, %get3A_191, %get3A_192] : memref<2x4x640xf32, #tpu.memory_space<vmem>>, vector<1x4x640xf32>
      %get3A_194 = vector.shape_cast %get3A_193 : vector<1x4x640xf32> to vector<4x640xf32>
      %get3A_195 = arith.index_cast %rem3A_142 : i32 to index
      %get3A_196 = arith.constant 0 : index
      %get3A_197 = arith.constant 0 : index
      %get3A_198 = vector.load %arg9[%get3A_195, %get3A_196, %get3A_197] : memref<2x1x640xi32, #tpu.memory_space<vmem>>, vector<1x1x640xi32>
      %get3A_199 = vector.shape_cast %get3A_198 : vector<1x1x640xi32> to vector<1x640xi32>
      %mul3A_200 = arith.constant 80 : i32
      %mul3A_201 = arith.muli %arg0, %mul3A_200 : i32
      %sub3A_202 = vector.broadcast %mul3A_201 : i32 to vector<1x640xi32>
      %sub3A_203 = arith.subi %get3A_199, %sub3A_202 : vector<1x640xi32>
      %iota3A_204 = tpu.iota {dimensions = array<i32: 0>} : vector<80x640xi32>
      %eq3A_205 = vector.broadcast %sub3A_203 : vector<1x640xi32> to vector<80x640xi32>
      %eq3A_206 = arith.cmpi eq, %iota3A_204, %eq3A_205 : vector<80x640xi32>
      %convert_element_type3A_207 = arith.extui %eq3A_206 : vector<80x640xi1> to vector<80x640xi32>
      %convert_element_type3A_208 = arith.sitofp %convert_element_type3A_207 : vector<80x640xi32> to vector<80x640xf32>
      %convert_element_type3A_209 = arith.truncf %convert_element_type3A_208 : vector<80x640xf32> to vector<80x640xbf16>
      %iota3A_210 = tpu.iota {dimensions = array<i32: 1>} : vector<4x512xi32>
      %jit3A_211 = arith.constant 128 : i32
      %div3A_212 = vector.broadcast %jit3A_211 : i32 to vector<4x512xi32>
      %div3A_213 = arith.divsi %iota3A_210, %div3A_212 : vector<4x512xi32>
      %sign3A_214 = arith.constant 0 : i32
      %sign3A_215 = vector.broadcast %sign3A_214 : i32 to vector<4x512xi32>
      %sign3A_216 = arith.cmpi sgt, %iota3A_210, %sign3A_215 : vector<4x512xi32>
      %sign3A_217 = arith.extui %sign3A_216 : vector<4x512xi1> to vector<4x512xi32>
      %sign3A_218 = arith.constant 0 : i32
      %sign3A_219 = vector.broadcast %sign3A_218 : i32 to vector<4x512xi32>
      %sign3A_220 = arith.cmpi slt, %iota3A_210, %sign3A_219 : vector<4x512xi32>
      %sign3A_221 = arith.extui %sign3A_220 : vector<4x512xi1> to vector<4x512xi32>
      %sign3A_222 = arith.subi %sign3A_217, %sign3A_221 : vector<4x512xi32>
      %sign3A_223 = arith.constant 0 : i32
      %sign3A_224 = arith.cmpi sgt, %jit3A_211, %sign3A_223 : i32
      %sign3A_225 = arith.extui %sign3A_224 : i1 to i32
      %sign3A_226 = arith.constant 0 : i32
      %sign3A_227 = arith.cmpi slt, %jit3A_211, %sign3A_226 : i32
      %sign3A_228 = arith.extui %sign3A_227 : i1 to i32
      %sign3A_229 = arith.subi %sign3A_225, %sign3A_228 : i32
      %ne3A_230 = vector.broadcast %sign3A_229 : i32 to vector<4x512xi32>
      %ne3A_231 = arith.cmpi ne, %sign3A_222, %ne3A_230 : vector<4x512xi32>
      %rem3A_232 = vector.broadcast %jit3A_211 : i32 to vector<4x512xi32>
      %rem3A_233 = arith.remsi %iota3A_210, %rem3A_232 : vector<4x512xi32>
      %ne3A_234 = arith.constant 0 : i32
      %ne3A_235 = vector.broadcast %ne3A_234 : i32 to vector<4x512xi32>
      %ne3A_236 = arith.cmpi ne, %rem3A_233, %ne3A_235 : vector<4x512xi32>
      %and3A_237 = arith.andi %ne3A_231, %ne3A_236 : vector<4x512xi1>
      %sub3A_238 = arith.constant 1 : i32
      %sub3A_239 = vector.broadcast %sub3A_238 : i32 to vector<4x512xi32>
      %sub3A_240 = arith.subi %div3A_213, %sub3A_239 : vector<4x512xi32>
      %select_n3A_241 = arith.select %and3A_237, %sub3A_240, %div3A_213 : vector<4x512xi1>, vector<4x512xi32>
      %iota3A_242 = tpu.iota {dimensions = array<i32: 0>} : vector<4x512xi32>
      %eq3A_243 = arith.cmpi eq, %select_n3A_241, %iota3A_242 : vector<4x512xi32>
      %convert_element_type3A_244 = arith.extui %eq3A_243 : vector<4x512xi1> to vector<4x512xi32>
      %convert_element_type3A_245 = arith.sitofp %convert_element_type3A_244 : vector<4x512xi32> to vector<4x512xf32>
      %convert_element_type3A_246 = arith.truncf %convert_element_type3A_245 : vector<4x512xf32> to vector<4x512xbf16>
      %convert_element_type3A_247 = arith.truncf %get3A_194 : vector<4x640xf32> to vector<4x640xbf16>
      %convert_element_type3A_248 = arith.extf %convert_element_type3A_247 : vector<4x640xbf16> to vector<4x640xf32>
      %sub3A_249 = arith.subf %get3A_194, %convert_element_type3A_248 : vector<4x640xf32>
      %convert_element_type3A_250 = arith.truncf %sub3A_249 : vector<4x640xf32> to vector<4x640xbf16>
      %dot_general3A_251 = arith.constant dense<0.000000e+00> : vector<640x512xf32>
      %dot_general3A_252 = tpu.matmul %convert_element_type3A_247, %convert_element_type3A_246, %dot_general3A_251 {dimension_numbers = #tpu.dot_dimension_numbers<[0], [0], [1], [1], [0, 1, 1, 1], [], []>, transpose_lhs_hint = false} : vector<4x640xbf16>, vector<4x512xbf16>, vector<640x512xf32> -> vector<640x512xf32>
      %dot_general3A_253 = arith.constant dense<0.000000e+00> : vector<640x512xf32>
      %dot_general3A_254 = tpu.matmul %convert_element_type3A_250, %convert_element_type3A_246, %dot_general3A_253 {dimension_numbers = #tpu.dot_dimension_numbers<[0], [0], [1], [1], [0, 1, 1, 1], [], []>, transpose_lhs_hint = false} : vector<4x640xbf16>, vector<4x512xbf16>, vector<640x512xf32> -> vector<640x512xf32>
      %add3A_255 = arith.addf %dot_general3A_252, %dot_general3A_254 : vector<640x512xf32>
      %mul3A_256 = arith.mulf %get3A_189, %add3A_255 : vector<640x512xf32>
      %convert_element_type3A_257 = arith.truncf %mul3A_256 : vector<640x512xf32> to vector<640x512xbf16>
      %convert_element_type3A_258 = arith.extf %convert_element_type3A_257 : vector<640x512xbf16> to vector<640x512xf32>
      %sub3A_259 = arith.subf %mul3A_256, %convert_element_type3A_258 : vector<640x512xf32>
      %convert_element_type3A_260 = arith.truncf %sub3A_259 : vector<640x512xf32> to vector<640x512xbf16>
      %get3A_261 = arith.constant 0 : index
      %get3A_262 = arith.constant 0 : index
      %get3A_263 = vector.load %arg10[%get3A_261, %get3A_262] : memref<80x512xf32, #tpu.memory_space<vmem>>, vector<80x512xf32>
      %dot_general3A_264 = arith.constant dense<0.000000e+00> : vector<80x512xf32>
      %dot_general3A_265 = tpu.matmul %convert_element_type3A_209, %convert_element_type3A_257, %dot_general3A_264 {dimension_numbers = #tpu.dot_dimension_numbers<[1], [0], [0], [1], [0, 0, 1, 1], [], []>, transpose_lhs_hint = false} : vector<80x640xbf16>, vector<640x512xbf16>, vector<80x512xf32> -> vector<80x512xf32>
      %dot_general3A_266 = arith.constant dense<0.000000e+00> : vector<80x512xf32>
      %dot_general3A_267 = tpu.matmul %convert_element_type3A_209, %convert_element_type3A_260, %dot_general3A_266 {dimension_numbers = #tpu.dot_dimension_numbers<[1], [0], [0], [1], [0, 0, 1, 1], [], []>, transpose_lhs_hint = false} : vector<80x640xbf16>, vector<640x512xbf16>, vector<80x512xf32> -> vector<80x512xf32>
      %add3A_268 = arith.addf %dot_general3A_265, %dot_general3A_267 : vector<80x512xf32>
      %add3A_269 = arith.addf %get3A_263, %add3A_268 : vector<80x512xf32>
      %swap3A_270 = arith.constant 0 : index
      %swap3A_271 = arith.constant 0 : index
      %swap3A_272 = vector.load %arg10[%swap3A_270, %swap3A_271] : memref<80x512xf32, #tpu.memory_space<vmem>>, vector<80x512xf32>
      tpu.vector_store %arg10[%swap3A_270, %swap3A_271], %add3A_269 {strides = array<i32>} : memref<80x512xf32, #tpu.memory_space<vmem>>, vector<80x512xf32>,
      %get3A_273 = arith.constant 0 : index
      %get3A_274 = arith.constant 0 : index
      %get3A_275 = vector.load %arg11[%get3A_273, %get3A_274] : memref<80x4xf32, #tpu.memory_space<vmem>>, vector<80x4xf32>
      %dot_general3A_276 = arith.constant dense<0.000000e+00> : vector<80x4xf32>
      %dot_general3A_277 = tpu.matmul %convert_element_type3A_209, %convert_element_type3A_247, %dot_general3A_276 {dimension_numbers = #tpu.dot_dimension_numbers<[1], [1], [0], [0], [0, 0, 1, 0], [], []>, transpose_lhs_hint = false} : vector<80x640xbf16>, vector<4x640xbf16>, vector<80x4xf32> -> vector<80x4xf32>
      %dot_general3A_278 = arith.constant dense<0.000000e+00> : vector<80x4xf32>
      %dot_general3A_279 = tpu.matmul %convert_element_type3A_209, %convert_element_type3A_250, %dot_general3A_278 {dimension_numbers = #tpu.dot_dimension_numbers<[1], [1], [0], [0], [0, 0, 1, 0], [], []>, transpose_lhs_hint = false} : vector<80x640xbf16>, vector<4x640xbf16>, vector<80x4xf32> -> vector<80x4xf32>
      %add3A_280 = arith.addf %dot_general3A_277, %dot_general3A_279 : vector<80x4xf32>
      %add3A_281 = arith.addf %get3A_275, %add3A_280 : vector<80x4xf32>
      %swap3A_282 = arith.constant 0 : index
      %swap3A_283 = arith.constant 0 : index
      %swap3A_284 = vector.load %arg11[%swap3A_282, %swap3A_283] : memref<80x4xf32, #tpu.memory_space<vmem>>, vector<80x4xf32>
      tpu.vector_store %arg11[%swap3A_282, %swap3A_283], %add3A_281 {strides = array<i32>} : memref<80x4xf32, #tpu.memory_space<vmem>>, vector<80x4xf32>,
    }
    %iota3A = tpu.iota {dimensions = array<i32: 1>} : vector<4x512xi32>
    %jit3A_67 = arith.constant 128 : i32
    %div3A_68 = vector.broadcast %jit3A_67 : i32 to vector<4x512xi32>
    %div3A_69 = arith.divsi %iota3A, %div3A_68 : vector<4x512xi32>
    %sign3A_70 = arith.constant 0 : i32
    %sign3A_71 = vector.broadcast %sign3A_70 : i32 to vector<4x512xi32>
    %sign3A_72 = arith.cmpi sgt, %iota3A, %sign3A_71 : vector<4x512xi32>
    %sign3A_73 = arith.extui %sign3A_72 : vector<4x512xi1> to vector<4x512xi32>
    %sign3A_74 = arith.constant 0 : i32
    %sign3A_75 = vector.broadcast %sign3A_74 : i32 to vector<4x512xi32>
    %sign3A_76 = arith.cmpi slt, %iota3A, %sign3A_75 : vector<4x512xi32>
    %sign3A_77 = arith.extui %sign3A_76 : vector<4x512xi1> to vector<4x512xi32>
    %sign3A_78 = arith.subi %sign3A_73, %sign3A_77 : vector<4x512xi32>
    %sign3A_79 = arith.constant 0 : i32
    %sign3A_80 = arith.cmpi sgt, %jit3A_67, %sign3A_79 : i32
    %sign3A_81 = arith.extui %sign3A_80 : i1 to i32
    %sign3A_82 = arith.constant 0 : i32
    %sign3A_83 = arith.cmpi slt, %jit3A_67, %sign3A_82 : i32
    %sign3A_84 = arith.extui %sign3A_83 : i1 to i32
    %sign3A_85 = arith.subi %sign3A_81, %sign3A_84 : i32
    %ne3A_86 = vector.broadcast %sign3A_85 : i32 to vector<4x512xi32>
    %ne3A_87 = arith.cmpi ne, %sign3A_78, %ne3A_86 : vector<4x512xi32>
    %rem3A_88 = vector.broadcast %jit3A_67 : i32 to vector<4x512xi32>
    %rem3A_89 = arith.remsi %iota3A, %rem3A_88 : vector<4x512xi32>
    %ne3A_90 = arith.constant 0 : i32
    %ne3A_91 = vector.broadcast %ne3A_90 : i32 to vector<4x512xi32>
    %ne3A_92 = arith.cmpi ne, %rem3A_89, %ne3A_91 : vector<4x512xi32>
    %and3A_93 = arith.andi %ne3A_87, %ne3A_92 : vector<4x512xi1>
    %sub3A_94 = arith.constant 1 : i32
    %sub3A_95 = vector.broadcast %sub3A_94 : i32 to vector<4x512xi32>
    %sub3A_96 = arith.subi %div3A_69, %sub3A_95 : vector<4x512xi32>
    %select_n3A_97 = arith.select %and3A_93, %sub3A_96, %div3A_69 : vector<4x512xi1>, vector<4x512xi32>
    %iota3A_98 = tpu.iota {dimensions = array<i32: 0>} : vector<4x512xi32>
    %eq3A = arith.cmpi eq, %select_n3A_97, %iota3A_98 : vector<4x512xi32>
    %convert_element_type3A_99 = arith.extui %eq3A : vector<4x512xi1> to vector<4x512xi32>
    %convert_element_type3A_100 = arith.sitofp %convert_element_type3A_99 : vector<4x512xi32> to vector<4x512xf32>
    %get3A_101 = arith.constant 0 : index
    %get3A_102 = arith.constant 0 : index
    %get3A_103 = vector.load %arg11[%get3A_101, %get3A_102] : memref<80x4xf32, #tpu.memory_space<vmem>>, vector<80x4xf32>
    %dot_general3A = arith.constant dense<0.000000e+00> : vector<80x512xf32>
    %dot_general3A_104 = tpu.matmul %get3A_103, %convert_element_type3A_100, %dot_general3A {dimension_numbers = #tpu.dot_dimension_numbers<[1], [0], [0], [1], [0, 0, 1, 1], [], []>, precision = #tpu.contract_precision<fp32>, transpose_lhs_hint = false} : vector<80x4xf32>, vector<4x512xf32>, vector<80x512xf32> -> vector<80x512xf32>
    %get3A_105 = arith.constant 0 : index
    %get3A_106 = arith.constant 0 : index
    %get3A_107 = vector.load %arg10[%get3A_105, %get3A_106] : memref<80x512xf32, #tpu.memory_space<vmem>>, vector<80x512xf32>
    %add3A_108 = arith.constant 1.000000e-16 : f32
    %add3A_109 = vector.broadcast %add3A_108 : f32 to vector<80x512xf32>
    %add3A_110 = arith.addf %dot_general3A_104, %add3A_109 : vector<80x512xf32>
    %div3A_111 = arith.divf %get3A_107, %add3A_110 : vector<80x512xf32>
    %swap3A_112 = arith.constant 0 : index
    %swap3A_113 = arith.constant 0 : index
    %swap3A_114 = vector.load %arg5[%swap3A_112, %swap3A_113] : memref<80x512xf32, #tpu.memory_space<vmem>>, vector<80x512xf32>
    tpu.vector_store %arg5[%swap3A_112, %swap3A_113], %div3A_111 {strides = array<i32>} : memref<80x512xf32, #tpu.memory_space<vmem>>, vector<80x512xf32>,
    %eq3A_115 = arith.constant 0 : i32
    %eq3A_116 = arith.cmpi eq, %arg0, %eq3A_115 : i32
    %convert_element_type3A_117 = arith.extui %eq3A_116 : i1 to i32
    %cond3A_118 = arith.constant 0 : i32
    %cond3A_119 = arith.cmpi ne, %convert_element_type3A_117, %cond3A_118 : i32
    scf.if %cond3A_119 {
      %broadcast_in_dim3A_139 = arith.constant 0.000000e+00 : f32
      %broadcast_in_dim3A_140 = vector.broadcast %broadcast_in_dim3A_139 : f32 to vector<8x512xf32>
      %swap3A_141 = arith.constant 0 : index
      %swap3A_142 = arith.constant 0 : index
      %swap3A_143 = vector.load %arg6[%swap3A_141, %swap3A_142] : memref<8x512xf32, #tpu.memory_space<vmem>>, vector<8x512xf32>
      tpu.vector_store %arg6[%swap3A_141, %swap3A_142], %broadcast_in_dim3A_140 {strides = array<i32>} : memref<8x512xf32, #tpu.memory_space<vmem>>, vector<8x512xf32>,
    } else {
    }
    %get3A_120 = arith.constant 0 : index
    %get3A_121 = arith.constant 0 : index
    %get3A_122 = vector.load %arg6[%get3A_120, %get3A_121] : memref<8x512xf32, #tpu.memory_space<vmem>>, vector<1x512xf32>
    %reduce_sum3A = arith.constant dense<0.000000e+00> : vector<512xf32>
    %reduce_sum3A_123 = vector.multi_reduction <add>, %div3A_111, %reduce_sum3A [0] : vector<80x512xf32> to vector<512xf32>
    %broadcast_in_dim3A_124 = vector.shape_cast %reduce_sum3A_123 : vector<512xf32> to vector<1x512xf32>
    %add3A_125 = arith.addf %get3A_122, %broadcast_in_dim3A_124 : vector<1x512xf32>
    %swap3A_126 = arith.constant 0 : index
    %swap3A_127 = arith.constant 0 : index
    %swap3A_128 = vector.load %arg6[%swap3A_126, %swap3A_127] : memref<8x512xf32, #tpu.memory_space<vmem>>, vector<1x512xf32>
    tpu.vector_store %arg6[%swap3A_126, %swap3A_127], %add3A_125 {strides = array<i32>} : memref<8x512xf32, #tpu.memory_space<vmem>>, vector<1x512xf32>,
    %get3A_129 = arith.constant 1 : index
    %get3A_130 = arith.constant 0 : index
    %get3A_131 = vector.load %arg6[%get3A_129, %get3A_130] : memref<8x512xf32, #tpu.memory_space<vmem>>, vector<1x512xf32>
    %mul3A = arith.mulf %div3A_111, %div3A_111 : vector<80x512xf32>
    %reduce_sum3A_132 = arith.constant dense<0.000000e+00> : vector<512xf32>
    %reduce_sum3A_133 = vector.multi_reduction <add>, %mul3A, %reduce_sum3A_132 [0] : vector<80x512xf32> to vector<512xf32>
    %broadcast_in_dim3A_134 = vector.shape_cast %reduce_sum3A_133 : vector<512xf32> to vector<1x512xf32>
    %add3A_135 = arith.addf %get3A_131, %broadcast_in_dim3A_134 : vector<1x512xf32>
    %swap3A_136 = arith.constant 1 : index
    %swap3A_137 = arith.constant 0 : index
    %swap3A_138 = vector.load %arg6[%swap3A_136, %swap3A_137] : memref<8x512xf32, #tpu.memory_space<vmem>>, vector<1x512xf32>
    tpu.vector_store %arg6[%swap3A_136, %swap3A_137], %add3A_135 {strides = array<i32>} : memref<8x512xf32, #tpu.memory_space<vmem>>, vector<1x512xf32>,
    return
  }
  func.func @transform_3(%arg0: i32, %arg1: memref<126xi32, #tpu.memory_space<smem>>) -> (i32, i32) {
    %c0_i32 = arith.constant 0 : i32
    %c0_i32_0 = arith.constant 0 : i32
    return %arg0, %c0_i32 : i32, i32
  }
  func.func @transform_4(%arg0: i32, %arg1: memref<126xi32, #tpu.memory_space<smem>>) -> (i32, i32) {
    %c0_i32 = arith.constant 0 : i32
    %c0_i32_0 = arith.constant 0 : i32
    %c0_i32_1 = arith.constant 0 : i32
    return %c0_i32, %c0_i32_0 : i32, i32
  }
}

module attributes {stable_mosaic.version = 14 : i64} {
  func.func @_bn_relu_body(%arg0: i32, %arg1: memref<2000x512xf32, #tpu.memory_space<vmem>>, %arg2: memref<8x512xf32, #tpu.memory_space<vmem>>, %arg3: memref<8x512xf32, #tpu.memory_space<vmem>>, %arg4: memref<2000x512xf32, #tpu.memory_space<vmem>>) attributes {dimension_semantics = [#tpu.dimension_semantics<arbitrary>], iteration_bounds = array<i64: 5>, scalar_prefetch = 0 : i64, scratch_operands = 0 : i64, tpu.core_type = #tpu.core_type<tc>, window_params = [{transform_indices = @transform_0, window_bounds = array<i64: 2000, 512>}, {pipeline_mode = #tpu.pipeline_mode<synchronous>, transform_indices = @transform_1, window_bounds = array<i64: 8, 512>}, {pipeline_mode = #tpu.pipeline_mode<synchronous>, transform_indices = @transform_2, window_bounds = array<i64: 8, 512>}, {transform_indices = @transform_3, window_bounds = array<i64: 2000, 512>}]} {
    %get3A = arith.constant 0 : index
    %get3A_0 = arith.constant 0 : index
    %get3A_1 = vector.load %arg1[%get3A, %get3A_0] : memref<2000x512xf32, #tpu.memory_space<vmem>>, vector<2000x512xf32>
    %get3A_2 = arith.constant 0 : index
    %get3A_3 = arith.constant 0 : index
    %get3A_4 = vector.load %arg2[%get3A_2, %get3A_3] : memref<8x512xf32, #tpu.memory_space<vmem>>, vector<8x512xf32>
    %get3A_5 = arith.constant 0 : index
    %get3A_6 = arith.constant 0 : index
    %get3A_7 = vector.load %arg3[%get3A_5, %get3A_6] : memref<8x512xf32, #tpu.memory_space<vmem>>, vector<8x512xf32>
    %slice3A = vector.extract_strided_slice %get3A_4 {offsets = [0, 0], sizes = [1, 512], strides = [1, 1]} : vector<8x512xf32> to vector<1x512xf32>
    %div3A = arith.constant 1.000000e+04 : f32
    %div3A_8 = vector.broadcast %div3A : f32 to vector<1x512xf32>
    %div3A_9 = arith.divf %slice3A, %div3A_8 : vector<1x512xf32>
    %slice3A_10 = vector.extract_strided_slice %get3A_4 {offsets = [1, 0], sizes = [1, 512], strides = [1, 1]} : vector<8x512xf32> to vector<1x512xf32>
    %div3A_11 = arith.constant 1.000000e+04 : f32
    %div3A_12 = vector.broadcast %div3A_11 : f32 to vector<1x512xf32>
    %div3A_13 = arith.divf %slice3A_10, %div3A_12 : vector<1x512xf32>
    %mul3A = arith.mulf %div3A_9, %div3A_9 : vector<1x512xf32>
    %sub3A = arith.subf %div3A_13, %mul3A : vector<1x512xf32>
    %add3A = arith.constant 9.99999974E-6 : f32
    %add3A_14 = vector.broadcast %add3A : f32 to vector<1x512xf32>
    %add3A_15 = arith.addf %sub3A, %add3A_14 : vector<1x512xf32>
    %rsqrt3A = math.rsqrt %add3A_15 : vector<1x512xf32>
    %sub3A_16 = vector.broadcast %div3A_9 : vector<1x512xf32> to vector<2000x512xf32>
    %sub3A_17 = arith.subf %get3A_1, %sub3A_16 : vector<2000x512xf32>
    %mul3A_18 = vector.broadcast %rsqrt3A : vector<1x512xf32> to vector<2000x512xf32>
    %mul3A_19 = arith.mulf %sub3A_17, %mul3A_18 : vector<2000x512xf32>
    %slice3A_20 = vector.extract_strided_slice %get3A_7 {offsets = [0, 0], sizes = [1, 512], strides = [1, 1]} : vector<8x512xf32> to vector<1x512xf32>
    %mul3A_21 = vector.broadcast %slice3A_20 : vector<1x512xf32> to vector<2000x512xf32>
    %mul3A_22 = arith.mulf %mul3A_19, %mul3A_21 : vector<2000x512xf32>
    %slice3A_23 = vector.extract_strided_slice %get3A_7 {offsets = [1, 0], sizes = [1, 512], strides = [1, 1]} : vector<8x512xf32> to vector<1x512xf32>
    %add3A_24 = vector.broadcast %slice3A_23 : vector<1x512xf32> to vector<2000x512xf32>
    %add3A_25 = arith.addf %mul3A_22, %add3A_24 : vector<2000x512xf32>
    %max3A = arith.constant 0.000000e+00 : f32
    %max3A_26 = vector.broadcast %max3A : f32 to vector<2000x512xf32>
    %max3A_27 = arith.maximumf %add3A_25, %max3A_26 : vector<2000x512xf32>
    %swap3A = arith.constant 0 : index
    %swap3A_28 = arith.constant 0 : index
    %swap3A_29 = vector.load %arg4[%swap3A, %swap3A_28] : memref<2000x512xf32, #tpu.memory_space<vmem>>, vector<2000x512xf32>
    tpu.vector_store %arg4[%swap3A, %swap3A_28], %max3A_27 {strides = array<i32>} : memref<2000x512xf32, #tpu.memory_space<vmem>>, vector<2000x512xf32>,
    return
  }
  func.func @transform_0(%arg0: i32) -> (i32, i32) {
    %c0_i32 = arith.constant 0 : i32
    %c0_i32_0 = arith.constant 0 : i32
    return %arg0, %c0_i32 : i32, i32
  }
  func.func @transform_1(%arg0: i32) -> (i32, i32) {
    %c0_i32 = arith.constant 0 : i32
    %c0_i32_0 = arith.constant 0 : i32
    %c0_i32_1 = arith.constant 0 : i32
    return %c0_i32, %c0_i32_0 : i32, i32
  }
  func.func @transform_2(%arg0: i32) -> (i32, i32) {
    %c0_i32 = arith.constant 0 : i32
    %c0_i32_0 = arith.constant 0 : i32
    %c0_i32_1 = arith.constant 0 : i32
    return %c0_i32, %c0_i32_0 : i32, i32
  }
  func.func @transform_3(%arg0: i32) -> (i32, i32) {
    %c0_i32 = arith.constant 0 : i32
    %c0_i32_0 = arith.constant 0 : i32
    return %arg0, %c0_i32 : i32, i32
  }
}

module attributes {stable_mosaic.version = 14 : i64} {
  func.func @_mm_scores_body(%arg0: i32, %arg1: memref<2000x512xf32, #tpu.memory_space<vmem>>, %arg2: memref<512x512xf32, #tpu.memory_space<vmem>>, %arg3: memref<8x512xf32, #tpu.memory_space<vmem>>, %arg4: memref<512x128xf32, #tpu.memory_space<vmem>>, %arg5: memref<2000x512xf32, #tpu.memory_space<vmem>>, %arg6: memref<2000x8xf32, #tpu.memory_space<vmem>>, %arg7: memref<8x128xf32, #tpu.memory_space<vmem>>) attributes {dimension_semantics = [#tpu.dimension_semantics<arbitrary>], iteration_bounds = array<i64: 5>, scalar_prefetch = 0 : i64, scratch_operands = 0 : i64, tpu.core_type = #tpu.core_type<tc>, window_params = [{transform_indices = @transform_0, window_bounds = array<i64: 2000, 512>}, {pipeline_mode = #tpu.pipeline_mode<synchronous>, transform_indices = @transform_1, window_bounds = array<i64: 512, 512>}, {pipeline_mode = #tpu.pipeline_mode<synchronous>, transform_indices = @transform_2, window_bounds = array<i64: 8, 512>}, {pipeline_mode = #tpu.pipeline_mode<synchronous>, transform_indices = @transform_3, window_bounds = array<i64: 512, 128>}, {transform_indices = @transform_4, window_bounds = array<i64: 2000, 512>}, {transform_indices = @transform_5, window_bounds = array<i64: 2000, 8>}, {pipeline_mode = #tpu.pipeline_mode<synchronous>, transform_indices = @transform_6, window_bounds = array<i64: 8, 128>}]} {
    %get3A = arith.constant 0 : index
    %get3A_0 = arith.constant 0 : index
    %get3A_1 = vector.load %arg1[%get3A, %get3A_0] : memref<2000x512xf32, #tpu.memory_space<vmem>>, vector<2000x512xf32>
    %get3A_2 = arith.constant 0 : index
    %get3A_3 = arith.constant 0 : index
    %get3A_4 = vector.load %arg2[%get3A_2, %get3A_3] : memref<512x512xf32, #tpu.memory_space<vmem>>, vector<512x512xf32>
    %dot_general3A = arith.constant dense<0.000000e+00> : vector<2000x512xf32>
    %dot_general3A_5 = tpu.matmul %get3A_1, %get3A_4, %dot_general3A {dimension_numbers = #tpu.dot_dimension_numbers<[1], [0], [0], [1], [0, 0, 1, 1], [], []>, transpose_lhs_hint = false} : vector<2000x512xf32>, vector<512x512xf32>, vector<2000x512xf32> -> vector<2000x512xf32>
    %get3A_6 = arith.constant 0 : index
    %get3A_7 = arith.constant 0 : index
    %get3A_8 = vector.load %arg3[%get3A_6, %get3A_7] : memref<8x512xf32, #tpu.memory_space<vmem>>, vector<1x512xf32>
    %add3A = vector.broadcast %get3A_8 : vector<1x512xf32> to vector<2000x512xf32>
    %add3A_9 = arith.addf %dot_general3A_5, %add3A : vector<2000x512xf32>
    %swap3A = arith.constant 0 : index
    %swap3A_10 = arith.constant 0 : index
    %swap3A_11 = vector.load %arg5[%swap3A, %swap3A_10] : memref<2000x512xf32, #tpu.memory_space<vmem>>, vector<2000x512xf32>
    tpu.vector_store %arg5[%swap3A, %swap3A_10], %add3A_9 {strides = array<i32>} : memref<2000x512xf32, #tpu.memory_space<vmem>>, vector<2000x512xf32>,
    %get3A_12 = arith.constant 0 : index
    %get3A_13 = arith.constant 0 : index
    %get3A_14 = vector.load %arg4[%get3A_12, %get3A_13] : memref<512x128xf32, #tpu.memory_space<vmem>>, vector<512x128xf32>
    %dot_general3A_15 = arith.constant dense<0.000000e+00> : vector<2000x128xf32>
    %dot_general3A_16 = tpu.matmul %add3A_9, %get3A_14, %dot_general3A_15 {dimension_numbers = #tpu.dot_dimension_numbers<[1], [0], [0], [1], [0, 0, 1, 1], [], []>, precision = #tpu.contract_precision<fp32>, transpose_lhs_hint = false} : vector<2000x512xf32>, vector<512x128xf32>, vector<2000x128xf32> -> vector<2000x128xf32>
    %slice3A = vector.extract_strided_slice %dot_general3A_16 {offsets = [0, 0], sizes = [2000, 8], strides = [1, 1]} : vector<2000x128xf32> to vector<2000x8xf32>
    %swap3A_17 = arith.constant 0 : index
    %swap3A_18 = arith.constant 0 : index
    %swap3A_19 = vector.load %arg6[%swap3A_17, %swap3A_18] : memref<2000x8xf32, #tpu.memory_space<vmem>>, vector<2000x8xf32>
    tpu.vector_store %arg6[%swap3A_17, %swap3A_18], %slice3A {strides = array<i32>} : memref<2000x8xf32, #tpu.memory_space<vmem>>, vector<2000x8xf32>,
    %reduce_max3A = arith.constant dense<0xFF800000> : vector<128xf32>
    %reduce_max3A_20 = vector.multi_reduction <maximumf>, %dot_general3A_16, %reduce_max3A [0] : vector<2000x128xf32> to vector<128xf32>
    %broadcast_in_dim3A = vector.shape_cast %reduce_max3A_20 : vector<128xf32> to vector<1x128xf32>
    %eq3A = arith.constant 0 : i32
    %eq3A_21 = arith.cmpi eq, %arg0, %eq3A : i32
    %convert_element_type3A = arith.extui %eq3A_21 : i1 to i32
    %cond3A = arith.constant 0 : i32
    %cond3A_22 = arith.cmpi ne, %convert_element_type3A, %cond3A : i32
    scf.if %cond3A_22 {
      %broadcast_in_dim3A_29 = arith.constant 0xFF800000 : f32
      %broadcast_in_dim3A_30 = vector.broadcast %broadcast_in_dim3A_29 : f32 to vector<8x128xf32>
      %swap3A_31 = arith.constant 0 : index
      %swap3A_32 = arith.constant 0 : index
      %swap3A_33 = vector.load %arg7[%swap3A_31, %swap3A_32] : memref<8x128xf32, #tpu.memory_space<vmem>>, vector<8x128xf32>
      tpu.vector_store %arg7[%swap3A_31, %swap3A_32], %broadcast_in_dim3A_30 {strides = array<i32>} : memref<8x128xf32, #tpu.memory_space<vmem>>, vector<8x128xf32>,
    } else {
    }
    %get3A_23 = arith.constant 0 : index
    %get3A_24 = arith.constant 0 : index
    %get3A_25 = vector.load %arg7[%get3A_23, %get3A_24] : memref<8x128xf32, #tpu.memory_space<vmem>>, vector<1x128xf32>
    %max3A = arith.maximumf %get3A_25, %broadcast_in_dim3A : vector<1x128xf32>
    %swap3A_26 = arith.constant 0 : index
    %swap3A_27 = arith.constant 0 : index
    %swap3A_28 = vector.load %arg7[%swap3A_26, %swap3A_27] : memref<8x128xf32, #tpu.memory_space<vmem>>, vector<1x128xf32>
    tpu.vector_store %arg7[%swap3A_26, %swap3A_27], %max3A {strides = array<i32>} : memref<8x128xf32, #tpu.memory_space<vmem>>, vector<1x128xf32>,
    return
  }
  func.func @transform_0(%arg0: i32) -> (i32, i32) {
    %c0_i32 = arith.constant 0 : i32
    %c0_i32_0 = arith.constant 0 : i32
    return %arg0, %c0_i32 : i32, i32
  }
  func.func @transform_1(%arg0: i32) -> (i32, i32) {
    %c0_i32 = arith.constant 0 : i32
    %c0_i32_0 = arith.constant 0 : i32
    %c0_i32_1 = arith.constant 0 : i32
    return %c0_i32, %c0_i32_0 : i32, i32
  }
  func.func @transform_2(%arg0: i32) -> (i32, i32) {
    %c0_i32 = arith.constant 0 : i32
    %c0_i32_0 = arith.constant 0 : i32
    %c0_i32_1 = arith.constant 0 : i32
    return %c0_i32, %c0_i32_0 : i32, i32
  }
  func.func @transform_3(%arg0: i32) -> (i32, i32) {
    %c0_i32 = arith.constant 0 : i32
    %c0_i32_0 = arith.constant 0 : i32
    %c0_i32_1 = arith.constant 0 : i32
    return %c0_i32, %c0_i32_0 : i32, i32
  }
  func.func @transform_4(%arg0: i32) -> (i32, i32) {
    %c0_i32 = arith.constant 0 : i32
    %c0_i32_0 = arith.constant 0 : i32
    return %arg0, %c0_i32 : i32, i32
  }
  func.func @transform_5(%arg0: i32) -> (i32, i32) {
    %c0_i32 = arith.constant 0 : i32
    %c0_i32_0 = arith.constant 0 : i32
    return %arg0, %c0_i32 : i32, i32
  }
  func.func @transform_6(%arg0: i32) -> (i32, i32) {
    %c0_i32 = arith.constant 0 : i32
    %c0_i32_0 = arith.constant 0 : i32
    %c0_i32_1 = arith.constant 0 : i32
    return %c0_i32, %c0_i32_0 : i32, i32
  }
}

module attributes {stable_mosaic.version = 14 : i64} {
  func.func @_lin_stats_body(%arg0: i32, %arg1: memref<2000x512xf32, #tpu.memory_space<vmem>>, %arg2: memref<512x512xf32, #tpu.memory_space<vmem>>, %arg3: memref<8x512xf32, #tpu.memory_space<vmem>>, %arg4: memref<2000x512xbf16, #tpu.memory_space<vmem>>, %arg5: memref<8x512xf32, #tpu.memory_space<vmem>>) attributes {dimension_semantics = [#tpu.dimension_semantics<arbitrary>], iteration_bounds = array<i64: 5>, scalar_prefetch = 0 : i64, scratch_operands = 0 : i64, tpu.core_type = #tpu.core_type<tc>, window_params = [{transform_indices = @transform_0, window_bounds = array<i64: 2000, 512>}, {pipeline_mode = #tpu.pipeline_mode<synchronous>, transform_indices = @transform_1, window_bounds = array<i64: 512, 512>}, {pipeline_mode = #tpu.pipeline_mode<synchronous>, transform_indices = @transform_2, window_bounds = array<i64: 8, 512>}, {transform_indices = @transform_3, window_bounds = array<i64: 2000, 512>}, {pipeline_mode = #tpu.pipeline_mode<synchronous>, transform_indices = @transform_4, window_bounds = array<i64: 8, 512>}]} {
    %get3A = arith.constant 0 : index
    %get3A_0 = arith.constant 0 : index
    %get3A_1 = vector.load %arg1[%get3A, %get3A_0] : memref<2000x512xf32, #tpu.memory_space<vmem>>, vector<2000x512xf32>
    %get3A_2 = arith.constant 0 : index
    %get3A_3 = arith.constant 0 : index
    %get3A_4 = vector.load %arg2[%get3A_2, %get3A_3] : memref<512x512xf32, #tpu.memory_space<vmem>>, vector<512x512xf32>
    %dot_general3A = arith.constant dense<0.000000e+00> : vector<2000x512xf32>
    %dot_general3A_5 = tpu.matmul %get3A_1, %get3A_4, %dot_general3A {dimension_numbers = #tpu.dot_dimension_numbers<[1], [0], [0], [1], [0, 0, 1, 1], [], []>, transpose_lhs_hint = false} : vector<2000x512xf32>, vector<512x512xf32>, vector<2000x512xf32> -> vector<2000x512xf32>
    %get3A_6 = arith.constant 0 : index
    %get3A_7 = arith.constant 0 : index
    %get3A_8 = vector.load %arg3[%get3A_6, %get3A_7] : memref<8x512xf32, #tpu.memory_space<vmem>>, vector<1x512xf32>
    %add3A = vector.broadcast %get3A_8 : vector<1x512xf32> to vector<2000x512xf32>
    %add3A_9 = arith.addf %dot_general3A_5, %add3A : vector<2000x512xf32>
    %convert_element_type3A = arith.truncf %add3A_9 : vector<2000x512xf32> to vector<2000x512xbf16>
    %swap3A = arith.constant 0 : index
    %swap3A_10 = arith.constant 0 : index
    %swap3A_11 = vector.load %arg4[%swap3A, %swap3A_10] : memref<2000x512xbf16, #tpu.memory_space<vmem>>, vector<2000x512xbf16>
    tpu.vector_store %arg4[%swap3A, %swap3A_10], %convert_element_type3A {strides = array<i32>} : memref<2000x512xbf16, #tpu.memory_space<vmem>>, vector<2000x512xbf16>,
    %eq3A = arith.constant 0 : i32
    %eq3A_12 = arith.cmpi eq, %arg0, %eq3A : i32
    %convert_element_type3A_13 = arith.extui %eq3A_12 : i1 to i32
    %cond3A = arith.constant 0 : i32
    %cond3A_14 = arith.cmpi ne, %convert_element_type3A_13, %cond3A : i32
    scf.if %cond3A_14 {
      %broadcast_in_dim3A_33 = arith.constant 0.000000e+00 : f32
      %broadcast_in_dim3A_34 = vector.broadcast %broadcast_in_dim3A_33 : f32 to vector<8x512xf32>
      %swap3A_35 = arith.constant 0 : index
      %swap3A_36 = arith.constant 0 : index
      %swap3A_37 = vector.load %arg5[%swap3A_35, %swap3A_36] : memref<8x512xf32, #tpu.memory_space<vmem>>, vector<8x512xf32>
      tpu.vector_store %arg5[%swap3A_35, %swap3A_36], %broadcast_in_dim3A_34 {strides = array<i32>} : memref<8x512xf32, #tpu.memory_space<vmem>>, vector<8x512xf32>,
    } else {
    }
    %get3A_15 = arith.constant 0 : index
    %get3A_16 = arith.constant 0 : index
    %get3A_17 = vector.load %arg5[%get3A_15, %get3A_16] : memref<8x512xf32, #tpu.memory_space<vmem>>, vector<1x512xf32>
    %reduce_sum3A = arith.constant dense<0.000000e+00> : vector<512xf32>
    %reduce_sum3A_18 = vector.multi_reduction <add>, %add3A_9, %reduce_sum3A [0] : vector<2000x512xf32> to vector<512xf32>
    %broadcast_in_dim3A = vector.shape_cast %reduce_sum3A_18 : vector<512xf32> to vector<1x512xf32>
    %add3A_19 = arith.addf %get3A_17, %broadcast_in_dim3A : vector<1x512xf32>
    %swap3A_20 = arith.constant 0 : index
    %swap3A_21 = arith.constant 0 : index
    %swap3A_22 = vector.load %arg5[%swap3A_20, %swap3A_21] : memref<8x512xf32, #tpu.memory_space<vmem>>, vector<1x512xf32>
    tpu.vector_store %arg5[%swap3A_20, %swap3A_21], %add3A_19 {strides = array<i32>} : memref<8x512xf32, #tpu.memory_space<vmem>>, vector<1x512xf32>,
    %get3A_23 = arith.constant 1 : index
    %get3A_24 = arith.constant 0 : index
    %get3A_25 = vector.load %arg5[%get3A_23, %get3A_24] : memref<8x512xf32, #tpu.memory_space<vmem>>, vector<1x512xf32>
    %mul3A = arith.mulf %add3A_9, %add3A_9 : vector<2000x512xf32>
    %reduce_sum3A_26 = arith.constant dense<0.000000e+00> : vector<512xf32>
    %reduce_sum3A_27 = vector.multi_reduction <add>, %mul3A, %reduce_sum3A_26 [0] : vector<2000x512xf32> to vector<512xf32>
    %broadcast_in_dim3A_28 = vector.shape_cast %reduce_sum3A_27 : vector<512xf32> to vector<1x512xf32>
    %add3A_29 = arith.addf %get3A_25, %broadcast_in_dim3A_28 : vector<1x512xf32>
    %swap3A_30 = arith.constant 1 : index
    %swap3A_31 = arith.constant 0 : index
    %swap3A_32 = vector.load %arg5[%swap3A_30, %swap3A_31] : memref<8x512xf32, #tpu.memory_space<vmem>>, vector<1x512xf32>
    tpu.vector_store %arg5[%swap3A_30, %swap3A_31], %add3A_29 {strides = array<i32>} : memref<8x512xf32, #tpu.memory_space<vmem>>, vector<1x512xf32>,
    return
  }
  func.func @transform_0(%arg0: i32) -> (i32, i32) {
    %c0_i32 = arith.constant 0 : i32
    %c0_i32_0 = arith.constant 0 : i32
    return %arg0, %c0_i32 : i32, i32
  }
  func.func @transform_1(%arg0: i32) -> (i32, i32) {
    %c0_i32 = arith.constant 0 : i32
    %c0_i32_0 = arith.constant 0 : i32
    %c0_i32_1 = arith.constant 0 : i32
    return %c0_i32, %c0_i32_0 : i32, i32
  }
  func.func @transform_2(%arg0: i32) -> (i32, i32) {
    %c0_i32 = arith.constant 0 : i32
    %c0_i32_0 = arith.constant 0 : i32
    %c0_i32_1 = arith.constant 0 : i32
    return %c0_i32, %c0_i32_0 : i32, i32
  }
  func.func @transform_3(%arg0: i32) -> (i32, i32) {
    %c0_i32 = arith.constant 0 : i32
    %c0_i32_0 = arith.constant 0 : i32
    return %arg0, %c0_i32 : i32, i32
  }
  func.func @transform_4(%arg0: i32) -> (i32, i32) {
    %c0_i32 = arith.constant 0 : i32
    %c0_i32_0 = arith.constant 0 : i32
    %c0_i32_1 = arith.constant 0 : i32
    return %c0_i32, %c0_i32_0 : i32, i32
  }
}

module attributes {stable_mosaic.version = 14 : i64} {
  func.func @_lin_stats_body(%arg0: i32, %arg1: memref<2000x512xf32, #tpu.memory_space<vmem>>, %arg2: memref<512x512xf32, #tpu.memory_space<vmem>>, %arg3: memref<8x512xf32, #tpu.memory_space<vmem>>, %arg4: memref<2000x512xf32, #tpu.memory_space<vmem>>, %arg5: memref<8x512xf32, #tpu.memory_space<vmem>>) attributes {dimension_semantics = [#tpu.dimension_semantics<arbitrary>], iteration_bounds = array<i64: 5>, scalar_prefetch = 0 : i64, scratch_operands = 0 : i64, tpu.core_type = #tpu.core_type<tc>, window_params = [{transform_indices = @transform_0, window_bounds = array<i64: 2000, 512>}, {pipeline_mode = #tpu.pipeline_mode<synchronous>, transform_indices = @transform_1, window_bounds = array<i64: 512, 512>}, {pipeline_mode = #tpu.pipeline_mode<synchronous>, transform_indices = @transform_2, window_bounds = array<i64: 8, 512>}, {transform_indices = @transform_3, window_bounds = array<i64: 2000, 512>}, {pipeline_mode = #tpu.pipeline_mode<synchronous>, transform_indices = @transform_4, window_bounds = array<i64: 8, 512>}]} {
    %get3A = arith.constant 0 : index
    %get3A_0 = arith.constant 0 : index
    %get3A_1 = vector.load %arg1[%get3A, %get3A_0] : memref<2000x512xf32, #tpu.memory_space<vmem>>, vector<2000x512xf32>
    %get3A_2 = arith.constant 0 : index
    %get3A_3 = arith.constant 0 : index
    %get3A_4 = vector.load %arg2[%get3A_2, %get3A_3] : memref<512x512xf32, #tpu.memory_space<vmem>>, vector<512x512xf32>
    %dot_general3A = arith.constant dense<0.000000e+00> : vector<2000x512xf32>
    %dot_general3A_5 = tpu.matmul %get3A_1, %get3A_4, %dot_general3A {dimension_numbers = #tpu.dot_dimension_numbers<[1], [0], [0], [1], [0, 0, 1, 1], [], []>, transpose_lhs_hint = false} : vector<2000x512xf32>, vector<512x512xf32>, vector<2000x512xf32> -> vector<2000x512xf32>
    %get3A_6 = arith.constant 0 : index
    %get3A_7 = arith.constant 0 : index
    %get3A_8 = vector.load %arg3[%get3A_6, %get3A_7] : memref<8x512xf32, #tpu.memory_space<vmem>>, vector<1x512xf32>
    %add3A = vector.broadcast %get3A_8 : vector<1x512xf32> to vector<2000x512xf32>
    %add3A_9 = arith.addf %dot_general3A_5, %add3A : vector<2000x512xf32>
    %swap3A = arith.constant 0 : index
    %swap3A_10 = arith.constant 0 : index
    %swap3A_11 = vector.load %arg4[%swap3A, %swap3A_10] : memref<2000x512xf32, #tpu.memory_space<vmem>>, vector<2000x512xf32>
    tpu.vector_store %arg4[%swap3A, %swap3A_10], %add3A_9 {strides = array<i32>} : memref<2000x512xf32, #tpu.memory_space<vmem>>, vector<2000x512xf32>,
    %eq3A = arith.constant 0 : i32
    %eq3A_12 = arith.cmpi eq, %arg0, %eq3A : i32
    %convert_element_type3A = arith.extui %eq3A_12 : i1 to i32
    %cond3A = arith.constant 0 : i32
    %cond3A_13 = arith.cmpi ne, %convert_element_type3A, %cond3A : i32
    scf.if %cond3A_13 {
      %broadcast_in_dim3A_32 = arith.constant 0.000000e+00 : f32
      %broadcast_in_dim3A_33 = vector.broadcast %broadcast_in_dim3A_32 : f32 to vector<8x512xf32>
      %swap3A_34 = arith.constant 0 : index
      %swap3A_35 = arith.constant 0 : index
      %swap3A_36 = vector.load %arg5[%swap3A_34, %swap3A_35] : memref<8x512xf32, #tpu.memory_space<vmem>>, vector<8x512xf32>
      tpu.vector_store %arg5[%swap3A_34, %swap3A_35], %broadcast_in_dim3A_33 {strides = array<i32>} : memref<8x512xf32, #tpu.memory_space<vmem>>, vector<8x512xf32>,
    } else {
    }
    %get3A_14 = arith.constant 0 : index
    %get3A_15 = arith.constant 0 : index
    %get3A_16 = vector.load %arg5[%get3A_14, %get3A_15] : memref<8x512xf32, #tpu.memory_space<vmem>>, vector<1x512xf32>
    %reduce_sum3A = arith.constant dense<0.000000e+00> : vector<512xf32>
    %reduce_sum3A_17 = vector.multi_reduction <add>, %add3A_9, %reduce_sum3A [0] : vector<2000x512xf32> to vector<512xf32>
    %broadcast_in_dim3A = vector.shape_cast %reduce_sum3A_17 : vector<512xf32> to vector<1x512xf32>
    %add3A_18 = arith.addf %get3A_16, %broadcast_in_dim3A : vector<1x512xf32>
    %swap3A_19 = arith.constant 0 : index
    %swap3A_20 = arith.constant 0 : index
    %swap3A_21 = vector.load %arg5[%swap3A_19, %swap3A_20] : memref<8x512xf32, #tpu.memory_space<vmem>>, vector<1x512xf32>
    tpu.vector_store %arg5[%swap3A_19, %swap3A_20], %add3A_18 {strides = array<i32>} : memref<8x512xf32, #tpu.memory_space<vmem>>, vector<1x512xf32>,
    %get3A_22 = arith.constant 1 : index
    %get3A_23 = arith.constant 0 : index
    %get3A_24 = vector.load %arg5[%get3A_22, %get3A_23] : memref<8x512xf32, #tpu.memory_space<vmem>>, vector<1x512xf32>
    %mul3A = arith.mulf %add3A_9, %add3A_9 : vector<2000x512xf32>
    %reduce_sum3A_25 = arith.constant dense<0.000000e+00> : vector<512xf32>
    %reduce_sum3A_26 = vector.multi_reduction <add>, %mul3A, %reduce_sum3A_25 [0] : vector<2000x512xf32> to vector<512xf32>
    %broadcast_in_dim3A_27 = vector.shape_cast %reduce_sum3A_26 : vector<512xf32> to vector<1x512xf32>
    %add3A_28 = arith.addf %get3A_24, %broadcast_in_dim3A_27 : vector<1x512xf32>
    %swap3A_29 = arith.constant 1 : index
    %swap3A_30 = arith.constant 0 : index
    %swap3A_31 = vector.load %arg5[%swap3A_29, %swap3A_30] : memref<8x512xf32, #tpu.memory_space<vmem>>, vector<1x512xf32>
    tpu.vector_store %arg5[%swap3A_29, %swap3A_30], %add3A_28 {strides = array<i32>} : memref<8x512xf32, #tpu.memory_space<vmem>>, vector<1x512xf32>,
    return
  }
  func.func @transform_0(%arg0: i32) -> (i32, i32) {
    %c0_i32 = arith.constant 0 : i32
    %c0_i32_0 = arith.constant 0 : i32
    return %arg0, %c0_i32 : i32, i32
  }
  func.func @transform_1(%arg0: i32) -> (i32, i32) {
    %c0_i32 = arith.constant 0 : i32
    %c0_i32_0 = arith.constant 0 : i32
    %c0_i32_1 = arith.constant 0 : i32
    return %c0_i32, %c0_i32_0 : i32, i32
  }
  func.func @transform_2(%arg0: i32) -> (i32, i32) {
    %c0_i32 = arith.constant 0 : i32
    %c0_i32_0 = arith.constant 0 : i32
    %c0_i32_1 = arith.constant 0 : i32
    return %c0_i32, %c0_i32_0 : i32, i32
  }
  func.func @transform_3(%arg0: i32) -> (i32, i32) {
    %c0_i32 = arith.constant 0 : i32
    %c0_i32_0 = arith.constant 0 : i32
    return %arg0, %c0_i32 : i32, i32
  }
  func.func @transform_4(%arg0: i32) -> (i32, i32) {
    %c0_i32 = arith.constant 0 : i32
    %c0_i32_0 = arith.constant 0 : i32
    %c0_i32_1 = arith.constant 0 : i32
    return %c0_i32, %c0_i32_0 : i32, i32
  }
}

module attributes {stable_mosaic.version = 14 : i64} {
  func.func @_bnrelu_lin_body(%arg0: i32, %arg1: memref<2000x512xf32, #tpu.memory_space<vmem>>, %arg2: memref<8x512xf32, #tpu.memory_space<vmem>>, %arg3: memref<8x512xf32, #tpu.memory_space<vmem>>, %arg4: memref<512x512xf32, #tpu.memory_space<vmem>>, %arg5: memref<8x512xf32, #tpu.memory_space<vmem>>, %arg6: memref<2000x512xf32, #tpu.memory_space<vmem>>, %arg7: memref<8x512xf32, #tpu.memory_space<vmem>>) attributes {dimension_semantics = [#tpu.dimension_semantics<arbitrary>], iteration_bounds = array<i64: 5>, scalar_prefetch = 0 : i64, scratch_operands = 0 : i64, tpu.core_type = #tpu.core_type<tc>, window_params = [{transform_indices = @transform_0, window_bounds = array<i64: 2000, 512>}, {pipeline_mode = #tpu.pipeline_mode<synchronous>, transform_indices = @transform_1, window_bounds = array<i64: 8, 512>}, {pipeline_mode = #tpu.pipeline_mode<synchronous>, transform_indices = @transform_2, window_bounds = array<i64: 8, 512>}, {pipeline_mode = #tpu.pipeline_mode<synchronous>, transform_indices = @transform_3, window_bounds = array<i64: 512, 512>}, {pipeline_mode = #tpu.pipeline_mode<synchronous>, transform_indices = @transform_4, window_bounds = array<i64: 8, 512>}, {transform_indices = @transform_5, window_bounds = array<i64: 2000, 512>}, {pipeline_mode = #tpu.pipeline_mode<synchronous>, transform_indices = @transform_6, window_bounds = array<i64: 8, 512>}]} {
    %get3A = arith.constant 0 : index
    %get3A_0 = arith.constant 0 : index
    %get3A_1 = vector.load %arg1[%get3A, %get3A_0] : memref<2000x512xf32, #tpu.memory_space<vmem>>, vector<2000x512xf32>
    %get3A_2 = arith.constant 0 : index
    %get3A_3 = arith.constant 0 : index
    %get3A_4 = vector.load %arg2[%get3A_2, %get3A_3] : memref<8x512xf32, #tpu.memory_space<vmem>>, vector<8x512xf32>
    %get3A_5 = arith.constant 0 : index
    %get3A_6 = arith.constant 0 : index
    %get3A_7 = vector.load %arg3[%get3A_5, %get3A_6] : memref<8x512xf32, #tpu.memory_space<vmem>>, vector<8x512xf32>
    %slice3A = vector.extract_strided_slice %get3A_4 {offsets = [0, 0], sizes = [1, 512], strides = [1, 1]} : vector<8x512xf32> to vector<1x512xf32>
    %div3A = arith.constant 1.000000e+04 : f32
    %div3A_8 = vector.broadcast %div3A : f32 to vector<1x512xf32>
    %div3A_9 = arith.divf %slice3A, %div3A_8 : vector<1x512xf32>
    %slice3A_10 = vector.extract_strided_slice %get3A_4 {offsets = [1, 0], sizes = [1, 512], strides = [1, 1]} : vector<8x512xf32> to vector<1x512xf32>
    %div3A_11 = arith.constant 1.000000e+04 : f32
    %div3A_12 = vector.broadcast %div3A_11 : f32 to vector<1x512xf32>
    %div3A_13 = arith.divf %slice3A_10, %div3A_12 : vector<1x512xf32>
    %mul3A = arith.mulf %div3A_9, %div3A_9 : vector<1x512xf32>
    %sub3A = arith.subf %div3A_13, %mul3A : vector<1x512xf32>
    %add3A = arith.constant 9.99999974E-6 : f32
    %add3A_14 = vector.broadcast %add3A : f32 to vector<1x512xf32>
    %add3A_15 = arith.addf %sub3A, %add3A_14 : vector<1x512xf32>
    %rsqrt3A = math.rsqrt %add3A_15 : vector<1x512xf32>
    %sub3A_16 = vector.broadcast %div3A_9 : vector<1x512xf32> to vector<2000x512xf32>
    %sub3A_17 = arith.subf %get3A_1, %sub3A_16 : vector<2000x512xf32>
    %mul3A_18 = vector.broadcast %rsqrt3A : vector<1x512xf32> to vector<2000x512xf32>
    %mul3A_19 = arith.mulf %sub3A_17, %mul3A_18 : vector<2000x512xf32>
    %slice3A_20 = vector.extract_strided_slice %get3A_7 {offsets = [0, 0], sizes = [1, 512], strides = [1, 1]} : vector<8x512xf32> to vector<1x512xf32>
    %mul3A_21 = vector.broadcast %slice3A_20 : vector<1x512xf32> to vector<2000x512xf32>
    %mul3A_22 = arith.mulf %mul3A_19, %mul3A_21 : vector<2000x512xf32>
    %slice3A_23 = vector.extract_strided_slice %get3A_7 {offsets = [1, 0], sizes = [1, 512], strides = [1, 1]} : vector<8x512xf32> to vector<1x512xf32>
    %add3A_24 = vector.broadcast %slice3A_23 : vector<1x512xf32> to vector<2000x512xf32>
    %add3A_25 = arith.addf %mul3A_22, %add3A_24 : vector<2000x512xf32>
    %max3A = arith.constant 0.000000e+00 : f32
    %max3A_26 = vector.broadcast %max3A : f32 to vector<2000x512xf32>
    %max3A_27 = arith.maximumf %add3A_25, %max3A_26 : vector<2000x512xf32>
    %get3A_28 = arith.constant 0 : index
    %get3A_29 = arith.constant 0 : index
    %get3A_30 = vector.load %arg4[%get3A_28, %get3A_29] : memref<512x512xf32, #tpu.memory_space<vmem>>, vector<512x512xf32>
    %dot_general3A = arith.constant dense<0.000000e+00> : vector<2000x512xf32>
    %dot_general3A_31 = tpu.matmul %max3A_27, %get3A_30, %dot_general3A {dimension_numbers = #tpu.dot_dimension_numbers<[1], [0], [0], [1], [0, 0, 1, 1], [], []>, transpose_lhs_hint = false} : vector<2000x512xf32>, vector<512x512xf32>, vector<2000x512xf32> -> vector<2000x512xf32>
    %get3A_32 = arith.constant 0 : index
    %get3A_33 = arith.constant 0 : index
    %get3A_34 = vector.load %arg5[%get3A_32, %get3A_33] : memref<8x512xf32, #tpu.memory_space<vmem>>, vector<1x512xf32>
    %add3A_35 = vector.broadcast %get3A_34 : vector<1x512xf32> to vector<2000x512xf32>
    %add3A_36 = arith.addf %dot_general3A_31, %add3A_35 : vector<2000x512xf32>
    %swap3A = arith.constant 0 : index
    %swap3A_37 = arith.constant 0 : index
    %swap3A_38 = vector.load %arg6[%swap3A, %swap3A_37] : memref<2000x512xf32, #tpu.memory_space<vmem>>, vector<2000x512xf32>
    tpu.vector_store %arg6[%swap3A, %swap3A_37], %add3A_36 {strides = array<i32>} : memref<2000x512xf32, #tpu.memory_space<vmem>>, vector<2000x512xf32>,
    %eq3A = arith.constant 0 : i32
    %eq3A_39 = arith.cmpi eq, %arg0, %eq3A : i32
    %convert_element_type3A = arith.extui %eq3A_39 : i1 to i32
    %cond3A = arith.constant 0 : i32
    %cond3A_40 = arith.cmpi ne, %convert_element_type3A, %cond3A : i32
    scf.if %cond3A_40 {
      %broadcast_in_dim3A_60 = arith.constant 0.000000e+00 : f32
      %broadcast_in_dim3A_61 = vector.broadcast %broadcast_in_dim3A_60 : f32 to vector<8x512xf32>
      %swap3A_62 = arith.constant 0 : index
      %swap3A_63 = arith.constant 0 : index
      %swap3A_64 = vector.load %arg7[%swap3A_62, %swap3A_63] : memref<8x512xf32, #tpu.memory_space<vmem>>, vector<8x512xf32>
      tpu.vector_store %arg7[%swap3A_62, %swap3A_63], %broadcast_in_dim3A_61 {strides = array<i32>} : memref<8x512xf32, #tpu.memory_space<vmem>>, vector<8x512xf32>,
    } else {
    }
    %get3A_41 = arith.constant 0 : index
    %get3A_42 = arith.constant 0 : index
    %get3A_43 = vector.load %arg7[%get3A_41, %get3A_42] : memref<8x512xf32, #tpu.memory_space<vmem>>, vector<1x512xf32>
    %reduce_sum3A = arith.constant dense<0.000000e+00> : vector<512xf32>
    %reduce_sum3A_44 = vector.multi_reduction <add>, %add3A_36, %reduce_sum3A [0] : vector<2000x512xf32> to vector<512xf32>
    %broadcast_in_dim3A = vector.shape_cast %reduce_sum3A_44 : vector<512xf32> to vector<1x512xf32>
    %add3A_45 = arith.addf %get3A_43, %broadcast_in_dim3A : vector<1x512xf32>
    %swap3A_46 = arith.constant 0 : index
    %swap3A_47 = arith.constant 0 : index
    %swap3A_48 = vector.load %arg7[%swap3A_46, %swap3A_47] : memref<8x512xf32, #tpu.memory_space<vmem>>, vector<1x512xf32>
    tpu.vector_store %arg7[%swap3A_46, %swap3A_47], %add3A_45 {strides = array<i32>} : memref<8x512xf32, #tpu.memory_space<vmem>>, vector<1x512xf32>,
    %get3A_49 = arith.constant 1 : index
    %get3A_50 = arith.constant 0 : index
    %get3A_51 = vector.load %arg7[%get3A_49, %get3A_50] : memref<8x512xf32, #tpu.memory_space<vmem>>, vector<1x512xf32>
    %mul3A_52 = arith.mulf %add3A_36, %add3A_36 : vector<2000x512xf32>
    %reduce_sum3A_53 = arith.constant dense<0.000000e+00> : vector<512xf32>
    %reduce_sum3A_54 = vector.multi_reduction <add>, %mul3A_52, %reduce_sum3A_53 [0] : vector<2000x512xf32> to vector<512xf32>
    %broadcast_in_dim3A_55 = vector.shape_cast %reduce_sum3A_54 : vector<512xf32> to vector<1x512xf32>
    %add3A_56 = arith.addf %get3A_51, %broadcast_in_dim3A_55 : vector<1x512xf32>
    %swap3A_57 = arith.constant 1 : index
    %swap3A_58 = arith.constant 0 : index
    %swap3A_59 = vector.load %arg7[%swap3A_57, %swap3A_58] : memref<8x512xf32, #tpu.memory_space<vmem>>, vector<1x512xf32>
    tpu.vector_store %arg7[%swap3A_57, %swap3A_58], %add3A_56 {strides = array<i32>} : memref<8x512xf32, #tpu.memory_space<vmem>>, vector<1x512xf32>,
    return
  }
  func.func @transform_0(%arg0: i32) -> (i32, i32) {
    %c0_i32 = arith.constant 0 : i32
    %c0_i32_0 = arith.constant 0 : i32
    return %arg0, %c0_i32 : i32, i32
  }
  func.func @transform_1(%arg0: i32) -> (i32, i32) {
    %c0_i32 = arith.constant 0 : i32
    %c0_i32_0 = arith.constant 0 : i32
    %c0_i32_1 = arith.constant 0 : i32
    return %c0_i32, %c0_i32_0 : i32, i32
  }
  func.func @transform_2(%arg0: i32) -> (i32, i32) {
    %c0_i32 = arith.constant 0 : i32
    %c0_i32_0 = arith.constant 0 : i32
    %c0_i32_1 = arith.constant 0 : i32
    return %c0_i32, %c0_i32_0 : i32, i32
  }
  func.func @transform_3(%arg0: i32) -> (i32, i32) {
    %c0_i32 = arith.constant 0 : i32
    %c0_i32_0 = arith.constant 0 : i32
    %c0_i32_1 = arith.constant 0 : i32
    return %c0_i32, %c0_i32_0 : i32, i32
  }
  func.func @transform_4(%arg0: i32) -> (i32, i32) {
    %c0_i32 = arith.constant 0 : i32
    %c0_i32_0 = arith.constant 0 : i32
    %c0_i32_1 = arith.constant 0 : i32
    return %c0_i32, %c0_i32_0 : i32, i32
  }
  func.func @transform_5(%arg0: i32) -> (i32, i32) {
    %c0_i32 = arith.constant 0 : i32
    %c0_i32_0 = arith.constant 0 : i32
    return %arg0, %c0_i32 : i32, i32
  }
  func.func @transform_6(%arg0: i32) -> (i32, i32) {
    %c0_i32 = arith.constant 0 : i32
    %c0_i32_0 = arith.constant 0 : i32
    %c0_i32_1 = arith.constant 0 : i32
    return %c0_i32, %c0_i32_0 : i32, i32
  }
}

module attributes {stable_mosaic.version = 14 : i64} {
  func.func @_bnrelu_lin_body(%arg0: i32, %arg1: memref<2000x512xf32, #tpu.memory_space<vmem>>, %arg2: memref<8x512xf32, #tpu.memory_space<vmem>>, %arg3: memref<8x512xf32, #tpu.memory_space<vmem>>, %arg4: memref<512x32xf32, #tpu.memory_space<vmem>>, %arg5: memref<8x32xf32, #tpu.memory_space<vmem>>, %arg6: memref<2000x32xf32, #tpu.memory_space<vmem>>, %arg7: memref<8x32xf32, #tpu.memory_space<vmem>>) attributes {dimension_semantics = [#tpu.dimension_semantics<arbitrary>], iteration_bounds = array<i64: 5>, scalar_prefetch = 0 : i64, scratch_operands = 0 : i64, tpu.core_type = #tpu.core_type<tc>, window_params = [{transform_indices = @transform_0, window_bounds = array<i64: 2000, 512>}, {pipeline_mode = #tpu.pipeline_mode<synchronous>, transform_indices = @transform_1, window_bounds = array<i64: 8, 512>}, {pipeline_mode = #tpu.pipeline_mode<synchronous>, transform_indices = @transform_2, window_bounds = array<i64: 8, 512>}, {pipeline_mode = #tpu.pipeline_mode<synchronous>, transform_indices = @transform_3, window_bounds = array<i64: 512, 32>}, {pipeline_mode = #tpu.pipeline_mode<synchronous>, transform_indices = @transform_4, window_bounds = array<i64: 8, 32>}, {transform_indices = @transform_5, window_bounds = array<i64: 2000, 32>}, {pipeline_mode = #tpu.pipeline_mode<synchronous>, transform_indices = @transform_6, window_bounds = array<i64: 8, 32>}]} {
    %get3A = arith.constant 0 : index
    %get3A_0 = arith.constant 0 : index
    %get3A_1 = vector.load %arg1[%get3A, %get3A_0] : memref<2000x512xf32, #tpu.memory_space<vmem>>, vector<2000x512xf32>
    %get3A_2 = arith.constant 0 : index
    %get3A_3 = arith.constant 0 : index
    %get3A_4 = vector.load %arg2[%get3A_2, %get3A_3] : memref<8x512xf32, #tpu.memory_space<vmem>>, vector<8x512xf32>
    %get3A_5 = arith.constant 0 : index
    %get3A_6 = arith.constant 0 : index
    %get3A_7 = vector.load %arg3[%get3A_5, %get3A_6] : memref<8x512xf32, #tpu.memory_space<vmem>>, vector<8x512xf32>
    %slice3A = vector.extract_strided_slice %get3A_4 {offsets = [0, 0], sizes = [1, 512], strides = [1, 1]} : vector<8x512xf32> to vector<1x512xf32>
    %div3A = arith.constant 1.000000e+04 : f32
    %div3A_8 = vector.broadcast %div3A : f32 to vector<1x512xf32>
    %div3A_9 = arith.divf %slice3A, %div3A_8 : vector<1x512xf32>
    %slice3A_10 = vector.extract_strided_slice %get3A_4 {offsets = [1, 0], sizes = [1, 512], strides = [1, 1]} : vector<8x512xf32> to vector<1x512xf32>
    %div3A_11 = arith.constant 1.000000e+04 : f32
    %div3A_12 = vector.broadcast %div3A_11 : f32 to vector<1x512xf32>
    %div3A_13 = arith.divf %slice3A_10, %div3A_12 : vector<1x512xf32>
    %mul3A = arith.mulf %div3A_9, %div3A_9 : vector<1x512xf32>
    %sub3A = arith.subf %div3A_13, %mul3A : vector<1x512xf32>
    %add3A = arith.constant 9.99999974E-6 : f32
    %add3A_14 = vector.broadcast %add3A : f32 to vector<1x512xf32>
    %add3A_15 = arith.addf %sub3A, %add3A_14 : vector<1x512xf32>
    %rsqrt3A = math.rsqrt %add3A_15 : vector<1x512xf32>
    %sub3A_16 = vector.broadcast %div3A_9 : vector<1x512xf32> to vector<2000x512xf32>
    %sub3A_17 = arith.subf %get3A_1, %sub3A_16 : vector<2000x512xf32>
    %mul3A_18 = vector.broadcast %rsqrt3A : vector<1x512xf32> to vector<2000x512xf32>
    %mul3A_19 = arith.mulf %sub3A_17, %mul3A_18 : vector<2000x512xf32>
    %slice3A_20 = vector.extract_strided_slice %get3A_7 {offsets = [0, 0], sizes = [1, 512], strides = [1, 1]} : vector<8x512xf32> to vector<1x512xf32>
    %mul3A_21 = vector.broadcast %slice3A_20 : vector<1x512xf32> to vector<2000x512xf32>
    %mul3A_22 = arith.mulf %mul3A_19, %mul3A_21 : vector<2000x512xf32>
    %slice3A_23 = vector.extract_strided_slice %get3A_7 {offsets = [1, 0], sizes = [1, 512], strides = [1, 1]} : vector<8x512xf32> to vector<1x512xf32>
    %add3A_24 = vector.broadcast %slice3A_23 : vector<1x512xf32> to vector<2000x512xf32>
    %add3A_25 = arith.addf %mul3A_22, %add3A_24 : vector<2000x512xf32>
    %max3A = arith.constant 0.000000e+00 : f32
    %max3A_26 = vector.broadcast %max3A : f32 to vector<2000x512xf32>
    %max3A_27 = arith.maximumf %add3A_25, %max3A_26 : vector<2000x512xf32>
    %get3A_28 = arith.constant 0 : index
    %get3A_29 = arith.constant 0 : index
    %get3A_30 = vector.load %arg4[%get3A_28, %get3A_29] : memref<512x32xf32, #tpu.memory_space<vmem>>, vector<512x32xf32>
    %dot_general3A = arith.constant dense<0.000000e+00> : vector<2000x32xf32>
    %dot_general3A_31 = tpu.matmul %max3A_27, %get3A_30, %dot_general3A {dimension_numbers = #tpu.dot_dimension_numbers<[1], [0], [0], [1], [0, 0, 1, 1], [], []>, transpose_lhs_hint = false} : vector<2000x512xf32>, vector<512x32xf32>, vector<2000x32xf32> -> vector<2000x32xf32>
    %get3A_32 = arith.constant 0 : index
    %get3A_33 = arith.constant 0 : index
    %get3A_34 = vector.load %arg5[%get3A_32, %get3A_33] : memref<8x32xf32, #tpu.memory_space<vmem>>, vector<1x32xf32>
    %add3A_35 = vector.broadcast %get3A_34 : vector<1x32xf32> to vector<2000x32xf32>
    %add3A_36 = arith.addf %dot_general3A_31, %add3A_35 : vector<2000x32xf32>
    %swap3A = arith.constant 0 : index
    %swap3A_37 = arith.constant 0 : index
    %swap3A_38 = vector.load %arg6[%swap3A, %swap3A_37] : memref<2000x32xf32, #tpu.memory_space<vmem>>, vector<2000x32xf32>
    tpu.vector_store %arg6[%swap3A, %swap3A_37], %add3A_36 {strides = array<i32>} : memref<2000x32xf32, #tpu.memory_space<vmem>>, vector<2000x32xf32>,
    %eq3A = arith.constant 0 : i32
    %eq3A_39 = arith.cmpi eq, %arg0, %eq3A : i32
    %convert_element_type3A = arith.extui %eq3A_39 : i1 to i32
    %cond3A = arith.constant 0 : i32
    %cond3A_40 = arith.cmpi ne, %convert_element_type3A, %cond3A : i32
    scf.if %cond3A_40 {
      %broadcast_in_dim3A_60 = arith.constant 0.000000e+00 : f32
      %broadcast_in_dim3A_61 = vector.broadcast %broadcast_in_dim3A_60 : f32 to vector<8x32xf32>
      %swap3A_62 = arith.constant 0 : index
      %swap3A_63 = arith.constant 0 : index
      %swap3A_64 = vector.load %arg7[%swap3A_62, %swap3A_63] : memref<8x32xf32, #tpu.memory_space<vmem>>, vector<8x32xf32>
      tpu.vector_store %arg7[%swap3A_62, %swap3A_63], %broadcast_in_dim3A_61 {strides = array<i32>} : memref<8x32xf32, #tpu.memory_space<vmem>>, vector<8x32xf32>,
    } else {
    }
    %get3A_41 = arith.constant 0 : index
    %get3A_42 = arith.constant 0 : index
    %get3A_43 = vector.load %arg7[%get3A_41, %get3A_42] : memref<8x32xf32, #tpu.memory_space<vmem>>, vector<1x32xf32>
    %reduce_sum3A = arith.constant dense<0.000000e+00> : vector<32xf32>
    %reduce_sum3A_44 = vector.multi_reduction <add>, %add3A_36, %reduce_sum3A [0] : vector<2000x32xf32> to vector<32xf32>
    %broadcast_in_dim3A = vector.shape_cast %reduce_sum3A_44 : vector<32xf32> to vector<1x32xf32>
    %add3A_45 = arith.addf %get3A_43, %broadcast_in_dim3A : vector<1x32xf32>
    %swap3A_46 = arith.constant 0 : index
    %swap3A_47 = arith.constant 0 : index
    %swap3A_48 = vector.load %arg7[%swap3A_46, %swap3A_47] : memref<8x32xf32, #tpu.memory_space<vmem>>, vector<1x32xf32>
    tpu.vector_store %arg7[%swap3A_46, %swap3A_47], %add3A_45 {strides = array<i32>} : memref<8x32xf32, #tpu.memory_space<vmem>>, vector<1x32xf32>,
    %get3A_49 = arith.constant 1 : index
    %get3A_50 = arith.constant 0 : index
    %get3A_51 = vector.load %arg7[%get3A_49, %get3A_50] : memref<8x32xf32, #tpu.memory_space<vmem>>, vector<1x32xf32>
    %mul3A_52 = arith.mulf %add3A_36, %add3A_36 : vector<2000x32xf32>
    %reduce_sum3A_53 = arith.constant dense<0.000000e+00> : vector<32xf32>
    %reduce_sum3A_54 = vector.multi_reduction <add>, %mul3A_52, %reduce_sum3A_53 [0] : vector<2000x32xf32> to vector<32xf32>
    %broadcast_in_dim3A_55 = vector.shape_cast %reduce_sum3A_54 : vector<32xf32> to vector<1x32xf32>
    %add3A_56 = arith.addf %get3A_51, %broadcast_in_dim3A_55 : vector<1x32xf32>
    %swap3A_57 = arith.constant 1 : index
    %swap3A_58 = arith.constant 0 : index
    %swap3A_59 = vector.load %arg7[%swap3A_57, %swap3A_58] : memref<8x32xf32, #tpu.memory_space<vmem>>, vector<1x32xf32>
    tpu.vector_store %arg7[%swap3A_57, %swap3A_58], %add3A_56 {strides = array<i32>} : memref<8x32xf32, #tpu.memory_space<vmem>>, vector<1x32xf32>,
    return
  }
  func.func @transform_0(%arg0: i32) -> (i32, i32) {
    %c0_i32 = arith.constant 0 : i32
    %c0_i32_0 = arith.constant 0 : i32
    return %arg0, %c0_i32 : i32, i32
  }
  func.func @transform_1(%arg0: i32) -> (i32, i32) {
    %c0_i32 = arith.constant 0 : i32
    %c0_i32_0 = arith.constant 0 : i32
    %c0_i32_1 = arith.constant 0 : i32
    return %c0_i32, %c0_i32_0 : i32, i32
  }
  func.func @transform_2(%arg0: i32) -> (i32, i32) {
    %c0_i32 = arith.constant 0 : i32
    %c0_i32_0 = arith.constant 0 : i32
    %c0_i32_1 = arith.constant 0 : i32
    return %c0_i32, %c0_i32_0 : i32, i32
  }
  func.func @transform_3(%arg0: i32) -> (i32, i32) {
    %c0_i32 = arith.constant 0 : i32
    %c0_i32_0 = arith.constant 0 : i32
    %c0_i32_1 = arith.constant 0 : i32
    return %c0_i32, %c0_i32_0 : i32, i32
  }
  func.func @transform_4(%arg0: i32) -> (i32, i32) {
    %c0_i32 = arith.constant 0 : i32
    %c0_i32_0 = arith.constant 0 : i32
    %c0_i32_1 = arith.constant 0 : i32
    return %c0_i32, %c0_i32_0 : i32, i32
  }
  func.func @transform_5(%arg0: i32) -> (i32, i32) {
    %c0_i32 = arith.constant 0 : i32
    %c0_i32_0 = arith.constant 0 : i32
    return %arg0, %c0_i32 : i32, i32
  }
  func.func @transform_6(%arg0: i32) -> (i32, i32) {
    %c0_i32 = arith.constant 0 : i32
    %c0_i32_0 = arith.constant 0 : i32
    %c0_i32_1 = arith.constant 0 : i32
    return %c0_i32, %c0_i32_0 : i32, i32
  }
}

module attributes {stable_mosaic.version = 14 : i64} {
  func.func @_edge_stats_body(%arg0: i32, %arg1: memref<2000x256xi32, #tpu.memory_space<vmem>>, %arg2: memref<2000x256xi32, #tpu.memory_space<vmem>>, %arg3: memref<8x512xf32, #tpu.memory_space<vmem>>) attributes {dimension_semantics = [#tpu.dimension_semantics<arbitrary>], iteration_bounds = array<i64: 80>, scalar_prefetch = 0 : i64, scratch_operands = 0 : i64, tpu.core_type = #tpu.core_type<tc>, window_params = [{transform_indices = @transform_0, window_bounds = array<i64: 2000, 256>}, {transform_indices = @transform_1, window_bounds = array<i64: 2000, 256>}, {pipeline_mode = #tpu.pipeline_mode<synchronous>, transform_indices = @transform_2, window_bounds = array<i64: 8, 512>}]} {
    %get3A = arith.constant 0 : index
    %get3A_0 = arith.constant 0 : index
    %get3A_1 = vector.load %arg1[%get3A, %get3A_0] : memref<2000x256xi32, #tpu.memory_space<vmem>>, vector<2000x256xi32>
    %shift_left3A = arith.constant 16 : i32
    %shift_left3A_2 = vector.broadcast %shift_left3A : i32 to vector<2000x256xi32>
    %shift_left3A_3 = arith.shli %get3A_1, %shift_left3A_2 : vector<2000x256xi32>
    %bitcast_convert_type3A = tpu.bitcast %shift_left3A_3 : vector<2000x256xi32> -> vector<2000x256xf32>
    %and3A = arith.constant -65536 : i32
    %and3A_4 = vector.broadcast %and3A : i32 to vector<2000x256xi32>
    %and3A_5 = arith.andi %get3A_1, %and3A_4 : vector<2000x256xi32>
    %bitcast_convert_type3A_6 = tpu.bitcast %and3A_5 : vector<2000x256xi32> -> vector<2000x256xf32>
    %concatenate3A = tpu.concatenate %bitcast_convert_type3A, %bitcast_convert_type3A_6 in 1 : vector<2000x256xf32>, vector<2000x256xf32> -> vector<2000x512xf32>
    %get3A_7 = arith.constant 0 : index
    %get3A_8 = arith.constant 0 : index
    %get3A_9 = vector.load %arg2[%get3A_7, %get3A_8] : memref<2000x256xi32, #tpu.memory_space<vmem>>, vector<2000x256xi32>
    %shift_left3A_10 = arith.constant 16 : i32
    %shift_left3A_11 = vector.broadcast %shift_left3A_10 : i32 to vector<2000x256xi32>
    %shift_left3A_12 = arith.shli %get3A_9, %shift_left3A_11 : vector<2000x256xi32>
    %bitcast_convert_type3A_13 = tpu.bitcast %shift_left3A_12 : vector<2000x256xi32> -> vector<2000x256xf32>
    %and3A_14 = arith.constant -65536 : i32
    %and3A_15 = vector.broadcast %and3A_14 : i32 to vector<2000x256xi32>
    %and3A_16 = arith.andi %get3A_9, %and3A_15 : vector<2000x256xi32>
    %bitcast_convert_type3A_17 = tpu.bitcast %and3A_16 : vector<2000x256xi32> -> vector<2000x256xf32>
    %concatenate3A_18 = tpu.concatenate %bitcast_convert_type3A_13, %bitcast_convert_type3A_17 in 1 : vector<2000x256xf32>, vector<2000x256xf32> -> vector<2000x512xf32>
    %add3A = arith.addf %concatenate3A, %concatenate3A_18 : vector<2000x512xf32>
    %eq3A = arith.constant 0 : i32
    %eq3A_19 = arith.cmpi eq, %arg0, %eq3A : i32
    %convert_element_type3A = arith.extui %eq3A_19 : i1 to i32
    %cond3A = arith.constant 0 : i32
    %cond3A_20 = arith.cmpi ne, %convert_element_type3A, %cond3A : i32
    scf.if %cond3A_20 {
      %broadcast_in_dim3A_38 = arith.constant 0.000000e+00 : f32
      %broadcast_in_dim3A_39 = vector.broadcast %broadcast_in_dim3A_38 : f32 to vector<8x512xf32>
      %swap3A_40 = arith.constant 0 : index
      %swap3A_41 = arith.constant 0 : index
      %swap3A_42 = vector.load %arg3[%swap3A_40, %swap3A_41] : memref<8x512xf32, #tpu.memory_space<vmem>>, vector<8x512xf32>
      tpu.vector_store %arg3[%swap3A_40, %swap3A_41], %broadcast_in_dim3A_39 {strides = array<i32>} : memref<8x512xf32, #tpu.memory_space<vmem>>, vector<8x512xf32>,
    } else {
    }
    %get3A_21 = arith.constant 0 : index
    %get3A_22 = arith.constant 0 : index
    %get3A_23 = vector.load %arg3[%get3A_21, %get3A_22] : memref<8x512xf32, #tpu.memory_space<vmem>>, vector<1x512xf32>
    %reduce_sum3A = arith.constant dense<0.000000e+00> : vector<512xf32>
    %reduce_sum3A_24 = vector.multi_reduction <add>, %add3A, %reduce_sum3A [0] : vector<2000x512xf32> to vector<512xf32>
    %broadcast_in_dim3A = vector.shape_cast %reduce_sum3A_24 : vector<512xf32> to vector<1x512xf32>
    %add3A_25 = arith.addf %get3A_23, %broadcast_in_dim3A : vector<1x512xf32>
    %swap3A = arith.constant 0 : index
    %swap3A_26 = arith.constant 0 : index
    %swap3A_27 = vector.load %arg3[%swap3A, %swap3A_26] : memref<8x512xf32, #tpu.memory_space<vmem>>, vector<1x512xf32>
    tpu.vector_store %arg3[%swap3A, %swap3A_26], %add3A_25 {strides = array<i32>} : memref<8x512xf32, #tpu.memory_space<vmem>>, vector<1x512xf32>,
    %get3A_28 = arith.constant 1 : index
    %get3A_29 = arith.constant 0 : index
    %get3A_30 = vector.load %arg3[%get3A_28, %get3A_29] : memref<8x512xf32, #tpu.memory_space<vmem>>, vector<1x512xf32>
    %mul3A = arith.mulf %add3A, %add3A : vector<2000x512xf32>
    %reduce_sum3A_31 = arith.constant dense<0.000000e+00> : vector<512xf32>
    %reduce_sum3A_32 = vector.multi_reduction <add>, %mul3A, %reduce_sum3A_31 [0] : vector<2000x512xf32> to vector<512xf32>
    %broadcast_in_dim3A_33 = vector.shape_cast %reduce_sum3A_32 : vector<512xf32> to vector<1x512xf32>
    %add3A_34 = arith.addf %get3A_30, %broadcast_in_dim3A_33 : vector<1x512xf32>
    %swap3A_35 = arith.constant 1 : index
    %swap3A_36 = arith.constant 0 : index
    %swap3A_37 = vector.load %arg3[%swap3A_35, %swap3A_36] : memref<8x512xf32, #tpu.memory_space<vmem>>, vector<1x512xf32>
    tpu.vector_store %arg3[%swap3A_35, %swap3A_36], %add3A_34 {strides = array<i32>} : memref<8x512xf32, #tpu.memory_space<vmem>>, vector<1x512xf32>,
    return
  }
  func.func @transform_0(%arg0: i32) -> (i32, i32) {
    %c0_i32 = arith.constant 0 : i32
    %c0_i32_0 = arith.constant 0 : i32
    return %arg0, %c0_i32 : i32, i32
  }
  func.func @transform_1(%arg0: i32) -> (i32, i32) {
    %c0_i32 = arith.constant 0 : i32
    %c0_i32_0 = arith.constant 0 : i32
    return %arg0, %c0_i32 : i32, i32
  }
  func.func @transform_2(%arg0: i32) -> (i32, i32) {
    %c0_i32 = arith.constant 0 : i32
    %c0_i32_0 = arith.constant 0 : i32
    %c0_i32_1 = arith.constant 0 : i32
    return %c0_i32, %c0_i32_0 : i32, i32
  }
}

module attributes {stable_mosaic.version = 14 : i64} {
  func.func @_edge_bnrelu_lin_body(%arg0: i32, %arg1: memref<2000x256xi32, #tpu.memory_space<vmem>>, %arg2: memref<2000x256xi32, #tpu.memory_space<vmem>>, %arg3: memref<8x512xf32, #tpu.memory_space<vmem>>, %arg4: memref<8x512xf32, #tpu.memory_space<vmem>>, %arg5: memref<512x512xf32, #tpu.memory_space<vmem>>, %arg6: memref<8x512xf32, #tpu.memory_space<vmem>>, %arg7: memref<2000x512xf32, #tpu.memory_space<vmem>>, %arg8: memref<8x512xf32, #tpu.memory_space<vmem>>) attributes {dimension_semantics = [#tpu.dimension_semantics<arbitrary>], iteration_bounds = array<i64: 80>, scalar_prefetch = 0 : i64, scratch_operands = 0 : i64, tpu.core_type = #tpu.core_type<tc>, window_params = [{transform_indices = @transform_0, window_bounds = array<i64: 2000, 256>}, {transform_indices = @transform_1, window_bounds = array<i64: 2000, 256>}, {pipeline_mode = #tpu.pipeline_mode<synchronous>, transform_indices = @transform_2, window_bounds = array<i64: 8, 512>}, {pipeline_mode = #tpu.pipeline_mode<synchronous>, transform_indices = @transform_3, window_bounds = array<i64: 8, 512>}, {pipeline_mode = #tpu.pipeline_mode<synchronous>, transform_indices = @transform_4, window_bounds = array<i64: 512, 512>}, {pipeline_mode = #tpu.pipeline_mode<synchronous>, transform_indices = @transform_5, window_bounds = array<i64: 8, 512>}, {transform_indices = @transform_6, window_bounds = array<i64: 2000, 512>}, {pipeline_mode = #tpu.pipeline_mode<synchronous>, transform_indices = @transform_7, window_bounds = array<i64: 8, 512>}]} {
    %get3A = arith.constant 0 : index
    %get3A_0 = arith.constant 0 : index
    %get3A_1 = vector.load %arg1[%get3A, %get3A_0] : memref<2000x256xi32, #tpu.memory_space<vmem>>, vector<2000x256xi32>
    %shift_left3A = arith.constant 16 : i32
    %shift_left3A_2 = vector.broadcast %shift_left3A : i32 to vector<2000x256xi32>
    %shift_left3A_3 = arith.shli %get3A_1, %shift_left3A_2 : vector<2000x256xi32>
    %bitcast_convert_type3A = tpu.bitcast %shift_left3A_3 : vector<2000x256xi32> -> vector<2000x256xf32>
    %and3A = arith.constant -65536 : i32
    %and3A_4 = vector.broadcast %and3A : i32 to vector<2000x256xi32>
    %and3A_5 = arith.andi %get3A_1, %and3A_4 : vector<2000x256xi32>
    %bitcast_convert_type3A_6 = tpu.bitcast %and3A_5 : vector<2000x256xi32> -> vector<2000x256xf32>
    %concatenate3A = tpu.concatenate %bitcast_convert_type3A, %bitcast_convert_type3A_6 in 1 : vector<2000x256xf32>, vector<2000x256xf32> -> vector<2000x512xf32>
    %get3A_7 = arith.constant 0 : index
    %get3A_8 = arith.constant 0 : index
    %get3A_9 = vector.load %arg2[%get3A_7, %get3A_8] : memref<2000x256xi32, #tpu.memory_space<vmem>>, vector<2000x256xi32>
    %shift_left3A_10 = arith.constant 16 : i32
    %shift_left3A_11 = vector.broadcast %shift_left3A_10 : i32 to vector<2000x256xi32>
    %shift_left3A_12 = arith.shli %get3A_9, %shift_left3A_11 : vector<2000x256xi32>
    %bitcast_convert_type3A_13 = tpu.bitcast %shift_left3A_12 : vector<2000x256xi32> -> vector<2000x256xf32>
    %and3A_14 = arith.constant -65536 : i32
    %and3A_15 = vector.broadcast %and3A_14 : i32 to vector<2000x256xi32>
    %and3A_16 = arith.andi %get3A_9, %and3A_15 : vector<2000x256xi32>
    %bitcast_convert_type3A_17 = tpu.bitcast %and3A_16 : vector<2000x256xi32> -> vector<2000x256xf32>
    %concatenate3A_18 = tpu.concatenate %bitcast_convert_type3A_13, %bitcast_convert_type3A_17 in 1 : vector<2000x256xf32>, vector<2000x256xf32> -> vector<2000x512xf32>
    %add3A = arith.addf %concatenate3A, %concatenate3A_18 : vector<2000x512xf32>
    %get3A_19 = arith.constant 0 : index
    %get3A_20 = arith.constant 0 : index
    %get3A_21 = vector.load %arg3[%get3A_19, %get3A_20] : memref<8x512xf32, #tpu.memory_space<vmem>>, vector<8x512xf32>
    %get3A_22 = arith.constant 0 : index
    %get3A_23 = arith.constant 0 : index
    %get3A_24 = vector.load %arg4[%get3A_22, %get3A_23] : memref<8x512xf32, #tpu.memory_space<vmem>>, vector<8x512xf32>
    %slice3A = vector.extract_strided_slice %get3A_21 {offsets = [0, 0], sizes = [1, 512], strides = [1, 1]} : vector<8x512xf32> to vector<1x512xf32>
    %div3A = arith.constant 1.600000e+05 : f32
    %div3A_25 = vector.broadcast %div3A : f32 to vector<1x512xf32>
    %div3A_26 = arith.divf %slice3A, %div3A_25 : vector<1x512xf32>
    %slice3A_27 = vector.extract_strided_slice %get3A_21 {offsets = [1, 0], sizes = [1, 512], strides = [1, 1]} : vector<8x512xf32> to vector<1x512xf32>
    %div3A_28 = arith.constant 1.600000e+05 : f32
    %div3A_29 = vector.broadcast %div3A_28 : f32 to vector<1x512xf32>
    %div3A_30 = arith.divf %slice3A_27, %div3A_29 : vector<1x512xf32>
    %mul3A = arith.mulf %div3A_26, %div3A_26 : vector<1x512xf32>
    %sub3A = arith.subf %div3A_30, %mul3A : vector<1x512xf32>
    %add3A_31 = arith.constant 9.99999974E-6 : f32
    %add3A_32 = vector.broadcast %add3A_31 : f32 to vector<1x512xf32>
    %add3A_33 = arith.addf %sub3A, %add3A_32 : vector<1x512xf32>
    %rsqrt3A = math.rsqrt %add3A_33 : vector<1x512xf32>
    %sub3A_34 = vector.broadcast %div3A_26 : vector<1x512xf32> to vector<2000x512xf32>
    %sub3A_35 = arith.subf %add3A, %sub3A_34 : vector<2000x512xf32>
    %mul3A_36 = vector.broadcast %rsqrt3A : vector<1x512xf32> to vector<2000x512xf32>
    %mul3A_37 = arith.mulf %sub3A_35, %mul3A_36 : vector<2000x512xf32>
    %slice3A_38 = vector.extract_strided_slice %get3A_24 {offsets = [0, 0], sizes = [1, 512], strides = [1, 1]} : vector<8x512xf32> to vector<1x512xf32>
    %mul3A_39 = vector.broadcast %slice3A_38 : vector<1x512xf32> to vector<2000x512xf32>
    %mul3A_40 = arith.mulf %mul3A_37, %mul3A_39 : vector<2000x512xf32>
    %slice3A_41 = vector.extract_strided_slice %get3A_24 {offsets = [1, 0], sizes = [1, 512], strides = [1, 1]} : vector<8x512xf32> to vector<1x512xf32>
    %add3A_42 = vector.broadcast %slice3A_41 : vector<1x512xf32> to vector<2000x512xf32>
    %add3A_43 = arith.addf %mul3A_40, %add3A_42 : vector<2000x512xf32>
    %max3A = arith.constant 0.000000e+00 : f32
    %max3A_44 = vector.broadcast %max3A : f32 to vector<2000x512xf32>
    %max3A_45 = arith.maximumf %add3A_43, %max3A_44 : vector<2000x512xf32>
    %get3A_46 = arith.constant 0 : index
    %get3A_47 = arith.constant 0 : index
    %get3A_48 = vector.load %arg5[%get3A_46, %get3A_47] : memref<512x512xf32, #tpu.memory_space<vmem>>, vector<512x512xf32>
    %dot_general3A = arith.constant dense<0.000000e+00> : vector<2000x512xf32>
    %dot_general3A_49 = tpu.matmul %max3A_45, %get3A_48, %dot_general3A {dimension_numbers = #tpu.dot_dimension_numbers<[1], [0], [0], [1], [0, 0, 1, 1], [], []>, transpose_lhs_hint = false} : vector<2000x512xf32>, vector<512x512xf32>, vector<2000x512xf32> -> vector<2000x512xf32>
    %get3A_50 = arith.constant 0 : index
    %get3A_51 = arith.constant 0 : index
    %get3A_52 = vector.load %arg6[%get3A_50, %get3A_51] : memref<8x512xf32, #tpu.memory_space<vmem>>, vector<1x512xf32>
    %add3A_53 = vector.broadcast %get3A_52 : vector<1x512xf32> to vector<2000x512xf32>
    %add3A_54 = arith.addf %dot_general3A_49, %add3A_53 : vector<2000x512xf32>
    %swap3A = arith.constant 0 : index
    %swap3A_55 = arith.constant 0 : index
    %swap3A_56 = vector.load %arg7[%swap3A, %swap3A_55] : memref<2000x512xf32, #tpu.memory_space<vmem>>, vector<2000x512xf32>
    tpu.vector_store %arg7[%swap3A, %swap3A_55], %add3A_54 {strides = array<i32>} : memref<2000x512xf32, #tpu.memory_space<vmem>>, vector<2000x512xf32>,
    %eq3A = arith.constant 0 : i32
    %eq3A_57 = arith.cmpi eq, %arg0, %eq3A : i32
    %convert_element_type3A = arith.extui %eq3A_57 : i1 to i32
    %cond3A = arith.constant 0 : i32
    %cond3A_58 = arith.cmpi ne, %convert_element_type3A, %cond3A : i32
    scf.if %cond3A_58 {
      %broadcast_in_dim3A_78 = arith.constant 0.000000e+00 : f32
      %broadcast_in_dim3A_79 = vector.broadcast %broadcast_in_dim3A_78 : f32 to vector<8x512xf32>
      %swap3A_80 = arith.constant 0 : index
      %swap3A_81 = arith.constant 0 : index
      %swap3A_82 = vector.load %arg8[%swap3A_80, %swap3A_81] : memref<8x512xf32, #tpu.memory_space<vmem>>, vector<8x512xf32>
      tpu.vector_store %arg8[%swap3A_80, %swap3A_81], %broadcast_in_dim3A_79 {strides = array<i32>} : memref<8x512xf32, #tpu.memory_space<vmem>>, vector<8x512xf32>,
    } else {
    }
    %get3A_59 = arith.constant 0 : index
    %get3A_60 = arith.constant 0 : index
    %get3A_61 = vector.load %arg8[%get3A_59, %get3A_60] : memref<8x512xf32, #tpu.memory_space<vmem>>, vector<1x512xf32>
    %reduce_sum3A = arith.constant dense<0.000000e+00> : vector<512xf32>
    %reduce_sum3A_62 = vector.multi_reduction <add>, %add3A_54, %reduce_sum3A [0] : vector<2000x512xf32> to vector<512xf32>
    %broadcast_in_dim3A = vector.shape_cast %reduce_sum3A_62 : vector<512xf32> to vector<1x512xf32>
    %add3A_63 = arith.addf %get3A_61, %broadcast_in_dim3A : vector<1x512xf32>
    %swap3A_64 = arith.constant 0 : index
    %swap3A_65 = arith.constant 0 : index
    %swap3A_66 = vector.load %arg8[%swap3A_64, %swap3A_65] : memref<8x512xf32, #tpu.memory_space<vmem>>, vector<1x512xf32>
    tpu.vector_store %arg8[%swap3A_64, %swap3A_65], %add3A_63 {strides = array<i32>} : memref<8x512xf32, #tpu.memory_space<vmem>>, vector<1x512xf32>,
    %get3A_67 = arith.constant 1 : index
    %get3A_68 = arith.constant 0 : index
    %get3A_69 = vector.load %arg8[%get3A_67, %get3A_68] : memref<8x512xf32, #tpu.memory_space<vmem>>, vector<1x512xf32>
    %mul3A_70 = arith.mulf %add3A_54, %add3A_54 : vector<2000x512xf32>
    %reduce_sum3A_71 = arith.constant dense<0.000000e+00> : vector<512xf32>
    %reduce_sum3A_72 = vector.multi_reduction <add>, %mul3A_70, %reduce_sum3A_71 [0] : vector<2000x512xf32> to vector<512xf32>
    %broadcast_in_dim3A_73 = vector.shape_cast %reduce_sum3A_72 : vector<512xf32> to vector<1x512xf32>
    %add3A_74 = arith.addf %get3A_69, %broadcast_in_dim3A_73 : vector<1x512xf32>
    %swap3A_75 = arith.constant 1 : index
    %swap3A_76 = arith.constant 0 : index
    %swap3A_77 = vector.load %arg8[%swap3A_75, %swap3A_76] : memref<8x512xf32, #tpu.memory_space<vmem>>, vector<1x512xf32>
    tpu.vector_store %arg8[%swap3A_75, %swap3A_76], %add3A_74 {strides = array<i32>} : memref<8x512xf32, #tpu.memory_space<vmem>>, vector<1x512xf32>,
    return
  }
  func.func @transform_0(%arg0: i32) -> (i32, i32) {
    %c0_i32 = arith.constant 0 : i32
    %c0_i32_0 = arith.constant 0 : i32
    return %arg0, %c0_i32 : i32, i32
  }
  func.func @transform_1(%arg0: i32) -> (i32, i32) {
    %c0_i32 = arith.constant 0 : i32
    %c0_i32_0 = arith.constant 0 : i32
    return %arg0, %c0_i32 : i32, i32
  }
  func.func @transform_2(%arg0: i32) -> (i32, i32) {
    %c0_i32 = arith.constant 0 : i32
    %c0_i32_0 = arith.constant 0 : i32
    %c0_i32_1 = arith.constant 0 : i32
    return %c0_i32, %c0_i32_0 : i32, i32
  }
  func.func @transform_3(%arg0: i32) -> (i32, i32) {
    %c0_i32 = arith.constant 0 : i32
    %c0_i32_0 = arith.constant 0 : i32
    %c0_i32_1 = arith.constant 0 : i32
    return %c0_i32, %c0_i32_0 : i32, i32
  }
  func.func @transform_4(%arg0: i32) -> (i32, i32) {
    %c0_i32 = arith.constant 0 : i32
    %c0_i32_0 = arith.constant 0 : i32
    %c0_i32_1 = arith.constant 0 : i32
    return %c0_i32, %c0_i32_0 : i32, i32
  }
  func.func @transform_5(%arg0: i32) -> (i32, i32) {
    %c0_i32 = arith.constant 0 : i32
    %c0_i32_0 = arith.constant 0 : i32
    %c0_i32_1 = arith.constant 0 : i32
    return %c0_i32, %c0_i32_0 : i32, i32
  }
  func.func @transform_6(%arg0: i32) -> (i32, i32) {
    %c0_i32 = arith.constant 0 : i32
    %c0_i32_0 = arith.constant 0 : i32
    return %arg0, %c0_i32 : i32, i32
  }
  func.func @transform_7(%arg0: i32) -> (i32, i32) {
    %c0_i32 = arith.constant 0 : i32
    %c0_i32_0 = arith.constant 0 : i32
    %c0_i32_1 = arith.constant 0 : i32
    return %c0_i32, %c0_i32_0 : i32, i32
  }
}

module attributes {stable_mosaic.version = 14 : i64} {
  func.func @_bnrelu_lin_body(%arg0: i32, %arg1: memref<2000x512xf32, #tpu.memory_space<vmem>>, %arg2: memref<8x512xf32, #tpu.memory_space<vmem>>, %arg3: memref<8x512xf32, #tpu.memory_space<vmem>>, %arg4: memref<512x8xf32, #tpu.memory_space<vmem>>, %arg5: memref<8x8xf32, #tpu.memory_space<vmem>>, %arg6: memref<2000x8xf32, #tpu.memory_space<vmem>>, %arg7: memref<8x8xf32, #tpu.memory_space<vmem>>) attributes {dimension_semantics = [#tpu.dimension_semantics<arbitrary>], iteration_bounds = array<i64: 80>, scalar_prefetch = 0 : i64, scratch_operands = 0 : i64, tpu.core_type = #tpu.core_type<tc>, window_params = [{transform_indices = @transform_0, window_bounds = array<i64: 2000, 512>}, {pipeline_mode = #tpu.pipeline_mode<synchronous>, transform_indices = @transform_1, window_bounds = array<i64: 8, 512>}, {pipeline_mode = #tpu.pipeline_mode<synchronous>, transform_indices = @transform_2, window_bounds = array<i64: 8, 512>}, {pipeline_mode = #tpu.pipeline_mode<synchronous>, transform_indices = @transform_3, window_bounds = array<i64: 512, 8>}, {pipeline_mode = #tpu.pipeline_mode<synchronous>, transform_indices = @transform_4, window_bounds = array<i64: 8, 8>}, {transform_indices = @transform_5, window_bounds = array<i64: 2000, 8>}, {pipeline_mode = #tpu.pipeline_mode<synchronous>, transform_indices = @transform_6, window_bounds = array<i64: 8, 8>}]} {
    %get3A = arith.constant 0 : index
    %get3A_0 = arith.constant 0 : index
    %get3A_1 = vector.load %arg1[%get3A, %get3A_0] : memref<2000x512xf32, #tpu.memory_space<vmem>>, vector<2000x512xf32>
    %get3A_2 = arith.constant 0 : index
    %get3A_3 = arith.constant 0 : index
    %get3A_4 = vector.load %arg2[%get3A_2, %get3A_3] : memref<8x512xf32, #tpu.memory_space<vmem>>, vector<8x512xf32>
    %get3A_5 = arith.constant 0 : index
    %get3A_6 = arith.constant 0 : index
    %get3A_7 = vector.load %arg3[%get3A_5, %get3A_6] : memref<8x512xf32, #tpu.memory_space<vmem>>, vector<8x512xf32>
    %slice3A = vector.extract_strided_slice %get3A_4 {offsets = [0, 0], sizes = [1, 512], strides = [1, 1]} : vector<8x512xf32> to vector<1x512xf32>
    %div3A = arith.constant 1.600000e+05 : f32
    %div3A_8 = vector.broadcast %div3A : f32 to vector<1x512xf32>
    %div3A_9 = arith.divf %slice3A, %div3A_8 : vector<1x512xf32>
    %slice3A_10 = vector.extract_strided_slice %get3A_4 {offsets = [1, 0], sizes = [1, 512], strides = [1, 1]} : vector<8x512xf32> to vector<1x512xf32>
    %div3A_11 = arith.constant 1.600000e+05 : f32
    %div3A_12 = vector.broadcast %div3A_11 : f32 to vector<1x512xf32>
    %div3A_13 = arith.divf %slice3A_10, %div3A_12 : vector<1x512xf32>
    %mul3A = arith.mulf %div3A_9, %div3A_9 : vector<1x512xf32>
    %sub3A = arith.subf %div3A_13, %mul3A : vector<1x512xf32>
    %add3A = arith.constant 9.99999974E-6 : f32
    %add3A_14 = vector.broadcast %add3A : f32 to vector<1x512xf32>
    %add3A_15 = arith.addf %sub3A, %add3A_14 : vector<1x512xf32>
    %rsqrt3A = math.rsqrt %add3A_15 : vector<1x512xf32>
    %sub3A_16 = vector.broadcast %div3A_9 : vector<1x512xf32> to vector<2000x512xf32>
    %sub3A_17 = arith.subf %get3A_1, %sub3A_16 : vector<2000x512xf32>
    %mul3A_18 = vector.broadcast %rsqrt3A : vector<1x512xf32> to vector<2000x512xf32>
    %mul3A_19 = arith.mulf %sub3A_17, %mul3A_18 : vector<2000x512xf32>
    %slice3A_20 = vector.extract_strided_slice %get3A_7 {offsets = [0, 0], sizes = [1, 512], strides = [1, 1]} : vector<8x512xf32> to vector<1x512xf32>
    %mul3A_21 = vector.broadcast %slice3A_20 : vector<1x512xf32> to vector<2000x512xf32>
    %mul3A_22 = arith.mulf %mul3A_19, %mul3A_21 : vector<2000x512xf32>
    %slice3A_23 = vector.extract_strided_slice %get3A_7 {offsets = [1, 0], sizes = [1, 512], strides = [1, 1]} : vector<8x512xf32> to vector<1x512xf32>
    %add3A_24 = vector.broadcast %slice3A_23 : vector<1x512xf32> to vector<2000x512xf32>
    %add3A_25 = arith.addf %mul3A_22, %add3A_24 : vector<2000x512xf32>
    %max3A = arith.constant 0.000000e+00 : f32
    %max3A_26 = vector.broadcast %max3A : f32 to vector<2000x512xf32>
    %max3A_27 = arith.maximumf %add3A_25, %max3A_26 : vector<2000x512xf32>
    %get3A_28 = arith.constant 0 : index
    %get3A_29 = arith.constant 0 : index
    %get3A_30 = vector.load %arg4[%get3A_28, %get3A_29] : memref<512x8xf32, #tpu.memory_space<vmem>>, vector<512x8xf32>
    %dot_general3A = arith.constant dense<0.000000e+00> : vector<2000x8xf32>
    %dot_general3A_31 = tpu.matmul %max3A_27, %get3A_30, %dot_general3A {dimension_numbers = #tpu.dot_dimension_numbers<[1], [0], [0], [1], [0, 0, 1, 1], [], []>, transpose_lhs_hint = false} : vector<2000x512xf32>, vector<512x8xf32>, vector<2000x8xf32> -> vector<2000x8xf32>
    %get3A_32 = arith.constant 0 : index
    %get3A_33 = arith.constant 0 : index
    %get3A_34 = vector.load %arg5[%get3A_32, %get3A_33] : memref<8x8xf32, #tpu.memory_space<vmem>>, vector<1x8xf32>
    %add3A_35 = vector.broadcast %get3A_34 : vector<1x8xf32> to vector<2000x8xf32>
    %add3A_36 = arith.addf %dot_general3A_31, %add3A_35 : vector<2000x8xf32>
    %swap3A = arith.constant 0 : index
    %swap3A_37 = arith.constant 0 : index
    %swap3A_38 = vector.load %arg6[%swap3A, %swap3A_37] : memref<2000x8xf32, #tpu.memory_space<vmem>>, vector<2000x8xf32>
    tpu.vector_store %arg6[%swap3A, %swap3A_37], %add3A_36 {strides = array<i32>} : memref<2000x8xf32, #tpu.memory_space<vmem>>, vector<2000x8xf32>,
    %eq3A = arith.constant 0 : i32
    %eq3A_39 = arith.cmpi eq, %arg0, %eq3A : i32
    %convert_element_type3A = arith.extui %eq3A_39 : i1 to i32
    %cond3A = arith.constant 0 : i32
    %cond3A_40 = arith.cmpi ne, %convert_element_type3A, %cond3A : i32
    scf.if %cond3A_40 {
      %broadcast_in_dim3A_60 = arith.constant 0.000000e+00 : f32
      %broadcast_in_dim3A_61 = vector.broadcast %broadcast_in_dim3A_60 : f32 to vector<8x8xf32>
      %swap3A_62 = arith.constant 0 : index
      %swap3A_63 = arith.constant 0 : index
      %swap3A_64 = vector.load %arg7[%swap3A_62, %swap3A_63] : memref<8x8xf32, #tpu.memory_space<vmem>>, vector<8x8xf32>
      tpu.vector_store %arg7[%swap3A_62, %swap3A_63], %broadcast_in_dim3A_61 {strides = array<i32>} : memref<8x8xf32, #tpu.memory_space<vmem>>, vector<8x8xf32>,
    } else {
    }
    %get3A_41 = arith.constant 0 : index
    %get3A_42 = arith.constant 0 : index
    %get3A_43 = vector.load %arg7[%get3A_41, %get3A_42] : memref<8x8xf32, #tpu.memory_space<vmem>>, vector<1x8xf32>
    %reduce_sum3A = arith.constant dense<0.000000e+00> : vector<8xf32>
    %reduce_sum3A_44 = vector.multi_reduction <add>, %add3A_36, %reduce_sum3A [0] : vector<2000x8xf32> to vector<8xf32>
    %broadcast_in_dim3A = vector.shape_cast %reduce_sum3A_44 : vector<8xf32> to vector<1x8xf32>
    %add3A_45 = arith.addf %get3A_43, %broadcast_in_dim3A : vector<1x8xf32>
    %swap3A_46 = arith.constant 0 : index
    %swap3A_47 = arith.constant 0 : index
    %swap3A_48 = vector.load %arg7[%swap3A_46, %swap3A_47] : memref<8x8xf32, #tpu.memory_space<vmem>>, vector<1x8xf32>
    tpu.vector_store %arg7[%swap3A_46, %swap3A_47], %add3A_45 {strides = array<i32>} : memref<8x8xf32, #tpu.memory_space<vmem>>, vector<1x8xf32>,
    %get3A_49 = arith.constant 1 : index
    %get3A_50 = arith.constant 0 : index
    %get3A_51 = vector.load %arg7[%get3A_49, %get3A_50] : memref<8x8xf32, #tpu.memory_space<vmem>>, vector<1x8xf32>
    %mul3A_52 = arith.mulf %add3A_36, %add3A_36 : vector<2000x8xf32>
    %reduce_sum3A_53 = arith.constant dense<0.000000e+00> : vector<8xf32>
    %reduce_sum3A_54 = vector.multi_reduction <add>, %mul3A_52, %reduce_sum3A_53 [0] : vector<2000x8xf32> to vector<8xf32>
    %broadcast_in_dim3A_55 = vector.shape_cast %reduce_sum3A_54 : vector<8xf32> to vector<1x8xf32>
    %add3A_56 = arith.addf %get3A_51, %broadcast_in_dim3A_55 : vector<1x8xf32>
    %swap3A_57 = arith.constant 1 : index
    %swap3A_58 = arith.constant 0 : index
    %swap3A_59 = vector.load %arg7[%swap3A_57, %swap3A_58] : memref<8x8xf32, #tpu.memory_space<vmem>>, vector<1x8xf32>
    tpu.vector_store %arg7[%swap3A_57, %swap3A_58], %add3A_56 {strides = array<i32>} : memref<8x8xf32, #tpu.memory_space<vmem>>, vector<1x8xf32>,
    return
  }
  func.func @transform_0(%arg0: i32) -> (i32, i32) {
    %c0_i32 = arith.constant 0 : i32
    %c0_i32_0 = arith.constant 0 : i32
    return %arg0, %c0_i32 : i32, i32
  }
  func.func @transform_1(%arg0: i32) -> (i32, i32) {
    %c0_i32 = arith.constant 0 : i32
    %c0_i32_0 = arith.constant 0 : i32
    %c0_i32_1 = arith.constant 0 : i32
    return %c0_i32, %c0_i32_0 : i32, i32
  }
  func.func @transform_2(%arg0: i32) -> (i32, i32) {
    %c0_i32 = arith.constant 0 : i32
    %c0_i32_0 = arith.constant 0 : i32
    %c0_i32_1 = arith.constant 0 : i32
    return %c0_i32, %c0_i32_0 : i32, i32
  }
  func.func @transform_3(%arg0: i32) -> (i32, i32) {
    %c0_i32 = arith.constant 0 : i32
    %c0_i32_0 = arith.constant 0 : i32
    %c0_i32_1 = arith.constant 0 : i32
    return %c0_i32, %c0_i32_0 : i32, i32
  }
  func.func @transform_4(%arg0: i32) -> (i32, i32) {
    %c0_i32 = arith.constant 0 : i32
    %c0_i32_0 = arith.constant 0 : i32
    %c0_i32_1 = arith.constant 0 : i32
    return %c0_i32, %c0_i32_0 : i32, i32
  }
  func.func @transform_5(%arg0: i32) -> (i32, i32) {
    %c0_i32 = arith.constant 0 : i32
    %c0_i32_0 = arith.constant 0 : i32
    return %arg0, %c0_i32 : i32, i32
  }
  func.func @transform_6(%arg0: i32) -> (i32, i32) {
    %c0_i32 = arith.constant 0 : i32
    %c0_i32_0 = arith.constant 0 : i32
    %c0_i32_1 = arith.constant 0 : i32
    return %c0_i32, %c0_i32_0 : i32, i32
  }
}

</mosaic_0001>

<sc_bundles>
// kernel: kernel.23.cloned.1.call-start
scs
__scs_entry_jumppad:
0x0: {  	(pc) =	sbr.rel $0x88, $3  }
0x1: {  	(tag) =	ssettag $0x0;
	lr =	simm.s32 $0x1  }
0x2: {  	[smem:$0x3F79] =	sst lr;
	_ =	strace $0xD0000000  }
0x3: {  	_ = 	snop  }
0x4: {  	_ = 	snop  }
0x5: {  	_ = 	snop  }
0x6: {  	_ = 	snop  }
0x7: {  	_ = 	snop  }
__scs_overlays_trampoline_lowered:
0x8: {  	[smem:$0x3F88] =	sst s0  }
0x9: {  	[smem:$0x3F89] =	sst s1  }
0xa: {  	[smem:$0x3F8A] =	sst s2  }
0xb: {  	[smem:$0x3F8B] =	sst s3  }
0xc: {  	[smem:$0x3F8C] =	sst s4  }
0xd: {  	[smem:$0x3F8D] =	sst s5  }
0xe: {  	[smem:$0x3F8E] =	sst s6  }
0xf: {  	[smem:$0x3F8F] =	sst s7  }
0x10: {  	[smem:$0x3F90] =	sst s8  }
0x11: {  	[smem:$0x3F91] =	sst s9;
	s0 =	simm.s32 @!p0 $0x0  }
0x12: {  	s1 =	sld [smem:$0x3F77];
	s0 =	simm.s32 @p0 $0x1  }
0x13: {  	[smem:$0x3F92] =	sst s0;
	s0 =	simm.s32 @!p1 $0x0  }
0x14: {  	s2 =	sld [smem:$0x3F76];
	s0 =	simm.s32 @p1 $0x1  }
0x15: {  	[smem:$0x3F93] =	sst s0;
	s0 =	simm.s32 @!p2 $0x0  }
0x16: {  	s3 =	sld [smem:$0x3FDB];
	s0 =	simm.s32 @p2 $0x1  }
0x17: {  	s4 =	simm.s32 $0x1BF5;
	[smem:$0x3F95] =	sst s0  }
0x18: {  	s0 =	sld [smem:$0x3F78];
	_ =	swait.ge [sflag:s4], $0x0  }
0x19: {  	s7 =	sld [smem:$0x3F79]  }
0x1a: {  	s8 =	sadd.s32 $0xFFFFE003, lr  }
0x1b: {  	s9 =	sadd.s32 $0xFFFFFEF7, lr;
	s5 =	simm.s32 $0xFFFFFFFF;
	p2 =	slt.u32 s8, $0xFFFFF086  }
0x1c: {  	p1 =	slt.u32 s9, $0xF7A;
	s5 =	simm.s32 @!p2 $0x0  }
0x1d: {  	s5 =	simm.s32 @p1 $0x1;
	p0 =	seq.s32 s7, s2  }
0x1e: {  	s7 =	smul.u32 @!p0 $0xF7A, s2;
	p2 =	seq.s32 @!p0 s5, $0x0  }
0x1f: {  	s9 =	smul.u32 $0xF7A, s1;
	s8 =	simm.s32 @!p0 $0x1BF5;
	p2 =	por !p2, p0  }
0x20: {  	[sflag:s8] =	ssyncset.s32 @!p0 $0xFFFFF086;
	s6 =	sadd.s32 @!p0 s3, s7;
	s7 =	simm.s32 @!p0 $0x108  }
0x21: {  	s3 =	sadd.s32 s3, s9;
	s6 =	sadd.s32 @!p0 $0x88, s6;
	s7 =	simm.s32 @p2 $0x1082  }
0x22: {  	[simem:s7], [sflag:s8] =	dma.local @!p0 [hbm:s6], $0xF7A  }
0x23: {  	s9 =	sor.u32 $0xD0000000, s2;
	s6 =	simm.s32 $0x108;
	_ =	swait.ge @!p0 [sflag:s8], $0x0  }
0x24: {  	s3 =	sadd.s32 $0x88, s3;
	s6 =	simm.s32 @!p1 $0x1082;
	[sflag:s4] =	ssyncset.s32 $0xFFFFF086  }
0x25: {  	[simem:s6], [sflag:s4] =	dma.local [hbm:s3], $0xF7A  }
0x26: {  	[smem:$0x3F79] =	sst s1;
	(tag) =	ssettag s2;
	_ =	strace s9  }
0x27: {  	s1 =	sld [smem:$0x3F89]  }
0x28: {  	s2 =	sld [smem:$0x3F8A]  }
0x29: {  	s4 =	sld [smem:$0x3F8C]  }
0x2a: {  	p0 =	seq.s32 s5, $0x0;
	s5 =	sld [smem:$0x3F8D]  }
0x2b: {  	s6 =	sld [smem:$0x3F8E]  }
0x2c: {  	s7 =	sld [smem:$0x3F8F]  }
0x2d: {  	s3 =	simm.s32 $0x108;
	s8 =	sld [smem:$0x3F90]  }
0x2e: {  	s3 =	simm.s32 @!p0 $0x1082;
	s9 =	sld [smem:$0x3F91]  }
0x2f: {  	lr =	sadd.s32 s0, s3;
	s0 =	sld [smem:$0x3F88]  }
0x30: {  	s3 =	sld [smem:$0x3F8B]  }
0x31: {  	[smem:$0x3F94] =	sst s10  }
0x32: {  	s10 =	sld [smem:$0x3F92];
	_ =	sdelay $0x3  }
0x33: {  	p0 =	seq.s32 s10, $0x1;
	s10 =	sld [smem:$0x3F94];
	_ =	sdelay $0x3  }
0x34: {  	[smem:$0x3F94] =	sst s10  }
0x35: {  	s10 =	sld [smem:$0x3F93];
	_ =	sdelay $0x3  }
0x36: {  	p1 =	seq.s32 s10, $0x1;
	s10 =	sld [smem:$0x3F94];
	_ =	sdelay $0x3  }
0x37: {  	[smem:$0x3F94] =	sst s10  }
0x38: {  	s10 =	sld [smem:$0x3F95]  }
0x39: {  	_ = 	snop;
	(pc) =	sbr.ind lr, $3  }
0x3a: {  	_ = 	snop  }
0x3b: {  	_ = 	snop  }
0x3c: {  	p2 =	seq.s32 s10, $0x1;
	s10 =	sld [smem:$0x3F94]  }
0x3d: {  	_ =	shalt  }
0x3e: {  	_ =	shalt  }
0x3f: {  	_ =	shalt  }
0x40: {  	_ =	shalt  }
0x41: {  	_ =	shalt  }
0x42: {  	_ =	shalt  }
0x43: {  	_ =	shalt  }
0x44: {  	_ =	shalt  }
0x45: {  	_ =	shalt  }
0x46: {  	_ =	shalt  }
0x47: {  	_ =	shalt  }
0x48: {  	_ =	shalt  }
0x49: {  	_ =	shalt  }
0x4a: {  	_ =	shalt  }
0x4b: {  	_ =	shalt  }
0x4c: {  	_ =	shalt  }
0x4d: {  	_ =	shalt  }
0x4e: {  	_ =	shalt  }
0x4f: {  	_ =	shalt  }
0x50: {  	_ =	shalt  }
0x51: {  	_ =	shalt  }
0x52: {  	_ =	shalt  }
0x53: {  	_ =	shalt  }
0x54: {  	_ =	shalt  }
0x55: {  	_ =	shalt  }
0x56: {  	_ =	shalt  }
0x57: {  	_ =	shalt  }
0x58: {  	_ =	shalt  }
0x59: {  	_ =	shalt  }
0x5a: {  	_ =	shalt  }
0x5b: {  	_ =	shalt  }
0x5c: {  	_ =	shalt  }
0x5d: {  	_ =	shalt  }
0x5e: {  	_ =	shalt  }
0x5f: {  	_ =	shalt  }
0x60: {  	_ =	shalt  }
0x61: {  	_ =	shalt  }
0x62: {  	_ =	shalt  }
0x63: {  	_ =	shalt  }
0x64: {  	_ =	shalt  }
0x65: {  	_ =	shalt  }
0x66: {  	_ =	shalt  }
0x67: {  	_ =	shalt  }
0x68: {  	_ =	shalt  }
0x69: {  	_ =	shalt  }
0x6a: {  	_ =	shalt  }
0x6b: {  	_ =	shalt  }
0x6c: {  	_ =	shalt  }
0x6d: {  	_ =	shalt  }
0x6e: {  	_ =	shalt  }
0x6f: {  	_ =	shalt  }
0x70: {  	_ =	shalt  }
0x71: {  	_ =	shalt  }
0x72: {  	_ =	shalt  }
0x73: {  	_ =	shalt  }
0x74: {  	_ =	shalt  }
0x75: {  	_ =	shalt  }
0x76: {  	_ =	shalt  }
0x77: {  	_ =	shalt  }
0x78: {  	_ =	shalt  }
0x79: {  	_ =	shalt  }
0x7a: {  	_ =	shalt  }
0x7b: {  	_ =	shalt  }
0x7c: {  	_ =	shalt  }
0x7d: {  	_ =	shalt  }
0x7e: {  	_ =	shalt  }
0x7f: {  	_ =	shalt  }
0x80: {  	_ =	shalt  }
0x81: {  	_ =	shalt  }
0x82: {  	_ =	shalt  }
0x83: {  	_ =	shalt  }
0x84: {  	_ =	shalt  }
0x85: {  	_ =	shalt  }
0x86: {  	_ =	shalt  }
0x87: {  	_ =	shalt  }
.Lfunc_end0:
.L_simem_size_0:
called_computation_lowered:
.L_overlay_start_0:
0x88: {  	s2 =	sld [smem:$0x3FD9]  }
0x89: {  	s3 =	sld [smem:$0x3FFE];
	_ =	sdelay $0x1  }
0x8a: {  	s1 =	srdreg.scid  }
0x8b: {  	s0 =	sand.u32 $0x1, s1  }
0x8c: {  	s14 =	sshll.u32 s0, $0xA;
	s2 =	sadd.s32 s3, s2  }
0x8d: {  	s2 =	sadd.s32 s2, s14  }
0x8e: {  	[smem:$0x3FA0] =	sst s2  }
0x8f: {  	_ = 	snop  }
0x90: {  	s2 =	sld [smem:$0x3FD0];
	_ =	sdelay $0x2  }
0x91: {  	s15 =	simm.s32 $0xA;
	s4 =	simm.s32 $0x10  }
0x92: {  	[smem:s4], [sflag:s15] =	dma.local [hbm:s2], $0x1  }
0x93: {  	_ =	swait.eq [sflag:s15], $0x1  }
0x94: {  	[sflag:s15] =	ssyncset.done $0x0  }
0x95: {  	s16 =	sld [smem:$0x10];
	[sflag:s15] =	ssyncadd.s32 $0xFFFFFFFF  }
0x96: {  	s17 =	sld [smem:$0x11];
	(tm) =	ssettm $0x1  }
0x97: {  	s18 =	sld [smem:$0x3FFB];
	_ =	sdelay $0x3  }
0x98: {  	_ =	strace s18  }
0x99: {  	s4 =	sld [smem:$0x3FFC];
	_ =	sdelay $0x3  }
0x9a: {  	_ =	strace s4  }
0x9b: {  	s4 =	sld [smem:$0x3FFD];
	_ =	sdelay $0x3  }
0x9c: {  	_ =	strace s4  }
0x9d: {  	_ =	strace $0x8FFFFFFF  }
0x9e: {  	s19 =	sld [smem:$0x3FDB];
	_ =	sdelay $0x1  }
0x9f: {  	s5 =	simm.s32 $_scs_section_size  }
0xa0: {  	s6 =	simm.s32 $_size__tile_overlayer_lowered;
	s7 =	simm.s32 $_tile_overlayer_lowered  }
0xa1: {  	s22 =	simm.s32 $0x1BFF;
	s21 =	sshll.u32 s7, $0x1;
	s4 =	sadd.s32 s5, s19  }
0xa2: {  	s8 =	simm.s32 $0x0;
	s20 =	sshll.u32 s6, $0x1;
	s6 =	sadd.s32 s21, s4  }
0xa3: {  	[timem:s8], [sflag:s22] =	dma.local [hbm:s6], s20  }
0xa4: {  	_ =	swait.ge [sflag:s22], s20  }
0xa5: {  	s5 =	ssub.s32 $0x0, s20;
	[sflag:s22] =	ssyncset.done $0x0  }
0xa6: {  	[sflag:s22] =	ssyncadd.s32 s5;
	_ =	sdelay $0x1  }
0xa7: {  	s23 =	simm.s32 $0x1B8B  }
0xa8: {  	_ =	swait.ge [sflag:s23], $0x1  }
0xa9: {  	[sflag:s23] =	ssyncset.done $0x0  }
0xaa: {  	s25 =	simm.s32 $0x1B8E;
	s24 =	sld [smem:$0x3FFE];
	[sflag:s23] =	ssyncadd.s32 $0xFFFFFFFF  }
0xab: {  	s26 =	simm.s32 $execute0_lowered;
	[smem:$0x3FD2] =	sst s25  }
0xac: {  	s6 =	sshll.u32 s26, $0x1;
	_ =	strace $0x80000046;
	[dreg:$0x1] =	wrdreg $0xFFFFFFFF  }
0xad: {  	s28 =	simm.s32 $_size_execute0_lowered;
	s4 =	sadd.s32 s4, s6;
	[dreg:$0x0] =	wrdreg $0x0  }
0xae: {  	s6 =	sshll.u32 s28, $0x1;
	[dreg:$0x2] =	wrdreg s4  }
0xaf: {  	[dreg:$0x3] =	wrdreg s6  }
0xb0: {  	[dreg:$0x4] =	wrdreg $0xC0  }
0xb1: {  	_ =	task [dreg:s8], $0x5FFFF  }
0xb2: {  	[dreg:$0x1] =	wrdreg $0xFFFFFFFF  }
0xb3: {  	[dreg:$0x0] =	wrdreg $0x60  }
0xb4: {  	[dreg:$0x2] =	wrdreg s24  }
0xb5: {  	[dreg:$0x3] =	wrdreg s16  }
0xb6: {  	[dreg:$0x4] =	wrdreg s17  }
0xb7: {  	[dreg:$0x5] =	wrdreg $0x9  }
0xb8: {  	_ =	task.clear_ibuf [dreg:s8], $0x6FFFF;
	_ =	strace $0x90000046  }
0xb9: {  	s29 =	simm.s32 $0x9;
	_ =	strace $0x80000048  }
0xba: {  	_ =	swait.ge [sflag:s29], $0x1  }
0xbb: {  	[sflag:s29] =	ssyncadd.s32 $0xFFFFFFFF  }
0xbc: {  	_ =	strace $0x90000048  }
0xbd: {  	_ =	sfence  }
0xbe: {  	s30 =	sld [smem:$0x0];
	_ =	sdelay $0x2  }
0xbf: {  	s31 =	sshll.u32 s1, $0xD;
	s1 =	sshrl.u32 s1, $0x2  }
0xc0: {  	s3 =	sand.u32 $0x4000, s31;
	s1 =	sadd.s32 s1, s30  }
0xc1: {  	s0 =	sor.u32 s3, s0;
	s1 =	sshll.u32 s1, $0x11  }
0xc2: {  	s0 =	sor.u32 s1, s0  }
0xc3: {  	s0 =	sadd.s32 $0x8F2B, s0  }
0xc4: {  	[sflag:s0] =	ssyncadd.remote.s32 $0x1  }
0xc5: {  	_ =	sfence.sel $0xFFFF  }
0xc6: {  	[dreg:$0x0] =	wrdreg $0xFFFFFFFF;
	(pc) =	sbr.abs _section_cstart, $3  }
0xc7: {  	[dreg:$0x1] =	wrdreg $0xFFFFFFFF  }
0xc8: {  	_ =	task.clear_ibuf [dreg:s8], $0x2FFFF;
	_ =	strace $0x9FFFFFFF  }
0xc9: {  	(tm) =	ssettm $0x7FFFFFFF  }
tec
execute0_lowered:
.L_overlay_start_1:
0x0: {  	(tag) =	ssettag $0x1  }
0x1: {  	s0 =	rddreg [dreg:$0x0]  }
0x2: {  	s1 =	rddreg [dreg:$0x2];
	s2 =	simm.s32 $0x0;
	s3 =	srdreg.scid  }
0x3: {  	s11 =	stileid.u32;
	s16 =	simm.s32 $0x2;
	s19 =	simm.s32 $0x3  }
0x4: {  	s29 =	simm.s32 $0x17200;
	s30 =	simm.s32 $0x17A00;
	s31 =	simm.s32 $0x18200  }
0x5: {  	s17 =	simm.s32 $0x1A200;
	s18 =	simm.s32 $0x1BA40;
	[smem:$0x7FF] =	sst s2  }
0x6: {  	s4 =	sadd.s32 $0x1EE00, s0;
	s3 =	sand.u32 $0x1, s3;
	s5 =	sadd.s32 $0xBB200, s0  }
0x7: {  	s6 =	sshll.u32 s11, $0x4;
	s7 =	sshll.u32 s11, $0xD;
	s21 =	sshll.u32 s11, $0x1  }
0x8: {  	s26 =	sshll.u32 s11, $0x7;
	_ =	strace $0x80000047;
	[dreg:$0x4] =	wrdreg s5  }
0x9: {  	s20 =	ssub.s32 $0x2, s3;
	s9 =	sadd.s32 s6, s0;
	s10 =	sadd.s32 s7, s0  }
0xa: {  	[dreg:$0x5] =	wrdreg s21;
	s22 =	sshll.u32 s3, $0xC;
	s12 =	sshll.u32 s3, $0x3  }
0xb: {  	s7 =	sadd.s32 $0x1EF00, s0;
	s25 =	sadd.s32 s6, s1;
	s3 =	sshll.u32 s3, $0x6  }
0xc: {  	s21 =	simm.s32 $0x13A00;
	s6 =	simm.s32 $0x1B200;
	s8 =	sshrl.u32 s20, $0x1  }
0xd: {  	s23 =	sadd.s32 s22, s10;
	s24 =	sadd.s32 s12, s9;
	s12 =	sadd.s32 s12, s25  }
0xe: {  	s28 =	sor.u32 s3, s26;
	s9 =	simm.s32 $0x1BA00;
	s22 =	simm.s32 $0x1BAC0  }
0xf: {  	s5 =	ssub.s32 s20, s8;
	s0 =	sadd.s32 $0xBB400, s23;
	s10 =	sadd.s32 $0x12E00, s24  }
0x10: {  	s11 =	sadd.s32 $0x17E00, s24;
	s3 =	sadd.s32 $0x27100, s28;
	s8 =	simm.s32 $0x1  }
0x11: {  	s20 =	simm.s32 $0x1BA80;
	s24 =	simm.s32 $0x0;
	s5 =	smax.u32 s5, $0x1  }
.Ltmp0:
0x12: {  	[dreg:$0x7] =	wrdreg s0;
	s0 =	sadd.s32 $0x75300, s28;
	(pc) =	sbr.rel .LBB2_1-.Ltmp0, $4  }
0x13: {  	s3 =	sshrl.u32 s3, $0x3;
	[dreg:$0x6] =	wrdreg s5;
	s5 =	sadd.s32 $0x4E200, s28  }
0x14: {  	v2 =	vlaneseq.u32;
	s0 =	sshrl.u32 s0, $0x3;
	s13 =	sadd.s32 s3, s1;
	s3 =	simm.s32 $0x19200  }
0x15: {  	vm0 =	vmmov $0xffff;
	v1 =	vshrl.u32 v2, $0x3;
	s5 =	sshrl.u32 s5, $0x3;
	s15 =	sadd.s32 s0, s1;
	s0 =	simm.s32 $0x18A00  }
0x16: {  	v0 =	vand.u32 $0x7, v2;
	v2 =	vor.u32 $0x8, v2;
	v1 =	vmul.u32 $0x8, v1;
	s14 =	sadd.s32 s5, s1;
	s1 =	simm.s32 $0x19A00;
	s5 =	simm.s32 $0x1AA00  }
.LBB2_5:
0x17: {  	s24 =	rddreg [dreg:$0x8]  }
0x18: {  	s23 =	rddreg [dreg:$0x6];
	s24 =	sadd.s32 $0x1, s24  }
0x19: {  	p0 =	sne.s32 s24, s23  }
.Ltmp1:
0x1a: {  	_ = 	snop;
	(pc) =	sbr.rel @!p0 .LBB2_6-.Ltmp1, $1  }
0x1b: {  	_ =	sdelay $0x3  }
.LBB2_1:
0x1c: {  	[dreg:$0x8] =	wrdreg s24  }
0x1d: {  	s23 =	rddreg [dreg:$0x1]  }
0x1e: {  	[tilespmem:s2], [sflag:$0x2] =	stream.linear.gather [hbm4b:s23+s2], $0x13880, $0x38;
	[tilespmem:$0x1BB00] =	vst v63  }
0x1f: {  	_ =	swait.ge [sflag:s16], $0x13880  }
0x20: {  	s28 =	simm.s32 $0x13880;
	[sflag:s16] =	ssyncset.done $0x0  }
.Ltmp2:
0x21: {  	s26 =	rddreg [dreg:$0x4];
	[sflag:s16] =	ssyncadd.s32 $0xFFFEC780;
	(pc) =	sbr.rel .LBB2_2-.Ltmp2, $4  }
0x22: {  	[tilespmem:s28], [sflag:$0x2] =	stream.linear.gather [hbm4b:s26+s2], $0x80, $0x38;
	[tilespmem:$0x1BB00] =	vst v63  }
0x23: {  	_ =	swait.ge [sflag:s16], $0x80  }
0x24: {  	[sflag:s16] =	ssyncset.done $0x0;
	s23 =	rddreg [dreg:$0x5]  }
0x25: {  	s25 =	simm.s32 $0x0;
	s24 =	rddreg [dreg:$0x7];
	[sflag:s16] =	ssyncadd.s32 $0xFFFFFF80  }
.LBB2_4:
0x26: {  	s25 =	sadd.s32 $0x100, s25  }
0x27: {  	p0 =	sne.s32 s25, $0x4F00  }
.Ltmp3:
0x28: {  	_ = 	snop;
	(pc) =	sbr.rel @!p0 .LBB2_5-.Ltmp3, $2  }
0x29: {  	_ =	sdelay $0x2  }
0x2a: {  	s24 =	sadd.s32 $0x20000, s24;
	s23 =	sadd.s32 $0x20, s23  }
.LBB2_2:
0x2b: {  	p0 =	sgt.u32 s23, $0x9C3  }
.Ltmp4:
0x2c: {  	_ = 	snop;
	(pc) =	sbr.rel @p0 .LBB2_4-.Ltmp4, $1  }
0x2d: {  	_ =	sdelay $0x3  }
0x2e: {  	s26 =	sadd.s32 s25, s10;
	s28 =	simm.s32 $0x13900  }
0x2f: {  	[tilespmem:s28], [sflag:$0x3] =	stream.linear.gather [hbm4b:s26+s2], $0x40, $0x38;
	[tilespmem:$0x1BB00] =	vst v63  }
0x30: {  	_ =	swait.ge [sflag:s19], $0x40  }
0x31: {  	[sflag:s19] =	ssyncset.done $0x0  }
0x32: {  	s26 =	sadd.s32 s25, s11;
	s28 =	simm.s32 $0x13980;
	[sflag:s19] =	ssyncadd.s32 $0xFFFFFFC0  }
0x33: {  	[tilespmem:s28], [sflag:$0x3] =	stream.linear.gather [hbm4b:s26+s2], $0x40, $0x38;
	[tilespmem:$0x1BB00] =	vst v63  }
0x34: {  	_ =	swait.ge [sflag:s19], $0x40  }
0x35: {  	[sflag:s19] =	ssyncset.done $0x0  }
0x36: {  	[sflag:s19] =	ssyncadd.s32 $0xFFFFFFC0  }
0x37: {  	v3 =	vld [tilespmem:$0x13900];
	_ =	sdelay $0x4  }
0x38: {  	v4 =	vshll.u32 v3, $0x2  }
0x39: {  	v3 =	vand.u32 $0x7, v3;
	v4 =	vand.u32 $0xFFFFFFE0, v4  }
0x3a: {  	v3 =	vor.u32 v3, v4  }
0x3b: {  	v4 =	vperm.xlane v3, v0;
	_ =	sdelay $0x1  }
0x3c: {  	v4 =	vadd.s32 v1, v4;
	_ =	sdelay $0x1  }
0x3d: {  	v3 =	vperm.xlane v3, v2;
	_ =	sdelay $0x1  }
0x3e: {  	v3 =	vadd.s32 v1, v3  }
0x3f: {  	[tilespmem:s21], [sflag:$0x1] =	stream.indirect_vreg.gather [hbm4b:s4+s2], $0x80, v4, vm0, $0xb8;
	[tilespmem:$0x1BB00] =	vst v63  }
0x40: {  	s28 =	simm.s32 $0x14200  }
0x41: {  	[tilespmem:s28], [sflag:$0x1] =	stream.indirect_vreg.gather [hbm4b:s7+s2], $0x80, v4, vm0, $0xb8;
	[tilespmem:$0x1BB00] =	vst v63  }
0x42: {  	s28 =	simm.s32 $0x14A00  }
0x43: {  	[tilespmem:s28], [sflag:$0x1] =	stream.indirect_vreg.gather [hbm4b:s4+s2], $0x80, v3, vm0, $0xb8;
	[tilespmem:$0x1BB00] =	vst v63  }
0x44: {  	s28 =	simm.s32 $0x15200  }
0x45: {  	[tilespmem:s28], [sflag:$0x1] =	stream.indirect_vreg.gather [hbm4b:s7+s2], $0x80, v3, vm0, $0xb8;
	[tilespmem:$0x1BB00] =	vst v63  }
0x46: {  	v3 =	vld [tilespmem:$0x13910];
	_ =	sdelay $0x4  }
0x47: {  	v51 =	vshll.u32 v3, $0x2  }
0x48: {  	v3 =	vand.u32 $0x7, v3;
	v4 =	vand.u32 $0xFFFFFFE0, v51  }
0x49: {  	v3 =	vor.u32 v3, v4  }
0x4a: {  	v4 =	vperm.xlane v3, v0;
	_ =	sdelay $0x1  }
0x4b: {  	v4 =	vadd.s32 v1, v4;
	_ =	sdelay $0x1  }
0x4c: {  	v3 =	vperm.xlane v3, v2;
	_ =	sdelay $0x1  }
0x4d: {  	s28 =	simm.s32 $0x15A00;
	v3 =	vadd.s32 v1, v3  }
0x4e: {  	[tilespmem:s28], [sflag:$0x1] =	stream.indirect_vreg.gather [hbm4b:s4+s2], $0x80, v4, vm0, $0xb8;
	[tilespmem:$0x1BB00] =	vst v63  }
0x4f: {  	s28 =	simm.s32 $0x16200  }
0x50: {  	[tilespmem:s28], [sflag:$0x1] =	stream.indirect_vreg.gather [hbm4b:s7+s2], $0x80, v4, vm0, $0xb8;
	[tilespmem:$0x1BB00] =	vst v63  }
0x51: {  	s28 =	simm.s32 $0x16A00  }
0x52: {  	[tilespmem:s28], [sflag:$0x1] =	stream.indirect_vreg.gather [hbm4b:s4+s2], $0x80, v3, vm0, $0xb8;
	[tilespmem:$0x1BB00] =	vst v63  }
0x53: {  	_ = 	snop  }
0x54: {  	[tilespmem:s29], [sflag:$0x1] =	stream.indirect_vreg.gather [hbm4b:s7+s2], $0x80, v3, vm0, $0xb8;
	[tilespmem:$0x1BB00] =	vst v63  }
0x55: {  	v3 =	vld [tilespmem:$0x13920];
	_ =	sdelay $0x4  }
0x56: {  	v52 =	vshll.u32 v3, $0x2  }
0x57: {  	v3 =	vand.u32 $0x7, v3;
	v4 =	vand.u32 $0xFFFFFFE0, v52  }
0x58: {  	v3 =	vor.u32 v3, v4  }
0x59: {  	v4 =	vperm.xlane v3, v0;
	_ =	sdelay $0x1  }
0x5a: {  	v4 =	vadd.s32 v1, v4;
	_ =	sdelay $0x1  }
0x5b: {  	v3 =	vperm.xlane v3, v2;
	_ =	sdelay $0x1  }
0x5c: {  	v3 =	vadd.s32 v1, v3  }
0x5d: {  	[tilespmem:s30], [sflag:$0x1] =	stream.indirect_vreg.gather [hbm4b:s4+s2], $0x80, v4, vm0, $0xb8;
	[tilespmem:$0x1BB00] =	vst v63  }
0x5e: {  	_ = 	snop  }
0x5f: {  	[tilespmem:s31], [sflag:$0x1] =	stream.indirect_vreg.gather [hbm4b:s7+s2], $0x80, v4, vm0, $0xb8;
	[tilespmem:$0x1BB00] =	vst v63  }
0x60: {  	_ = 	snop  }
0x61: {  	[tilespmem:s0], [sflag:$0x1] =	stream.indirect_vreg.gather [hbm4b:s4+s2], $0x80, v3, vm0, $0xb8;
	[tilespmem:$0x1BB00] =	vst v63  }
0x62: {  	_ = 	snop  }
0x63: {  	[tilespmem:s3], [sflag:$0x1] =	stream.indirect_vreg.gather [hbm4b:s7+s2], $0x80, v3, vm0, $0xb8;
	[tilespmem:$0x1BB00] =	vst v63  }
0x64: {  	v3 =	vld [tilespmem:$0x13930];
	_ =	sdelay $0x4  }
0x65: {  	v53 =	vshll.u32 v3, $0x2  }
0x66: {  	v3 =	vand.u32 $0x7, v3;
	v4 =	vand.u32 $0xFFFFFFE0, v53  }
0x67: {  	v3 =	vor.u32 v3, v4  }
0x68: {  	v4 =	vperm.xlane v3, v0;
	_ =	sdelay $0x1  }
0x69: {  	v4 =	vadd.s32 v1, v4;
	_ =	sdelay $0x1  }
0x6a: {  	v3 =	vperm.xlane v3, v2;
	_ =	sdelay $0x1  }
0x6b: {  	v3 =	vadd.s32 v1, v3  }
0x6c: {  	[tilespmem:s1], [sflag:$0x1] =	stream.indirect_vreg.gather [hbm4b:s4+s2], $0x80, v4, vm0, $0xb8;
	[tilespmem:$0x1BB00] =	vst v63  }
0x6d: {  	_ = 	snop  }
0x6e: {  	[tilespmem:s17], [sflag:$0x1] =	stream.indirect_vreg.gather [hbm4b:s7+s2], $0x80, v4, vm0, $0xb8;
	[tilespmem:$0x1BB00] =	vst v63  }
0x6f: {  	_ = 	snop  }
0x70: {  	[tilespmem:s5], [sflag:$0x1] =	stream.indirect_vreg.gather [hbm4b:s4+s2], $0x80, v3, vm0, $0xb8;
	[tilespmem:$0x1BB00] =	vst v63  }
0x71: {  	_ = 	snop  }
0x72: {  	[tilespmem:s6], [sflag:$0x1] =	stream.indirect_vreg.gather [hbm4b:s7+s2], $0x80, v3, vm0, $0xb8;
	[tilespmem:$0x1BB00] =	vst v63  }
0x73: {  	_ =	swait.ge [sflag:s8], $0x8000  }
0x74: {  	[sflag:s8] =	ssyncset.done $0x0  }
0x75: {  	[sflag:s8] =	ssyncadd.s32 $0xFFFF8000  }
0x76: {  	[hbm4b:s24+s2] =	stream.linear.scatter [tilespmem:s21], [sflag:$0x3], $0x8000, $0x38;
	[tilespmem:$0x1BB00] =	vst v63  }
0x77: {  	_ =	swait.ge [sflag:s19], $0x8000  }
0x78: {  	[sflag:s19] =	ssyncset.done $0x0  }
0x79: {  	[sflag:s19] =	ssyncadd.s32 $0xFFFF8000  }
0x7a: {  	v3 =	vld [tilespmem:$0x13900]  }
0x7b: {  	v54 =	vld [tilespmem:$0x13980];
	_ =	sdelay $0x4  }
0x7c: {  	v3 =	vshll.u32 v3, $0x3;
	v4 =	vshll.u32 v54, $0x3  }
0x7d: {  	v5 =	vor.u32 $0x4, v4;
	_ =	sdelay $0x3  }
0x7e: {  	v6 =	vld.idx.msk [tilespmem:v3+s2+$0x0], $0xffff  }
0x7f: {  	v5 =	vld.idx.msk [tilespmem:v5+s2+$0x0], $0xffff;
	_ =	sdelay $0x4  }
0x80: {  	v55 =	vld [tilespmem:$0x13880];
	v5 =	vadd.f32 v5, v6;
	_ =	sdelay $0x1  }
0x81: {  	v7 =	vmul.f32 $2.000000030e-01, v5  }
0x82: {  	vm1 =	vlt.f32 v5, $0.0e+00  }
0x83: {  	v5 =	vsel vm1, v7, v5  }
0x84: {  	v5 =	vsub.f32 v5, v55;
	_ =	sdelay $0x1  }
0x85: {  	v5 =	vmul.f32 $1.442695020e+00, v5;
	_ =	sdelay $0x1  }
0x86: {  	(erf) = vpow2.f32 v5;
	_ =	sdelay $0x5  }
0x87: {  	v56 =	vor.u32 $0x1, v3  }
0x88: {  	v57 =	vor.u32 $0x5, v4;
	_ =	sdelay $0x1  }
0x89: {  	v58 =	vpop (erf)  }
0x8a: {  	[tilespmem:$0x1BA00] =	vst v58  }
0x8b: {  	v5 =	vld.idx.msk [tilespmem:v56+s2+$0x0], $0xffff  }
0x8c: {  	v6 =	vld.idx.msk [tilespmem:v57+s2+$0x0], $0xffff;
	_ =	sdelay $0x4  }
0x8d: {  	v59 =	vld [tilespmem:$0x13890];
	v5 =	vadd.f32 v6, v5;
	_ =	sdelay $0x1  }
0x8e: {  	v60 =	vmul.f32 $2.000000030e-01, v5  }
0x8f: {  	vm1 =	vlt.f32 v5, $0.0e+00  }
0x90: {  	v5 =	vsel vm1, v60, v5  }
0x91: {  	v5 =	vsub.f32 v5, v59;
	_ =	sdelay $0x1  }
0x92: {  	v5 =	vmul.f32 $1.442695020e+00, v5;
	_ =	sdelay $0x1  }
0x93: {  	(erf) = vpow2.f32 v5;
	_ =	sdelay $0x5  }
0x94: {  	v61 =	vor.u32 $0x2, v3  }
0x95: {  	v62 =	vor.u32 $0x6, v4;
	_ =	sdelay $0x1  }
0x96: {  	v63 =	vpop (erf)  }
0x97: {  	[tilespmem:$0x1BA40] =	vst v63  }
0x98: {  	v5 =	vld.idx.msk [tilespmem:v61+s2+$0x0], $0xffff  }
0x99: {  	v6 =	vld.idx.msk [tilespmem:v62+s2+$0x0], $0xffff;
	_ =	sdelay $0x4  }
0x9a: {  	v9 =	vld [tilespmem:$0x138A0];
	v5 =	vadd.f32 v6, v5;
	_ =	sdelay $0x1  }
0x9b: {  	v10 =	vmul.f32 $2.000000030e-01, v5  }
0x9c: {  	vm1 =	vlt.f32 v5, $0.0e+00  }
0x9d: {  	v5 =	vsel vm1, v10, v5  }
0x9e: {  	v5 =	vsub.f32 v5, v9;
	_ =	sdelay $0x1  }
0x9f: {  	v5 =	vmul.f32 $1.442695020e+00, v5;
	_ =	sdelay $0x1  }
0xa0: {  	(erf) = vpow2.f32 v5;
	_ =	sdelay $0x5  }
0xa1: {  	v3 =	vor.u32 $0x3, v3  }
0xa2: {  	v4 =	vor.u32 $0x7, v4;
	_ =	sdelay $0x1  }
0xa3: {  	v5 =	vpop (erf)  }
0xa4: {  	[tilespmem:$0x1BA80] =	vst v5  }
0xa5: {  	v3 =	vld.idx.msk [tilespmem:v3+s2+$0x0], $0xffff  }
0xa6: {  	v4 =	vld.idx.msk [tilespmem:v4+s2+$0x0], $0xffff;
	_ =	sdelay $0x4  }
0xa7: {  	v11 =	vld [tilespmem:$0x138B0];
	v3 =	vadd.f32 v4, v3;
	_ =	sdelay $0x1  }
0xa8: {  	v12 =	vmul.f32 $2.000000030e-01, v3  }
0xa9: {  	vm1 =	vlt.f32 v3, $0.0e+00  }
0xaa: {  	v3 =	vsel vm1, v12, v3  }
0xab: {  	v3 =	vsub.f32 v3, v11;
	_ =	sdelay $0x1  }
0xac: {  	v3 =	vmul.f32 $1.442695020e+00, v3;
	_ =	sdelay $0x1  }
0xad: {  	v13 =	vld [tilespmem:$0x13990];
	(erf) = vpow2.f32 v3  }
0xae: {  	v3 =	vld [tilespmem:$0x13910];
	_ =	sdelay $0x4  }
0xaf: {  	v4 =	vshll.u32 v13, $0x3;
	v3 =	vshll.u32 v3, $0x3  }
0xb0: {  	v14 =	vor.u32 $0x4, v4;
	_ =	sdelay $0x1  }
0xb1: {  	v15 =	vpop (erf)  }
0xb2: {  	[tilespmem:$0x1BAC0] =	vst v15  }
0xb3: {  	v6 =	vld.idx.msk [tilespmem:v3+s2+$0x0], $0xffff  }
0xb4: {  	v5 =	vld.idx.msk [tilespmem:v14+s2+$0x0], $0xffff;
	_ =	sdelay $0x4  }
0xb5: {  	v16 =	vld [tilespmem:$0x13880];
	v5 =	vadd.f32 v5, v6;
	_ =	sdelay $0x1  }
0xb6: {  	v17 =	vmul.f32 $2.000000030e-01, v5  }
0xb7: {  	vm1 =	vlt.f32 v5, $0.0e+00  }
0xb8: {  	v5 =	vsel vm1, v17, v5  }
0xb9: {  	v5 =	vsub.f32 v5, v16;
	_ =	sdelay $0x1  }
0xba: {  	v5 =	vmul.f32 $1.442695020e+00, v5;
	_ =	sdelay $0x1  }
0xbb: {  	(erf) = vpow2.f32 v5;
	_ =	sdelay $0x5  }
0xbc: {  	v18 =	vor.u32 $0x1, v3  }
0xbd: {  	v19 =	vor.u32 $0x5, v4;
	_ =	sdelay $0x1  }
0xbe: {  	v20 =	vpop (erf)  }
0xbf: {  	[tilespmem:$0x1BA10] =	vst v20  }
0xc0: {  	v5 =	vld.idx.msk [tilespmem:v18+s2+$0x0], $0xffff  }
0xc1: {  	v6 =	vld.idx.msk [tilespmem:v19+s2+$0x0], $0xffff;
	_ =	sdelay $0x4  }
0xc2: {  	v21 =	vld [tilespmem:$0x13890];
	v5 =	vadd.f32 v6, v5;
	_ =	sdelay $0x1  }
0xc3: {  	v22 =	vmul.f32 $2.000000030e-01, v5  }
0xc4: {  	vm1 =	vlt.f32 v5, $0.0e+00  }
0xc5: {  	v5 =	vsel vm1, v22, v5  }
0xc6: {  	v5 =	vsub.f32 v5, v21;
	_ =	sdelay $0x1  }
0xc7: {  	v5 =	vmul.f32 $1.442695020e+00, v5;
	_ =	sdelay $0x1  }
0xc8: {  	(erf) = vpow2.f32 v5;
	_ =	sdelay $0x5  }
0xc9: {  	v23 =	vor.u32 $0x2, v3  }
0xca: {  	v24 =	vor.u32 $0x6, v4;
	_ =	sdelay $0x1  }
0xcb: {  	v25 =	vpop (erf)  }
0xcc: {  	[tilespmem:$0x1BA50] =	vst v25  }
0xcd: {  	v5 =	vld.idx.msk [tilespmem:v23+s2+$0x0], $0xffff  }
0xce: {  	v6 =	vld.idx.msk [tilespmem:v24+s2+$0x0], $0xffff;
	_ =	sdelay $0x4  }
0xcf: {  	v26 =	vld [tilespmem:$0x138A0];
	v5 =	vadd.f32 v6, v5;
	_ =	sdelay $0x1  }
0xd0: {  	v27 =	vmul.f32 $2.000000030e-01, v5  }
0xd1: {  	vm1 =	vlt.f32 v5, $0.0e+00  }
0xd2: {  	v5 =	vsel vm1, v27, v5  }
0xd3: {  	v5 =	vsub.f32 v5, v26;
	_ =	sdelay $0x1  }
0xd4: {  	v5 =	vmul.f32 $1.442695020e+00, v5;
	_ =	sdelay $0x1  }
0xd5: {  	(erf) = vpow2.f32 v5;
	_ =	sdelay $0x5  }
0xd6: {  	v3 =	vor.u32 $0x3, v3  }
0xd7: {  	v4 =	vor.u32 $0x7, v4;
	_ =	sdelay $0x1  }
0xd8: {  	v5 =	vpop (erf)  }
0xd9: {  	[tilespmem:$0x1BA90] =	vst v5  }
0xda: {  	v3 =	vld.idx.msk [tilespmem:v3+s2+$0x0], $0xffff  }
0xdb: {  	v4 =	vld.idx.msk [tilespmem:v4+s2+$0x0], $0xffff;
	_ =	sdelay $0x4  }
0xdc: {  	v28 =	vld [tilespmem:$0x138B0];
	v3 =	vadd.f32 v4, v3;
	_ =	sdelay $0x1  }
0xdd: {  	v29 =	vmul.f32 $2.000000030e-01, v3  }
0xde: {  	vm1 =	vlt.f32 v3, $0.0e+00  }
0xdf: {  	v3 =	vsel vm1, v29, v3  }
0xe0: {  	v3 =	vsub.f32 v3, v28;
	_ =	sdelay $0x1  }
0xe1: {  	v3 =	vmul.f32 $1.442695020e+00, v3;
	_ =	sdelay $0x1  }
0xe2: {  	v30 =	vld [tilespmem:$0x139A0];
	(erf) = vpow2.f32 v3  }
0xe3: {  	v3 =	vld [tilespmem:$0x13920];
	_ =	sdelay $0x4  }
0xe4: {  	v4 =	vshll.u32 v30, $0x3;
	v3 =	vshll.u32 v3, $0x3  }
0xe5: {  	v31 =	vor.u32 $0x4, v4;
	_ =	sdelay $0x1  }
0xe6: {  	v32 =	vpop (erf)  }
0xe7: {  	[tilespmem:$0x1BAD0] =	vst v32  }
0xe8: {  	v6 =	vld.idx.msk [tilespmem:v3+s2+$0x0], $0xffff  }
0xe9: {  	v5 =	vld.idx.msk [tilespmem:v31+s2+$0x0], $0xffff;
	_ =	sdelay $0x4  }
0xea: {  	v33 =	vld [tilespmem:$0x13880];
	v5 =	vadd.f32 v5, v6;
	_ =	sdelay $0x1  }
0xeb: {  	v34 =	vmul.f32 $2.000000030e-01, v5  }
0xec: {  	vm1 =	vlt.f32 v5, $0.0e+00  }
0xed: {  	v5 =	vsel vm1, v34, v5  }
0xee: {  	v5 =	vsub.f32 v5, v33;
	_ =	sdelay $0x1  }
0xef: {  	v5 =	vmul.f32 $1.442695020e+00, v5;
	_ =	sdelay $0x1  }
0xf0: {  	(erf) = vpow2.f32 v5;
	_ =	sdelay $0x5  }
0xf1: {  	v35 =	vor.u32 $0x1, v3  }
0xf2: {  	v36 =	vor.u32 $0x5, v4;
	_ =	sdelay $0x1  }
0xf3: {  	v37 =	vpop (erf)  }
0xf4: {  	[tilespmem:$0x1BA20] =	vst v37  }
0xf5: {  	v5 =	vld.idx.msk [tilespmem:v35+s2+$0x0], $0xffff  }
0xf6: {  	v6 =	vld.idx.msk [tilespmem:v36+s2+$0x0], $0xffff;
	_ =	sdelay $0x4  }
0xf7: {  	v38 =	vld [tilespmem:$0x13890];
	v5 =	vadd.f32 v6, v5;
	_ =	sdelay $0x1  }
0xf8: {  	v39 =	vmul.f32 $2.000000030e-01, v5  }
0xf9: {  	vm1 =	vlt.f32 v5, $0.0e+00  }
0xfa: {  	v5 =	vsel vm1, v39, v5  }
0xfb: {  	v5 =	vsub.f32 v5, v38;
	_ =	sdelay $0x1  }
0xfc: {  	v5 =	vmul.f32 $1.442695020e+00, v5;
	_ =	sdelay $0x1  }
0xfd: {  	(erf) = vpow2.f32 v5;
	_ =	sdelay $0x5  }
0xfe: {  	v40 =	vor.u32 $0x2, v3  }
0xff: {  	v41 =	vor.u32 $0x6, v4;
	_ =	sdelay $0x1  }
0x100: {  	v42 =	vpop (erf)  }
0x101: {  	[tilespmem:$0x1BA60] =	vst v42  }
0x102: {  	v5 =	vld.idx.msk [tilespmem:v40+s2+$0x0], $0xffff  }
0x103: {  	v6 =	vld.idx.msk [tilespmem:v41+s2+$0x0], $0xffff;
	_ =	sdelay $0x4  }
0x104: {  	v43 =	vld [tilespmem:$0x138A0];
	v5 =	vadd.f32 v6, v5;
	_ =	sdelay $0x1  }
0x105: {  	v44 =	vmul.f32 $2.000000030e-01, v5  }
0x106: {  	vm1 =	vlt.f32 v5, $0.0e+00  }
0x107: {  	v5 =	vsel vm1, v44, v5  }
0x108: {  	v5 =	vsub.f32 v5, v43;
	_ =	sdelay $0x1  }
0x109: {  	v5 =	vmul.f32 $1.442695020e+00, v5;
	_ =	sdelay $0x1  }
0x10a: {  	(erf) = vpow2.f32 v5;
	_ =	sdelay $0x5  }
0x10b: {  	v3 =	vor.u32 $0x3, v3  }
0x10c: {  	v4 =	vor.u32 $0x7, v4;
	_ =	sdelay $0x1  }
0x10d: {  	v5 =	vpop (erf)  }
0x10e: {  	[tilespmem:$0x1BAA0] =	vst v5  }
0x10f: {  	v3 =	vld.idx.msk [tilespmem:v3+s2+$0x0], $0xffff  }
0x110: {  	v4 =	vld.idx.msk [tilespmem:v4+s2+$0x0], $0xffff;
	_ =	sdelay $0x4  }
0x111: {  	v45 =	vld [tilespmem:$0x138B0];
	v3 =	vadd.f32 v4, v3;
	_ =	sdelay $0x1  }
0x112: {  	v46 =	vmul.f32 $2.000000030e-01, v3  }
0x113: {  	vm1 =	vlt.f32 v3, $0.0e+00  }
0x114: {  	v3 =	vsel vm1, v46, v3  }
0x115: {  	v3 =	vsub.f32 v3, v45;
	_ =	sdelay $0x1  }
0x116: {  	v3 =	vmul.f32 $1.442695020e+00, v3;
	_ =	sdelay $0x1  }
0x117: {  	v47 =	vld [tilespmem:$0x139B0];
	(erf) = vpow2.f32 v3  }
0x118: {  	v3 =	vld [tilespmem:$0x13930];
	_ =	sdelay $0x4  }
0x119: {  	v4 =	vshll.u32 v47, $0x3;
	v3 =	vshll.u32 v3, $0x3  }
0x11a: {  	v48 =	vor.u32 $0x4, v4;
	_ =	sdelay $0x1  }
0x11b: {  	v49 =	vpop (erf)  }
0x11c: {  	[tilespmem:$0x1BAE0] =	vst v49  }
0x11d: {  	v6 =	vld.idx.msk [tilespmem:v3+s2+$0x0], $0xffff  }
0x11e: {  	v5 =	vld.idx.msk [tilespmem:v48+s2+$0x0], $0xffff;
	_ =	sdelay $0x4  }
0x11f: {  	v50 =	vld [tilespmem:$0x13880];
	v5 =	vadd.f32 v5, v6;
	_ =	sdelay $0x1  }
0x120: {  	v51 =	vmul.f32 $2.000000030e-01, v5  }
0x121: {  	vm1 =	vlt.f32 v5, $0.0e+00  }
0x122: {  	v5 =	vsel vm1, v51, v5  }
0x123: {  	v5 =	vsub.f32 v5, v50;
	_ =	sdelay $0x1  }
0x124: {  	v5 =	vmul.f32 $1.442695020e+00, v5;
	_ =	sdelay $0x1  }
0x125: {  	(erf) = vpow2.f32 v5;
	_ =	sdelay $0x5  }
0x126: {  	v52 =	vor.u32 $0x1, v3  }
0x127: {  	v53 =	vor.u32 $0x5, v4;
	_ =	sdelay $0x1  }
0x128: {  	v54 =	vpop (erf)  }
0x129: {  	[tilespmem:$0x1BA30] =	vst v54  }
0x12a: {  	v5 =	vld.idx.msk [tilespmem:v52+s2+$0x0], $0xffff  }
0x12b: {  	v6 =	vld.idx.msk [tilespmem:v53+s2+$0x0], $0xffff;
	_ =	sdelay $0x4  }
0x12c: {  	v55 =	vld [tilespmem:$0x13890];
	v5 =	vadd.f32 v6, v5;
	_ =	sdelay $0x1  }
0x12d: {  	v56 =	vmul.f32 $2.000000030e-01, v5  }
0x12e: {  	vm1 =	vlt.f32 v5, $0.0e+00  }
0x12f: {  	v5 =	vsel vm1, v56, v5  }
0x130: {  	v5 =	vsub.f32 v5, v55;
	_ =	sdelay $0x1  }
0x131: {  	v5 =	vmul.f32 $1.442695020e+00, v5;
	_ =	sdelay $0x1  }
0x132: {  	(erf) = vpow2.f32 v5;
	_ =	sdelay $0x5  }
0x133: {  	v57 =	vor.u32 $0x2, v3  }
0x134: {  	v58 =	vor.u32 $0x6, v4;
	_ =	sdelay $0x1  }
0x135: {  	v59 =	vpop (erf)  }
0x136: {  	[tilespmem:$0x1BA70] =	vst v59  }
0x137: {  	v5 =	vld.idx.msk [tilespmem:v57+s2+$0x0], $0xffff  }
0x138: {  	v6 =	vld.idx.msk [tilespmem:v58+s2+$0x0], $0xffff;
	_ =	sdelay $0x4  }
0x139: {  	v60 =	vld [tilespmem:$0x138A0];
	v5 =	vadd.f32 v6, v5;
	_ =	sdelay $0x1  }
0x13a: {  	v61 =	vmul.f32 $2.000000030e-01, v5  }
0x13b: {  	vm1 =	vlt.f32 v5, $0.0e+00  }
0x13c: {  	v5 =	vsel vm1, v61, v5  }
0x13d: {  	v5 =	vsub.f32 v5, v60;
	_ =	sdelay $0x1  }
0x13e: {  	v5 =	vmul.f32 $1.442695020e+00, v5;
	_ =	sdelay $0x1  }
0x13f: {  	(erf) = vpow2.f32 v5;
	_ =	sdelay $0x5  }
0x140: {  	v3 =	vor.u32 $0x3, v3  }
0x141: {  	v4 =	vor.u32 $0x7, v4;
	_ =	sdelay $0x1  }
0x142: {  	v5 =	vpop (erf)  }
0x143: {  	[tilespmem:$0x1BAB0] =	vst v5  }
0x144: {  	v3 =	vld.idx.msk [tilespmem:v3+s2+$0x0], $0xffff  }
0x145: {  	v4 =	vld.idx.msk [tilespmem:v4+s2+$0x0], $0xffff;
	_ =	sdelay $0x4  }
0x146: {  	v62 =	vld [tilespmem:$0x138B0];
	v3 =	vadd.f32 v4, v3;
	_ =	sdelay $0x1  }
0x147: {  	v63 =	vmul.f32 $2.000000030e-01, v3  }
0x148: {  	vm1 =	vlt.f32 v3, $0.0e+00  }
0x149: {  	v3 =	vsel vm1, v63, v3  }
0x14a: {  	v3 =	vsub.f32 v3, v62;
	_ =	sdelay $0x1  }
0x14b: {  	v3 =	vmul.f32 $1.442695020e+00, v3;
	_ =	sdelay $0x1  }
0x14c: {  	(erf) = vpow2.f32 v3;
	_ =	sdelay $0x8  }
0x14d: {  	v3 =	vpop (erf)  }
0x14e: {  	s28 =	sadd.s32 s25, s12;
	[tilespmem:$0x1BAF0] =	vst v3  }
0x14f: {  	[hbm4b:s28+s2] =	stream.linear.scatter [tilespmem:s9], [sflag:$0x3], $0x40, $0x38;
	[tilespmem:$0x1BB00] =	vst v63  }
0x150: {  	_ =	swait.ge [sflag:s19], $0x40  }
0x151: {  	[sflag:s19] =	ssyncset.done $0x0  }
0x152: {  	s28 =	sadd.s32 s25, s13;
	[sflag:s19] =	ssyncadd.s32 $0xFFFFFFC0  }
0x153: {  	[hbm4b:s28+s2] =	stream.linear.scatter [tilespmem:s18], [sflag:$0x3], $0x40, $0x38;
	[tilespmem:$0x1BB00] =	vst v63  }
0x154: {  	_ =	swait.ge [sflag:s19], $0x40  }
0x155: {  	[sflag:s19] =	ssyncset.done $0x0  }
0x156: {  	s28 =	sadd.s32 s25, s14;
	[sflag:s19] =	ssyncadd.s32 $0xFFFFFFC0  }
0x157: {  	[hbm4b:s28+s2] =	stream.linear.scatter [tilespmem:s20], [sflag:$0x3], $0x40, $0x38;
	[tilespmem:$0x1BB00] =	vst v63  }
0x158: {  	_ =	swait.ge [sflag:s19], $0x40  }
0x159: {  	[sflag:s19] =	ssyncset.done $0x0  }
.Ltmp5:
0x15a: {  	s28 =	sadd.s32 s25, s15;
	[sflag:s19] =	ssyncadd.s32 $0xFFFFFFC0;
	(pc) =	sbr.rel .LBB2_4-.Ltmp5, $4  }
0x15b: {  	[hbm4b:s28+s2] =	stream.linear.scatter [tilespmem:s22], [sflag:$0x2], $0x40, $0x38;
	[tilespmem:$0x1BB00] =	vst v63  }
0x15c: {  	_ =	swait.ge [sflag:s16], $0x40  }
0x15d: {  	[sflag:s16] =	ssyncset.done $0x0  }
0x15e: {  	[sflag:s16] =	ssyncadd.s32 $0xFFFFFFC0  }
.LBB2_6:
0x15f: {  	_ =	sfence.sel $0x180000  }
0x160: {  	[bflag:$0x0] =	sbarrier.arrive $0xFFFF  }
0x161: {  	_ =	strace $0x90000047  }
0x162: {  	s0 =	stileid.u32;
	[bflag:$0x2] =	sbarrier.arrive $0xFFFF  }
0x163: {  	p0 =	sne.s32 s0, $0x0;
	s0 =	rddreg [dreg:$0x3]  }
0x164: {  	s0 =	sadd.s32 @!p0 $0x100000, s0  }
0x165: {  	[sflag:s0] =	ssyncadd.tile.s32 @!p0 $0x1;
	_ =	shalt  }
.Lfunc_end2:
_tile_overlayer_lowered:
.L_overlay_start_2:
0x166: {  	(tag) =	ssettag $0x2  }
0x167: {  	s0 =	rddreg [dreg:$0x0];
	s2 =	stileid.u32  }
0x168: {  	s1 =	rddreg [dreg:$0x1];
	p0 =	sne.s32 s2, $0x0  }
0x169: {  	s3 =	rddreg [dreg:$0x2];
	[bflag:$0x3] =	sbarrier.arrive $0xFFFF;
	s2 =	simm.s32 @!p0 $0x1C02  }
0x16a: {  	[timem:s3], [sflag:s2] =	dma.local @!p0 [hbm:s0], s1  }
0x16b: {  	s0 =	simm.s32 @!p0 $0x2  }
0x16c: {  	_ =	swait.ge @!p0 [sflag:s0], s1  }
0x16d: {  	s1 =	ssub.s32 @!p0 $0x0, s1;
	[sflag:s0] =	ssyncset.done @!p0 $0x0  }
0x16e: {  	[sflag:s0] =	ssyncadd.s32 @!p0 s1  }
0x16f: {  	[bflag:$0x3] =	sbarrier.arrive $0xFFFF  }
0x170: {  	_ =	shalt  }

// kernel: kernel.26.cloned.1.call-start
scs
__scs_entry_jumppad:
0x0: {  	(pc) =	sbr.rel $0x88, $3  }
0x1: {  	(tag) =	ssettag $0x0;
	lr =	simm.s32 $0x1  }
0x2: {  	[smem:$0x3F79] =	sst lr;
	_ =	strace $0xD0000000  }
0x3: {  	_ = 	snop  }
0x4: {  	_ = 	snop  }
0x5: {  	_ = 	snop  }
0x6: {  	_ = 	snop  }
0x7: {  	_ = 	snop  }
__scs_overlays_trampoline_lowered:
0x8: {  	[smem:$0x3F88] =	sst s0  }
0x9: {  	[smem:$0x3F89] =	sst s1  }
0xa: {  	[smem:$0x3F8A] =	sst s2  }
0xb: {  	[smem:$0x3F8B] =	sst s3  }
0xc: {  	[smem:$0x3F8C] =	sst s4  }
0xd: {  	[smem:$0x3F8D] =	sst s5  }
0xe: {  	[smem:$0x3F8E] =	sst s6  }
0xf: {  	[smem:$0x3F8F] =	sst s7  }
0x10: {  	[smem:$0x3F90] =	sst s8  }
0x11: {  	[smem:$0x3F91] =	sst s9;
	s0 =	simm.s32 @!p0 $0x0  }
0x12: {  	s1 =	sld [smem:$0x3F77];
	s0 =	simm.s32 @p0 $0x1  }
0x13: {  	[smem:$0x3F92] =	sst s0;
	s0 =	simm.s32 @!p1 $0x0  }
0x14: {  	s2 =	sld [smem:$0x3F76];
	s0 =	simm.s32 @p1 $0x1  }
0x15: {  	[smem:$0x3F93] =	sst s0;
	s0 =	simm.s32 @!p2 $0x0  }
0x16: {  	s3 =	sld [smem:$0x3FDB];
	s0 =	simm.s32 @p2 $0x1  }
0x17: {  	s4 =	simm.s32 $0x1BF5;
	[smem:$0x3F95] =	sst s0  }
0x18: {  	s0 =	sld [smem:$0x3F78];
	_ =	swait.ge [sflag:s4], $0x0  }
0x19: {  	s7 =	sld [smem:$0x3F79]  }
0x1a: {  	s8 =	sadd.s32 $0xFFFFE003, lr  }
0x1b: {  	s9 =	sadd.s32 $0xFFFFFEF7, lr;
	s5 =	simm.s32 $0xFFFFFFFF;
	p2 =	slt.u32 s8, $0xFFFFF086  }
0x1c: {  	p1 =	slt.u32 s9, $0xF7A;
	s5 =	simm.s32 @!p2 $0x0  }
0x1d: {  	s5 =	simm.s32 @p1 $0x1;
	p0 =	seq.s32 s7, s2  }
0x1e: {  	s7 =	smul.u32 @!p0 $0xF7A, s2;
	p2 =	seq.s32 @!p0 s5, $0x0  }
0x1f: {  	s9 =	smul.u32 $0xF7A, s1;
	s8 =	simm.s32 @!p0 $0x1BF5;
	p2 =	por !p2, p0  }
0x20: {  	[sflag:s8] =	ssyncset.s32 @!p0 $0xFFFFF086;
	s6 =	sadd.s32 @!p0 s3, s7;
	s7 =	simm.s32 @!p0 $0x108  }
0x21: {  	s3 =	sadd.s32 s3, s9;
	s6 =	sadd.s32 @!p0 $0x88, s6;
	s7 =	simm.s32 @p2 $0x1082  }
0x22: {  	[simem:s7], [sflag:s8] =	dma.local @!p0 [hbm:s6], $0xF7A  }
0x23: {  	s9 =	sor.u32 $0xD0000000, s2;
	s6 =	simm.s32 $0x108;
	_ =	swait.ge @!p0 [sflag:s8], $0x0  }
0x24: {  	s3 =	sadd.s32 $0x88, s3;
	s6 =	simm.s32 @!p1 $0x1082;
	[sflag:s4] =	ssyncset.s32 $0xFFFFF086  }
0x25: {  	[simem:s6], [sflag:s4] =	dma.local [hbm:s3], $0xF7A  }
0x26: {  	[smem:$0x3F79] =	sst s1;
	(tag) =	ssettag s2;
	_ =	strace s9  }
0x27: {  	s1 =	sld [smem:$0x3F89]  }
0x28: {  	s2 =	sld [smem:$0x3F8A]  }
0x29: {  	s4 =	sld [smem:$0x3F8C]  }
0x2a: {  	p0 =	seq.s32 s5, $0x0;
	s5 =	sld [smem:$0x3F8D]  }
0x2b: {  	s6 =	sld [smem:$0x3F8E]  }
0x2c: {  	s7 =	sld [smem:$0x3F8F]  }
0x2d: {  	s3 =	simm.s32 $0x108;
	s8 =	sld [smem:$0x3F90]  }
0x2e: {  	s3 =	simm.s32 @!p0 $0x1082;
	s9 =	sld [smem:$0x3F91]  }
0x2f: {  	lr =	sadd.s32 s0, s3;
	s0 =	sld [smem:$0x3F88]  }
0x30: {  	s3 =	sld [smem:$0x3F8B]  }
0x31: {  	[smem:$0x3F94] =	sst s10  }
0x32: {  	s10 =	sld [smem:$0x3F92];
	_ =	sdelay $0x3  }
0x33: {  	p0 =	seq.s32 s10, $0x1;
	s10 =	sld [smem:$0x3F94];
	_ =	sdelay $0x3  }
0x34: {  	[smem:$0x3F94] =	sst s10  }
0x35: {  	s10 =	sld [smem:$0x3F93];
	_ =	sdelay $0x3  }
0x36: {  	p1 =	seq.s32 s10, $0x1;
	s10 =	sld [smem:$0x3F94];
	_ =	sdelay $0x3  }
0x37: {  	[smem:$0x3F94] =	sst s10  }
0x38: {  	s10 =	sld [smem:$0x3F95]  }
0x39: {  	_ = 	snop;
	(pc) =	sbr.ind lr, $3  }
0x3a: {  	_ = 	snop  }
0x3b: {  	_ = 	snop  }
0x3c: {  	p2 =	seq.s32 s10, $0x1;
	s10 =	sld [smem:$0x3F94]  }
0x3d: {  	_ =	shalt  }
0x3e: {  	_ =	shalt  }
0x3f: {  	_ =	shalt  }
0x40: {  	_ =	shalt  }
0x41: {  	_ =	shalt  }
0x42: {  	_ =	shalt  }
0x43: {  	_ =	shalt  }
0x44: {  	_ =	shalt  }
0x45: {  	_ =	shalt  }
0x46: {  	_ =	shalt  }
0x47: {  	_ =	shalt  }
0x48: {  	_ =	shalt  }
0x49: {  	_ =	shalt  }
0x4a: {  	_ =	shalt  }
0x4b: {  	_ =	shalt  }
0x4c: {  	_ =	shalt  }
0x4d: {  	_ =	shalt  }
0x4e: {  	_ =	shalt  }
0x4f: {  	_ =	shalt  }
0x50: {  	_ =	shalt  }
0x51: {  	_ =	shalt  }
0x52: {  	_ =	shalt  }
0x53: {  	_ =	shalt  }
0x54: {  	_ =	shalt  }
0x55: {  	_ =	shalt  }
0x56: {  	_ =	shalt  }
0x57: {  	_ =	shalt  }
0x58: {  	_ =	shalt  }
0x59: {  	_ =	shalt  }
0x5a: {  	_ =	shalt  }
0x5b: {  	_ =	shalt  }
0x5c: {  	_ =	shalt  }
0x5d: {  	_ =	shalt  }
0x5e: {  	_ =	shalt  }
0x5f: {  	_ =	shalt  }
0x60: {  	_ =	shalt  }
0x61: {  	_ =	shalt  }
0x62: {  	_ =	shalt  }
0x63: {  	_ =	shalt  }
0x64: {  	_ =	shalt  }
0x65: {  	_ =	shalt  }
0x66: {  	_ =	shalt  }
0x67: {  	_ =	shalt  }
0x68: {  	_ =	shalt  }
0x69: {  	_ =	shalt  }
0x6a: {  	_ =	shalt  }
0x6b: {  	_ =	shalt  }
0x6c: {  	_ =	shalt  }
0x6d: {  	_ =	shalt  }
0x6e: {  	_ =	shalt  }
0x6f: {  	_ =	shalt  }
0x70: {  	_ =	shalt  }
0x71: {  	_ =	shalt  }
0x72: {  	_ =	shalt  }
0x73: {  	_ =	shalt  }
0x74: {  	_ =	shalt  }
0x75: {  	_ =	shalt  }
0x76: {  	_ =	shalt  }
0x77: {  	_ =	shalt  }
0x78: {  	_ =	shalt  }
0x79: {  	_ =	shalt  }
0x7a: {  	_ =	shalt  }
0x7b: {  	_ =	shalt  }
0x7c: {  	_ =	shalt  }
0x7d: {  	_ =	shalt  }
0x7e: {  	_ =	shalt  }
0x7f: {  	_ =	shalt  }
0x80: {  	_ =	shalt  }
0x81: {  	_ =	shalt  }
0x82: {  	_ =	shalt  }
0x83: {  	_ =	shalt  }
0x84: {  	_ =	shalt  }
0x85: {  	_ =	shalt  }
0x86: {  	_ =	shalt  }
0x87: {  	_ =	shalt  }
.Lfunc_end0:
.L_simem_size_0:
called_computation.1_lowered:
.L_overlay_start_0:
0x88: {  	s2 =	sld [smem:$0x3FD9]  }
0x89: {  	s3 =	sld [smem:$0x3FFE];
	_ =	sdelay $0x1  }
0x8a: {  	s1 =	srdreg.scid  }
0x8b: {  	s0 =	sand.u32 $0x1, s1  }
0x8c: {  	s14 =	sshll.u32 s0, $0xA;
	s2 =	sadd.s32 s3, s2  }
0x8d: {  	s2 =	sadd.s32 s2, s14  }
0x8e: {  	[smem:$0x3FA0] =	sst s2  }
0x8f: {  	_ = 	snop  }
0x90: {  	s2 =	sld [smem:$0x3FD0];
	_ =	sdelay $0x2  }
0x91: {  	s15 =	simm.s32 $0xA;
	s4 =	simm.s32 $0x10  }
0x92: {  	[smem:s4], [sflag:s15] =	dma.local [hbm:s2], $0x1  }
0x93: {  	_ =	swait.eq [sflag:s15], $0x1  }
0x94: {  	[sflag:s15] =	ssyncset.done $0x0  }
0x95: {  	s16 =	sld [smem:$0x10];
	[sflag:s15] =	ssyncadd.s32 $0xFFFFFFFF  }
0x96: {  	s17 =	sld [smem:$0x11];
	(tm) =	ssettm $0x1  }
0x97: {  	s18 =	sld [smem:$0x3FFB];
	_ =	sdelay $0x3  }
0x98: {  	_ =	strace s18  }
0x99: {  	s4 =	sld [smem:$0x3FFC];
	_ =	sdelay $0x3  }
0x9a: {  	_ =	strace s4  }
0x9b: {  	s4 =	sld [smem:$0x3FFD];
	_ =	sdelay $0x3  }
0x9c: {  	_ =	strace s4  }
0x9d: {  	_ =	strace $0x8FFFFFFF  }
0x9e: {  	s19 =	sld [smem:$0x3FDB];
	_ =	sdelay $0x1  }
0x9f: {  	s5 =	simm.s32 $_scs_section_size  }
0xa0: {  	s6 =	simm.s32 $_size__tile_overlayer_lowered;
	s7 =	simm.s32 $_tile_overlayer_lowered  }
0xa1: {  	s22 =	simm.s32 $0x1BFF;
	s21 =	sshll.u32 s7, $0x1;
	s4 =	sadd.s32 s5, s19  }
0xa2: {  	s8 =	simm.s32 $0x0;
	s20 =	sshll.u32 s6, $0x1;
	s6 =	sadd.s32 s21, s4  }
0xa3: {  	[timem:s8], [sflag:s22] =	dma.local [hbm:s6], s20  }
0xa4: {  	_ =	swait.ge [sflag:s22], s20  }
0xa5: {  	s5 =	ssub.s32 $0x0, s20;
	[sflag:s22] =	ssyncset.done $0x0  }
0xa6: {  	[sflag:s22] =	ssyncadd.s32 s5;
	_ =	sdelay $0x1  }
0xa7: {  	s23 =	simm.s32 $0x1B8B  }
0xa8: {  	_ =	swait.ge [sflag:s23], $0x1  }
0xa9: {  	[sflag:s23] =	ssyncset.done $0x0  }
0xaa: {  	s25 =	simm.s32 $0x1B8E;
	s24 =	sld [smem:$0x3FFE];
	[sflag:s23] =	ssyncadd.s32 $0xFFFFFFFF  }
0xab: {  	s26 =	simm.s32 $execute0_lowered;
	[smem:$0x3FD2] =	sst s25  }
0xac: {  	s6 =	sshll.u32 s26, $0x1;
	_ =	strace $0x80000049;
	[dreg:$0x1] =	wrdreg $0xFFFFFFFF  }
0xad: {  	s28 =	simm.s32 $_size_execute0_lowered;
	s4 =	sadd.s32 s4, s6;
	[dreg:$0x0] =	wrdreg $0x0  }
0xae: {  	s6 =	sshll.u32 s28, $0x1;
	[dreg:$0x2] =	wrdreg s4  }
0xaf: {  	[dreg:$0x3] =	wrdreg s6  }
0xb0: {  	[dreg:$0x4] =	wrdreg $0xC0  }
0xb1: {  	_ =	task [dreg:s8], $0x5FFFF  }
0xb2: {  	[dreg:$0x1] =	wrdreg $0xFFFFFFFF  }
0xb3: {  	[dreg:$0x0] =	wrdreg $0x60  }
0xb4: {  	[dreg:$0x2] =	wrdreg s24  }
0xb5: {  	[dreg:$0x3] =	wrdreg s16  }
0xb6: {  	[dreg:$0x4] =	wrdreg s17  }
0xb7: {  	[dreg:$0x5] =	wrdreg $0x9  }
0xb8: {  	_ =	task.clear_ibuf [dreg:s8], $0x6FFFF;
	_ =	strace $0x90000049  }
0xb9: {  	s29 =	simm.s32 $0x9;
	_ =	strace $0x8000004B  }
0xba: {  	_ =	swait.ge [sflag:s29], $0x1  }
0xbb: {  	[sflag:s29] =	ssyncadd.s32 $0xFFFFFFFF  }
0xbc: {  	_ =	strace $0x9000004B  }
0xbd: {  	_ =	sfence  }
0xbe: {  	s30 =	sld [smem:$0x0];
	_ =	sdelay $0x2  }
0xbf: {  	s31 =	sshll.u32 s1, $0xD;
	s1 =	sshrl.u32 s1, $0x2  }
0xc0: {  	s3 =	sand.u32 $0x4000, s31;
	s1 =	sadd.s32 s1, s30  }
0xc1: {  	s0 =	sor.u32 s3, s0;
	s1 =	sshll.u32 s1, $0x11  }
0xc2: {  	s0 =	sor.u32 s1, s0  }
0xc3: {  	s0 =	sadd.s32 $0x8F2B, s0  }
0xc4: {  	[sflag:s0] =	ssyncadd.remote.s32 $0x1  }
0xc5: {  	_ =	sfence.sel $0xFFFF  }
0xc6: {  	[dreg:$0x0] =	wrdreg $0xFFFFFFFF;
	(pc) =	sbr.abs _section_cstart, $3  }
0xc7: {  	[dreg:$0x1] =	wrdreg $0xFFFFFFFF  }
0xc8: {  	_ =	task.clear_ibuf [dreg:s8], $0x2FFFF;
	_ =	strace $0x9FFFFFFF  }
0xc9: {  	(tm) =	ssettm $0x7FFFFFFF  }
tec
execute0_lowered:
.L_overlay_start_1:
0x0: {  	(tag) =	ssettag $0x1  }
0x1: {  	s0 =	rddreg [dreg:$0x0]  }
0x2: {  	s1 =	rddreg [dreg:$0x2];
	s2 =	simm.s32 $0x0;
	s3 =	srdreg.scid  }
0x3: {  	s11 =	stileid.u32;
	s16 =	simm.s32 $0x2;
	s19 =	simm.s32 $0x3  }
0x4: {  	s29 =	simm.s32 $0x17200;
	s30 =	simm.s32 $0x17A00;
	s31 =	simm.s32 $0x18200  }
0x5: {  	s17 =	simm.s32 $0x1A200;
	s18 =	simm.s32 $0x1BA40;
	[smem:$0x7FF] =	sst s2  }
0x6: {  	s4 =	sadd.s32 $0xBB200, s0;
	s3 =	sand.u32 $0x1, s3;
	s5 =	sadd.s32 $0x1EE00, s0  }
0x7: {  	s6 =	sshll.u32 s11, $0x4;
	s7 =	sshll.u32 s11, $0xD;
	s21 =	sshll.u32 s11, $0x1  }
0x8: {  	s26 =	sshll.u32 s11, $0x7;
	_ =	strace $0x8000004A;
	[dreg:$0x4] =	wrdreg s5  }
0x9: {  	s20 =	ssub.s32 $0x2, s3;
	s9 =	sadd.s32 s6, s0;
	s10 =	sadd.s32 s7, s0  }
0xa: {  	[dreg:$0x5] =	wrdreg s21;
	s22 =	sshll.u32 s3, $0xC;
	s12 =	sshll.u32 s3, $0x3  }
0xb: {  	s7 =	sadd.s32 $0xBB300, s0;
	s25 =	sadd.s32 s6, s1;
	s3 =	sshll.u32 s3, $0x6  }
0xc: {  	s21 =	simm.s32 $0x13A00;
	s6 =	simm.s32 $0x1B200;
	s8 =	sshrl.u32 s20, $0x1  }
0xd: {  	s23 =	sadd.s32 s22, s10;
	s24 =	sadd.s32 s12, s9;
	s12 =	sadd.s32 s12, s25  }
0xe: {  	s28 =	sor.u32 s3, s26;
	s9 =	simm.s32 $0x1BA00;
	s22 =	simm.s32 $0x1BAC0  }
0xf: {  	s5 =	ssub.s32 s20, s8;
	s0 =	sadd.s32 $0xA80200, s23;
	s10 =	sadd.s32 $0x12E00, s24  }
0x10: {  	s11 =	sadd.s32 $0x17E00, s24;
	s3 =	sadd.s32 $0x27100, s28;
	s8 =	simm.s32 $0x1  }
0x11: {  	s20 =	simm.s32 $0x1BA80;
	s24 =	simm.s32 $0x0;
	s5 =	smax.u32 s5, $0x1  }
.Ltmp0:
0x12: {  	[dreg:$0x7] =	wrdreg s0;
	s0 =	sadd.s32 $0x75300, s28;
	(pc) =	sbr.rel .LBB2_1-.Ltmp0, $4  }
0x13: {  	s3 =	sshrl.u32 s3, $0x3;
	[dreg:$0x6] =	wrdreg s5;
	s5 =	sadd.s32 $0x4E200, s28  }
0x14: {  	v2 =	vlaneseq.u32;
	s0 =	sshrl.u32 s0, $0x3;
	s13 =	sadd.s32 s3, s1;
	s3 =	simm.s32 $0x19200  }
0x15: {  	vm0 =	vmmov $0xffff;
	v1 =	vshrl.u32 v2, $0x3;
	s5 =	sshrl.u32 s5, $0x3;
	s15 =	sadd.s32 s0, s1;
	s0 =	simm.s32 $0x18A00  }
0x16: {  	v0 =	vand.u32 $0x7, v2;
	v2 =	vor.u32 $0x8, v2;
	v1 =	vmul.u32 $0x8, v1;
	s14 =	sadd.s32 s5, s1;
	s1 =	simm.s32 $0x19A00;
	s5 =	simm.s32 $0x1AA00  }
.LBB2_5:
0x17: {  	s24 =	rddreg [dreg:$0x8]  }
0x18: {  	s23 =	rddreg [dreg:$0x6];
	s24 =	sadd.s32 $0x1, s24  }
0x19: {  	p0 =	sne.s32 s24, s23  }
.Ltmp1:
0x1a: {  	_ = 	snop;
	(pc) =	sbr.rel @!p0 .LBB2_6-.Ltmp1, $1  }
0x1b: {  	_ =	sdelay $0x3  }
.LBB2_1:
0x1c: {  	[dreg:$0x8] =	wrdreg s24  }
0x1d: {  	s23 =	rddreg [dreg:$0x1]  }
0x1e: {  	[tilespmem:s2], [sflag:$0x2] =	stream.linear.gather [hbm4b:s23+s2], $0x13880, $0x38;
	[tilespmem:$0x1BB00] =	vst v63  }
0x1f: {  	_ =	swait.ge [sflag:s16], $0x13880  }
0x20: {  	s28 =	simm.s32 $0x13880;
	[sflag:s16] =	ssyncset.done $0x0  }
.Ltmp2:
0x21: {  	s26 =	rddreg [dreg:$0x4];
	[sflag:s16] =	ssyncadd.s32 $0xFFFEC780;
	(pc) =	sbr.rel .LBB2_2-.Ltmp2, $4  }
0x22: {  	[tilespmem:s28], [sflag:$0x2] =	stream.linear.gather [hbm4b:s26+s2], $0x80, $0x38;
	[tilespmem:$0x1BB00] =	vst v63  }
0x23: {  	_ =	swait.ge [sflag:s16], $0x80  }
0x24: {  	[sflag:s16] =	ssyncset.done $0x0;
	s23 =	rddreg [dreg:$0x5]  }
0x25: {  	s25 =	simm.s32 $0x0;
	s24 =	rddreg [dreg:$0x7];
	[sflag:s16] =	ssyncadd.s32 $0xFFFFFF80  }
.LBB2_4:
0x26: {  	s25 =	sadd.s32 $0x100, s25  }
0x27: {  	p0 =	sne.s32 s25, $0x4F00  }
.Ltmp3:
0x28: {  	_ = 	snop;
	(pc) =	sbr.rel @!p0 .LBB2_5-.Ltmp3, $2  }
0x29: {  	_ =	sdelay $0x2  }
0x2a: {  	s24 =	sadd.s32 $0x20000, s24;
	s23 =	sadd.s32 $0x20, s23  }
.LBB2_2:
0x2b: {  	p0 =	sgt.u32 s23, $0x9C3  }
.Ltmp4:
0x2c: {  	_ = 	snop;
	(pc) =	sbr.rel @p0 .LBB2_4-.Ltmp4, $1  }
0x2d: {  	_ =	sdelay $0x3  }
0x2e: {  	s26 =	sadd.s32 s25, s10;
	s28 =	simm.s32 $0x13900  }
0x2f: {  	[tilespmem:s28], [sflag:$0x3] =	stream.linear.gather [hbm4b:s26+s2], $0x40, $0x38;
	[tilespmem:$0x1BB00] =	vst v63  }
0x30: {  	_ =	swait.ge [sflag:s19], $0x40  }
0x31: {  	[sflag:s19] =	ssyncset.done $0x0  }
0x32: {  	s26 =	sadd.s32 s25, s11;
	s28 =	simm.s32 $0x13980;
	[sflag:s19] =	ssyncadd.s32 $0xFFFFFFC0  }
0x33: {  	[tilespmem:s28], [sflag:$0x3] =	stream.linear.gather [hbm4b:s26+s2], $0x40, $0x38;
	[tilespmem:$0x1BB00] =	vst v63  }
0x34: {  	_ =	swait.ge [sflag:s19], $0x40  }
0x35: {  	[sflag:s19] =	ssyncset.done $0x0  }
0x36: {  	[sflag:s19] =	ssyncadd.s32 $0xFFFFFFC0  }
0x37: {  	v3 =	vld [tilespmem:$0x13900];
	_ =	sdelay $0x4  }
0x38: {  	v4 =	vshll.u32 v3, $0x2  }
0x39: {  	v3 =	vand.u32 $0x7, v3;
	v4 =	vand.u32 $0xFFFFFFE0, v4  }
0x3a: {  	v3 =	vor.u32 v3, v4  }
0x3b: {  	v4 =	vperm.xlane v3, v0;
	_ =	sdelay $0x1  }
0x3c: {  	v4 =	vadd.s32 v1, v4;
	_ =	sdelay $0x1  }
0x3d: {  	v3 =	vperm.xlane v3, v2;
	_ =	sdelay $0x1  }
0x3e: {  	v3 =	vadd.s32 v1, v3  }
0x3f: {  	[tilespmem:s21], [sflag:$0x1] =	stream.indirect_vreg.gather [hbm4b:s4+s2], $0x80, v4, vm0, $0xb8;
	[tilespmem:$0x1BB00] =	vst v63  }
0x40: {  	s28 =	simm.s32 $0x14200  }
0x41: {  	[tilespmem:s28], [sflag:$0x1] =	stream.indirect_vreg.gather [hbm4b:s7+s2], $0x80, v4, vm0, $0xb8;
	[tilespmem:$0x1BB00] =	vst v63  }
0x42: {  	s28 =	simm.s32 $0x14A00  }
0x43: {  	[tilespmem:s28], [sflag:$0x1] =	stream.indirect_vreg.gather [hbm4b:s4+s2], $0x80, v3, vm0, $0xb8;
	[tilespmem:$0x1BB00] =	vst v63  }
0x44: {  	s28 =	simm.s32 $0x15200  }
0x45: {  	[tilespmem:s28], [sflag:$0x1] =	stream.indirect_vreg.gather [hbm4b:s7+s2], $0x80, v3, vm0, $0xb8;
	[tilespmem:$0x1BB00] =	vst v63  }
0x46: {  	v3 =	vld [tilespmem:$0x13910];
	_ =	sdelay $0x4  }
0x47: {  	v51 =	vshll.u32 v3, $0x2  }
0x48: {  	v3 =	vand.u32 $0x7, v3;
	v4 =	vand.u32 $0xFFFFFFE0, v51  }
0x49: {  	v3 =	vor.u32 v3, v4  }
0x4a: {  	v4 =	vperm.xlane v3, v0;
	_ =	sdelay $0x1  }
0x4b: {  	v4 =	vadd.s32 v1, v4;
	_ =	sdelay $0x1  }
0x4c: {  	v3 =	vperm.xlane v3, v2;
	_ =	sdelay $0x1  }
0x4d: {  	s28 =	simm.s32 $0x15A00;
	v3 =	vadd.s32 v1, v3  }
0x4e: {  	[tilespmem:s28], [sflag:$0x1] =	stream.indirect_vreg.gather [hbm4b:s4+s2], $0x80, v4, vm0, $0xb8;
	[tilespmem:$0x1BB00] =	vst v63  }
0x4f: {  	s28 =	simm.s32 $0x16200  }
0x50: {  	[tilespmem:s28], [sflag:$0x1] =	stream.indirect_vreg.gather [hbm4b:s7+s2], $0x80, v4, vm0, $0xb8;
	[tilespmem:$0x1BB00] =	vst v63  }
0x51: {  	s28 =	simm.s32 $0x16A00  }
0x52: {  	[tilespmem:s28], [sflag:$0x1] =	stream.indirect_vreg.gather [hbm4b:s4+s2], $0x80, v3, vm0, $0xb8;
	[tilespmem:$0x1BB00] =	vst v63  }
0x53: {  	_ = 	snop  }
0x54: {  	[tilespmem:s29], [sflag:$0x1] =	stream.indirect_vreg.gather [hbm4b:s7+s2], $0x80, v3, vm0, $0xb8;
	[tilespmem:$0x1BB00] =	vst v63  }
0x55: {  	v3 =	vld [tilespmem:$0x13920];
	_ =	sdelay $0x4  }
0x56: {  	v52 =	vshll.u32 v3, $0x2  }
0x57: {  	v3 =	vand.u32 $0x7, v3;
	v4 =	vand.u32 $0xFFFFFFE0, v52  }
0x58: {  	v3 =	vor.u32 v3, v4  }
0x59: {  	v4 =	vperm.xlane v3, v0;
	_ =	sdelay $0x1  }
0x5a: {  	v4 =	vadd.s32 v1, v4;
	_ =	sdelay $0x1  }
0x5b: {  	v3 =	vperm.xlane v3, v2;
	_ =	sdelay $0x1  }
0x5c: {  	v3 =	vadd.s32 v1, v3  }
0x5d: {  	[tilespmem:s30], [sflag:$0x1] =	stream.indirect_vreg.gather [hbm4b:s4+s2], $0x80, v4, vm0, $0xb8;
	[tilespmem:$0x1BB00] =	vst v63  }
0x5e: {  	_ = 	snop  }
0x5f: {  	[tilespmem:s31], [sflag:$0x1] =	stream.indirect_vreg.gather [hbm4b:s7+s2], $0x80, v4, vm0, $0xb8;
	[tilespmem:$0x1BB00] =	vst v63  }
0x60: {  	_ = 	snop  }
0x61: {  	[tilespmem:s0], [sflag:$0x1] =	stream.indirect_vreg.gather [hbm4b:s4+s2], $0x80, v3, vm0, $0xb8;
	[tilespmem:$0x1BB00] =	vst v63  }
0x62: {  	_ = 	snop  }
0x63: {  	[tilespmem:s3], [sflag:$0x1] =	stream.indirect_vreg.gather [hbm4b:s7+s2], $0x80, v3, vm0, $0xb8;
	[tilespmem:$0x1BB00] =	vst v63  }
0x64: {  	v3 =	vld [tilespmem:$0x13930];
	_ =	sdelay $0x4  }
0x65: {  	v53 =	vshll.u32 v3, $0x2  }
0x66: {  	v3 =	vand.u32 $0x7, v3;
	v4 =	vand.u32 $0xFFFFFFE0, v53  }
0x67: {  	v3 =	vor.u32 v3, v4  }
0x68: {  	v4 =	vperm.xlane v3, v0;
	_ =	sdelay $0x1  }
0x69: {  	v4 =	vadd.s32 v1, v4;
	_ =	sdelay $0x1  }
0x6a: {  	v3 =	vperm.xlane v3, v2;
	_ =	sdelay $0x1  }
0x6b: {  	v3 =	vadd.s32 v1, v3  }
0x6c: {  	[tilespmem:s1], [sflag:$0x1] =	stream.indirect_vreg.gather [hbm4b:s4+s2], $0x80, v4, vm0, $0xb8;
	[tilespmem:$0x1BB00] =	vst v63  }
0x6d: {  	_ = 	snop  }
0x6e: {  	[tilespmem:s17], [sflag:$0x1] =	stream.indirect_vreg.gather [hbm4b:s7+s2], $0x80, v4, vm0, $0xb8;
	[tilespmem:$0x1BB00] =	vst v63  }
0x6f: {  	_ = 	snop  }
0x70: {  	[tilespmem:s5], [sflag:$0x1] =	stream.indirect_vreg.gather [hbm4b:s4+s2], $0x80, v3, vm0, $0xb8;
	[tilespmem:$0x1BB00] =	vst v63  }
0x71: {  	_ = 	snop  }
0x72: {  	[tilespmem:s6], [sflag:$0x1] =	stream.indirect_vreg.gather [hbm4b:s7+s2], $0x80, v3, vm0, $0xb8;
	[tilespmem:$0x1BB00] =	vst v63  }
0x73: {  	_ =	swait.ge [sflag:s8], $0x8000  }
0x74: {  	[sflag:s8] =	ssyncset.done $0x0  }
0x75: {  	[sflag:s8] =	ssyncadd.s32 $0xFFFF8000  }
0x76: {  	[hbm4b:s24+s2] =	stream.linear.scatter [tilespmem:s21], [sflag:$0x3], $0x8000, $0x38;
	[tilespmem:$0x1BB00] =	vst v63  }
0x77: {  	_ =	swait.ge [sflag:s19], $0x8000  }
0x78: {  	[sflag:s19] =	ssyncset.done $0x0  }
0x79: {  	[sflag:s19] =	ssyncadd.s32 $0xFFFF8000  }
0x7a: {  	v3 =	vld [tilespmem:$0x13900]  }
0x7b: {  	v54 =	vld [tilespmem:$0x13980];
	_ =	sdelay $0x4  }
0x7c: {  	v3 =	vshll.u32 v3, $0x3;
	v4 =	vshll.u32 v54, $0x3  }
0x7d: {  	v5 =	vor.u32 $0x4, v4;
	_ =	sdelay $0x3  }
0x7e: {  	v6 =	vld.idx.msk [tilespmem:v3+s2+$0x0], $0xffff  }
0x7f: {  	v5 =	vld.idx.msk [tilespmem:v5+s2+$0x0], $0xffff;
	_ =	sdelay $0x4  }
0x80: {  	v55 =	vld [tilespmem:$0x13880];
	v5 =	vadd.f32 v5, v6;
	_ =	sdelay $0x1  }
0x81: {  	v7 =	vmul.f32 $2.000000030e-01, v5  }
0x82: {  	vm1 =	vlt.f32 v5, $0.0e+00  }
0x83: {  	v5 =	vsel vm1, v7, v5  }
0x84: {  	v5 =	vsub.f32 v5, v55;
	_ =	sdelay $0x1  }
0x85: {  	v5 =	vmul.f32 $1.442695020e+00, v5;
	_ =	sdelay $0x1  }
0x86: {  	(erf) = vpow2.f32 v5;
	_ =	sdelay $0x5  }
0x87: {  	v56 =	vor.u32 $0x1, v3  }
0x88: {  	v57 =	vor.u32 $0x5, v4;
	_ =	sdelay $0x1  }
0x89: {  	v58 =	vpop (erf)  }
0x8a: {  	[tilespmem:$0x1BA00] =	vst v58  }
0x8b: {  	v5 =	vld.idx.msk [tilespmem:v56+s2+$0x0], $0xffff  }
0x8c: {  	v6 =	vld.idx.msk [tilespmem:v57+s2+$0x0], $0xffff;
	_ =	sdelay $0x4  }
0x8d: {  	v59 =	vld [tilespmem:$0x13890];
	v5 =	vadd.f32 v6, v5;
	_ =	sdelay $0x1  }
0x8e: {  	v60 =	vmul.f32 $2.000000030e-01, v5  }
0x8f: {  	vm1 =	vlt.f32 v5, $0.0e+00  }
0x90: {  	v5 =	vsel vm1, v60, v5  }
0x91: {  	v5 =	vsub.f32 v5, v59;
	_ =	sdelay $0x1  }
0x92: {  	v5 =	vmul.f32 $1.442695020e+00, v5;
	_ =	sdelay $0x1  }
0x93: {  	(erf) = vpow2.f32 v5;
	_ =	sdelay $0x5  }
0x94: {  	v61 =	vor.u32 $0x2, v3  }
0x95: {  	v62 =	vor.u32 $0x6, v4;
	_ =	sdelay $0x1  }
0x96: {  	v63 =	vpop (erf)  }
0x97: {  	[tilespmem:$0x1BA40] =	vst v63  }
0x98: {  	v5 =	vld.idx.msk [tilespmem:v61+s2+$0x0], $0xffff  }
0x99: {  	v6 =	vld.idx.msk [tilespmem:v62+s2+$0x0], $0xffff;
	_ =	sdelay $0x4  }
0x9a: {  	v9 =	vld [tilespmem:$0x138A0];
	v5 =	vadd.f32 v6, v5;
	_ =	sdelay $0x1  }
0x9b: {  	v10 =	vmul.f32 $2.000000030e-01, v5  }
0x9c: {  	vm1 =	vlt.f32 v5, $0.0e+00  }
0x9d: {  	v5 =	vsel vm1, v10, v5  }
0x9e: {  	v5 =	vsub.f32 v5, v9;
	_ =	sdelay $0x1  }
0x9f: {  	v5 =	vmul.f32 $1.442695020e+00, v5;
	_ =	sdelay $0x1  }
0xa0: {  	(erf) = vpow2.f32 v5;
	_ =	sdelay $0x5  }
0xa1: {  	v3 =	vor.u32 $0x3, v3  }
0xa2: {  	v4 =	vor.u32 $0x7, v4;
	_ =	sdelay $0x1  }
0xa3: {  	v5 =	vpop (erf)  }
0xa4: {  	[tilespmem:$0x1BA80] =	vst v5  }
0xa5: {  	v3 =	vld.idx.msk [tilespmem:v3+s2+$0x0], $0xffff  }
0xa6: {  	v4 =	vld.idx.msk [tilespmem:v4+s2+$0x0], $0xffff;
	_ =	sdelay $0x4  }
0xa7: {  	v11 =	vld [tilespmem:$0x138B0];
	v3 =	vadd.f32 v4, v3;
	_ =	sdelay $0x1  }
0xa8: {  	v12 =	vmul.f32 $2.000000030e-01, v3  }
0xa9: {  	vm1 =	vlt.f32 v3, $0.0e+00  }
0xaa: {  	v3 =	vsel vm1, v12, v3  }
0xab: {  	v3 =	vsub.f32 v3, v11;
	_ =	sdelay $0x1  }
0xac: {  	v3 =	vmul.f32 $1.442695020e+00, v3;
	_ =	sdelay $0x1  }
0xad: {  	v13 =	vld [tilespmem:$0x13990];
	(erf) = vpow2.f32 v3  }
0xae: {  	v3 =	vld [tilespmem:$0x13910];
	_ =	sdelay $0x4  }
0xaf: {  	v4 =	vshll.u32 v13, $0x3;
	v3 =	vshll.u32 v3, $0x3  }
0xb0: {  	v14 =	vor.u32 $0x4, v4;
	_ =	sdelay $0x1  }
0xb1: {  	v15 =	vpop (erf)  }
0xb2: {  	[tilespmem:$0x1BAC0] =	vst v15  }
0xb3: {  	v6 =	vld.idx.msk [tilespmem:v3+s2+$0x0], $0xffff  }
0xb4: {  	v5 =	vld.idx.msk [tilespmem:v14+s2+$0x0], $0xffff;
	_ =	sdelay $0x4  }
0xb5: {  	v16 =	vld [tilespmem:$0x13880];
	v5 =	vadd.f32 v5, v6;
	_ =	sdelay $0x1  }
0xb6: {  	v17 =	vmul.f32 $2.000000030e-01, v5  }
0xb7: {  	vm1 =	vlt.f32 v5, $0.0e+00  }
0xb8: {  	v5 =	vsel vm1, v17, v5  }
0xb9: {  	v5 =	vsub.f32 v5, v16;
	_ =	sdelay $0x1  }
0xba: {  	v5 =	vmul.f32 $1.442695020e+00, v5;
	_ =	sdelay $0x1  }
0xbb: {  	(erf) = vpow2.f32 v5;
	_ =	sdelay $0x5  }
0xbc: {  	v18 =	vor.u32 $0x1, v3  }
0xbd: {  	v19 =	vor.u32 $0x5, v4;
	_ =	sdelay $0x1  }
0xbe: {  	v20 =	vpop (erf)  }
0xbf: {  	[tilespmem:$0x1BA10] =	vst v20  }
0xc0: {  	v5 =	vld.idx.msk [tilespmem:v18+s2+$0x0], $0xffff  }
0xc1: {  	v6 =	vld.idx.msk [tilespmem:v19+s2+$0x0], $0xffff;
	_ =	sdelay $0x4  }
0xc2: {  	v21 =	vld [tilespmem:$0x13890];
	v5 =	vadd.f32 v6, v5;
	_ =	sdelay $0x1  }
0xc3: {  	v22 =	vmul.f32 $2.000000030e-01, v5  }
0xc4: {  	vm1 =	vlt.f32 v5, $0.0e+00  }
0xc5: {  	v5 =	vsel vm1, v22, v5  }
0xc6: {  	v5 =	vsub.f32 v5, v21;
	_ =	sdelay $0x1  }
0xc7: {  	v5 =	vmul.f32 $1.442695020e+00, v5;
	_ =	sdelay $0x1  }
0xc8: {  	(erf) = vpow2.f32 v5;
	_ =	sdelay $0x5  }
0xc9: {  	v23 =	vor.u32 $0x2, v3  }
0xca: {  	v24 =	vor.u32 $0x6, v4;
	_ =	sdelay $0x1  }
0xcb: {  	v25 =	vpop (erf)  }
0xcc: {  	[tilespmem:$0x1BA50] =	vst v25  }
0xcd: {  	v5 =	vld.idx.msk [tilespmem:v23+s2+$0x0], $0xffff  }
0xce: {  	v6 =	vld.idx.msk [tilespmem:v24+s2+$0x0], $0xffff;
	_ =	sdelay $0x4  }
0xcf: {  	v26 =	vld [tilespmem:$0x138A0];
	v5 =	vadd.f32 v6, v5;
	_ =	sdelay $0x1  }
0xd0: {  	v27 =	vmul.f32 $2.000000030e-01, v5  }
0xd1: {  	vm1 =	vlt.f32 v5, $0.0e+00  }
0xd2: {  	v5 =	vsel vm1, v27, v5  }
0xd3: {  	v5 =	vsub.f32 v5, v26;
	_ =	sdelay $0x1  }
0xd4: {  	v5 =	vmul.f32 $1.442695020e+00, v5;
	_ =	sdelay $0x1  }
0xd5: {  	(erf) = vpow2.f32 v5;
	_ =	sdelay $0x5  }
0xd6: {  	v3 =	vor.u32 $0x3, v3  }
0xd7: {  	v4 =	vor.u32 $0x7, v4;
	_ =	sdelay $0x1  }
0xd8: {  	v5 =	vpop (erf)  }
0xd9: {  	[tilespmem:$0x1BA90] =	vst v5  }
0xda: {  	v3 =	vld.idx.msk [tilespmem:v3+s2+$0x0], $0xffff  }
0xdb: {  	v4 =	vld.idx.msk [tilespmem:v4+s2+$0x0], $0xffff;
	_ =	sdelay $0x4  }
0xdc: {  	v28 =	vld [tilespmem:$0x138B0];
	v3 =	vadd.f32 v4, v3;
	_ =	sdelay $0x1  }
0xdd: {  	v29 =	vmul.f32 $2.000000030e-01, v3  }
0xde: {  	vm1 =	vlt.f32 v3, $0.0e+00  }
0xdf: {  	v3 =	vsel vm1, v29, v3  }
0xe0: {  	v3 =	vsub.f32 v3, v28;
	_ =	sdelay $0x1  }
0xe1: {  	v3 =	vmul.f32 $1.442695020e+00, v3;
	_ =	sdelay $0x1  }
0xe2: {  	v30 =	vld [tilespmem:$0x139A0];
	(erf) = vpow2.f32 v3  }
0xe3: {  	v3 =	vld [tilespmem:$0x13920];
	_ =	sdelay $0x4  }
0xe4: {  	v4 =	vshll.u32 v30, $0x3;
	v3 =	vshll.u32 v3, $0x3  }
0xe5: {  	v31 =	vor.u32 $0x4, v4;
	_ =	sdelay $0x1  }
0xe6: {  	v32 =	vpop (erf)  }
0xe7: {  	[tilespmem:$0x1BAD0] =	vst v32  }
0xe8: {  	v6 =	vld.idx.msk [tilespmem:v3+s2+$0x0], $0xffff  }
0xe9: {  	v5 =	vld.idx.msk [tilespmem:v31+s2+$0x0], $0xffff;
	_ =	sdelay $0x4  }
0xea: {  	v33 =	vld [tilespmem:$0x13880];
	v5 =	vadd.f32 v5, v6;
	_ =	sdelay $0x1  }
0xeb: {  	v34 =	vmul.f32 $2.000000030e-01, v5  }
0xec: {  	vm1 =	vlt.f32 v5, $0.0e+00  }
0xed: {  	v5 =	vsel vm1, v34, v5  }
0xee: {  	v5 =	vsub.f32 v5, v33;
	_ =	sdelay $0x1  }
0xef: {  	v5 =	vmul.f32 $1.442695020e+00, v5;
	_ =	sdelay $0x1  }
0xf0: {  	(erf) = vpow2.f32 v5;
	_ =	sdelay $0x5  }
0xf1: {  	v35 =	vor.u32 $0x1, v3  }
0xf2: {  	v36 =	vor.u32 $0x5, v4;
	_ =	sdelay $0x1  }
0xf3: {  	v37 =	vpop (erf)  }
0xf4: {  	[tilespmem:$0x1BA20] =	vst v37  }
0xf5: {  	v5 =	vld.idx.msk [tilespmem:v35+s2+$0x0], $0xffff  }
0xf6: {  	v6 =	vld.idx.msk [tilespmem:v36+s2+$0x0], $0xffff;
	_ =	sdelay $0x4  }
0xf7: {  	v38 =	vld [tilespmem:$0x13890];
	v5 =	vadd.f32 v6, v5;
	_ =	sdelay $0x1  }
0xf8: {  	v39 =	vmul.f32 $2.000000030e-01, v5  }
0xf9: {  	vm1 =	vlt.f32 v5, $0.0e+00  }
0xfa: {  	v5 =	vsel vm1, v39, v5  }
0xfb: {  	v5 =	vsub.f32 v5, v38;
	_ =	sdelay $0x1  }
0xfc: {  	v5 =	vmul.f32 $1.442695020e+00, v5;
	_ =	sdelay $0x1  }
0xfd: {  	(erf) = vpow2.f32 v5;
	_ =	sdelay $0x5  }
0xfe: {  	v40 =	vor.u32 $0x2, v3  }
0xff: {  	v41 =	vor.u32 $0x6, v4;
	_ =	sdelay $0x1  }
0x100: {  	v42 =	vpop (erf)  }
0x101: {  	[tilespmem:$0x1BA60] =	vst v42  }
0x102: {  	v5 =	vld.idx.msk [tilespmem:v40+s2+$0x0], $0xffff  }
0x103: {  	v6 =	vld.idx.msk [tilespmem:v41+s2+$0x0], $0xffff;
	_ =	sdelay $0x4  }
0x104: {  	v43 =	vld [tilespmem:$0x138A0];
	v5 =	vadd.f32 v6, v5;
	_ =	sdelay $0x1  }
0x105: {  	v44 =	vmul.f32 $2.000000030e-01, v5  }
0x106: {  	vm1 =	vlt.f32 v5, $0.0e+00  }
0x107: {  	v5 =	vsel vm1, v44, v5  }
0x108: {  	v5 =	vsub.f32 v5, v43;
	_ =	sdelay $0x1  }
0x109: {  	v5 =	vmul.f32 $1.442695020e+00, v5;
	_ =	sdelay $0x1  }
0x10a: {  	(erf) = vpow2.f32 v5;
	_ =	sdelay $0x5  }
0x10b: {  	v3 =	vor.u32 $0x3, v3  }
0x10c: {  	v4 =	vor.u32 $0x7, v4;
	_ =	sdelay $0x1  }
0x10d: {  	v5 =	vpop (erf)  }
0x10e: {  	[tilespmem:$0x1BAA0] =	vst v5  }
0x10f: {  	v3 =	vld.idx.msk [tilespmem:v3+s2+$0x0], $0xffff  }
0x110: {  	v4 =	vld.idx.msk [tilespmem:v4+s2+$0x0], $0xffff;
	_ =	sdelay $0x4  }
0x111: {  	v45 =	vld [tilespmem:$0x138B0];
	v3 =	vadd.f32 v4, v3;
	_ =	sdelay $0x1  }
0x112: {  	v46 =	vmul.f32 $2.000000030e-01, v3  }
0x113: {  	vm1 =	vlt.f32 v3, $0.0e+00  }
0x114: {  	v3 =	vsel vm1, v46, v3  }
0x115: {  	v3 =	vsub.f32 v3, v45;
	_ =	sdelay $0x1  }
0x116: {  	v3 =	vmul.f32 $1.442695020e+00, v3;
	_ =	sdelay $0x1  }
0x117: {  	v47 =	vld [tilespmem:$0x139B0];
	(erf) = vpow2.f32 v3  }
0x118: {  	v3 =	vld [tilespmem:$0x13930];
	_ =	sdelay $0x4  }
0x119: {  	v4 =	vshll.u32 v47, $0x3;
	v3 =	vshll.u32 v3, $0x3  }
0x11a: {  	v48 =	vor.u32 $0x4, v4;
	_ =	sdelay $0x1  }
0x11b: {  	v49 =	vpop (erf)  }
0x11c: {  	[tilespmem:$0x1BAE0] =	vst v49  }
0x11d: {  	v6 =	vld.idx.msk [tilespmem:v3+s2+$0x0], $0xffff  }
0x11e: {  	v5 =	vld.idx.msk [tilespmem:v48+s2+$0x0], $0xffff;
	_ =	sdelay $0x4  }
0x11f: {  	v50 =	vld [tilespmem:$0x13880];
	v5 =	vadd.f32 v5, v6;
	_ =	sdelay $0x1  }
0x120: {  	v51 =	vmul.f32 $2.000000030e-01, v5  }
0x121: {  	vm1 =	vlt.f32 v5, $0.0e+00  }
0x122: {  	v5 =	vsel vm1, v51, v5  }
0x123: {  	v5 =	vsub.f32 v5, v50;
	_ =	sdelay $0x1  }
0x124: {  	v5 =	vmul.f32 $1.442695020e+00, v5;
	_ =	sdelay $0x1  }
0x125: {  	(erf) = vpow2.f32 v5;
	_ =	sdelay $0x5  }
0x126: {  	v52 =	vor.u32 $0x1, v3  }
0x127: {  	v53 =	vor.u32 $0x5, v4;
	_ =	sdelay $0x1  }
0x128: {  	v54 =	vpop (erf)  }
0x129: {  	[tilespmem:$0x1BA30] =	vst v54  }
0x12a: {  	v5 =	vld.idx.msk [tilespmem:v52+s2+$0x0], $0xffff  }
0x12b: {  	v6 =	vld.idx.msk [tilespmem:v53+s2+$0x0], $0xffff;
	_ =	sdelay $0x4  }
0x12c: {  	v55 =	vld [tilespmem:$0x13890];
	v5 =	vadd.f32 v6, v5;
	_ =	sdelay $0x1  }
0x12d: {  	v56 =	vmul.f32 $2.000000030e-01, v5  }
0x12e: {  	vm1 =	vlt.f32 v5, $0.0e+00  }
0x12f: {  	v5 =	vsel vm1, v56, v5  }
0x130: {  	v5 =	vsub.f32 v5, v55;
	_ =	sdelay $0x1  }
0x131: {  	v5 =	vmul.f32 $1.442695020e+00, v5;
	_ =	sdelay $0x1  }
0x132: {  	(erf) = vpow2.f32 v5;
	_ =	sdelay $0x5  }
0x133: {  	v57 =	vor.u32 $0x2, v3  }
0x134: {  	v58 =	vor.u32 $0x6, v4;
	_ =	sdelay $0x1  }
0x135: {  	v59 =	vpop (erf)  }
0x136: {  	[tilespmem:$0x1BA70] =	vst v59  }
0x137: {  	v5 =	vld.idx.msk [tilespmem:v57+s2+$0x0], $0xffff  }
0x138: {  	v6 =	vld.idx.msk [tilespmem:v58+s2+$0x0], $0xffff;
	_ =	sdelay $0x4  }
0x139: {  	v60 =	vld [tilespmem:$0x138A0];
	v5 =	vadd.f32 v6, v5;
	_ =	sdelay $0x1  }
0x13a: {  	v61 =	vmul.f32 $2.000000030e-01, v5  }
0x13b: {  	vm1 =	vlt.f32 v5, $0.0e+00  }
0x13c: {  	v5 =	vsel vm1, v61, v5  }
0x13d: {  	v5 =	vsub.f32 v5, v60;
	_ =	sdelay $0x1  }
0x13e: {  	v5 =	vmul.f32 $1.442695020e+00, v5;
	_ =	sdelay $0x1  }
0x13f: {  	(erf) = vpow2.f32 v5;
	_ =	sdelay $0x5  }
0x140: {  	v3 =	vor.u32 $0x3, v3  }
0x141: {  	v4 =	vor.u32 $0x7, v4;
	_ =	sdelay $0x1  }
0x142: {  	v5 =	vpop (erf)  }
0x143: {  	[tilespmem:$0x1BAB0] =	vst v5  }
0x144: {  	v3 =	vld.idx.msk [tilespmem:v3+s2+$0x0], $0xffff  }
0x145: {  	v4 =	vld.idx.msk [tilespmem:v4+s2+$0x0], $0xffff;
	_ =	sdelay $0x4  }
0x146: {  	v62 =	vld [tilespmem:$0x138B0];
	v3 =	vadd.f32 v4, v3;
	_ =	sdelay $0x1  }
0x147: {  	v63 =	vmul.f32 $2.000000030e-01, v3  }
0x148: {  	vm1 =	vlt.f32 v3, $0.0e+00  }
0x149: {  	v3 =	vsel vm1, v63, v3  }
0x14a: {  	v3 =	vsub.f32 v3, v62;
	_ =	sdelay $0x1  }
0x14b: {  	v3 =	vmul.f32 $1.442695020e+00, v3;
	_ =	sdelay $0x1  }
0x14c: {  	(erf) = vpow2.f32 v3;
	_ =	sdelay $0x8  }
0x14d: {  	v3 =	vpop (erf)  }
0x14e: {  	s28 =	sadd.s32 s25, s12;
	[tilespmem:$0x1BAF0] =	vst v3  }
0x14f: {  	[hbm4b:s28+s2] =	stream.linear.scatter [tilespmem:s9], [sflag:$0x3], $0x40, $0x38;
	[tilespmem:$0x1BB00] =	vst v63  }
0x150: {  	_ =	swait.ge [sflag:s19], $0x40  }
0x151: {  	[sflag:s19] =	ssyncset.done $0x0  }
0x152: {  	s28 =	sadd.s32 s25, s13;
	[sflag:s19] =	ssyncadd.s32 $0xFFFFFFC0  }
0x153: {  	[hbm4b:s28+s2] =	stream.linear.scatter [tilespmem:s18], [sflag:$0x3], $0x40, $0x38;
	[tilespmem:$0x1BB00] =	vst v63  }
0x154: {  	_ =	swait.ge [sflag:s19], $0x40  }
0x155: {  	[sflag:s19] =	ssyncset.done $0x0  }
0x156: {  	s28 =	sadd.s32 s25, s14;
	[sflag:s19] =	ssyncadd.s32 $0xFFFFFFC0  }
0x157: {  	[hbm4b:s28+s2] =	stream.linear.scatter [tilespmem:s20], [sflag:$0x3], $0x40, $0x38;
	[tilespmem:$0x1BB00] =	vst v63  }
0x158: {  	_ =	swait.ge [sflag:s19], $0x40  }
0x159: {  	[sflag:s19] =	ssyncset.done $0x0  }
.Ltmp5:
0x15a: {  	s28 =	sadd.s32 s25, s15;
	[sflag:s19] =	ssyncadd.s32 $0xFFFFFFC0;
	(pc) =	sbr.rel .LBB2_4-.Ltmp5, $4  }
0x15b: {  	[hbm4b:s28+s2] =	stream.linear.scatter [tilespmem:s22], [sflag:$0x2], $0x40, $0x38;
	[tilespmem:$0x1BB00] =	vst v63  }
0x15c: {  	_ =	swait.ge [sflag:s16], $0x40  }
0x15d: {  	[sflag:s16] =	ssyncset.done $0x0  }
0x15e: {  	[sflag:s16] =	ssyncadd.s32 $0xFFFFFFC0  }
.LBB2_6:
0x15f: {  	_ =	sfence.sel $0x180000  }
0x160: {  	[bflag:$0x0] =	sbarrier.arrive $0xFFFF  }
0x161: {  	_ =	strace $0x9000004A  }
0x162: {  	s0 =	stileid.u32;
	[bflag:$0x2] =	sbarrier.arrive $0xFFFF  }
0x163: {  	p0 =	sne.s32 s0, $0x0;
	s0 =	rddreg [dreg:$0x3]  }
0x164: {  	s0 =	sadd.s32 @!p0 $0x100000, s0  }
0x165: {  	[sflag:s0] =	ssyncadd.tile.s32 @!p0 $0x1;
	_ =	shalt  }
.Lfunc_end2:
_tile_overlayer_lowered:
.L_overlay_start_2:
0x166: {  	(tag) =	ssettag $0x2  }
0x167: {  	s0 =	rddreg [dreg:$0x0];
	s2 =	stileid.u32  }
0x168: {  	s1 =	rddreg [dreg:$0x1];
	p0 =	sne.s32 s2, $0x0  }
0x169: {  	s3 =	rddreg [dreg:$0x2];
	[bflag:$0x3] =	sbarrier.arrive $0xFFFF;
	s2 =	simm.s32 @!p0 $0x1C02  }
0x16a: {  	[timem:s3], [sflag:s2] =	dma.local @!p0 [hbm:s0], s1  }
0x16b: {  	s0 =	simm.s32 @!p0 $0x2  }
0x16c: {  	_ =	swait.ge @!p0 [sflag:s0], s1  }
0x16d: {  	s1 =	ssub.s32 @!p0 $0x0, s1;
	[sflag:s0] =	ssyncset.done @!p0 $0x0  }
0x16e: {  	[sflag:s0] =	ssyncadd.s32 @!p0 s1  }
0x16f: {  	[bflag:$0x3] =	sbarrier.arrive $0xFFFF  }
0x170: {  	_ =	shalt  }

// kernel: kernel.29.cloned.1.call-start
scs
__scs_entry_jumppad:
0x0: {  	(pc) =	sbr.rel $0x88, $3  }
0x1: {  	(tag) =	ssettag $0x0;
	lr =	simm.s32 $0x1  }
0x2: {  	[smem:$0x3F79] =	sst lr;
	_ =	strace $0xD0000000  }
0x3: {  	_ = 	snop  }
0x4: {  	_ = 	snop  }
0x5: {  	_ = 	snop  }
0x6: {  	_ = 	snop  }
0x7: {  	_ = 	snop  }
__scs_overlays_trampoline_lowered:
0x8: {  	[smem:$0x3F88] =	sst s0  }
0x9: {  	[smem:$0x3F89] =	sst s1  }
0xa: {  	[smem:$0x3F8A] =	sst s2  }
0xb: {  	[smem:$0x3F8B] =	sst s3  }
0xc: {  	[smem:$0x3F8C] =	sst s4  }
0xd: {  	[smem:$0x3F8D] =	sst s5  }
0xe: {  	[smem:$0x3F8E] =	sst s6  }
0xf: {  	[smem:$0x3F8F] =	sst s7  }
0x10: {  	[smem:$0x3F90] =	sst s8  }
0x11: {  	[smem:$0x3F91] =	sst s9;
	s0 =	simm.s32 @!p0 $0x0  }
0x12: {  	s1 =	sld [smem:$0x3F77];
	s0 =	simm.s32 @p0 $0x1  }
0x13: {  	[smem:$0x3F92] =	sst s0;
	s0 =	simm.s32 @!p1 $0x0  }
0x14: {  	s2 =	sld [smem:$0x3F76];
	s0 =	simm.s32 @p1 $0x1  }
0x15: {  	[smem:$0x3F93] =	sst s0;
	s0 =	simm.s32 @!p2 $0x0  }
0x16: {  	s3 =	sld [smem:$0x3FDB];
	s0 =	simm.s32 @p2 $0x1  }
0x17: {  	s4 =	simm.s32 $0x1BF5;
	[smem:$0x3F95] =	sst s0  }
0x18: {  	s0 =	sld [smem:$0x3F78];
	_ =	swait.ge [sflag:s4], $0x0  }
0x19: {  	s7 =	sld [smem:$0x3F79]  }
0x1a: {  	s8 =	sadd.s32 $0xFFFFE003, lr  }
0x1b: {  	s9 =	sadd.s32 $0xFFFFFEF7, lr;
	s5 =	simm.s32 $0xFFFFFFFF;
	p2 =	slt.u32 s8, $0xFFFFF086  }
0x1c: {  	p1 =	slt.u32 s9, $0xF7A;
	s5 =	simm.s32 @!p2 $0x0  }
0x1d: {  	s5 =	simm.s32 @p1 $0x1;
	p0 =	seq.s32 s7, s2  }
0x1e: {  	s7 =	smul.u32 @!p0 $0xF7A, s2;
	p2 =	seq.s32 @!p0 s5, $0x0  }
0x1f: {  	s9 =	smul.u32 $0xF7A, s1;
	s8 =	simm.s32 @!p0 $0x1BF5;
	p2 =	por !p2, p0  }
0x20: {  	[sflag:s8] =	ssyncset.s32 @!p0 $0xFFFFF086;
	s6 =	sadd.s32 @!p0 s3, s7;
	s7 =	simm.s32 @!p0 $0x108  }
0x21: {  	s3 =	sadd.s32 s3, s9;
	s6 =	sadd.s32 @!p0 $0x88, s6;
	s7 =	simm.s32 @p2 $0x1082  }
0x22: {  	[simem:s7], [sflag:s8] =	dma.local @!p0 [hbm:s6], $0xF7A  }
0x23: {  	s9 =	sor.u32 $0xD0000000, s2;
	s6 =	simm.s32 $0x108;
	_ =	swait.ge @!p0 [sflag:s8], $0x0  }
0x24: {  	s3 =	sadd.s32 $0x88, s3;
	s6 =	simm.s32 @!p1 $0x1082;
	[sflag:s4] =	ssyncset.s32 $0xFFFFF086  }
0x25: {  	[simem:s6], [sflag:s4] =	dma.local [hbm:s3], $0xF7A  }
0x26: {  	[smem:$0x3F79] =	sst s1;
	(tag) =	ssettag s2;
	_ =	strace s9  }
0x27: {  	s1 =	sld [smem:$0x3F89]  }
0x28: {  	s2 =	sld [smem:$0x3F8A]  }
0x29: {  	s4 =	sld [smem:$0x3F8C]  }
0x2a: {  	p0 =	seq.s32 s5, $0x0;
	s5 =	sld [smem:$0x3F8D]  }
0x2b: {  	s6 =	sld [smem:$0x3F8E]  }
0x2c: {  	s7 =	sld [smem:$0x3F8F]  }
0x2d: {  	s3 =	simm.s32 $0x108;
	s8 =	sld [smem:$0x3F90]  }
0x2e: {  	s3 =	simm.s32 @!p0 $0x1082;
	s9 =	sld [smem:$0x3F91]  }
0x2f: {  	lr =	sadd.s32 s0, s3;
	s0 =	sld [smem:$0x3F88]  }
0x30: {  	s3 =	sld [smem:$0x3F8B]  }
0x31: {  	[smem:$0x3F94] =	sst s10  }
0x32: {  	s10 =	sld [smem:$0x3F92];
	_ =	sdelay $0x3  }
0x33: {  	p0 =	seq.s32 s10, $0x1;
	s10 =	sld [smem:$0x3F94];
	_ =	sdelay $0x3  }
0x34: {  	[smem:$0x3F94] =	sst s10  }
0x35: {  	s10 =	sld [smem:$0x3F93];
	_ =	sdelay $0x3  }
0x36: {  	p1 =	seq.s32 s10, $0x1;
	s10 =	sld [smem:$0x3F94];
	_ =	sdelay $0x3  }
0x37: {  	[smem:$0x3F94] =	sst s10  }
0x38: {  	s10 =	sld [smem:$0x3F95]  }
0x39: {  	_ = 	snop;
	(pc) =	sbr.ind lr, $3  }
0x3a: {  	_ = 	snop  }
0x3b: {  	_ = 	snop  }
0x3c: {  	p2 =	seq.s32 s10, $0x1;
	s10 =	sld [smem:$0x3F94]  }
0x3d: {  	_ =	shalt  }
0x3e: {  	_ =	shalt  }
0x3f: {  	_ =	shalt  }
0x40: {  	_ =	shalt  }
0x41: {  	_ =	shalt  }
0x42: {  	_ =	shalt  }
0x43: {  	_ =	shalt  }
0x44: {  	_ =	shalt  }
0x45: {  	_ =	shalt  }
0x46: {  	_ =	shalt  }
0x47: {  	_ =	shalt  }
0x48: {  	_ =	shalt  }
0x49: {  	_ =	shalt  }
0x4a: {  	_ =	shalt  }
0x4b: {  	_ =	shalt  }
0x4c: {  	_ =	shalt  }
0x4d: {  	_ =	shalt  }
0x4e: {  	_ =	shalt  }
0x4f: {  	_ =	shalt  }
0x50: {  	_ =	shalt  }
0x51: {  	_ =	shalt  }
0x52: {  	_ =	shalt  }
0x53: {  	_ =	shalt  }
0x54: {  	_ =	shalt  }
0x55: {  	_ =	shalt  }
0x56: {  	_ =	shalt  }
0x57: {  	_ =	shalt  }
0x58: {  	_ =	shalt  }
0x59: {  	_ =	shalt  }
0x5a: {  	_ =	shalt  }
0x5b: {  	_ =	shalt  }
0x5c: {  	_ =	shalt  }
0x5d: {  	_ =	shalt  }
0x5e: {  	_ =	shalt  }
0x5f: {  	_ =	shalt  }
0x60: {  	_ =	shalt  }
0x61: {  	_ =	shalt  }
0x62: {  	_ =	shalt  }
0x63: {  	_ =	shalt  }
0x64: {  	_ =	shalt  }
0x65: {  	_ =	shalt  }
0x66: {  	_ =	shalt  }
0x67: {  	_ =	shalt  }
0x68: {  	_ =	shalt  }
0x69: {  	_ =	shalt  }
0x6a: {  	_ =	shalt  }
0x6b: {  	_ =	shalt  }
0x6c: {  	_ =	shalt  }
0x6d: {  	_ =	shalt  }
0x6e: {  	_ =	shalt  }
0x6f: {  	_ =	shalt  }
0x70: {  	_ =	shalt  }
0x71: {  	_ =	shalt  }
0x72: {  	_ =	shalt  }
0x73: {  	_ =	shalt  }
0x74: {  	_ =	shalt  }
0x75: {  	_ =	shalt  }
0x76: {  	_ =	shalt  }
0x77: {  	_ =	shalt  }
0x78: {  	_ =	shalt  }
0x79: {  	_ =	shalt  }
0x7a: {  	_ =	shalt  }
0x7b: {  	_ =	shalt  }
0x7c: {  	_ =	shalt  }
0x7d: {  	_ =	shalt  }
0x7e: {  	_ =	shalt  }
0x7f: {  	_ =	shalt  }
0x80: {  	_ =	shalt  }
0x81: {  	_ =	shalt  }
0x82: {  	_ =	shalt  }
0x83: {  	_ =	shalt  }
0x84: {  	_ =	shalt  }
0x85: {  	_ =	shalt  }
0x86: {  	_ =	shalt  }
0x87: {  	_ =	shalt  }
.Lfunc_end0:
.L_simem_size_0:
called_computation.2_lowered:
.L_overlay_start_0:
0x88: {  	s2 =	sld [smem:$0x3FD9]  }
0x89: {  	s3 =	sld [smem:$0x3FFE];
	_ =	sdelay $0x1  }
0x8a: {  	s1 =	srdreg.scid  }
0x8b: {  	s0 =	sand.u32 $0x1, s1  }
0x8c: {  	s14 =	sshll.u32 s0, $0xA;
	s2 =	sadd.s32 s3, s2  }
0x8d: {  	s2 =	sadd.s32 s2, s14  }
0x8e: {  	[smem:$0x3FA0] =	sst s2  }
0x8f: {  	_ = 	snop  }
0x90: {  	s2 =	sld [smem:$0x3FD0];
	_ =	sdelay $0x2  }
0x91: {  	s15 =	simm.s32 $0xA;
	s4 =	simm.s32 $0x10  }
0x92: {  	[smem:s4], [sflag:s15] =	dma.local [hbm:s2], $0x1  }
0x93: {  	_ =	swait.eq [sflag:s15], $0x1  }
0x94: {  	[sflag:s15] =	ssyncset.done $0x0  }
0x95: {  	[sflag:s15] =	ssyncadd.s32 $0xFFFFFFFF  }
0x96: {  	s16 =	sld [smem:$0x11];
	(tm) =	ssettm $0x1  }
0x97: {  	s17 =	sld [smem:$0x3FFB];
	_ =	sdelay $0x3  }
0x98: {  	_ =	strace s17  }
0x99: {  	s3 =	sld [smem:$0x3FFC];
	_ =	sdelay $0x3  }
0x9a: {  	_ =	strace s3  }
0x9b: {  	s3 =	sld [smem:$0x3FFD];
	_ =	sdelay $0x3  }
0x9c: {  	_ =	strace s3  }
0x9d: {  	_ =	strace $0x8FFFFFFF  }
0x9e: {  	s18 =	sld [smem:$0x3FDB];
	_ =	sdelay $0x1  }
0x9f: {  	s19 =	simm.s32 $_scs_section_size  }
0xa0: {  	s5 =	simm.s32 $_size__tile_overlayer_lowered;
	s6 =	simm.s32 $_tile_overlayer_lowered  }
0xa1: {  	s22 =	simm.s32 $0x1BFF;
	s21 =	sshll.u32 s6, $0x1;
	s3 =	sadd.s32 s19, s18  }
0xa2: {  	s7 =	simm.s32 $0x0;
	s20 =	sshll.u32 s5, $0x1;
	s5 =	sadd.s32 s21, s3  }
0xa3: {  	[timem:s7], [sflag:s22] =	dma.local [hbm:s5], s20  }
0xa4: {  	_ =	swait.ge [sflag:s22], s20  }
0xa5: {  	s4 =	ssub.s32 $0x0, s20;
	[sflag:s22] =	ssyncset.done $0x0  }
0xa6: {  	[sflag:s22] =	ssyncadd.s32 s4;
	_ =	sdelay $0x1  }
0xa7: {  	s23 =	simm.s32 $0x1B8B  }
0xa8: {  	_ =	swait.ge [sflag:s23], $0x1  }
0xa9: {  	[sflag:s23] =	ssyncset.done $0x0  }
0xaa: {  	s25 =	simm.s32 $0x1B8E;
	s24 =	sld [smem:$0x3FFE];
	[sflag:s23] =	ssyncadd.s32 $0xFFFFFFFF  }
0xab: {  	s26 =	simm.s32 $execute0_lowered;
	[smem:$0x3FD2] =	sst s25  }
0xac: {  	s5 =	sshll.u32 s26, $0x1;
	_ =	strace $0x8000004C;
	[dreg:$0x1] =	wrdreg $0xFFFFFFFF  }
0xad: {  	s28 =	simm.s32 $_size_execute0_lowered;
	s3 =	sadd.s32 s3, s5;
	[dreg:$0x0] =	wrdreg $0x0  }
0xae: {  	s5 =	sshll.u32 s28, $0x1;
	[dreg:$0x2] =	wrdreg s3  }
0xaf: {  	[dreg:$0x3] =	wrdreg s5  }
0xb0: {  	[dreg:$0x4] =	wrdreg $0xC0  }
0xb1: {  	_ =	task [dreg:s7], $0x5FFFF  }
0xb2: {  	[dreg:$0x1] =	wrdreg $0xFFFFFFFF  }
0xb3: {  	[dreg:$0x0] =	wrdreg $0x60  }
0xb4: {  	[dreg:$0x2] =	wrdreg s24  }
0xb5: {  	[dreg:$0x3] =	wrdreg s16  }
0xb6: {  	[dreg:$0x4] =	wrdreg $0x9  }
0xb7: {  	_ =	task.clear_ibuf [dreg:s7], $0x5FFFF;
	_ =	strace $0x9000004C  }
0xb8: {  	s29 =	simm.s32 $0x9;
	_ =	strace $0x8000004E  }
0xb9: {  	_ =	swait.ge [sflag:s29], $0x1  }
0xba: {  	[sflag:s29] =	ssyncadd.s32 $0xFFFFFFFF  }
0xbb: {  	_ =	strace $0x9000004E  }
0xbc: {  	_ =	sfence  }
0xbd: {  	s30 =	sld [smem:$0x0];
	_ =	sdelay $0x2  }
0xbe: {  	s31 =	sshll.u32 s1, $0xD;
	s1 =	sshrl.u32 s1, $0x2  }
0xbf: {  	s3 =	sand.u32 $0x4000, s31;
	s1 =	sadd.s32 s1, s30  }
0xc0: {  	s0 =	sor.u32 s3, s0;
	s1 =	sshll.u32 s1, $0x11  }
0xc1: {  	s0 =	sor.u32 s1, s0  }
0xc2: {  	s0 =	sadd.s32 $0x8F2B, s0  }
0xc3: {  	[sflag:s0] =	ssyncadd.remote.s32 $0x1  }
0xc4: {  	_ =	sfence.sel $0xFFFF  }
0xc5: {  	[dreg:$0x0] =	wrdreg $0xFFFFFFFF;
	(pc) =	sbr.abs _section_cstart, $3  }
0xc6: {  	[dreg:$0x1] =	wrdreg $0xFFFFFFFF  }
0xc7: {  	_ =	task.clear_ibuf [dreg:s7], $0x2FFFF;
	_ =	strace $0x9FFFFFFF  }
0xc8: {  	(tm) =	ssettm $0x7FFFFFFF  }
0xc9: {  	_ =	shalt  }
tec
execute0_lowered:
.L_overlay_start_1:
0x0: {  	(tag) =	ssettag $0x1  }
0x1: {  	s0 =	rddreg [dreg:$0x0]  }
0x2: {  	s2 =	rddreg [dreg:$0x1];
	s1 =	simm.s32 $0x0  }
0x3: {  	s4 =	srdreg.scid;
	s11 =	stileid.u32;
	s16 =	simm.s32 $0x2  }
0x4: {  	s29 =	simm.s32 $0x17200;
	s30 =	simm.s32 $0x17A00;
	s31 =	simm.s32 $0x18200  }
0x5: {  	s17 =	simm.s32 $0x19A00;
	s18 =	simm.s32 $0x1BA40;
	[smem:$0x7FF] =	sst s1  }
0x6: {  	s3 =	sadd.s32 $0xBB200, s0;
	s5 =	sadd.s32 $0x1CE00, s0;
	s4 =	sand.u32 $0x1, s4  }
0x7: {  	s19 =	sadd.s32 $0xA7F600, s0;
	s6 =	sshll.u32 s11, $0x4;
	s7 =	sshll.u32 s11, $0xD  }
0x8: {  	s21 =	sshll.u32 s11, $0x1;
	_ =	strace $0x8000004D;
	[dreg:$0x3] =	wrdreg s5  }
0x9: {  	s26 =	sshll.u32 s11, $0x7;
	[dreg:$0x4] =	wrdreg s19;
	s20 =	ssub.s32 $0x2, s4  }
0xa: {  	s9 =	sadd.s32 s6, s0;
	s10 =	sadd.s32 s7, s0;
	[dreg:$0x5] =	wrdreg s21  }
0xb: {  	s22 =	sshll.u32 s4, $0xC;
	s12 =	sshll.u32 s4, $0x3;
	s7 =	sadd.s32 $0xBB300, s0  }
0xc: {  	s25 =	sadd.s32 s6, s2;
	s4 =	sshll.u32 s4, $0x6;
	s19 =	simm.s32 $0x3  }
0xd: {  	s21 =	simm.s32 $0x13A00;
	s6 =	simm.s32 $0x1B200;
	s8 =	sshrl.u32 s20, $0x1  }
0xe: {  	s23 =	sadd.s32 s22, s10;
	s24 =	sadd.s32 s12, s9;
	s12 =	sadd.s32 s12, s25  }
0xf: {  	s28 =	sor.u32 s4, s26;
	s9 =	simm.s32 $0x1BA00;
	s22 =	simm.s32 $0x1BAC0  }
0x10: {  	s5 =	ssub.s32 s20, s8;
	s0 =	sadd.s32 $0xA80200, s23;
	s10 =	sadd.s32 $0x12E00, s24  }
0x11: {  	s11 =	sadd.s32 $0x17E00, s24;
	s4 =	sadd.s32 $0x27100, s28;
	s8 =	simm.s32 $0x1  }
0x12: {  	s20 =	simm.s32 $0x1BA80;
	s24 =	simm.s32 $0x0;
	s5 =	smax.u32 s5, $0x1  }
.Ltmp0:
0x13: {  	[dreg:$0x7] =	wrdreg s0;
	s0 =	sadd.s32 $0x75300, s28;
	(pc) =	sbr.rel .LBB2_1-.Ltmp0, $4  }
0x14: {  	s4 =	sshrl.u32 s4, $0x3;
	[dreg:$0x6] =	wrdreg s5;
	s5 =	sadd.s32 $0x4E200, s28  }
0x15: {  	v2 =	vlaneseq.u32;
	s0 =	sshrl.u32 s0, $0x3;
	s13 =	sadd.s32 s4, s2;
	s4 =	simm.s32 $0x1A200  }
0x16: {  	vm0 =	vmmov $0xffff;
	v1 =	vshrl.u32 v2, $0x3;
	s5 =	sshrl.u32 s5, $0x3;
	s15 =	sadd.s32 s0, s2;
	s0 =	simm.s32 $0x18A00  }
0x17: {  	v0 =	vand.u32 $0x7, v2;
	v2 =	vor.u32 $0x8, v2;
	v1 =	vmul.u32 $0x8, v1;
	s14 =	sadd.s32 s5, s2;
	s2 =	simm.s32 $0x19200;
	s5 =	simm.s32 $0x1AA00  }
.LBB2_5:
0x18: {  	s24 =	rddreg [dreg:$0x8]  }
0x19: {  	s23 =	rddreg [dreg:$0x6];
	s24 =	sadd.s32 $0x1, s24  }
0x1a: {  	p0 =	sne.s32 s24, s23  }
.Ltmp1:
0x1b: {  	_ = 	snop;
	(pc) =	sbr.rel @!p0 .LBB2_6-.Ltmp1, $1  }
0x1c: {  	_ =	sdelay $0x3  }
.LBB2_1:
0x1d: {  	[dreg:$0x8] =	wrdreg s24  }
0x1e: {  	s23 =	rddreg [dreg:$0x3]  }
0x1f: {  	[tilespmem:s1], [sflag:$0x2] =	stream.linear.gather [hbm4b:s23+s1], $0x13880, $0x38;
	[tilespmem:$0x1BB00] =	vst v63  }
0x20: {  	_ =	swait.ge [sflag:s16], $0x13880  }
0x21: {  	s28 =	simm.s32 $0x13880;
	[sflag:s16] =	ssyncset.done $0x0  }
.Ltmp2:
0x22: {  	s26 =	rddreg [dreg:$0x4];
	[sflag:s16] =	ssyncadd.s32 $0xFFFEC780;
	(pc) =	sbr.rel .LBB2_2-.Ltmp2, $4  }
0x23: {  	[tilespmem:s28], [sflag:$0x2] =	stream.linear.gather [hbm4b:s26+s1], $0x80, $0x38;
	[tilespmem:$0x1BB00] =	vst v63  }
0x24: {  	_ =	swait.ge [sflag:s16], $0x80  }
0x25: {  	[sflag:s16] =	ssyncset.done $0x0;
	s23 =	rddreg [dreg:$0x5]  }
0x26: {  	s25 =	simm.s32 $0x0;
	s24 =	rddreg [dreg:$0x7];
	[sflag:s16] =	ssyncadd.s32 $0xFFFFFF80  }
.LBB2_4:
0x27: {  	s25 =	sadd.s32 $0x100, s25  }
0x28: {  	p0 =	sne.s32 s25, $0x4F00  }
.Ltmp3:
0x29: {  	_ = 	snop;
	(pc) =	sbr.rel @!p0 .LBB2_5-.Ltmp3, $2  }
0x2a: {  	_ =	sdelay $0x2  }
0x2b: {  	s24 =	sadd.s32 $0x20000, s24;
	s23 =	sadd.s32 $0x20, s23  }
.LBB2_2:
0x2c: {  	p0 =	sgt.u32 s23, $0x9C3  }
.Ltmp4:
0x2d: {  	_ = 	snop;
	(pc) =	sbr.rel @p0 .LBB2_4-.Ltmp4, $1  }
0x2e: {  	_ =	sdelay $0x3  }
0x2f: {  	s26 =	sadd.s32 s25, s10;
	s28 =	simm.s32 $0x13900  }
0x30: {  	[tilespmem:s28], [sflag:$0x3] =	stream.linear.gather [hbm4b:s26+s1], $0x40, $0x38;
	[tilespmem:$0x1BB00] =	vst v63  }
0x31: {  	_ =	swait.ge [sflag:s19], $0x40  }
0x32: {  	[sflag:s19] =	ssyncset.done $0x0  }
0x33: {  	s26 =	sadd.s32 s25, s11;
	s28 =	simm.s32 $0x13980;
	[sflag:s19] =	ssyncadd.s32 $0xFFFFFFC0  }
0x34: {  	[tilespmem:s28], [sflag:$0x3] =	stream.linear.gather [hbm4b:s26+s1], $0x40, $0x38;
	[tilespmem:$0x1BB00] =	vst v63  }
0x35: {  	_ =	swait.ge [sflag:s19], $0x40  }
0x36: {  	[sflag:s19] =	ssyncset.done $0x0  }
0x37: {  	[sflag:s19] =	ssyncadd.s32 $0xFFFFFFC0  }
0x38: {  	v3 =	vld [tilespmem:$0x13900];
	_ =	sdelay $0x4  }
0x39: {  	v4 =	vshll.u32 v3, $0x2  }
0x3a: {  	v3 =	vand.u32 $0x7, v3;
	v4 =	vand.u32 $0xFFFFFFE0, v4  }
0x3b: {  	v3 =	vor.u32 v3, v4  }
0x3c: {  	v4 =	vperm.xlane v3, v0;
	_ =	sdelay $0x1  }
0x3d: {  	v4 =	vadd.s32 v1, v4;
	_ =	sdelay $0x1  }
0x3e: {  	v3 =	vperm.xlane v3, v2;
	_ =	sdelay $0x1  }
0x3f: {  	v3 =	vadd.s32 v1, v3  }
0x40: {  	[tilespmem:s21], [sflag:$0x1] =	stream.indirect_vreg.gather [hbm4b:s3+s1], $0x80, v4, vm0, $0xb8;
	[tilespmem:$0x1BB00] =	vst v63  }
0x41: {  	s28 =	simm.s32 $0x14200  }
0x42: {  	[tilespmem:s28], [sflag:$0x1] =	stream.indirect_vreg.gather [hbm4b:s7+s1], $0x80, v4, vm0, $0xb8;
	[tilespmem:$0x1BB00] =	vst v63  }
0x43: {  	s28 =	simm.s32 $0x14A00  }
0x44: {  	[tilespmem:s28], [sflag:$0x1] =	stream.indirect_vreg.gather [hbm4b:s3+s1], $0x80, v3, vm0, $0xb8;
	[tilespmem:$0x1BB00] =	vst v63  }
0x45: {  	s28 =	simm.s32 $0x15200  }
0x46: {  	[tilespmem:s28], [sflag:$0x1] =	stream.indirect_vreg.gather [hbm4b:s7+s1], $0x80, v3, vm0, $0xb8;
	[tilespmem:$0x1BB00] =	vst v63  }
0x47: {  	v3 =	vld [tilespmem:$0x13910];
	_ =	sdelay $0x4  }
0x48: {  	v51 =	vshll.u32 v3, $0x2  }
0x49: {  	v3 =	vand.u32 $0x7, v3;
	v4 =	vand.u32 $0xFFFFFFE0, v51  }
0x4a: {  	v3 =	vor.u32 v3, v4  }
0x4b: {  	v4 =	vperm.xlane v3, v0;
	_ =	sdelay $0x1  }
0x4c: {  	v4 =	vadd.s32 v1, v4;
	_ =	sdelay $0x1  }
0x4d: {  	v3 =	vperm.xlane v3, v2;
	_ =	sdelay $0x1  }
0x4e: {  	s28 =	simm.s32 $0x15A00;
	v3 =	vadd.s32 v1, v3  }
0x4f: {  	[tilespmem:s28], [sflag:$0x1] =	stream.indirect_vreg.gather [hbm4b:s3+s1], $0x80, v4, vm0, $0xb8;
	[tilespmem:$0x1BB00] =	vst v63  }
0x50: {  	s28 =	simm.s32 $0x16200  }
0x51: {  	[tilespmem:s28], [sflag:$0x1] =	stream.indirect_vreg.gather [hbm4b:s7+s1], $0x80, v4, vm0, $0xb8;
	[tilespmem:$0x1BB00] =	vst v63  }
0x52: {  	s28 =	simm.s32 $0x16A00  }
0x53: {  	[tilespmem:s28], [sflag:$0x1] =	stream.indirect_vreg.gather [hbm4b:s3+s1], $0x80, v3, vm0, $0xb8;
	[tilespmem:$0x1BB00] =	vst v63  }
0x54: {  	_ = 	snop  }
0x55: {  	[tilespmem:s29], [sflag:$0x1] =	stream.indirect_vreg.gather [hbm4b:s7+s1], $0x80, v3, vm0, $0xb8;
	[tilespmem:$0x1BB00] =	vst v63  }
0x56: {  	v3 =	vld [tilespmem:$0x13920];
	_ =	sdelay $0x4  }
0x57: {  	v52 =	vshll.u32 v3, $0x2  }
0x58: {  	v3 =	vand.u32 $0x7, v3;
	v4 =	vand.u32 $0xFFFFFFE0, v52  }
0x59: {  	v3 =	vor.u32 v3, v4  }
0x5a: {  	v4 =	vperm.xlane v3, v0;
	_ =	sdelay $0x1  }
0x5b: {  	v4 =	vadd.s32 v1, v4;
	_ =	sdelay $0x1  }
0x5c: {  	v3 =	vperm.xlane v3, v2;
	_ =	sdelay $0x1  }
0x5d: {  	v3 =	vadd.s32 v1, v3  }
0x5e: {  	[tilespmem:s30], [sflag:$0x1] =	stream.indirect_vreg.gather [hbm4b:s3+s1], $0x80, v4, vm0, $0xb8;
	[tilespmem:$0x1BB00] =	vst v63  }
0x5f: {  	_ = 	snop  }
0x60: {  	[tilespmem:s31], [sflag:$0x1] =	stream.indirect_vreg.gather [hbm4b:s7+s1], $0x80, v4, vm0, $0xb8;
	[tilespmem:$0x1BB00] =	vst v63  }
0x61: {  	_ = 	snop  }
0x62: {  	[tilespmem:s0], [sflag:$0x1] =	stream.indirect_vreg.gather [hbm4b:s3+s1], $0x80, v3, vm0, $0xb8;
	[tilespmem:$0x1BB00] =	vst v63  }
0x63: {  	_ = 	snop  }
0x64: {  	[tilespmem:s2], [sflag:$0x1] =	stream.indirect_vreg.gather [hbm4b:s7+s1], $0x80, v3, vm0, $0xb8;
	[tilespmem:$0x1BB00] =	vst v63  }
0x65: {  	v3 =	vld [tilespmem:$0x13930];
	_ =	sdelay $0x4  }
0x66: {  	v53 =	vshll.u32 v3, $0x2  }
0x67: {  	v3 =	vand.u32 $0x7, v3;
	v4 =	vand.u32 $0xFFFFFFE0, v53  }
0x68: {  	v3 =	vor.u32 v3, v4  }
0x69: {  	v4 =	vperm.xlane v3, v0;
	_ =	sdelay $0x1  }
0x6a: {  	v4 =	vadd.s32 v1, v4;
	_ =	sdelay $0x1  }
0x6b: {  	v3 =	vperm.xlane v3, v2;
	_ =	sdelay $0x1  }
0x6c: {  	v3 =	vadd.s32 v1, v3  }
0x6d: {  	[tilespmem:s17], [sflag:$0x1] =	stream.indirect_vreg.gather [hbm4b:s3+s1], $0x80, v4, vm0, $0xb8;
	[tilespmem:$0x1BB00] =	vst v63  }
0x6e: {  	_ = 	snop  }
0x6f: {  	[tilespmem:s4], [sflag:$0x1] =	stream.indirect_vreg.gather [hbm4b:s7+s1], $0x80, v4, vm0, $0xb8;
	[tilespmem:$0x1BB00] =	vst v63  }
0x70: {  	_ = 	snop  }
0x71: {  	[tilespmem:s5], [sflag:$0x1] =	stream.indirect_vreg.gather [hbm4b:s3+s1], $0x80, v3, vm0, $0xb8;
	[tilespmem:$0x1BB00] =	vst v63  }
0x72: {  	_ = 	snop  }
0x73: {  	[tilespmem:s6], [sflag:$0x1] =	stream.indirect_vreg.gather [hbm4b:s7+s1], $0x80, v3, vm0, $0xb8;
	[tilespmem:$0x1BB00] =	vst v63  }
0x74: {  	_ =	swait.ge [sflag:s8], $0x8000  }
0x75: {  	[sflag:s8] =	ssyncset.done $0x0  }
0x76: {  	[sflag:s8] =	ssyncadd.s32 $0xFFFF8000  }
0x77: {  	[hbm4b:s24+s1] =	stream.linear.scatter [tilespmem:s21], [sflag:$0x3], $0x8000, $0x38;
	[tilespmem:$0x1BB00] =	vst v63  }
0x78: {  	_ =	swait.ge [sflag:s19], $0x8000  }
0x79: {  	[sflag:s19] =	ssyncset.done $0x0  }
0x7a: {  	[sflag:s19] =	ssyncadd.s32 $0xFFFF8000  }
0x7b: {  	v3 =	vld [tilespmem:$0x13900]  }
0x7c: {  	v54 =	vld [tilespmem:$0x13980];
	_ =	sdelay $0x4  }
0x7d: {  	v3 =	vshll.u32 v3, $0x3;
	v4 =	vshll.u32 v54, $0x3  }
0x7e: {  	v5 =	vor.u32 $0x4, v4;
	_ =	sdelay $0x3  }
0x7f: {  	v6 =	vld.idx.msk [tilespmem:v3+s1+$0x0], $0xffff  }
0x80: {  	v5 =	vld.idx.msk [tilespmem:v5+s1+$0x0], $0xffff;
	_ =	sdelay $0x4  }
0x81: {  	v55 =	vld [tilespmem:$0x13880];
	v5 =	vadd.f32 v5, v6;
	_ =	sdelay $0x1  }
0x82: {  	v7 =	vmul.f32 $2.000000030e-01, v5  }
0x83: {  	vm1 =	vlt.f32 v5, $0.0e+00  }
0x84: {  	v5 =	vsel vm1, v7, v5  }
0x85: {  	v5 =	vsub.f32 v5, v55;
	_ =	sdelay $0x1  }
0x86: {  	v5 =	vmul.f32 $1.442695020e+00, v5;
	_ =	sdelay $0x1  }
0x87: {  	(erf) = vpow2.f32 v5;
	_ =	sdelay $0x5  }
0x88: {  	v56 =	vor.u32 $0x1, v3  }
0x89: {  	v57 =	vor.u32 $0x5, v4;
	_ =	sdelay $0x1  }
0x8a: {  	v58 =	vpop (erf)  }
0x8b: {  	[tilespmem:$0x1BA00] =	vst v58  }
0x8c: {  	v5 =	vld.idx.msk [tilespmem:v56+s1+$0x0], $0xffff  }
0x8d: {  	v6 =	vld.idx.msk [tilespmem:v57+s1+$0x0], $0xffff;
	_ =	sdelay $0x4  }
0x8e: {  	v59 =	vld [tilespmem:$0x13890];
	v5 =	vadd.f32 v6, v5;
	_ =	sdelay $0x1  }
0x8f: {  	v60 =	vmul.f32 $2.000000030e-01, v5  }
0x90: {  	vm1 =	vlt.f32 v5, $0.0e+00  }
0x91: {  	v5 =	vsel vm1, v60, v5  }
0x92: {  	v5 =	vsub.f32 v5, v59;
	_ =	sdelay $0x1  }
0x93: {  	v5 =	vmul.f32 $1.442695020e+00, v5;
	_ =	sdelay $0x1  }
0x94: {  	(erf) = vpow2.f32 v5;
	_ =	sdelay $0x5  }
0x95: {  	v61 =	vor.u32 $0x2, v3  }
0x96: {  	v62 =	vor.u32 $0x6, v4;
	_ =	sdelay $0x1  }
0x97: {  	v63 =	vpop (erf)  }
0x98: {  	[tilespmem:$0x1BA40] =	vst v63  }
0x99: {  	v5 =	vld.idx.msk [tilespmem:v61+s1+$0x0], $0xffff  }
0x9a: {  	v6 =	vld.idx.msk [tilespmem:v62+s1+$0x0], $0xffff;
	_ =	sdelay $0x4  }
0x9b: {  	v9 =	vld [tilespmem:$0x138A0];
	v5 =	vadd.f32 v6, v5;
	_ =	sdelay $0x1  }
0x9c: {  	v10 =	vmul.f32 $2.000000030e-01, v5  }
0x9d: {  	vm1 =	vlt.f32 v5, $0.0e+00  }
0x9e: {  	v5 =	vsel vm1, v10, v5  }
0x9f: {  	v5 =	vsub.f32 v5, v9;
	_ =	sdelay $0x1  }
0xa0: {  	v5 =	vmul.f32 $1.442695020e+00, v5;
	_ =	sdelay $0x1  }
0xa1: {  	(erf) = vpow2.f32 v5;
	_ =	sdelay $0x5  }
0xa2: {  	v3 =	vor.u32 $0x3, v3  }
0xa3: {  	v4 =	vor.u32 $0x7, v4;
	_ =	sdelay $0x1  }
0xa4: {  	v5 =	vpop (erf)  }
0xa5: {  	[tilespmem:$0x1BA80] =	vst v5  }
0xa6: {  	v3 =	vld.idx.msk [tilespmem:v3+s1+$0x0], $0xffff  }
0xa7: {  	v4 =	vld.idx.msk [tilespmem:v4+s1+$0x0], $0xffff;
	_ =	sdelay $0x4  }
0xa8: {  	v11 =	vld [tilespmem:$0x138B0];
	v3 =	vadd.f32 v4, v3;
	_ =	sdelay $0x1  }
0xa9: {  	v12 =	vmul.f32 $2.000000030e-01, v3  }
0xaa: {  	vm1 =	vlt.f32 v3, $0.0e+00  }
0xab: {  	v3 =	vsel vm1, v12, v3  }
0xac: {  	v3 =	vsub.f32 v3, v11;
	_ =	sdelay $0x1  }
0xad: {  	v3 =	vmul.f32 $1.442695020e+00, v3;
	_ =	sdelay $0x1  }
0xae: {  	v13 =	vld [tilespmem:$0x13990];
	(erf) = vpow2.f32 v3  }
0xaf: {  	v3 =	vld [tilespmem:$0x13910];
	_ =	sdelay $0x4  }
0xb0: {  	v4 =	vshll.u32 v13, $0x3;
	v3 =	vshll.u32 v3, $0x3  }
0xb1: {  	v14 =	vor.u32 $0x4, v4;
	_ =	sdelay $0x1  }
0xb2: {  	v15 =	vpop (erf)  }
0xb3: {  	[tilespmem:$0x1BAC0] =	vst v15  }
0xb4: {  	v6 =	vld.idx.msk [tilespmem:v3+s1+$0x0], $0xffff  }
0xb5: {  	v5 =	vld.idx.msk [tilespmem:v14+s1+$0x0], $0xffff;
	_ =	sdelay $0x4  }
0xb6: {  	v16 =	vld [tilespmem:$0x13880];
	v5 =	vadd.f32 v5, v6;
	_ =	sdelay $0x1  }
0xb7: {  	v17 =	vmul.f32 $2.000000030e-01, v5  }
0xb8: {  	vm1 =	vlt.f32 v5, $0.0e+00  }
0xb9: {  	v5 =	vsel vm1, v17, v5  }
0xba: {  	v5 =	vsub.f32 v5, v16;
	_ =	sdelay $0x1  }
0xbb: {  	v5 =	vmul.f32 $1.442695020e+00, v5;
	_ =	sdelay $0x1  }
0xbc: {  	(erf) = vpow2.f32 v5;
	_ =	sdelay $0x5  }
0xbd: {  	v18 =	vor.u32 $0x1, v3  }
0xbe: {  	v19 =	vor.u32 $0x5, v4;
	_ =	sdelay $0x1  }
0xbf: {  	v20 =	vpop (erf)  }
0xc0: {  	[tilespmem:$0x1BA10] =	vst v20  }
0xc1: {  	v5 =	vld.idx.msk [tilespmem:v18+s1+$0x0], $0xffff  }
0xc2: {  	v6 =	vld.idx.msk [tilespmem:v19+s1+$0x0], $0xffff;
	_ =	sdelay $0x4  }
0xc3: {  	v21 =	vld [tilespmem:$0x13890];
	v5 =	vadd.f32 v6, v5;
	_ =	sdelay $0x1  }
0xc4: {  	v22 =	vmul.f32 $2.000000030e-01, v5  }
0xc5: {  	vm1 =	vlt.f32 v5, $0.0e+00  }
0xc6: {  	v5 =	vsel vm1, v22, v5  }
0xc7: {  	v5 =	vsub.f32 v5, v21;
	_ =	sdelay $0x1  }
0xc8: {  	v5 =	vmul.f32 $1.442695020e+00, v5;
	_ =	sdelay $0x1  }
0xc9: {  	(erf) = vpow2.f32 v5;
	_ =	sdelay $0x5  }
0xca: {  	v23 =	vor.u32 $0x2, v3  }
0xcb: {  	v24 =	vor.u32 $0x6, v4;
	_ =	sdelay $0x1  }
0xcc: {  	v25 =	vpop (erf)  }
0xcd: {  	[tilespmem:$0x1BA50] =	vst v25  }
0xce: {  	v5 =	vld.idx.msk [tilespmem:v23+s1+$0x0], $0xffff  }
0xcf: {  	v6 =	vld.idx.msk [tilespmem:v24+s1+$0x0], $0xffff;
	_ =	sdelay $0x4  }
0xd0: {  	v26 =	vld [tilespmem:$0x138A0];
	v5 =	vadd.f32 v6, v5;
	_ =	sdelay $0x1  }
0xd1: {  	v27 =	vmul.f32 $2.000000030e-01, v5  }
0xd2: {  	vm1 =	vlt.f32 v5, $0.0e+00  }
0xd3: {  	v5 =	vsel vm1, v27, v5  }
0xd4: {  	v5 =	vsub.f32 v5, v26;
	_ =	sdelay $0x1  }
0xd5: {  	v5 =	vmul.f32 $1.442695020e+00, v5;
	_ =	sdelay $0x1  }
0xd6: {  	(erf) = vpow2.f32 v5;
	_ =	sdelay $0x5  }
0xd7: {  	v3 =	vor.u32 $0x3, v3  }
0xd8: {  	v4 =	vor.u32 $0x7, v4;
	_ =	sdelay $0x1  }
0xd9: {  	v5 =	vpop (erf)  }
0xda: {  	[tilespmem:$0x1BA90] =	vst v5  }
0xdb: {  	v3 =	vld.idx.msk [tilespmem:v3+s1+$0x0], $0xffff  }
0xdc: {  	v4 =	vld.idx.msk [tilespmem:v4+s1+$0x0], $0xffff;
	_ =	sdelay $0x4  }
0xdd: {  	v28 =	vld [tilespmem:$0x138B0];
	v3 =	vadd.f32 v4, v3;
	_ =	sdelay $0x1  }
0xde: {  	v29 =	vmul.f32 $2.000000030e-01, v3  }
0xdf: {  	vm1 =	vlt.f32 v3, $0.0e+00  }
0xe0: {  	v3 =	vsel vm1, v29, v3  }
0xe1: {  	v3 =	vsub.f32 v3, v28;
	_ =	sdelay $0x1  }
0xe2: {  	v3 =	vmul.f32 $1.442695020e+00, v3;
	_ =	sdelay $0x1  }
0xe3: {  	v30 =	vld [tilespmem:$0x139A0];
	(erf) = vpow2.f32 v3  }
0xe4: {  	v3 =	vld [tilespmem:$0x13920];
	_ =	sdelay $0x4  }
0xe5: {  	v4 =	vshll.u32 v30, $0x3;
	v3 =	vshll.u32 v3, $0x3  }
0xe6: {  	v31 =	vor.u32 $0x4, v4;
	_ =	sdelay $0x1  }
0xe7: {  	v32 =	vpop (erf)  }
0xe8: {  	[tilespmem:$0x1BAD0] =	vst v32  }
0xe9: {  	v6 =	vld.idx.msk [tilespmem:v3+s1+$0x0], $0xffff  }
0xea: {  	v5 =	vld.idx.msk [tilespmem:v31+s1+$0x0], $0xffff;
	_ =	sdelay $0x4  }
0xeb: {  	v33 =	vld [tilespmem:$0x13880];
	v5 =	vadd.f32 v5, v6;
	_ =	sdelay $0x1  }
0xec: {  	v34 =	vmul.f32 $2.000000030e-01, v5  }
0xed: {  	vm1 =	vlt.f32 v5, $0.0e+00  }
0xee: {  	v5 =	vsel vm1, v34, v5  }
0xef: {  	v5 =	vsub.f32 v5, v33;
	_ =	sdelay $0x1  }
0xf0: {  	v5 =	vmul.f32 $1.442695020e+00, v5;
	_ =	sdelay $0x1  }
0xf1: {  	(erf) = vpow2.f32 v5;
	_ =	sdelay $0x5  }
0xf2: {  	v35 =	vor.u32 $0x1, v3  }
0xf3: {  	v36 =	vor.u32 $0x5, v4;
	_ =	sdelay $0x1  }
0xf4: {  	v37 =	vpop (erf)  }
0xf5: {  	[tilespmem:$0x1BA20] =	vst v37  }
0xf6: {  	v5 =	vld.idx.msk [tilespmem:v35+s1+$0x0], $0xffff  }
0xf7: {  	v6 =	vld.idx.msk [tilespmem:v36+s1+$0x0], $0xffff;
	_ =	sdelay $0x4  }
0xf8: {  	v38 =	vld [tilespmem:$0x13890];
	v5 =	vadd.f32 v6, v5;
	_ =	sdelay $0x1  }
0xf9: {  	v39 =	vmul.f32 $2.000000030e-01, v5  }
0xfa: {  	vm1 =	vlt.f32 v5, $0.0e+00  }
0xfb: {  	v5 =	vsel vm1, v39, v5  }
0xfc: {  	v5 =	vsub.f32 v5, v38;
	_ =	sdelay $0x1  }
0xfd: {  	v5 =	vmul.f32 $1.442695020e+00, v5;
	_ =	sdelay $0x1  }
0xfe: {  	(erf) = vpow2.f32 v5;
	_ =	sdelay $0x5  }
0xff: {  	v40 =	vor.u32 $0x2, v3  }
0x100: {  	v41 =	vor.u32 $0x6, v4;
	_ =	sdelay $0x1  }
0x101: {  	v42 =	vpop (erf)  }
0x102: {  	[tilespmem:$0x1BA60] =	vst v42  }
0x103: {  	v5 =	vld.idx.msk [tilespmem:v40+s1+$0x0], $0xffff  }
0x104: {  	v6 =	vld.idx.msk [tilespmem:v41+s1+$0x0], $0xffff;
	_ =	sdelay $0x4  }
0x105: {  	v43 =	vld [tilespmem:$0x138A0];
	v5 =	vadd.f32 v6, v5;
	_ =	sdelay $0x1  }
0x106: {  	v44 =	vmul.f32 $2.000000030e-01, v5  }
0x107: {  	vm1 =	vlt.f32 v5, $0.0e+00  }
0x108: {  	v5 =	vsel vm1, v44, v5  }
0x109: {  	v5 =	vsub.f32 v5, v43;
	_ =	sdelay $0x1  }
0x10a: {  	v5 =	vmul.f32 $1.442695020e+00, v5;
	_ =	sdelay $0x1  }
0x10b: {  	(erf) = vpow2.f32 v5;
	_ =	sdelay $0x5  }
0x10c: {  	v3 =	vor.u32 $0x3, v3  }
0x10d: {  	v4 =	vor.u32 $0x7, v4;
	_ =	sdelay $0x1  }
0x10e: {  	v5 =	vpop (erf)  }
0x10f: {  	[tilespmem:$0x1BAA0] =	vst v5  }
0x110: {  	v3 =	vld.idx.msk [tilespmem:v3+s1+$0x0], $0xffff  }
0x111: {  	v4 =	vld.idx.msk [tilespmem:v4+s1+$0x0], $0xffff;
	_ =	sdelay $0x4  }
0x112: {  	v45 =	vld [tilespmem:$0x138B0];
	v3 =	vadd.f32 v4, v3;
	_ =	sdelay $0x1  }
0x113: {  	v46 =	vmul.f32 $2.000000030e-01, v3  }
0x114: {  	vm1 =	vlt.f32 v3, $0.0e+00  }
0x115: {  	v3 =	vsel vm1, v46, v3  }
0x116: {  	v3 =	vsub.f32 v3, v45;
	_ =	sdelay $0x1  }
0x117: {  	v3 =	vmul.f32 $1.442695020e+00, v3;
	_ =	sdelay $0x1  }
0x118: {  	v47 =	vld [tilespmem:$0x139B0];
	(erf) = vpow2.f32 v3  }
0x119: {  	v3 =	vld [tilespmem:$0x13930];
	_ =	sdelay $0x4  }
0x11a: {  	v4 =	vshll.u32 v47, $0x3;
	v3 =	vshll.u32 v3, $0x3  }
0x11b: {  	v48 =	vor.u32 $0x4, v4;
	_ =	sdelay $0x1  }
0x11c: {  	v49 =	vpop (erf)  }
0x11d: {  	[tilespmem:$0x1BAE0] =	vst v49  }
0x11e: {  	v6 =	vld.idx.msk [tilespmem:v3+s1+$0x0], $0xffff  }
0x11f: {  	v5 =	vld.idx.msk [tilespmem:v48+s1+$0x0], $0xffff;
	_ =	sdelay $0x4  }
0x120: {  	v50 =	vld [tilespmem:$0x13880];
	v5 =	vadd.f32 v5, v6;
	_ =	sdelay $0x1  }
0x121: {  	v51 =	vmul.f32 $2.000000030e-01, v5  }
0x122: {  	vm1 =	vlt.f32 v5, $0.0e+00  }
0x123: {  	v5 =	vsel vm1, v51, v5  }
0x124: {  	v5 =	vsub.f32 v5, v50;
	_ =	sdelay $0x1  }
0x125: {  	v5 =	vmul.f32 $1.442695020e+00, v5;
	_ =	sdelay $0x1  }
0x126: {  	(erf) = vpow2.f32 v5;
	_ =	sdelay $0x5  }
0x127: {  	v52 =	vor.u32 $0x1, v3  }
0x128: {  	v53 =	vor.u32 $0x5, v4;
	_ =	sdelay $0x1  }
0x129: {  	v54 =	vpop (erf)  }
0x12a: {  	[tilespmem:$0x1BA30] =	vst v54  }
0x12b: {  	v5 =	vld.idx.msk [tilespmem:v52+s1+$0x0], $0xffff  }
0x12c: {  	v6 =	vld.idx.msk [tilespmem:v53+s1+$0x0], $0xffff;
	_ =	sdelay $0x4  }
0x12d: {  	v55 =	vld [tilespmem:$0x13890];
	v5 =	vadd.f32 v6, v5;
	_ =	sdelay $0x1  }
0x12e: {  	v56 =	vmul.f32 $2.000000030e-01, v5  }
0x12f: {  	vm1 =	vlt.f32 v5, $0.0e+00  }
0x130: {  	v5 =	vsel vm1, v56, v5  }
0x131: {  	v5 =	vsub.f32 v5, v55;
	_ =	sdelay $0x1  }
0x132: {  	v5 =	vmul.f32 $1.442695020e+00, v5;
	_ =	sdelay $0x1  }
0x133: {  	(erf) = vpow2.f32 v5;
	_ =	sdelay $0x5  }
0x134: {  	v57 =	vor.u32 $0x2, v3  }
0x135: {  	v58 =	vor.u32 $0x6, v4;
	_ =	sdelay $0x1  }
0x136: {  	v59 =	vpop (erf)  }
0x137: {  	[tilespmem:$0x1BA70] =	vst v59  }
0x138: {  	v5 =	vld.idx.msk [tilespmem:v57+s1+$0x0], $0xffff  }
0x139: {  	v6 =	vld.idx.msk [tilespmem:v58+s1+$0x0], $0xffff;
	_ =	sdelay $0x4  }
0x13a: {  	v60 =	vld [tilespmem:$0x138A0];
	v5 =	vadd.f32 v6, v5;
	_ =	sdelay $0x1  }
0x13b: {  	v61 =	vmul.f32 $2.000000030e-01, v5  }
0x13c: {  	vm1 =	vlt.f32 v5, $0.0e+00  }
0x13d: {  	v5 =	vsel vm1, v61, v5  }
0x13e: {  	v5 =	vsub.f32 v5, v60;
	_ =	sdelay $0x1  }
0x13f: {  	v5 =	vmul.f32 $1.442695020e+00, v5;
	_ =	sdelay $0x1  }
0x140: {  	(erf) = vpow2.f32 v5;
	_ =	sdelay $0x5  }
0x141: {  	v3 =	vor.u32 $0x3, v3  }
0x142: {  	v4 =	vor.u32 $0x7, v4;
	_ =	sdelay $0x1  }
0x143: {  	v5 =	vpop (erf)  }
0x144: {  	[tilespmem:$0x1BAB0] =	vst v5  }
0x145: {  	v3 =	vld.idx.msk [tilespmem:v3+s1+$0x0], $0xffff  }
0x146: {  	v4 =	vld.idx.msk [tilespmem:v4+s1+$0x0], $0xffff;
	_ =	sdelay $0x4  }
0x147: {  	v62 =	vld [tilespmem:$0x138B0];
	v3 =	vadd.f32 v4, v3;
	_ =	sdelay $0x1  }
0x148: {  	v63 =	vmul.f32 $2.000000030e-01, v3  }
0x149: {  	vm1 =	vlt.f32 v3, $0.0e+00  }
0x14a: {  	v3 =	vsel vm1, v63, v3  }
0x14b: {  	v3 =	vsub.f32 v3, v62;
	_ =	sdelay $0x1  }
0x14c: {  	v3 =	vmul.f32 $1.442695020e+00, v3;
	_ =	sdelay $0x1  }
0x14d: {  	(erf) = vpow2.f32 v3;
	_ =	sdelay $0x8  }
0x14e: {  	v3 =	vpop (erf)  }
0x14f: {  	s28 =	sadd.s32 s25, s12;
	[tilespmem:$0x1BAF0] =	vst v3  }
0x150: {  	[hbm4b:s28+s1] =	stream.linear.scatter [tilespmem:s9], [sflag:$0x3], $0x40, $0x38;
	[tilespmem:$0x1BB00] =	vst v63  }
0x151: {  	_ =	swait.ge [sflag:s19], $0x40  }
0x152: {  	[sflag:s19] =	ssyncset.done $0x0  }
0x153: {  	s28 =	sadd.s32 s25, s13;
	[sflag:s19] =	ssyncadd.s32 $0xFFFFFFC0  }
0x154: {  	[hbm4b:s28+s1] =	stream.linear.scatter [tilespmem:s18], [sflag:$0x3], $0x40, $0x38;
	[tilespmem:$0x1BB00] =	vst v63  }
0x155: {  	_ =	swait.ge [sflag:s19], $0x40  }
0x156: {  	[sflag:s19] =	ssyncset.done $0x0  }
0x157: {  	s28 =	sadd.s32 s25, s14;
	[sflag:s19] =	ssyncadd.s32 $0xFFFFFFC0  }
0x158: {  	[hbm4b:s28+s1] =	stream.linear.scatter [tilespmem:s20], [sflag:$0x3], $0x40, $0x38;
	[tilespmem:$0x1BB00] =	vst v63  }
0x159: {  	_ =	swait.ge [sflag:s19], $0x40  }
0x15a: {  	[sflag:s19] =	ssyncset.done $0x0  }
.Ltmp5:
0x15b: {  	s28 =	sadd.s32 s25, s15;
	[sflag:s19] =	ssyncadd.s32 $0xFFFFFFC0;
	(pc) =	sbr.rel .LBB2_4-.Ltmp5, $4  }
0x15c: {  	[hbm4b:s28+s1] =	stream.linear.scatter [tilespmem:s22], [sflag:$0x2], $0x40, $0x38;
	[tilespmem:$0x1BB00] =	vst v63  }
0x15d: {  	_ =	swait.ge [sflag:s16], $0x40  }
0x15e: {  	[sflag:s16] =	ssyncset.done $0x0  }
0x15f: {  	[sflag:s16] =	ssyncadd.s32 $0xFFFFFFC0  }
.LBB2_6:
0x160: {  	_ =	sfence.sel $0x180000  }
0x161: {  	[bflag:$0x0] =	sbarrier.arrive $0xFFFF  }
0x162: {  	_ =	strace $0x9000004D  }
0x163: {  	s0 =	stileid.u32;
	[bflag:$0x2] =	sbarrier.arrive $0xFFFF  }
0x164: {  	p0 =	sne.s32 s0, $0x0;
	s0 =	rddreg [dreg:$0x2]  }
0x165: {  	s0 =	sadd.s32 @!p0 $0x100000, s0  }
0x166: {  	[sflag:s0] =	ssyncadd.tile.s32 @!p0 $0x1;
	_ =	shalt  }
.Lfunc_end2:
_tile_overlayer_lowered:
.L_overlay_start_2:
0x167: {  	(tag) =	ssettag $0x2  }
0x168: {  	s0 =	rddreg [dreg:$0x0];
	s2 =	stileid.u32  }
0x169: {  	s1 =	rddreg [dreg:$0x1];
	p0 =	sne.s32 s2, $0x0  }
0x16a: {  	s3 =	rddreg [dreg:$0x2];
	[bflag:$0x3] =	sbarrier.arrive $0xFFFF;
	s2 =	simm.s32 @!p0 $0x1C02  }
0x16b: {  	[timem:s3], [sflag:s2] =	dma.local @!p0 [hbm:s0], s1  }
0x16c: {  	s0 =	simm.s32 @!p0 $0x2  }
0x16d: {  	_ =	swait.ge @!p0 [sflag:s0], s1  }
0x16e: {  	s1 =	ssub.s32 @!p0 $0x0, s1;
	[sflag:s0] =	ssyncset.done @!p0 $0x0  }
0x16f: {  	[sflag:s0] =	ssyncadd.s32 @!p0 s1  }
0x170: {  	[bflag:$0x3] =	sbarrier.arrive $0xFFFF  }
0x171: {  	_ =	shalt  }

// kernel: kernel.32.cloned.1.call-start
scs
__scs_entry_jumppad:
0x0: {  	(pc) =	sbr.rel $0x88, $3  }
0x1: {  	(tag) =	ssettag $0x0;
	lr =	simm.s32 $0x1  }
0x2: {  	[smem:$0x3F79] =	sst lr;
	_ =	strace $0xD0000000  }
0x3: {  	_ = 	snop  }
0x4: {  	_ = 	snop  }
0x5: {  	_ = 	snop  }
0x6: {  	_ = 	snop  }
0x7: {  	_ = 	snop  }
__scs_overlays_trampoline_lowered:
0x8: {  	[smem:$0x3F88] =	sst s0  }
0x9: {  	[smem:$0x3F89] =	sst s1  }
0xa: {  	[smem:$0x3F8A] =	sst s2  }
0xb: {  	[smem:$0x3F8B] =	sst s3  }
0xc: {  	[smem:$0x3F8C] =	sst s4  }
0xd: {  	[smem:$0x3F8D] =	sst s5  }
0xe: {  	[smem:$0x3F8E] =	sst s6  }
0xf: {  	[smem:$0x3F8F] =	sst s7  }
0x10: {  	[smem:$0x3F90] =	sst s8  }
0x11: {  	[smem:$0x3F91] =	sst s9;
	s0 =	simm.s32 @!p0 $0x0  }
0x12: {  	s1 =	sld [smem:$0x3F77];
	s0 =	simm.s32 @p0 $0x1  }
0x13: {  	[smem:$0x3F92] =	sst s0;
	s0 =	simm.s32 @!p1 $0x0  }
0x14: {  	s2 =	sld [smem:$0x3F76];
	s0 =	simm.s32 @p1 $0x1  }
0x15: {  	[smem:$0x3F93] =	sst s0;
	s0 =	simm.s32 @!p2 $0x0  }
0x16: {  	s3 =	sld [smem:$0x3FDB];
	s0 =	simm.s32 @p2 $0x1  }
0x17: {  	s4 =	simm.s32 $0x1BF5;
	[smem:$0x3F95] =	sst s0  }
0x18: {  	s0 =	sld [smem:$0x3F78];
	_ =	swait.ge [sflag:s4], $0x0  }
0x19: {  	s7 =	sld [smem:$0x3F79]  }
0x1a: {  	s8 =	sadd.s32 $0xFFFFE003, lr  }
0x1b: {  	s9 =	sadd.s32 $0xFFFFFEF7, lr;
	s5 =	simm.s32 $0xFFFFFFFF;
	p2 =	slt.u32 s8, $0xFFFFF086  }
0x1c: {  	p1 =	slt.u32 s9, $0xF7A;
	s5 =	simm.s32 @!p2 $0x0  }
0x1d: {  	s5 =	simm.s32 @p1 $0x1;
	p0 =	seq.s32 s7, s2  }
0x1e: {  	s7 =	smul.u32 @!p0 $0xF7A, s2;
	p2 =	seq.s32 @!p0 s5, $0x0  }
0x1f: {  	s9 =	smul.u32 $0xF7A, s1;
	s8 =	simm.s32 @!p0 $0x1BF5;
	p2 =	por !p2, p0  }
0x20: {  	[sflag:s8] =	ssyncset.s32 @!p0 $0xFFFFF086;
	s6 =	sadd.s32 @!p0 s3, s7;
	s7 =	simm.s32 @!p0 $0x108  }
0x21: {  	s3 =	sadd.s32 s3, s9;
	s6 =	sadd.s32 @!p0 $0x88, s6;
	s7 =	simm.s32 @p2 $0x1082  }
0x22: {  	[simem:s7], [sflag:s8] =	dma.local @!p0 [hbm:s6], $0xF7A  }
0x23: {  	s9 =	sor.u32 $0xD0000000, s2;
	s6 =	simm.s32 $0x108;
	_ =	swait.ge @!p0 [sflag:s8], $0x0  }
0x24: {  	s3 =	sadd.s32 $0x88, s3;
	s6 =	simm.s32 @!p1 $0x1082;
	[sflag:s4] =	ssyncset.s32 $0xFFFFF086  }
0x25: {  	[simem:s6], [sflag:s4] =	dma.local [hbm:s3], $0xF7A  }
0x26: {  	[smem:$0x3F79] =	sst s1;
	(tag) =	ssettag s2;
	_ =	strace s9  }
0x27: {  	s1 =	sld [smem:$0x3F89]  }
0x28: {  	s2 =	sld [smem:$0x3F8A]  }
0x29: {  	s4 =	sld [smem:$0x3F8C]  }
0x2a: {  	p0 =	seq.s32 s5, $0x0;
	s5 =	sld [smem:$0x3F8D]  }
0x2b: {  	s6 =	sld [smem:$0x3F8E]  }
0x2c: {  	s7 =	sld [smem:$0x3F8F]  }
0x2d: {  	s3 =	simm.s32 $0x108;
	s8 =	sld [smem:$0x3F90]  }
0x2e: {  	s3 =	simm.s32 @!p0 $0x1082;
	s9 =	sld [smem:$0x3F91]  }
0x2f: {  	lr =	sadd.s32 s0, s3;
	s0 =	sld [smem:$0x3F88]  }
0x30: {  	s3 =	sld [smem:$0x3F8B]  }
0x31: {  	[smem:$0x3F94] =	sst s10  }
0x32: {  	s10 =	sld [smem:$0x3F92];
	_ =	sdelay $0x3  }
0x33: {  	p0 =	seq.s32 s10, $0x1;
	s10 =	sld [smem:$0x3F94];
	_ =	sdelay $0x3  }
0x34: {  	[smem:$0x3F94] =	sst s10  }
0x35: {  	s10 =	sld [smem:$0x3F93];
	_ =	sdelay $0x3  }
0x36: {  	p1 =	seq.s32 s10, $0x1;
	s10 =	sld [smem:$0x3F94];
	_ =	sdelay $0x3  }
0x37: {  	[smem:$0x3F94] =	sst s10  }
0x38: {  	s10 =	sld [smem:$0x3F95]  }
0x39: {  	_ = 	snop;
	(pc) =	sbr.ind lr, $3  }
0x3a: {  	_ = 	snop  }
0x3b: {  	_ = 	snop  }
0x3c: {  	p2 =	seq.s32 s10, $0x1;
	s10 =	sld [smem:$0x3F94]  }
0x3d: {  	_ =	shalt  }
0x3e: {  	_ =	shalt  }
0x3f: {  	_ =	shalt  }
0x40: {  	_ =	shalt  }
0x41: {  	_ =	shalt  }
0x42: {  	_ =	shalt  }
0x43: {  	_ =	shalt  }
0x44: {  	_ =	shalt  }
0x45: {  	_ =	shalt  }
0x46: {  	_ =	shalt  }
0x47: {  	_ =	shalt  }
0x48: {  	_ =	shalt  }
0x49: {  	_ =	shalt  }
0x4a: {  	_ =	shalt  }
0x4b: {  	_ =	shalt  }
0x4c: {  	_ =	shalt  }
0x4d: {  	_ =	shalt  }
0x4e: {  	_ =	shalt  }
0x4f: {  	_ =	shalt  }
0x50: {  	_ =	shalt  }
0x51: {  	_ =	shalt  }
0x52: {  	_ =	shalt  }
0x53: {  	_ =	shalt  }
0x54: {  	_ =	shalt  }
0x55: {  	_ =	shalt  }
0x56: {  	_ =	shalt  }
0x57: {  	_ =	shalt  }
0x58: {  	_ =	shalt  }
0x59: {  	_ =	shalt  }
0x5a: {  	_ =	shalt  }
0x5b: {  	_ =	shalt  }
0x5c: {  	_ =	shalt  }
0x5d: {  	_ =	shalt  }
0x5e: {  	_ =	shalt  }
0x5f: {  	_ =	shalt  }
0x60: {  	_ =	shalt  }
0x61: {  	_ =	shalt  }
0x62: {  	_ =	shalt  }
0x63: {  	_ =	shalt  }
0x64: {  	_ =	shalt  }
0x65: {  	_ =	shalt  }
0x66: {  	_ =	shalt  }
0x67: {  	_ =	shalt  }
0x68: {  	_ =	shalt  }
0x69: {  	_ =	shalt  }
0x6a: {  	_ =	shalt  }
0x6b: {  	_ =	shalt  }
0x6c: {  	_ =	shalt  }
0x6d: {  	_ =	shalt  }
0x6e: {  	_ =	shalt  }
0x6f: {  	_ =	shalt  }
0x70: {  	_ =	shalt  }
0x71: {  	_ =	shalt  }
0x72: {  	_ =	shalt  }
0x73: {  	_ =	shalt  }
0x74: {  	_ =	shalt  }
0x75: {  	_ =	shalt  }
0x76: {  	_ =	shalt  }
0x77: {  	_ =	shalt  }
0x78: {  	_ =	shalt  }
0x79: {  	_ =	shalt  }
0x7a: {  	_ =	shalt  }
0x7b: {  	_ =	shalt  }
0x7c: {  	_ =	shalt  }
0x7d: {  	_ =	shalt  }
0x7e: {  	_ =	shalt  }
0x7f: {  	_ =	shalt  }
0x80: {  	_ =	shalt  }
0x81: {  	_ =	shalt  }
0x82: {  	_ =	shalt  }
0x83: {  	_ =	shalt  }
0x84: {  	_ =	shalt  }
0x85: {  	_ =	shalt  }
0x86: {  	_ =	shalt  }
0x87: {  	_ =	shalt  }
.Lfunc_end0:
.L_simem_size_0:
called_computation.3_lowered:
.L_overlay_start_0:
0x88: {  	s2 =	sld [smem:$0x3FD9]  }
0x89: {  	s3 =	sld [smem:$0x3FFE];
	_ =	sdelay $0x1  }
0x8a: {  	s1 =	srdreg.scid  }
0x8b: {  	s0 =	sand.u32 $0x1, s1  }
0x8c: {  	s16 =	sshll.u32 s0, $0xA;
	s2 =	sadd.s32 s3, s2  }
0x8d: {  	s2 =	sadd.s32 s2, s16  }
0x8e: {  	[smem:$0x3FA0] =	sst s2  }
0x8f: {  	_ = 	snop  }
0x90: {  	(tm) =	ssettm $0x1  }
0x91: {  	s17 =	sld [smem:$0x3FFB];
	_ =	sdelay $0x3  }
0x92: {  	_ =	strace s17  }
0x93: {  	s2 =	sld [smem:$0x3FFC];
	_ =	sdelay $0x3  }
0x94: {  	_ =	strace s2  }
0x95: {  	s2 =	sld [smem:$0x3FFD];
	_ =	sdelay $0x3  }
0x96: {  	_ =	strace s2  }
0x97: {  	_ =	strace $0x8FFFFFFF  }
0x98: {  	s18 =	sld [smem:$0x3FDB];
	_ =	sdelay $0x1  }
0x99: {  	s19 =	simm.s32 $_scs_section_size  }
0x9a: {  	s4 =	simm.s32 $_size__tile_overlayer_lowered;
	s5 =	simm.s32 $_tile_overlayer_lowered  }
0x9b: {  	s22 =	simm.s32 $0x1BFF;
	s21 =	sshll.u32 s5, $0x1;
	s2 =	sadd.s32 s19, s18  }
0x9c: {  	s6 =	simm.s32 $0x0;
	s20 =	sshll.u32 s4, $0x1;
	s4 =	sadd.s32 s21, s2  }
0x9d: {  	[timem:s6], [sflag:s22] =	dma.local [hbm:s4], s20  }
0x9e: {  	_ =	swait.ge [sflag:s22], s20  }
0x9f: {  	s3 =	ssub.s32 $0x0, s20;
	[sflag:s22] =	ssyncset.done $0x0  }
0xa0: {  	[sflag:s22] =	ssyncadd.s32 s3;
	_ =	sdelay $0x1  }
0xa1: {  	s23 =	simm.s32 $0x1B8B  }
0xa2: {  	_ =	swait.ge [sflag:s23], $0x1  }
0xa3: {  	[sflag:s23] =	ssyncset.done $0x0  }
0xa4: {  	s25 =	simm.s32 $0x1B8E;
	s24 =	sld [smem:$0x3FFE];
	[sflag:s23] =	ssyncadd.s32 $0xFFFFFFFF  }
0xa5: {  	s26 =	simm.s32 $execute0_lowered;
	[smem:$0x3FD2] =	sst s25  }
0xa6: {  	s4 =	sshll.u32 s26, $0x1;
	_ =	strace $0x8000004F;
	[dreg:$0x1] =	wrdreg $0xFFFFFFFF  }
0xa7: {  	s28 =	simm.s32 $_size_execute0_lowered;
	s2 =	sadd.s32 s2, s4;
	[dreg:$0x0] =	wrdreg $0x0  }
0xa8: {  	s4 =	sshll.u32 s28, $0x1;
	[dreg:$0x2] =	wrdreg s2  }
0xa9: {  	[dreg:$0x3] =	wrdreg s4  }
0xaa: {  	[dreg:$0x4] =	wrdreg $0xC0  }
0xab: {  	_ =	task [dreg:s6], $0x5FFFF  }
0xac: {  	[dreg:$0x1] =	wrdreg $0xFFFFFFFF  }
0xad: {  	[dreg:$0x0] =	wrdreg $0x60  }
0xae: {  	[dreg:$0x2] =	wrdreg s24  }
0xaf: {  	[dreg:$0x3] =	wrdreg $0x9  }
0xb0: {  	_ =	task.clear_ibuf [dreg:s6], $0x4FFFF;
	_ =	strace $0x9000004F  }
0xb1: {  	s29 =	simm.s32 $0x9;
	_ =	strace $0x80000051  }
0xb2: {  	_ =	swait.ge [sflag:s29], $0x1  }
0xb3: {  	[sflag:s29] =	ssyncadd.s32 $0xFFFFFFFF  }
0xb4: {  	_ =	strace $0x90000051  }
0xb5: {  	_ =	sfence  }
0xb6: {  	s30 =	sld [smem:$0x0];
	_ =	sdelay $0x2  }
0xb7: {  	s31 =	sshll.u32 s1, $0xD;
	s1 =	sshrl.u32 s1, $0x2  }
0xb8: {  	s3 =	sand.u32 $0x4000, s31;
	s1 =	sadd.s32 s1, s30  }
0xb9: {  	s0 =	sor.u32 s3, s0;
	s1 =	sshll.u32 s1, $0x11  }
0xba: {  	s0 =	sor.u32 s1, s0  }
0xbb: {  	s0 =	sadd.s32 $0x8F2B, s0  }
0xbc: {  	[sflag:s0] =	ssyncadd.remote.s32 $0x1  }
0xbd: {  	_ =	sfence.sel $0xFFFF  }
0xbe: {  	[dreg:$0x0] =	wrdreg $0xFFFFFFFF;
	(pc) =	sbr.abs _section_cstart, $3  }
0xbf: {  	[dreg:$0x1] =	wrdreg $0xFFFFFFFF  }
0xc0: {  	_ =	task.clear_ibuf [dreg:s6], $0x2FFFF;
	_ =	strace $0x9FFFFFFF  }
0xc1: {  	(tm) =	ssettm $0x7FFFFFFF  }
tec
execute0_lowered:
.L_overlay_start_1:
0x0: {  	(tag) =	ssettag $0x1  }
0x1: {  	s5 =	rddreg [dreg:$0x0]  }
0x2: {  	s0 =	rddreg [dreg:$0x1]  }
0x3: {  	s1 =	simm.s32 $0x0;
	s6 =	srdreg.scid;
	s2 =	stileid.u32  }
0x4: {  	s12 =	simm.s32 $0x80;
	s13 =	simm.s32 $0x100;
	s14 =	simm.s32 $0x900  }
0x5: {  	s15 =	simm.s32 $0x1100;
	s16 =	simm.s32 $0x1900;
	s17 =	simm.s32 $0x2100  }
0x6: {  	s18 =	simm.s32 $0x2900;
	s19 =	simm.s32 $0x3100;
	s20 =	simm.s32 $0x3900  }
0x7: {  	s21 =	simm.s32 $0x1;
	s22 =	simm.s32 $0x2;
	s23 =	simm.s32 $0x0  }
0x8: {  	[smem:$0x7FF] =	sst s1;
	s3 =	sadd.s32 $0xBBC00, s5;
	s4 =	sadd.s32 $0x109E00, s5  }
0x9: {  	s7 =	sand.u32 $0x1, s6;
	s25 =	sshll.u32 s2, $0x4;
	s8 =	sshll.u32 s2, $0xC  }
0xa: {  	_ =	strace $0x80000050;
	s9 =	ssub.s32 $0x2, s7;
	s10 =	sadd.s32 s25, s5  }
.Ltmp0:
0xb: {  	s11 =	sadd.s32 s8, s5;
	s5 =	sshll.u32 s2, $0x1;
	(pc) =	sbr.rel .LBB2_1-.Ltmp0, $4  }
0xc: {  	s29 =	sshll.u32 s7, $0x3;
	s30 =	sshll.u32 s7, $0xB;
	s26 =	sshrl.u32 s9, $0x1  }
0xd: {  	v2 =	vlaneseq.u32;
	s8 =	sadd.s32 s29, s10;
	s31 =	sadd.s32 s30, s11;
	s11 =	simm.s32 $0x3  }
0xe: {  	vm0 =	vmmov $0xffff;
	v1 =	vshrl.u32 v2, $0x3;
	s28 =	ssub.s32 s9, s26;
	s7 =	sadd.s32 $0x8E00, s8;
	s8 =	sadd.s32 $0xDE00, s8  }
0xf: {  	v0 =	vand.u32 $0x7, v2;
	v2 =	vor.u32 $0x8, v2;
	v1 =	vmul.u32 $0x8, v1;
	s9 =	sadd.s32 $0xA80200, s31;
	s10 =	sadd.s32 $0x158000, s31;
	s6 =	smax.u32 s28, $0x1  }
.LBB2_5:
0x10: {  	s23 =	sadd.s32 $0x1, s23  }
0x11: {  	p0 =	sne.s32 s23, s6  }
.Ltmp1:
0x12: {  	_ = 	snop;
	(pc) =	sbr.rel @!p0 .LBB2_6-.Ltmp1, $1  }
0x13: {  	_ =	sdelay $0x3  }
.LBB2_1:
.Ltmp2:
0x14: {  	(pc) =	sbr.rel .LBB2_2-.Ltmp2, $3  }
0x15: {  	_ =	sdelay $0x1  }
0x16: {  	s24 =	smov.u32 s5  }
0x17: {  	s25 =	smov.u32 s10;
	s26 =	smov.u32 s9;
	s28 =	simm.s32 $0x0  }
.LBB2_4:
0x18: {  	s28 =	sadd.s32 $0x100, s28  }
0x19: {  	p0 =	sne.s32 s28, $0x4F00  }
.Ltmp3:
0x1a: {  	_ = 	snop;
	(pc) =	sbr.rel @!p0 .LBB2_5-.Ltmp3, $2  }
0x1b: {  	_ =	sdelay $0x2  }
0x1c: {  	s26 =	sadd.s32 $0x10000, s26;
	s25 =	sadd.s32 $0x10000, s25;
	s24 =	sadd.s32 $0x20, s24  }
.LBB2_2:
0x1d: {  	p0 =	sgt.u32 s24, $0x9C3  }
.Ltmp4:
0x1e: {  	_ = 	snop;
	(pc) =	sbr.rel @p0 .LBB2_4-.Ltmp4, $1  }
0x1f: {  	_ =	sdelay $0x3  }
0x20: {  	s29 =	sadd.s32 s28, s8  }
0x21: {  	[tilespmem:s1], [sflag:$0x3] =	stream.linear.gather [hbm4b:s29+s1], $0x40, $0x38;
	[tilespmem:$0x4100] =	vst v63  }
0x22: {  	_ =	swait.ge [sflag:s11], $0x40  }
0x23: {  	[sflag:s11] =	ssyncset.done $0x0  }
0x24: {  	s31 =	sadd.s32 s28, s7;
	[sflag:s11] =	ssyncadd.s32 $0xFFFFFFC0  }
0x25: {  	[tilespmem:s12], [sflag:$0x3] =	stream.linear.gather [hbm4b:s31+s1], $0x40, $0x38;
	[tilespmem:$0x4100] =	vst v63  }
0x26: {  	_ =	swait.ge [sflag:s11], $0x40  }
0x27: {  	[sflag:s11] =	ssyncset.done $0x0  }
0x28: {  	[sflag:s11] =	ssyncadd.s32 $0xFFFFFFC0  }
0x29: {  	v3 =	vld [tilespmem:$0x0];
	_ =	sdelay $0x4  }
0x2a: {  	v4 =	vshll.u32 v3, $0x1  }
0x2b: {  	v3 =	vand.u32 $0x7, v3;
	v4 =	vand.u32 $0xFFFFFFF0, v4  }
0x2c: {  	v3 =	vor.u32 v3, v4  }
0x2d: {  	v4 =	vperm.xlane v3, v0;
	_ =	sdelay $0x1  }
0x2e: {  	v3 =	vperm.xlane v3, v2;
	v4 =	vadd.s32 v1, v4;
	_ =	sdelay $0x1  }
0x2f: {  	v3 =	vadd.s32 v1, v3;
	_ =	sdelay $0x2  }
0x30: {  	[tilespmem:s13], [sflag:$0x1] =	stream.indirect_vreg.gather [hbm4b:s3+s1], $0x80, v4, vm0, $0xb8;
	[tilespmem:$0x4100] =	vst v63  }
0x31: {  	_ = 	snop  }
0x32: {  	[tilespmem:s14], [sflag:$0x1] =	stream.indirect_vreg.gather [hbm4b:s3+s1], $0x80, v3, vm0, $0xb8;
	[tilespmem:$0x4100] =	vst v63  }
0x33: {  	v3 =	vld [tilespmem:$0x10];
	_ =	sdelay $0x4  }
0x34: {  	v57 =	vshll.u32 v3, $0x1  }
0x35: {  	v3 =	vand.u32 $0x7, v3;
	v4 =	vand.u32 $0xFFFFFFF0, v57  }
0x36: {  	v3 =	vor.u32 v3, v4  }
0x37: {  	v4 =	vperm.xlane v3, v0;
	_ =	sdelay $0x1  }
0x38: {  	v3 =	vperm.xlane v3, v2;
	v4 =	vadd.s32 v1, v4;
	_ =	sdelay $0x1  }
0x39: {  	v3 =	vadd.s32 v1, v3;
	_ =	sdelay $0x2  }
0x3a: {  	[tilespmem:s15], [sflag:$0x1] =	stream.indirect_vreg.gather [hbm4b:s3+s1], $0x80, v4, vm0, $0xb8;
	[tilespmem:$0x4100] =	vst v63  }
0x3b: {  	_ = 	snop  }
0x3c: {  	[tilespmem:s16], [sflag:$0x1] =	stream.indirect_vreg.gather [hbm4b:s3+s1], $0x80, v3, vm0, $0xb8;
	[tilespmem:$0x4100] =	vst v63  }
0x3d: {  	v3 =	vld [tilespmem:$0x20];
	_ =	sdelay $0x4  }
0x3e: {  	v58 =	vshll.u32 v3, $0x1  }
0x3f: {  	v3 =	vand.u32 $0x7, v3;
	v4 =	vand.u32 $0xFFFFFFF0, v58  }
0x40: {  	v3 =	vor.u32 v3, v4  }
0x41: {  	v4 =	vperm.xlane v3, v0;
	_ =	sdelay $0x1  }
0x42: {  	v3 =	vperm.xlane v3, v2;
	v4 =	vadd.s32 v1, v4;
	_ =	sdelay $0x1  }
0x43: {  	v3 =	vadd.s32 v1, v3;
	_ =	sdelay $0x2  }
0x44: {  	[tilespmem:s17], [sflag:$0x1] =	stream.indirect_vreg.gather [hbm4b:s3+s1], $0x80, v4, vm0, $0xb8;
	[tilespmem:$0x4100] =	vst v63  }
0x45: {  	_ = 	snop  }
0x46: {  	[tilespmem:s18], [sflag:$0x1] =	stream.indirect_vreg.gather [hbm4b:s3+s1], $0x80, v3, vm0, $0xb8;
	[tilespmem:$0x4100] =	vst v63  }
0x47: {  	v3 =	vld [tilespmem:$0x30];
	_ =	sdelay $0x4  }
0x48: {  	v59 =	vshll.u32 v3, $0x1  }
0x49: {  	v3 =	vand.u32 $0x7, v3;
	v4 =	vand.u32 $0xFFFFFFF0, v59  }
0x4a: {  	v3 =	vor.u32 v3, v4  }
0x4b: {  	v4 =	vperm.xlane v3, v0;
	_ =	sdelay $0x1  }
0x4c: {  	v3 =	vperm.xlane v3, v2;
	v4 =	vadd.s32 v1, v4;
	_ =	sdelay $0x1  }
0x4d: {  	v3 =	vadd.s32 v1, v3;
	_ =	sdelay $0x2  }
0x4e: {  	[tilespmem:s19], [sflag:$0x1] =	stream.indirect_vreg.gather [hbm4b:s3+s1], $0x80, v4, vm0, $0xb8;
	[tilespmem:$0x4100] =	vst v63  }
0x4f: {  	_ = 	snop  }
0x50: {  	[tilespmem:s20], [sflag:$0x1] =	stream.indirect_vreg.gather [hbm4b:s3+s1], $0x80, v3, vm0, $0xb8;
	[tilespmem:$0x4100] =	vst v63  }
0x51: {  	_ =	swait.ge [sflag:s21], $0x4000  }
0x52: {  	[sflag:s21] =	ssyncset.done $0x0  }
0x53: {  	[sflag:s21] =	ssyncadd.s32 $0xFFFFC000  }
0x54: {  	[hbm4b:s25+s1] =	stream.linear.scatter [tilespmem:s13], [sflag:$0x3], $0x4000, $0x38;
	[tilespmem:$0x4100] =	vst v63  }
0x55: {  	_ =	swait.ge [sflag:s11], $0x4000  }
0x56: {  	[sflag:s11] =	ssyncset.done $0x0  }
0x57: {  	[sflag:s11] =	ssyncadd.s32 $0xFFFFC000  }
0x58: {  	v3 =	vld [tilespmem:$0x80];
	_ =	sdelay $0x4  }
0x59: {  	v60 =	vshll.u32 v3, $0x1  }
0x5a: {  	v3 =	vand.u32 $0x7, v3;
	v4 =	vand.u32 $0xFFFFFFF0, v60  }
0x5b: {  	v3 =	vor.u32 v3, v4  }
0x5c: {  	v4 =	vperm.xlane v3, v0;
	_ =	sdelay $0x1  }
0x5d: {  	v3 =	vperm.xlane v3, v2;
	v4 =	vadd.s32 v1, v4;
	_ =	sdelay $0x1  }
0x5e: {  	v3 =	vadd.s32 v1, v3;
	_ =	sdelay $0x2  }
0x5f: {  	[tilespmem:s13], [sflag:$0x1] =	stream.indirect_vreg.gather [hbm4b:s4+s1], $0x80, v4, vm0, $0xb8;
	[tilespmem:$0x4100] =	vst v63  }
0x60: {  	_ = 	snop  }
0x61: {  	[tilespmem:s14], [sflag:$0x1] =	stream.indirect_vreg.gather [hbm4b:s4+s1], $0x80, v3, vm0, $0xb8;
	[tilespmem:$0x4100] =	vst v63  }
0x62: {  	v3 =	vld [tilespmem:$0x90];
	_ =	sdelay $0x4  }
0x63: {  	v61 =	vshll.u32 v3, $0x1  }
0x64: {  	v3 =	vand.u32 $0x7, v3;
	v4 =	vand.u32 $0xFFFFFFF0, v61  }
0x65: {  	v3 =	vor.u32 v3, v4  }
0x66: {  	v4 =	vperm.xlane v3, v0;
	_ =	sdelay $0x1  }
0x67: {  	v3 =	vperm.xlane v3, v2;
	v4 =	vadd.s32 v1, v4;
	_ =	sdelay $0x1  }
0x68: {  	v3 =	vadd.s32 v1, v3;
	_ =	sdelay $0x2  }
0x69: {  	[tilespmem:s15], [sflag:$0x1] =	stream.indirect_vreg.gather [hbm4b:s4+s1], $0x80, v4, vm0, $0xb8;
	[tilespmem:$0x4100] =	vst v63  }
0x6a: {  	_ = 	snop  }
0x6b: {  	[tilespmem:s16], [sflag:$0x1] =	stream.indirect_vreg.gather [hbm4b:s4+s1], $0x80, v3, vm0, $0xb8;
	[tilespmem:$0x4100] =	vst v63  }
0x6c: {  	v3 =	vld [tilespmem:$0xA0];
	_ =	sdelay $0x4  }
0x6d: {  	v62 =	vshll.u32 v3, $0x1  }
0x6e: {  	v3 =	vand.u32 $0x7, v3;
	v4 =	vand.u32 $0xFFFFFFF0, v62  }
0x6f: {  	v3 =	vor.u32 v3, v4  }
0x70: {  	v4 =	vperm.xlane v3, v0;
	_ =	sdelay $0x1  }
0x71: {  	v3 =	vperm.xlane v3, v2;
	v4 =	vadd.s32 v1, v4;
	_ =	sdelay $0x1  }
0x72: {  	v3 =	vadd.s32 v1, v3;
	_ =	sdelay $0x2  }
0x73: {  	[tilespmem:s17], [sflag:$0x1] =	stream.indirect_vreg.gather [hbm4b:s4+s1], $0x80, v4, vm0, $0xb8;
	[tilespmem:$0x4100] =	vst v63  }
0x74: {  	_ = 	snop  }
0x75: {  	[tilespmem:s18], [sflag:$0x1] =	stream.indirect_vreg.gather [hbm4b:s4+s1], $0x80, v3, vm0, $0xb8;
	[tilespmem:$0x4100] =	vst v63  }
0x76: {  	v3 =	vld [tilespmem:$0xB0];
	_ =	sdelay $0x4  }
0x77: {  	v63 =	vshll.u32 v3, $0x1  }
0x78: {  	v3 =	vand.u32 $0x7, v3;
	v4 =	vand.u32 $0xFFFFFFF0, v63  }
0x79: {  	v3 =	vor.u32 v3, v4  }
0x7a: {  	v4 =	vperm.xlane v3, v0;
	_ =	sdelay $0x1  }
0x7b: {  	v3 =	vperm.xlane v3, v2;
	v4 =	vadd.s32 v1, v4;
	_ =	sdelay $0x1  }
0x7c: {  	v3 =	vadd.s32 v1, v3;
	_ =	sdelay $0x2  }
0x7d: {  	[tilespmem:s19], [sflag:$0x1] =	stream.indirect_vreg.gather [hbm4b:s4+s1], $0x80, v4, vm0, $0xb8;
	[tilespmem:$0x4100] =	vst v63  }
0x7e: {  	_ = 	snop  }
0x7f: {  	[tilespmem:s20], [sflag:$0x1] =	stream.indirect_vreg.gather [hbm4b:s4+s1], $0x80, v3, vm0, $0xb8;
	[tilespmem:$0x4100] =	vst v63  }
0x80: {  	_ =	swait.ge [sflag:s21], $0x4000  }
0x81: {  	[sflag:s21] =	ssyncset.done $0x0  }
.Ltmp5:
0x82: {  	[sflag:s21] =	ssyncadd.s32 $0xFFFFC000;
	(pc) =	sbr.rel .LBB2_4-.Ltmp5, $4  }
0x83: {  	[hbm4b:s26+s1] =	stream.linear.scatter [tilespmem:s13], [sflag:$0x2], $0x4000, $0x38;
	[tilespmem:$0x4100] =	vst v63  }
0x84: {  	_ =	swait.ge [sflag:s22], $0x4000  }
0x85: {  	[sflag:s22] =	ssyncset.done $0x0  }
0x86: {  	[sflag:s22] =	ssyncadd.s32 $0xFFFFC000  }
.LBB2_6:
0x87: {  	_ =	sfence.sel $0x180000  }
0x88: {  	[bflag:$0x0] =	sbarrier.arrive $0xFFFF  }
0x89: {  	p0 =	sne.s32 s2, $0x0;
	_ =	strace $0x90000050  }
0x8a: {  	s0 =	sadd.s32 @!p0 $0x100000, s0;
	[bflag:$0x2] =	sbarrier.arrive $0xFFFF  }
0x8b: {  	[sflag:s0] =	ssyncadd.tile.s32 @!p0 $0x1;
	_ =	shalt  }
.Lfunc_end2:
_tile_overlayer_lowered:
.L_overlay_start_2:
0x8c: {  	(tag) =	ssettag $0x2  }
0x8d: {  	s0 =	rddreg [dreg:$0x0];
	s2 =	stileid.u32  }
0x8e: {  	s1 =	rddreg [dreg:$0x1];
	p0 =	sne.s32 s2, $0x0  }
0x8f: {  	s3 =	rddreg [dreg:$0x2];
	[bflag:$0x3] =	sbarrier.arrive $0xFFFF;
	s2 =	simm.s32 @!p0 $0x1C02  }
0x90: {  	[timem:s3], [sflag:s2] =	dma.local @!p0 [hbm:s0], s1  }
0x91: {  	s0 =	simm.s32 @!p0 $0x2  }
0x92: {  	_ =	swait.ge @!p0 [sflag:s0], s1  }
0x93: {  	s1 =	ssub.s32 @!p0 $0x0, s1;
	[sflag:s0] =	ssyncset.done @!p0 $0x0  }
0x94: {  	[sflag:s0] =	ssyncadd.s32 @!p0 s1  }
0x95: {  	[bflag:$0x3] =	sbarrier.arrive $0xFFFF  }
0x96: {  	_ =	shalt  }

</sc_bundles>
